<compile_context>
chip_gen: v7x
topology: tpu7x:2x2x1
jax: 0.10.2.dev20260603
libtpu: 0.0.44.dev20260713+nightly
codegen_flags: <defaults>
</compile_context>

<pallas_src>
import functools

import jax
import jax.numpy as jnp
from jax import lax
from jax.experimental import pallas as pl
from jax.experimental.pallas import tpu as pltpu
from jax.experimental.pallas import tpu_sc as plsc

N = 10000
E = 320000
EP = 100000
D = 128
H = 128
HH = H // 2

NC = 2
NS = 16
NW = NC * NS
L = 16

NP = 10240
RPT = NP // NS

CH = 128
NCH_E = -(-E // (NS * CH))
NCH_E = -(-NCH_E // 8) * 8
EPAD = NS * NCH_E * CH
KR = 5
GA = 3

CHD = 64
MZ_RAW = 2 * EP
NCH_Z = -(-MZ_RAW // (NW * CHD))
MZ = NW * NCH_Z * CHD
KD = 6
GD2 = 4

_MESH = dict(core_axis_name="c", subcore_axis_name="s", num_cores=NC,
             num_subcores=NS)


def _make_sc_aggregate(with_deg):
  out_type = (jax.ShapeDtypeStruct((NC, NP, HH), jnp.float32),)
  if with_deg:
    out_type += (jax.ShapeDtypeStruct((NP,), jnp.float32),)

  @functools.partial(
      pl.kernel,
      out_type=out_type,
      mesh=plsc.VectorSubcoreMesh(**_MESH),
      scratch_types=[
          pltpu.VMEM((NCH_E, CH), jnp.int32),
          pltpu.VMEM((NCH_E, CH), jnp.int32),
          pltpu.VMEM((KR, CH, HH), jnp.float32),
          pltpu.VMEM((CH,), jnp.float32),
          pltpu.VMEM((CH,), jnp.float32),
          pltpu.VMEM_SHARED((NP, HH), jnp.float32),
          pltpu.VMEM_SHARED((NP,), jnp.float32),
          pltpu.SemaphoreType.DMA,
          pltpu.SemaphoreType.DMA,
          pltpu.SemaphoreType.DMA,
      ],
      compiler_params=pltpu.CompilerParams(use_tc_tiling_on_sc=False),
  )
  def _sc_aggregate(y_hbm, src_hbm, dst_hbm, *out_and_scratch):
    if with_deg:
        (agg_out, deg_out, sidx_v, didx_v, rows_v, ones_v, zeros_v,
         acc_sh, deg_sh, gsem, ssem, dsem) = out_and_scratch
    else:
        (agg_out, sidx_v, didx_v, rows_v, ones_v, zeros_v,
         acc_sh, deg_sh, gsem, ssem, dsem) = out_and_scratch
    cid = lax.axis_index("c")
    sid = lax.axis_index("s")
    pltpu.sync_copy(src_hbm.at[sid], sidx_v)
    pltpu.sync_copy(dst_hbm.at[sid], didx_v)

    zeros = jnp.zeros((L,), jnp.float32)
    ones = jnp.ones((L,), jnp.float32)
    for i in range(CH // L):
        ones_v[pl.ds(i * L, L)] = ones
        zeros_v[pl.ds(i * L, L)] = zeros

    def _zrow(r, _):
        for c in range(HH // L):
            rows_v[0, r, pl.ds(c * L, L)] = zeros
        return 0
    lax.fori_loop(0, CH, _zrow, 0)
    for k in range(RPT // CH):
        pltpu.sync_copy(rows_v.at[0],
                        acc_sh.at[pl.ds(sid * RPT + k * CH, CH)])
        if with_deg:
            pltpu.sync_copy(zeros_v,
                            deg_sh.at[pl.ds(sid * RPT + k * CH, CH)])
    plsc.subcore_barrier()

    def _run(y_c, do_deg):
        for g in range(GA):
            pltpu.async_copy(y_c.at[sidx_v.at[g]], rows_v.at[g], gsem)

        def _step(j, _):
            s = lax.rem(j, KR)
            p = lax.rem(j + GA, KR)

            @pl.when(j + GA >= KR)
            def _():
                pltpu.make_async_copy(rows_v.at[0], acc_sh.at[didx_v.at[0]],
                                      ssem).wait()

            pltpu.make_async_copy(y_c.at[sidx_v.at[0]], rows_v.at[0],
                                  gsem).wait()

            @pl.when(j + GA < NCH_E)
            def _():
                pltpu.async_copy(y_c.at[sidx_v.at[j + GA]], rows_v.at[p],
                                 gsem)

            pltpu.async_copy(rows_v.at[s], acc_sh.at[didx_v.at[j]], ssem,
                             add=True)
            if do_deg:
                @pl.when(j >= 1)
                def _():
                    pltpu.make_async_copy(ones_v, deg_sh.at[didx_v.at[0]],
                                          dsem).wait()
                pltpu.async_copy(ones_v, deg_sh.at[didx_v.at[j]], dsem,
                                 add=True)
            return 0

        lax.fori_loop(0, NCH_E, _step, 0)
        for _ in range(KR - GA):
            pltpu.make_async_copy(rows_v.at[0], acc_sh.at[didx_v.at[0]],
                                  ssem).wait()
        if do_deg:
            pltpu.make_async_copy(ones_v, deg_sh.at[didx_v.at[0]],
                                  dsem).wait()

    @pl.when(cid == 0)
    def _():
        _run(y_hbm.at[0], with_deg)

    @pl.when(cid == 1)
    def _():
        _run(y_hbm.at[1], False)

    plsc.subcore_barrier()

    for k in range(RPT // CH):
        r0 = sid * RPT + k * CH
        pltpu.sync_copy(acc_sh.at[pl.ds(r0, CH)],
                        agg_out.at[cid, pl.ds(r0, CH)])

    if with_deg:
        @pl.when(cid == 0)
        def _():
            pltpu.sync_copy(deg_sh.at[pl.ds(sid * RPT, RPT)],
                            deg_out.at[pl.ds(sid * RPT, RPT)])

  return _sc_aggregate


_sc_aggregate_deg = _make_sc_aggregate(True)
_sc_aggregate_nodeg = _make_sc_aggregate(False)


@functools.partial(
    pl.kernel,
    out_type=jax.ShapeDtypeStruct((2, MZ, H), jnp.float32),
    mesh=plsc.VectorSubcoreMesh(**_MESH),
    scratch_types=[
        pltpu.VMEM((NCH_Z, CHD), jnp.int32),
        pltpu.VMEM((NCH_Z, CHD), jnp.int32),
        pltpu.VMEM((KD, CHD, H), jnp.float32),
        pltpu.VMEM((KD, CHD, H), jnp.float32),
        pltpu.SemaphoreType.DMA,
        pltpu.SemaphoreType.DMA,
    ],
)
def _sc_decode_gather(h_hbm, aidx_hbm, bidx_hbm, z_out,
                      aidx_v, bidx_v, ra_v, rb_v, gsem, wsem):
    cid = lax.axis_index("c")
    sid = lax.axis_index("s")
    wid = sid * NC + cid
    pltpu.sync_copy(aidx_hbm.at[wid], aidx_v)
    pltpu.sync_copy(bidx_hbm.at[wid], bidx_v)

    base = wid * NCH_Z * CHD

    for g in range(GD2):
        pltpu.async_copy(h_hbm.at[aidx_v.at[g]], ra_v.at[g], gsem)
        pltpu.async_copy(h_hbm.at[bidx_v.at[g]], rb_v.at[g], gsem)

    def _step(j, _):
        s = lax.rem(j, KD)
        p = lax.rem(j + GD2, KD)

        @pl.when(j + GD2 >= KD)
        def _():
            pltpu.make_async_copy(ra_v.at[0], z_out.at[0, pl.ds(0, CHD)],
                                  wsem).wait()
            pltpu.make_async_copy(ra_v.at[0], z_out.at[0, pl.ds(0, CHD)],
                                  wsem).wait()

        pltpu.make_async_copy(h_hbm.at[aidx_v.at[0]], ra_v.at[0], gsem).wait()
        pltpu.make_async_copy(h_hbm.at[bidx_v.at[0]], rb_v.at[0], gsem).wait()

        @pl.when(j + GD2 < NCH_Z)
        def _():
            pltpu.async_copy(h_hbm.at[aidx_v.at[j + GD2]], ra_v.at[p], gsem)
            pltpu.async_copy(h_hbm.at[bidx_v.at[j + GD2]], rb_v.at[p], gsem)

        pltpu.async_copy(ra_v.at[s], z_out.at[0, pl.ds(base + j * CHD, CHD)],
                         wsem)
        pltpu.async_copy(rb_v.at[s], z_out.at[1, pl.ds(base + j * CHD, CHD)],
                         wsem)
        return 0

    lax.fori_loop(0, NCH_Z, _step, 0)
    for _ in range(2 * (KD - GD2)):
        pltpu.make_async_copy(ra_v.at[0], z_out.at[0, pl.ds(0, CHD)],
                              wsem).wait()


_BLK = 1024


def _tc_enc1_body(x_ref, ws_ref, wn_ref, b_ref, xs_ref, y_ref):
    xb = x_ref[...]
    xs_ref[...] = jnp.dot(xb, ws_ref[...],
                          preferred_element_type=jnp.float32) + b_ref[...]
    y = jnp.dot(xb, wn_ref[...], preferred_element_type=jnp.float32)
    y_ref[0] = y[:, :HH]
    y_ref[1] = y[:, HH:]


def _tc_enc1(xp, Ws1, Wn1, b1):
    return pl.pallas_call(
        _tc_enc1_body,
        grid=(NP // _BLK,),
        in_specs=[
            pl.BlockSpec((_BLK, D), lambda i: (i, 0)),
            pl.BlockSpec((D, H), lambda i: (0, 0)),
            pl.BlockSpec((D, H), lambda i: (0, 0)),
            pl.BlockSpec((1, H), lambda i: (0, 0)),
        ],
        out_specs=[
            pl.BlockSpec((_BLK, H), lambda i: (i, 0)),
            pl.BlockSpec((NC, _BLK, HH), lambda i: (0, i, 0)),
        ],
        out_shape=[
            jax.ShapeDtypeStruct((NP, H), jnp.float32),
            jax.ShapeDtypeStruct((NC, NP, HH), jnp.float32),
        ],
    )(xp, Ws1, Wn1, b1.reshape(1, H))


def _mean_from_parts(agg_ref, deg_ref):
    agg = jnp.concatenate([agg_ref[0], agg_ref[1]], axis=1)
    return agg * (1.0 / jnp.maximum(deg_ref[...], 1.0))


def _tc_enc2_body(xs_ref, agg_ref, deg_ref, ws_ref, wn_ref, b_ref,
                  hs_ref, y_ref):
    h1 = jnp.maximum(xs_ref[...] + _mean_from_parts(agg_ref, deg_ref), 0.0)
    hs_ref[...] = jnp.dot(h1, ws_ref[...],
                          preferred_element_type=jnp.float32) + b_ref[...]
    y = jnp.dot(h1, wn_ref[...], preferred_element_type=jnp.float32)
    y_ref[0] = y[:, :HH]
    y_ref[1] = y[:, HH:]


def _tc_enc2(xs1, agg1, deg1, Ws2, Wn2, b2):
    return pl.pallas_call(
        _tc_enc2_body,
        grid=(NP // _BLK,),
        in_specs=[
            pl.BlockSpec((_BLK, H), lambda i: (i, 0)),
            pl.BlockSpec((NC, _BLK, HH), lambda i: (0, i, 0)),
            pl.BlockSpec((_BLK, 1), lambda i: (i, 0)),
            pl.BlockSpec((H, H), lambda i: (0, 0)),
            pl.BlockSpec((H, H), lambda i: (0, 0)),
            pl.BlockSpec((1, H), lambda i: (0, 0)),
        ],
        out_specs=[
            pl.BlockSpec((_BLK, H), lambda i: (i, 0)),
            pl.BlockSpec((NC, _BLK, HH), lambda i: (0, i, 0)),
        ],
        out_shape=[
            jax.ShapeDtypeStruct((NP, H), jnp.float32),
            jax.ShapeDtypeStruct((NC, NP, HH), jnp.float32),
        ],
    )(xs1, agg1, deg1.reshape(NP, 1), Ws2, Wn2, b2.reshape(1, H))


def _tc_combine_body(hs_ref, agg_ref, deg_ref, h_ref):
    h_ref[...] = hs_ref[...] + _mean_from_parts(agg_ref, deg_ref)


def _tc_combine(hs2, agg2, deg1):
    return pl.pallas_call(
        _tc_combine_body,
        grid=(NP // _BLK,),
        in_specs=[
            pl.BlockSpec((_BLK, H), lambda i: (i, 0)),
            pl.BlockSpec((NC, _BLK, HH), lambda i: (0, i, 0)),
            pl.BlockSpec((_BLK, 1), lambda i: (i, 0)),
        ],
        out_specs=pl.BlockSpec((_BLK, H), lambda i: (i, 0)),
        out_shape=jax.ShapeDtypeStruct((NP, H), jnp.float32),
    )(hs2, agg2, deg1.reshape(NP, 1))


_BLKZ = 2048


def _tc_mlp_body(z_ref, w1_ref, b1_ref, w2_ref, b2_ref, w3_ref, b3_ref,
                 o_ref):
    z = z_ref[0] * z_ref[1]
    z = jnp.maximum(jnp.dot(z, w1_ref[...],
                            preferred_element_type=jnp.float32)
                    + b1_ref[...], 0.0)
    z = jnp.maximum(jnp.dot(z, w2_ref[...],
                            preferred_element_type=jnp.float32)
                    + b2_ref[...], 0.0)
    o_ref[...] = jnp.dot(z, w3_ref[...],
                         preferred_element_type=jnp.float32) + b3_ref[...]


def _tc_mlp(z, Wd1, bd1, Wd2, bd2, Wd3, bd3):
    return pl.pallas_call(
        _tc_mlp_body,
        grid=(MZ // _BLKZ,),
        in_specs=[
            pl.BlockSpec((2, _BLKZ, H), lambda i: (0, i, 0)),
            pl.BlockSpec((H, H), lambda i: (0, 0)),
            pl.BlockSpec((1, H), lambda i: (0, 0)),
            pl.BlockSpec((H, H), lambda i: (0, 0)),
            pl.BlockSpec((1, H), lambda i: (0, 0)),
            pl.BlockSpec((H, 1), lambda i: (0, 0)),
            pl.BlockSpec((1, 1), lambda i: (0, 0)),
        ],
        out_specs=pl.BlockSpec((_BLKZ, 1), lambda i: (i, 0)),
        out_shape=jax.ShapeDtypeStruct((MZ, 1), jnp.float32),
    )(z, Wd1, bd1.reshape(1, H), Wd2, bd2.reshape(1, H), Wd3,
      bd3.reshape(1, 1))


def kernel(x, edge_index, pos_edge_index, neg_edge_index, Ws1, Wn1, b1,
           Ws2, Wn2, b2, Wd1, bd1, Wd2, bd2, Wd3, bd3):
    xp = jnp.pad(x, ((0, NP - N), (0, 0)))

    pad_e = jnp.full((EPAD - E,), NP - 1, jnp.int32)
    srcp = jnp.concatenate([edge_index[0], pad_e]).reshape(NS, NCH_E, CH)
    dstp = jnp.concatenate([edge_index[1], pad_e]).reshape(NS, NCH_E, CH)

    pad_z = jnp.zeros((MZ - MZ_RAW,), jnp.int32)
    aidx = jnp.concatenate(
        [pos_edge_index[0], neg_edge_index[0], pad_z]).reshape(NW, NCH_Z, CHD)
    bidx = jnp.concatenate(
        [pos_edge_index[1], neg_edge_index[1], pad_z]).reshape(NW, NCH_Z, CHD)
    srcp, dstp, aidx, bidx = lax.optimization_barrier((srcp, dstp, aidx, bidx))

    xs1, y1 = _tc_enc1(xp, Ws1, Wn1, b1)
    agg1, deg1 = _sc_aggregate_deg(y1, srcp, dstp)
    hs2, y2 = _tc_enc2(xs1, agg1, deg1, Ws2, Wn2, b2)
    agg2, = _sc_aggregate_nodeg(y2, srcp, dstp)
    h = _tc_combine(hs2, agg2, deg1)
    z = _sc_decode_gather(h, aidx, bidx)
    scores = _tc_mlp(z, Wd1, bd1, Wd2, bd2, Wd3, bd3)
    return (scores[:EP], scores[EP:2 * EP])

# --- scband reference (transcript-rebuilt; emitter-appended) ---
"""Pipeline reference for scband-graph-sagemodel-24257975287900 (READ-ONLY COPY).

The authoritative reference and input builder live on the scoring server;
editing this copy changes nothing except your own understanding.
"""

import jax, jax.numpy as jnp
import numpy as np

N = 10000
E = 320000
EP = 100000
D = 128
H = 128


def setup_inputs(seed: int = 0) -> dict:
    key = jax.random.key(seed)
    ks = jax.random.split(key, 20)
    s_in = 1.0 / np.sqrt(D)
    s_h = 1.0 / np.sqrt(H)
    inp = {}
    inp['x'] = jax.random.normal(ks[0], (N, D), dtype=jnp.float32)
    inp['edge_index'] = jax.random.randint(ks[1], (2, E), 0, N, dtype=jnp.int32)
    inp['pos_edge_index'] = jax.random.randint(ks[2], (2, EP), 0, N, dtype=jnp.int32)
    inp['neg_edge_index'] = jax.random.randint(ks[3], (2, EP), 0, N, dtype=jnp.int32)
    # SAGEConv layer 1 (in_feats -> hidden)
    inp['Ws1'] = jax.random.normal(ks[4], (D, H), dtype=jnp.float32) * s_in
    inp['Wn1'] = jax.random.normal(ks[5], (D, H), dtype=jnp.float32) * s_in
    inp['b1'] = jnp.zeros((H,), dtype=jnp.float32)
    # SAGEConv layer 2 (hidden -> hidden)
    inp['Ws2'] = jax.random.normal(ks[6], (H, H), dtype=jnp.float32) * s_h
    inp['Wn2'] = jax.random.normal(ks[7], (H, H), dtype=jnp.float32) * s_h
    inp['b2'] = jnp.zeros((H,), dtype=jnp.float32)
    # EdgeDecoder MLP: Linear(H,H)+ReLU, Linear(H,H)+ReLU, Linear(H,1)
    inp['Wd1'] = jax.random.normal(ks[8], (H, H), dtype=jnp.float32) * s_h
    inp['bd1'] = jnp.zeros((H,), dtype=jnp.float32)
    inp['Wd2'] = jax.random.normal(ks[9], (H, H), dtype=jnp.float32) * s_h
    inp['bd2'] = jnp.zeros((H,), dtype=jnp.float32)
    inp['Wd3'] = jax.random.normal(ks[10], (H, 1), dtype=jnp.float32) * s_h
    inp['bd3'] = jnp.zeros((1,), dtype=jnp.float32)
    return inp


def _sage_conv(x, src, dst, Ws, Wn, b):
    # DGL SAGEConv with 'mean' aggregator: fc_self(h_dst) + fc_neigh(mean_neigh) + bias
    msg = x[src]
    agg = jax.ops.segment_sum(msg, dst, num_segments=N)
    deg = jax.ops.segment_sum(jnp.ones_like(dst, dtype=x.dtype), dst, num_segments=N)
    mean = agg / jnp.maximum(deg, 1.0)[:, None]
    return x @ Ws + mean @ Wn + b


def _edge_decode(h, eidx, Wd1, bd1, Wd2, bd2, Wd3, bd3):
    z = h[eidx[0]] * h[eidx[1]]
    z = jax.nn.relu(z @ Wd1 + bd1)
    z = jax.nn.relu(z @ Wd2 + bd2)
    return z @ Wd3 + bd3


def reference(x, edge_index, pos_edge_index, neg_edge_index, Ws1, Wn1, b1, Ws2, Wn2, b2, Wd1, bd1, Wd2, bd2, Wd3, bd3):
    src, dst = edge_index[0], edge_index[1]
    # encoder: 2-layer GraphSAGE, ReLU between layers, no activation after last
    h = jax.nn.relu(_sage_conv(x, src, dst, Ws1, Wn1, b1))
    h = _sage_conv(h, src, dst, Ws2, Wn2, b2)
    # decoder on positive and negative pair graphs
    h_pos = _edge_decode(h, pos_edge_index, Wd1, bd1, Wd2, bd2, Wd3, bd3)
    h_neg = _edge_decode(h, neg_edge_index, Wd1, bd1, Wd2, bd2, Wd3, bd3)
    return (h_pos, h_neg)

if __name__ == "__main__":
    import jax
    _d = setup_inputs()
    print(jax.jit(kernel)(*tuple(_d.values())))

</pallas_src>

<mosaic_0001>
#map = affine_map<(d0, d1) -> (0, 0, 0)>
module attributes {stable_mosaic.version = 14 : i64} {
  func.func @_sc_aggregate(%arg0: i32, %arg1: i32, %arg2: memref<2x10240x64xf32, #tpu.memory_space<hbm>>, %arg3: memref<16x160x128xi32, #tpu.memory_space<hbm>>, %arg4: memref<16x160x128xi32, #tpu.memory_space<hbm>>, %arg5: memref<2x10240x64xf32, #tpu.memory_space<hbm>>, %arg6: memref<160x128xi32, #tpu.memory_space<vmem>>, %arg7: memref<160x128xi32, #tpu.memory_space<vmem>>, %arg8: memref<5x128x64xf32, #tpu.memory_space<vmem>>, %arg9: memref<128xf32, #tpu.memory_space<vmem>>, %arg10: memref<128xf32, #tpu.memory_space<vmem>>, %arg11: memref<10240x64xf32, #tpu.memory_space<vmem_shared>>, %arg12: memref<10240xf32, #tpu.memory_space<vmem_shared>>, %arg13: memref<!tpu.dma_semaphore, #tpu.memory_space<semaphore_mem>>, %arg14: memref<!tpu.dma_semaphore, #tpu.memory_space<semaphore_mem>>, %arg15: memref<!tpu.dma_semaphore, #tpu.memory_space<semaphore_mem>>) attributes {dimension_semantics = [#tpu.dimension_semantics<core_parallel>, #tpu.dimension_semantics<subcore_parallel>], iteration_bounds = array<i64: 2, 16>, scalar_prefetch = 0 : i64, scratch_operands = 10 : i64, tpu.core_type = #tpu.core_type<sc_vector_subcore>, window_params = [{transform_indices = #map}, {transform_indices = #map}, {transform_indices = #map}, {transform_indices = #map}]} {
    "tpu.region"() ({
      %run_scoped3A_122 = tpu.sem_alloc : memref<!tpu.dma_semaphore, #tpu.memory_space<semaphore_mem>>
      %dma_start3A = arith.constant 0 : i32
      %dma_start3A_123 = arith.constant 0 : i32
      %dma_start3A_124 = tpu.memref_slice %arg3[%arg1, %dma_start3A, %dma_start3A_123] : memref<16x160x128xi32, #tpu.memory_space<hbm>> -> memref<1x160x128xi32, #tpu.memory_space<hbm>>
      %dma_start3A_125 = tpu.memref_squeeze %dma_start3A_124 : memref<1x160x128xi32, #tpu.memory_space<hbm>> -> memref<160x128xi32, #tpu.memory_space<hbm>>
      %dma_start3A_126 = arith.constant 0 : i32
      %dma_start3A_127 = arith.constant 0 : i32
      %dma_start3A_128 = tpu.memref_slice %arg3[%arg1, %dma_start3A_126, %dma_start3A_127] : memref<16x160x128xi32, #tpu.memory_space<hbm>> -> memref<1x160x128xi32, #tpu.memory_space<hbm>>
      %dma_start3A_129 = tpu.memref_squeeze %dma_start3A_128 : memref<1x160x128xi32, #tpu.memory_space<hbm>> -> memref<160x128xi32, #tpu.memory_space<hbm>>
      tpu.enqueue_dma source(%dma_start3A_129 : memref<160x128xi32, #tpu.memory_space<hbm>>) target(%arg6 : memref<160x128xi32, #tpu.memory_space<vmem>>) target_semaphore(%run_scoped3A_122 : memref<!tpu.dma_semaphore, #tpu.memory_space<semaphore_mem>>)
      %dma_wait3A = arith.constant 0 : i32
      %dma_wait3A_130 = arith.constant 0 : i32
      %dma_wait3A_131 = tpu.memref_slice %arg3[%arg1, %dma_wait3A, %dma_wait3A_130] : memref<16x160x128xi32, #tpu.memory_space<hbm>> -> memref<1x160x128xi32, #tpu.memory_space<hbm>>
      %dma_wait3A_132 = tpu.memref_squeeze %dma_wait3A_131 : memref<1x160x128xi32, #tpu.memory_space<hbm>> -> memref<160x128xi32, #tpu.memory_space<hbm>>
      %dma_wait3A_133 = arith.constant 0 : i32
      %dma_wait3A_134 = arith.constant 0 : i32
      %dma_wait3A_135 = tpu.memref_slice %arg3[%arg1, %dma_wait3A_133, %dma_wait3A_134] : memref<16x160x128xi32, #tpu.memory_space<hbm>> -> memref<1x160x128xi32, #tpu.memory_space<hbm>>
      %dma_wait3A_136 = tpu.memref_squeeze %dma_wait3A_135 : memref<1x160x128xi32, #tpu.memory_space<hbm>> -> memref<160x128xi32, #tpu.memory_space<hbm>>
      tpu.wait_dma2 semaphore(%run_scoped3A_122 : memref<!tpu.dma_semaphore, #tpu.memory_space<semaphore_mem>>) src(%dma_wait3A_136 : memref<160x128xi32, #tpu.memory_space<hbm>>) dst(%arg6 : memref<160x128xi32, #tpu.memory_space<vmem>>)
      tpu.yield
    }) : () -> ()
    "tpu.region"() ({
      %run_scoped3A_122 = tpu.sem_alloc : memref<!tpu.dma_semaphore, #tpu.memory_space<semaphore_mem>>
      %dma_start3A = arith.constant 0 : i32
      %dma_start3A_123 = arith.constant 0 : i32
      %dma_start3A_124 = tpu.memref_slice %arg4[%arg1, %dma_start3A, %dma_start3A_123] : memref<16x160x128xi32, #tpu.memory_space<hbm>> -> memref<1x160x128xi32, #tpu.memory_space<hbm>>
      %dma_start3A_125 = tpu.memref_squeeze %dma_start3A_124 : memref<1x160x128xi32, #tpu.memory_space<hbm>> -> memref<160x128xi32, #tpu.memory_space<hbm>>
      %dma_start3A_126 = arith.constant 0 : i32
      %dma_start3A_127 = arith.constant 0 : i32
      %dma_start3A_128 = tpu.memref_slice %arg4[%arg1, %dma_start3A_126, %dma_start3A_127] : memref<16x160x128xi32, #tpu.memory_space<hbm>> -> memref<1x160x128xi32, #tpu.memory_space<hbm>>
      %dma_start3A_129 = tpu.memref_squeeze %dma_start3A_128 : memref<1x160x128xi32, #tpu.memory_space<hbm>> -> memref<160x128xi32, #tpu.memory_space<hbm>>
      tpu.enqueue_dma source(%dma_start3A_129 : memref<160x128xi32, #tpu.memory_space<hbm>>) target(%arg7 : memref<160x128xi32, #tpu.memory_space<vmem>>) target_semaphore(%run_scoped3A_122 : memref<!tpu.dma_semaphore, #tpu.memory_space<semaphore_mem>>)
      %dma_wait3A = arith.constant 0 : i32
      %dma_wait3A_130 = arith.constant 0 : i32
      %dma_wait3A_131 = tpu.memref_slice %arg4[%arg1, %dma_wait3A, %dma_wait3A_130] : memref<16x160x128xi32, #tpu.memory_space<hbm>> -> memref<1x160x128xi32, #tpu.memory_space<hbm>>
      %dma_wait3A_132 = tpu.memref_squeeze %dma_wait3A_131 : memref<1x160x128xi32, #tpu.memory_space<hbm>> -> memref<160x128xi32, #tpu.memory_space<hbm>>
      %dma_wait3A_133 = arith.constant 0 : i32
      %dma_wait3A_134 = arith.constant 0 : i32
      %dma_wait3A_135 = tpu.memref_slice %arg4[%arg1, %dma_wait3A_133, %dma_wait3A_134] : memref<16x160x128xi32, #tpu.memory_space<hbm>> -> memref<1x160x128xi32, #tpu.memory_space<hbm>>
      %dma_wait3A_136 = tpu.memref_squeeze %dma_wait3A_135 : memref<1x160x128xi32, #tpu.memory_space<hbm>> -> memref<160x128xi32, #tpu.memory_space<hbm>>
      tpu.wait_dma2 semaphore(%run_scoped3A_122 : memref<!tpu.dma_semaphore, #tpu.memory_space<semaphore_mem>>) src(%dma_wait3A_136 : memref<160x128xi32, #tpu.memory_space<hbm>>) dst(%arg7 : memref<160x128xi32, #tpu.memory_space<vmem>>)
      tpu.yield
    }) : () -> ()
    %broadcast_in_dim3A = arith.constant 0.000000e+00 : f32
    %broadcast_in_dim3A_0 = vector.broadcast %broadcast_in_dim3A : f32 to vector<16xf32>
    %broadcast_in_dim3A_1 = arith.constant 1.000000e+00 : f32
    %broadcast_in_dim3A_2 = vector.broadcast %broadcast_in_dim3A_1 : f32 to vector<16xf32>
    %swap3A = arith.constant 0 : index
    %swap3A_3 = tpu.vector_load %arg9[%swap3A] {strides = array<i32>} : memref<128xf32, #tpu.memory_space<vmem>>, vector<16xf32>,
    %swap3A_4 = vector.shape_cast %swap3A_3 : vector<16xf32> to vector<16xf32>
    %swap3A_5 = vector.shape_cast %broadcast_in_dim3A_2 : vector<16xf32> to vector<16xf32>
    tpu.vector_store %arg9[%swap3A], %swap3A_5 {strides = array<i32>} : memref<128xf32, #tpu.memory_space<vmem>>, vector<16xf32>,
    %swap3A_6 = arith.constant 0 : index
    %swap3A_7 = tpu.vector_load %arg10[%swap3A_6] {strides = array<i32>} : memref<128xf32, #tpu.memory_space<vmem>>, vector<16xf32>,
    %swap3A_8 = vector.shape_cast %swap3A_7 : vector<16xf32> to vector<16xf32>
    %swap3A_9 = vector.shape_cast %broadcast_in_dim3A_0 : vector<16xf32> to vector<16xf32>
    tpu.vector_store %arg10[%swap3A_6], %swap3A_9 {strides = array<i32>} : memref<128xf32, #tpu.memory_space<vmem>>, vector<16xf32>,
    %swap3A_10 = arith.constant 16 : index
    %swap3A_11 = tpu.vector_load %arg9[%swap3A_10] {strides = array<i32>} : memref<128xf32, #tpu.memory_space<vmem>>, vector<16xf32>,
    %swap3A_12 = vector.shape_cast %swap3A_11 : vector<16xf32> to vector<16xf32>
    %swap3A_13 = vector.shape_cast %broadcast_in_dim3A_2 : vector<16xf32> to vector<16xf32>
    tpu.vector_store %arg9[%swap3A_10], %swap3A_13 {strides = array<i32>} : memref<128xf32, #tpu.memory_space<vmem>>, vector<16xf32>,
    %swap3A_14 = arith.constant 16 : index
    %swap3A_15 = tpu.vector_load %arg10[%swap3A_14] {strides = array<i32>} : memref<128xf32, #tpu.memory_space<vmem>>, vector<16xf32>,
    %swap3A_16 = vector.shape_cast %swap3A_15 : vector<16xf32> to vector<16xf32>
    %swap3A_17 = vector.shape_cast %broadcast_in_dim3A_0 : vector<16xf32> to vector<16xf32>
    tpu.vector_store %arg10[%swap3A_14], %swap3A_17 {strides = array<i32>} : memref<128xf32, #tpu.memory_space<vmem>>, vector<16xf32>,
    %swap3A_18 = arith.constant 32 : index
    %swap3A_19 = tpu.vector_load %arg9[%swap3A_18] {strides = array<i32>} : memref<128xf32, #tpu.memory_space<vmem>>, vector<16xf32>,
    %swap3A_20 = vector.shape_cast %swap3A_19 : vector<16xf32> to vector<16xf32>
    %swap3A_21 = vector.shape_cast %broadcast_in_dim3A_2 : vector<16xf32> to vector<16xf32>
    tpu.vector_store %arg9[%swap3A_18], %swap3A_21 {strides = array<i32>} : memref<128xf32, #tpu.memory_space<vmem>>, vector<16xf32>,
    %swap3A_22 = arith.constant 32 : index
    %swap3A_23 = tpu.vector_load %arg10[%swap3A_22] {strides = array<i32>} : memref<128xf32, #tpu.memory_space<vmem>>, vector<16xf32>,
    %swap3A_24 = vector.shape_cast %swap3A_23 : vector<16xf32> to vector<16xf32>
    %swap3A_25 = vector.shape_cast %broadcast_in_dim3A_0 : vector<16xf32> to vector<16xf32>
    tpu.vector_store %arg10[%swap3A_22], %swap3A_25 {strides = array<i32>} : memref<128xf32, #tpu.memory_space<vmem>>, vector<16xf32>,
    %swap3A_26 = arith.constant 48 : index
    %swap3A_27 = tpu.vector_load %arg9[%swap3A_26] {strides = array<i32>} : memref<128xf32, #tpu.memory_space<vmem>>, vector<16xf32>,
    %swap3A_28 = vector.shape_cast %swap3A_27 : vector<16xf32> to vector<16xf32>
    %swap3A_29 = vector.shape_cast %broadcast_in_dim3A_2 : vector<16xf32> to vector<16xf32>
    tpu.vector_store %arg9[%swap3A_26], %swap3A_29 {strides = array<i32>} : memref<128xf32, #tpu.memory_space<vmem>>, vector<16xf32>,
    %swap3A_30 = arith.constant 48 : index
    %swap3A_31 = tpu.vector_load %arg10[%swap3A_30] {strides = array<i32>} : memref<128xf32, #tpu.memory_space<vmem>>, vector<16xf32>,
    %swap3A_32 = vector.shape_cast %swap3A_31 : vector<16xf32> to vector<16xf32>
    %swap3A_33 = vector.shape_cast %broadcast_in_dim3A_0 : vector<16xf32> to vector<16xf32>
    tpu.vector_store %arg10[%swap3A_30], %swap3A_33 {strides = array<i32>} : memref<128xf32, #tpu.memory_space<vmem>>, vector<16xf32>,
    %swap3A_34 = arith.constant 64 : index
    %swap3A_35 = tpu.vector_load %arg9[%swap3A_34] {strides = array<i32>} : memref<128xf32, #tpu.memory_space<vmem>>, vector<16xf32>,
    %swap3A_36 = vector.shape_cast %swap3A_35 : vector<16xf32> to vector<16xf32>
    %swap3A_37 = vector.shape_cast %broadcast_in_dim3A_2 : vector<16xf32> to vector<16xf32>
    tpu.vector_store %arg9[%swap3A_34], %swap3A_37 {strides = array<i32>} : memref<128xf32, #tpu.memory_space<vmem>>, vector<16xf32>,
    %swap3A_38 = arith.constant 64 : index
    %swap3A_39 = tpu.vector_load %arg10[%swap3A_38] {strides = array<i32>} : memref<128xf32, #tpu.memory_space<vmem>>, vector<16xf32>,
    %swap3A_40 = vector.shape_cast %swap3A_39 : vector<16xf32> to vector<16xf32>
    %swap3A_41 = vector.shape_cast %broadcast_in_dim3A_0 : vector<16xf32> to vector<16xf32>
    tpu.vector_store %arg10[%swap3A_38], %swap3A_41 {strides = array<i32>} : memref<128xf32, #tpu.memory_space<vmem>>, vector<16xf32>,
    %swap3A_42 = arith.constant 80 : index
    %swap3A_43 = tpu.vector_load %arg9[%swap3A_42] {strides = array<i32>} : memref<128xf32, #tpu.memory_space<vmem>>, vector<16xf32>,
    %swap3A_44 = vector.shape_cast %swap3A_43 : vector<16xf32> to vector<16xf32>
    %swap3A_45 = vector.shape_cast %broadcast_in_dim3A_2 : vector<16xf32> to vector<16xf32>
    tpu.vector_store %arg9[%swap3A_42], %swap3A_45 {strides = array<i32>} : memref<128xf32, #tpu.memory_space<vmem>>, vector<16xf32>,
    %swap3A_46 = arith.constant 80 : index
    %swap3A_47 = tpu.vector_load %arg10[%swap3A_46] {strides = array<i32>} : memref<128xf32, #tpu.memory_space<vmem>>, vector<16xf32>,
    %swap3A_48 = vector.shape_cast %swap3A_47 : vector<16xf32> to vector<16xf32>
    %swap3A_49 = vector.shape_cast %broadcast_in_dim3A_0 : vector<16xf32> to vector<16xf32>
    tpu.vector_store %arg10[%swap3A_46], %swap3A_49 {strides = array<i32>} : memref<128xf32, #tpu.memory_space<vmem>>, vector<16xf32>,
    %swap3A_50 = arith.constant 96 : index
    %swap3A_51 = tpu.vector_load %arg9[%swap3A_50] {strides = array<i32>} : memref<128xf32, #tpu.memory_space<vmem>>, vector<16xf32>,
    %swap3A_52 = vector.shape_cast %swap3A_51 : vector<16xf32> to vector<16xf32>
    %swap3A_53 = vector.shape_cast %broadcast_in_dim3A_2 : vector<16xf32> to vector<16xf32>
    tpu.vector_store %arg9[%swap3A_50], %swap3A_53 {strides = array<i32>} : memref<128xf32, #tpu.memory_space<vmem>>, vector<16xf32>,
    %swap3A_54 = arith.constant 96 : index
    %swap3A_55 = tpu.vector_load %arg10[%swap3A_54] {strides = array<i32>} : memref<128xf32, #tpu.memory_space<vmem>>, vector<16xf32>,
    %swap3A_56 = vector.shape_cast %swap3A_55 : vector<16xf32> to vector<16xf32>
    %swap3A_57 = vector.shape_cast %broadcast_in_dim3A_0 : vector<16xf32> to vector<16xf32>
    tpu.vector_store %arg10[%swap3A_54], %swap3A_57 {strides = array<i32>} : memref<128xf32, #tpu.memory_space<vmem>>, vector<16xf32>,
    %swap3A_58 = arith.constant 112 : index
    %swap3A_59 = tpu.vector_load %arg9[%swap3A_58] {strides = array<i32>} : memref<128xf32, #tpu.memory_space<vmem>>, vector<16xf32>,
    %swap3A_60 = vector.shape_cast %swap3A_59 : vector<16xf32> to vector<16xf32>
    %swap3A_61 = vector.shape_cast %broadcast_in_dim3A_2 : vector<16xf32> to vector<16xf32>
    tpu.vector_store %arg9[%swap3A_58], %swap3A_61 {strides = array<i32>} : memref<128xf32, #tpu.memory_space<vmem>>, vector<16xf32>,
    %swap3A_62 = arith.constant 112 : index
    %swap3A_63 = tpu.vector_load %arg10[%swap3A_62] {strides = array<i32>} : memref<128xf32, #tpu.memory_space<vmem>>, vector<16xf32>,
    %swap3A_64 = vector.shape_cast %swap3A_63 : vector<16xf32> to vector<16xf32>
    %swap3A_65 = vector.shape_cast %broadcast_in_dim3A_0 : vector<16xf32> to vector<16xf32>
    tpu.vector_store %arg10[%swap3A_62], %swap3A_65 {strides = array<i32>} : memref<128xf32, #tpu.memory_space<vmem>>, vector<16xf32>,
    %scan3A = arith.constant 0 : i32
    %scan3A_66 = arith.constant 0 : i32
    %scan3A_67 = arith.constant 128 : i32
    %scan3A_68 = arith.addi %scan3A_66, %scan3A_67 : i32
    %scan3A_69 = arith.constant 1 : i32
    %scan3A_70 = scf.for %scan3A_122 = %scan3A_66 to %scan3A_68 step %scan3A_69 iter_args(%scan3A_123 = %scan3A) -> (i32)  : i32 {
      %swap3A_124 = arith.constant 0 : i32
      %swap3A_125 = arith.index_cast %swap3A_124 : i32 to index
      %swap3A_126 = arith.index_cast %scan3A_122 : i32 to index
      %swap3A_127 = arith.constant 0 : index
      %swap3A_128 = tpu.vector_load %arg8[%swap3A_125, %swap3A_126, %swap3A_127] {strides = array<i32>} : memref<5x128x64xf32, #tpu.memory_space<vmem>>, vector<1x1x16xf32>,
      %swap3A_129 = vector.shape_cast %swap3A_128 : vector<1x1x16xf32> to vector<16xf32>
      %swap3A_130 = vector.shape_cast %broadcast_in_dim3A_0 : vector<16xf32> to vector<1x1x16xf32>
      tpu.vector_store %arg8[%swap3A_125, %swap3A_126, %swap3A_127], %swap3A_130 {strides = array<i32>} : memref<5x128x64xf32, #tpu.memory_space<vmem>>, vector<1x1x16xf32>,
      %swap3A_131 = arith.constant 0 : i32
      %swap3A_132 = arith.index_cast %swap3A_131 : i32 to index
      %swap3A_133 = arith.index_cast %scan3A_122 : i32 to index
      %swap3A_134 = arith.constant 16 : index
      %swap3A_135 = tpu.vector_load %arg8[%swap3A_132, %swap3A_133, %swap3A_134] {strides = array<i32>} : memref<5x128x64xf32, #tpu.memory_space<vmem>>, vector<1x1x16xf32>,
      %swap3A_136 = vector.shape_cast %swap3A_135 : vector<1x1x16xf32> to vector<16xf32>
      %swap3A_137 = vector.shape_cast %broadcast_in_dim3A_0 : vector<16xf32> to vector<1x1x16xf32>
      tpu.vector_store %arg8[%swap3A_132, %swap3A_133, %swap3A_134], %swap3A_137 {strides = array<i32>} : memref<5x128x64xf32, #tpu.memory_space<vmem>>, vector<1x1x16xf32>,
      %swap3A_138 = arith.constant 0 : i32
      %swap3A_139 = arith.index_cast %swap3A_138 : i32 to index
      %swap3A_140 = arith.index_cast %scan3A_122 : i32 to index
      %swap3A_141 = arith.constant 32 : index
      %swap3A_142 = tpu.vector_load %arg8[%swap3A_139, %swap3A_140, %swap3A_141] {strides = array<i32>} : memref<5x128x64xf32, #tpu.memory_space<vmem>>, vector<1x1x16xf32>,
      %swap3A_143 = vector.shape_cast %swap3A_142 : vector<1x1x16xf32> to vector<16xf32>
      %swap3A_144 = vector.shape_cast %broadcast_in_dim3A_0 : vector<16xf32> to vector<1x1x16xf32>
      tpu.vector_store %arg8[%swap3A_139, %swap3A_140, %swap3A_141], %swap3A_144 {strides = array<i32>} : memref<5x128x64xf32, #tpu.memory_space<vmem>>, vector<1x1x16xf32>,
      %swap3A_145 = arith.constant 0 : i32
      %swap3A_146 = arith.index_cast %swap3A_145 : i32 to index
      %swap3A_147 = arith.index_cast %scan3A_122 : i32 to index
      %swap3A_148 = arith.constant 48 : index
      %swap3A_149 = tpu.vector_load %arg8[%swap3A_146, %swap3A_147, %swap3A_148] {strides = array<i32>} : memref<5x128x64xf32, #tpu.memory_space<vmem>>, vector<1x1x16xf32>,
      %swap3A_150 = vector.shape_cast %swap3A_149 : vector<1x1x16xf32> to vector<16xf32>
      %swap3A_151 = vector.shape_cast %broadcast_in_dim3A_0 : vector<16xf32> to vector<1x1x16xf32>
      tpu.vector_store %arg8[%swap3A_146, %swap3A_147, %swap3A_148], %swap3A_151 {strides = array<i32>} : memref<5x128x64xf32, #tpu.memory_space<vmem>>, vector<1x1x16xf32>,
      %scan3A_152 = arith.constant 0 : i32
      scf.yield %scan3A_152 : i32
    }
    %scan3A_71 = arith.constant 128 : i32
    %mul3A = arith.constant 640 : i32
    %mul3A_72 = arith.muli %arg1, %mul3A : i32
    %add3A = arith.constant 0 : i32
    %add3A_73 = arith.addi %mul3A_72, %add3A : i32
    %run_scoped3A = arith.constant 0 : i32
    "tpu.region"() ({
      %run_scoped3A_122 = tpu.sem_alloc : memref<!tpu.dma_semaphore, #tpu.memory_space<semaphore_mem>>
      %dma_start3A = arith.constant 0 : i32
      %dma_start3A_123 = arith.constant 0 : i32
      %dma_start3A_124 = tpu.memref_slice %arg8[%run_scoped3A, %dma_start3A, %dma_start3A_123] : memref<5x128x64xf32, #tpu.memory_space<vmem>> -> memref<1x128x64xf32, #tpu.memory_space<vmem>>
      %dma_start3A_125 = tpu.memref_squeeze %dma_start3A_124 : memref<1x128x64xf32, #tpu.memory_space<vmem>> -> memref<128x64xf32, #tpu.memory_space<vmem>>
      %dma_start3A_126 = arith.constant 0 : i32
      %dma_start3A_127 = tpu.memref_slice %arg11[%add3A_73, %dma_start3A_126] : memref<10240x64xf32, #tpu.memory_space<vmem_shared>> -> memref<128x64xf32, #tpu.memory_space<vmem_shared>>
      %dma_start3A_128 = arith.constant 0 : i32
      %dma_start3A_129 = tpu.memref_slice %arg11[%add3A_73, %dma_start3A_128] : memref<10240x64xf32, #tpu.memory_space<vmem_shared>> -> memref<128x64xf32, #tpu.memory_space<vmem_shared>>
      %dma_start3A_130 = arith.constant 0 : i32
      %dma_start3A_131 = arith.constant 0 : i32
      %dma_start3A_132 = tpu.memref_slice %arg8[%run_scoped3A, %dma_start3A_130, %dma_start3A_131] : memref<5x128x64xf32, #tpu.memory_space<vmem>> -> memref<1x128x64xf32, #tpu.memory_space<vmem>>
      %dma_start3A_133 = tpu.memref_squeeze %dma_start3A_132 : memref<1x128x64xf32, #tpu.memory_space<vmem>> -> memref<128x64xf32, #tpu.memory_space<vmem>>
      tpu.enqueue_dma source(%dma_start3A_133 : memref<128x64xf32, #tpu.memory_space<vmem>>) target(%dma_start3A_129 : memref<128x64xf32, #tpu.memory_space<vmem_shared>>) target_semaphore(%run_scoped3A_122 : memref<!tpu.dma_semaphore, #tpu.memory_space<semaphore_mem>>)
      %dma_wait3A = arith.constant 0 : i32
      %dma_wait3A_134 = arith.constant 0 : i32
      %dma_wait3A_135 = tpu.memref_slice %arg8[%run_scoped3A, %dma_wait3A, %dma_wait3A_134] : memref<5x128x64xf32, #tpu.memory_space<vmem>> -> memref<1x128x64xf32, #tpu.memory_space<vmem>>
      %dma_wait3A_136 = tpu.memref_squeeze %dma_wait3A_135 : memref<1x128x64xf32, #tpu.memory_space<vmem>> -> memref<128x64xf32, #tpu.memory_space<vmem>>
      %dma_wait3A_137 = arith.constant 0 : i32
      %dma_wait3A_138 = tpu.memref_slice %arg11[%add3A_73, %dma_wait3A_137] : memref<10240x64xf32, #tpu.memory_space<vmem_shared>> -> memref<128x64xf32, #tpu.memory_space<vmem_shared>>
      %dma_wait3A_139 = arith.constant 0 : i32
      %dma_wait3A_140 = tpu.memref_slice %arg11[%add3A_73, %dma_wait3A_139] : memref<10240x64xf32, #tpu.memory_space<vmem_shared>> -> memref<128x64xf32, #tpu.memory_space<vmem_shared>>
      %dma_wait3A_141 = arith.constant 0 : i32
      %dma_wait3A_142 = arith.constant 0 : i32
      %dma_wait3A_143 = tpu.memref_slice %arg8[%run_scoped3A, %dma_wait3A_141, %dma_wait3A_142] : memref<5x128x64xf32, #tpu.memory_space<vmem>> -> memref<1x128x64xf32, #tpu.memory_space<vmem>>
      %dma_wait3A_144 = tpu.memref_squeeze %dma_wait3A_143 : memref<1x128x64xf32, #tpu.memory_space<vmem>> -> memref<128x64xf32, #tpu.memory_space<vmem>>
      tpu.wait_dma2 semaphore(%run_scoped3A_122 : memref<!tpu.dma_semaphore, #tpu.memory_space<semaphore_mem>>) src(%dma_wait3A_144 : memref<128x64xf32, #tpu.memory_space<vmem>>) dst(%dma_wait3A_140 : memref<128x64xf32, #tpu.memory_space<vmem_shared>>)
      tpu.yield
    }) : () -> ()
    %mul3A_74 = arith.constant 640 : i32
    %mul3A_75 = arith.muli %arg1, %mul3A_74 : i32
    %add3A_76 = arith.constant 128 : i32
    %add3A_77 = arith.addi %mul3A_75, %add3A_76 : i32
    %run_scoped3A_78 = arith.constant 0 : i32
    "tpu.region"() ({
      %run_scoped3A_122 = tpu.sem_alloc : memref<!tpu.dma_semaphore, #tpu.memory_space<semaphore_mem>>
      %dma_start3A = arith.constant 0 : i32
      %dma_start3A_123 = arith.constant 0 : i32
      %dma_start3A_124 = tpu.memref_slice %arg8[%run_scoped3A_78, %dma_start3A, %dma_start3A_123] : memref<5x128x64xf32, #tpu.memory_space<vmem>> -> memref<1x128x64xf32, #tpu.memory_space<vmem>>
      %dma_start3A_125 = tpu.memref_squeeze %dma_start3A_124 : memref<1x128x64xf32, #tpu.memory_space<vmem>> -> memref<128x64xf32, #tpu.memory_space<vmem>>
      %dma_start3A_126 = arith.constant 0 : i32
      %dma_start3A_127 = tpu.memref_slice %arg11[%add3A_77, %dma_start3A_126] : memref<10240x64xf32, #tpu.memory_space<vmem_shared>> -> memref<128x64xf32, #tpu.memory_space<vmem_shared>>
      %dma_start3A_128 = arith.constant 0 : i32
      %dma_start3A_129 = tpu.memref_slice %arg11[%add3A_77, %dma_start3A_128] : memref<10240x64xf32, #tpu.memory_space<vmem_shared>> -> memref<128x64xf32, #tpu.memory_space<vmem_shared>>
      %dma_start3A_130 = arith.constant 0 : i32
      %dma_start3A_131 = arith.constant 0 : i32
      %dma_start3A_132 = tpu.memref_slice %arg8[%run_scoped3A_78, %dma_start3A_130, %dma_start3A_131] : memref<5x128x64xf32, #tpu.memory_space<vmem>> -> memref<1x128x64xf32, #tpu.memory_space<vmem>>
      %dma_start3A_133 = tpu.memref_squeeze %dma_start3A_132 : memref<1x128x64xf32, #tpu.memory_space<vmem>> -> memref<128x64xf32, #tpu.memory_space<vmem>>
      tpu.enqueue_dma source(%dma_start3A_133 : memref<128x64xf32, #tpu.memory_space<vmem>>) target(%dma_start3A_129 : memref<128x64xf32, #tpu.memory_space<vmem_shared>>) target_semaphore(%run_scoped3A_122 : memref<!tpu.dma_semaphore, #tpu.memory_space<semaphore_mem>>)
      %dma_wait3A = arith.constant 0 : i32
      %dma_wait3A_134 = arith.constant 0 : i32
      %dma_wait3A_135 = tpu.memref_slice %arg8[%run_scoped3A_78, %dma_wait3A, %dma_wait3A_134] : memref<5x128x64xf32, #tpu.memory_space<vmem>> -> memref<1x128x64xf32, #tpu.memory_space<vmem>>
      %dma_wait3A_136 = tpu.memref_squeeze %dma_wait3A_135 : memref<1x128x64xf32, #tpu.memory_space<vmem>> -> memref<128x64xf32, #tpu.memory_space<vmem>>
      %dma_wait3A_137 = arith.constant 0 : i32
      %dma_wait3A_138 = tpu.memref_slice %arg11[%add3A_77, %dma_wait3A_137] : memref<10240x64xf32, #tpu.memory_space<vmem_shared>> -> memref<128x64xf32, #tpu.memory_space<vmem_shared>>
      %dma_wait3A_139 = arith.constant 0 : i32
      %dma_wait3A_140 = tpu.memref_slice %arg11[%add3A_77, %dma_wait3A_139] : memref<10240x64xf32, #tpu.memory_space<vmem_shared>> -> memref<128x64xf32, #tpu.memory_space<vmem_shared>>
      %dma_wait3A_141 = arith.constant 0 : i32
      %dma_wait3A_142 = arith.constant 0 : i32
      %dma_wait3A_143 = tpu.memref_slice %arg8[%run_scoped3A_78, %dma_wait3A_141, %dma_wait3A_142] : memref<5x128x64xf32, #tpu.memory_space<vmem>> -> memref<1x128x64xf32, #tpu.memory_space<vmem>>
      %dma_wait3A_144 = tpu.memref_squeeze %dma_wait3A_143 : memref<1x128x64xf32, #tpu.memory_space<vmem>> -> memref<128x64xf32, #tpu.memory_space<vmem>>
      tpu.wait_dma2 semaphore(%run_scoped3A_122 : memref<!tpu.dma_semaphore, #tpu.memory_space<semaphore_mem>>) src(%dma_wait3A_144 : memref<128x64xf32, #tpu.memory_space<vmem>>) dst(%dma_wait3A_140 : memref<128x64xf32, #tpu.memory_space<vmem_shared>>)
      tpu.yield
    }) : () -> ()
    %mul3A_79 = arith.constant 640 : i32
    %mul3A_80 = arith.muli %arg1, %mul3A_79 : i32
    %add3A_81 = arith.constant 256 : i32
    %add3A_82 = arith.addi %mul3A_80, %add3A_81 : i32
    %run_scoped3A_83 = arith.constant 0 : i32
    "tpu.region"() ({
      %run_scoped3A_122 = tpu.sem_alloc : memref<!tpu.dma_semaphore, #tpu.memory_space<semaphore_mem>>
      %dma_start3A = arith.constant 0 : i32
      %dma_start3A_123 = arith.constant 0 : i32
      %dma_start3A_124 = tpu.memref_slice %arg8[%run_scoped3A_83, %dma_start3A, %dma_start3A_123] : memref<5x128x64xf32, #tpu.memory_space<vmem>> -> memref<1x128x64xf32, #tpu.memory_space<vmem>>
      %dma_start3A_125 = tpu.memref_squeeze %dma_start3A_124 : memref<1x128x64xf32, #tpu.memory_space<vmem>> -> memref<128x64xf32, #tpu.memory_space<vmem>>
      %dma_start3A_126 = arith.constant 0 : i32
      %dma_start3A_127 = tpu.memref_slice %arg11[%add3A_82, %dma_start3A_126] : memref<10240x64xf32, #tpu.memory_space<vmem_shared>> -> memref<128x64xf32, #tpu.memory_space<vmem_shared>>
      %dma_start3A_128 = arith.constant 0 : i32
      %dma_start3A_129 = tpu.memref_slice %arg11[%add3A_82, %dma_start3A_128] : memref<10240x64xf32, #tpu.memory_space<vmem_shared>> -> memref<128x64xf32, #tpu.memory_space<vmem_shared>>
      %dma_start3A_130 = arith.constant 0 : i32
      %dma_start3A_131 = arith.constant 0 : i32
      %dma_start3A_132 = tpu.memref_slice %arg8[%run_scoped3A_83, %dma_start3A_130, %dma_start3A_131] : memref<5x128x64xf32, #tpu.memory_space<vmem>> -> memref<1x128x64xf32, #tpu.memory_space<vmem>>
      %dma_start3A_133 = tpu.memref_squeeze %dma_start3A_132 : memref<1x128x64xf32, #tpu.memory_space<vmem>> -> memref<128x64xf32, #tpu.memory_space<vmem>>
      tpu.enqueue_dma source(%dma_start3A_133 : memref<128x64xf32, #tpu.memory_space<vmem>>) target(%dma_start3A_129 : memref<128x64xf32, #tpu.memory_space<vmem_shared>>) target_semaphore(%run_scoped3A_122 : memref<!tpu.dma_semaphore, #tpu.memory_space<semaphore_mem>>)
      %dma_wait3A = arith.constant 0 : i32
      %dma_wait3A_134 = arith.constant 0 : i32
      %dma_wait3A_135 = tpu.memref_slice %arg8[%run_scoped3A_83, %dma_wait3A, %dma_wait3A_134] : memref<5x128x64xf32, #tpu.memory_space<vmem>> -> memref<1x128x64xf32, #tpu.memory_space<vmem>>
      %dma_wait3A_136 = tpu.memref_squeeze %dma_wait3A_135 : memref<1x128x64xf32, #tpu.memory_space<vmem>> -> memref<128x64xf32, #tpu.memory_space<vmem>>
      %dma_wait3A_137 = arith.constant 0 : i32
      %dma_wait3A_138 = tpu.memref_slice %arg11[%add3A_82, %dma_wait3A_137] : memref<10240x64xf32, #tpu.memory_space<vmem_shared>> -> memref<128x64xf32, #tpu.memory_space<vmem_shared>>
      %dma_wait3A_139 = arith.constant 0 : i32
      %dma_wait3A_140 = tpu.memref_slice %arg11[%add3A_82, %dma_wait3A_139] : memref<10240x64xf32, #tpu.memory_space<vmem_shared>> -> memref<128x64xf32, #tpu.memory_space<vmem_shared>>
      %dma_wait3A_141 = arith.constant 0 : i32
      %dma_wait3A_142 = arith.constant 0 : i32
      %dma_wait3A_143 = tpu.memref_slice %arg8[%run_scoped3A_83, %dma_wait3A_141, %dma_wait3A_142] : memref<5x128x64xf32, #tpu.memory_space<vmem>> -> memref<1x128x64xf32, #tpu.memory_space<vmem>>
      %dma_wait3A_144 = tpu.memref_squeeze %dma_wait3A_143 : memref<1x128x64xf32, #tpu.memory_space<vmem>> -> memref<128x64xf32, #tpu.memory_space<vmem>>
      tpu.wait_dma2 semaphore(%run_scoped3A_122 : memref<!tpu.dma_semaphore, #tpu.memory_space<semaphore_mem>>) src(%dma_wait3A_144 : memref<128x64xf32, #tpu.memory_space<vmem>>) dst(%dma_wait3A_140 : memref<128x64xf32, #tpu.memory_space<vmem_shared>>)
      tpu.yield
    }) : () -> ()
    %mul3A_84 = arith.constant 640 : i32
    %mul3A_85 = arith.muli %arg1, %mul3A_84 : i32
    %add3A_86 = arith.constant 384 : i32
    %add3A_87 = arith.addi %mul3A_85, %add3A_86 : i32
    %run_scoped3A_88 = arith.constant 0 : i32
    "tpu.region"() ({
      %run_scoped3A_122 = tpu.sem_alloc : memref<!tpu.dma_semaphore, #tpu.memory_space<semaphore_mem>>
      %dma_start3A = arith.constant 0 : i32
      %dma_start3A_123 = arith.constant 0 : i32
      %dma_start3A_124 = tpu.memref_slice %arg8[%run_scoped3A_88, %dma_start3A, %dma_start3A_123] : memref<5x128x64xf32, #tpu.memory_space<vmem>> -> memref<1x128x64xf32, #tpu.memory_space<vmem>>
      %dma_start3A_125 = tpu.memref_squeeze %dma_start3A_124 : memref<1x128x64xf32, #tpu.memory_space<vmem>> -> memref<128x64xf32, #tpu.memory_space<vmem>>
      %dma_start3A_126 = arith.constant 0 : i32
      %dma_start3A_127 = tpu.memref_slice %arg11[%add3A_87, %dma_start3A_126] : memref<10240x64xf32, #tpu.memory_space<vmem_shared>> -> memref<128x64xf32, #tpu.memory_space<vmem_shared>>
      %dma_start3A_128 = arith.constant 0 : i32
      %dma_start3A_129 = tpu.memref_slice %arg11[%add3A_87, %dma_start3A_128] : memref<10240x64xf32, #tpu.memory_space<vmem_shared>> -> memref<128x64xf32, #tpu.memory_space<vmem_shared>>
      %dma_start3A_130 = arith.constant 0 : i32
      %dma_start3A_131 = arith.constant 0 : i32
      %dma_start3A_132 = tpu.memref_slice %arg8[%run_scoped3A_88, %dma_start3A_130, %dma_start3A_131] : memref<5x128x64xf32, #tpu.memory_space<vmem>> -> memref<1x128x64xf32, #tpu.memory_space<vmem>>
      %dma_start3A_133 = tpu.memref_squeeze %dma_start3A_132 : memref<1x128x64xf32, #tpu.memory_space<vmem>> -> memref<128x64xf32, #tpu.memory_space<vmem>>
      tpu.enqueue_dma source(%dma_start3A_133 : memref<128x64xf32, #tpu.memory_space<vmem>>) target(%dma_start3A_129 : memref<128x64xf32, #tpu.memory_space<vmem_shared>>) target_semaphore(%run_scoped3A_122 : memref<!tpu.dma_semaphore, #tpu.memory_space<semaphore_mem>>)
      %dma_wait3A = arith.constant 0 : i32
      %dma_wait3A_134 = arith.constant 0 : i32
      %dma_wait3A_135 = tpu.memref_slice %arg8[%run_scoped3A_88, %dma_wait3A, %dma_wait3A_134] : memref<5x128x64xf32, #tpu.memory_space<vmem>> -> memref<1x128x64xf32, #tpu.memory_space<vmem>>
      %dma_wait3A_136 = tpu.memref_squeeze %dma_wait3A_135 : memref<1x128x64xf32, #tpu.memory_space<vmem>> -> memref<128x64xf32, #tpu.memory_space<vmem>>
      %dma_wait3A_137 = arith.constant 0 : i32
      %dma_wait3A_138 = tpu.memref_slice %arg11[%add3A_87, %dma_wait3A_137] : memref<10240x64xf32, #tpu.memory_space<vmem_shared>> -> memref<128x64xf32, #tpu.memory_space<vmem_shared>>
      %dma_wait3A_139 = arith.constant 0 : i32
      %dma_wait3A_140 = tpu.memref_slice %arg11[%add3A_87, %dma_wait3A_139] : memref<10240x64xf32, #tpu.memory_space<vmem_shared>> -> memref<128x64xf32, #tpu.memory_space<vmem_shared>>
      %dma_wait3A_141 = arith.constant 0 : i32
      %dma_wait3A_142 = arith.constant 0 : i32
      %dma_wait3A_143 = tpu.memref_slice %arg8[%run_scoped3A_88, %dma_wait3A_141, %dma_wait3A_142] : memref<5x128x64xf32, #tpu.memory_space<vmem>> -> memref<1x128x64xf32, #tpu.memory_space<vmem>>
      %dma_wait3A_144 = tpu.memref_squeeze %dma_wait3A_143 : memref<1x128x64xf32, #tpu.memory_space<vmem>> -> memref<128x64xf32, #tpu.memory_space<vmem>>
      tpu.wait_dma2 semaphore(%run_scoped3A_122 : memref<!tpu.dma_semaphore, #tpu.memory_space<semaphore_mem>>) src(%dma_wait3A_144 : memref<128x64xf32, #tpu.memory_space<vmem>>) dst(%dma_wait3A_140 : memref<128x64xf32, #tpu.memory_space<vmem_shared>>)
      tpu.yield
    }) : () -> ()
    %mul3A_89 = arith.constant 640 : i32
    %mul3A_90 = arith.muli %arg1, %mul3A_89 : i32
    %add3A_91 = arith.constant 512 : i32
    %add3A_92 = arith.addi %mul3A_90, %add3A_91 : i32
    %run_scoped3A_93 = arith.constant 0 : i32
    "tpu.region"() ({
      %run_scoped3A_122 = tpu.sem_alloc : memref<!tpu.dma_semaphore, #tpu.memory_space<semaphore_mem>>
      %dma_start3A = arith.constant 0 : i32
      %dma_start3A_123 = arith.constant 0 : i32
      %dma_start3A_124 = tpu.memref_slice %arg8[%run_scoped3A_93, %dma_start3A, %dma_start3A_123] : memref<5x128x64xf32, #tpu.memory_space<vmem>> -> memref<1x128x64xf32, #tpu.memory_space<vmem>>
      %dma_start3A_125 = tpu.memref_squeeze %dma_start3A_124 : memref<1x128x64xf32, #tpu.memory_space<vmem>> -> memref<128x64xf32, #tpu.memory_space<vmem>>
      %dma_start3A_126 = arith.constant 0 : i32
      %dma_start3A_127 = tpu.memref_slice %arg11[%add3A_92, %dma_start3A_126] : memref<10240x64xf32, #tpu.memory_space<vmem_shared>> -> memref<128x64xf32, #tpu.memory_space<vmem_shared>>
      %dma_start3A_128 = arith.constant 0 : i32
      %dma_start3A_129 = tpu.memref_slice %arg11[%add3A_92, %dma_start3A_128] : memref<10240x64xf32, #tpu.memory_space<vmem_shared>> -> memref<128x64xf32, #tpu.memory_space<vmem_shared>>
      %dma_start3A_130 = arith.constant 0 : i32
      %dma_start3A_131 = arith.constant 0 : i32
      %dma_start3A_132 = tpu.memref_slice %arg8[%run_scoped3A_93, %dma_start3A_130, %dma_start3A_131] : memref<5x128x64xf32, #tpu.memory_space<vmem>> -> memref<1x128x64xf32, #tpu.memory_space<vmem>>
      %dma_start3A_133 = tpu.memref_squeeze %dma_start3A_132 : memref<1x128x64xf32, #tpu.memory_space<vmem>> -> memref<128x64xf32, #tpu.memory_space<vmem>>
      tpu.enqueue_dma source(%dma_start3A_133 : memref<128x64xf32, #tpu.memory_space<vmem>>) target(%dma_start3A_129 : memref<128x64xf32, #tpu.memory_space<vmem_shared>>) target_semaphore(%run_scoped3A_122 : memref<!tpu.dma_semaphore, #tpu.memory_space<semaphore_mem>>)
      %dma_wait3A = arith.constant 0 : i32
      %dma_wait3A_134 = arith.constant 0 : i32
      %dma_wait3A_135 = tpu.memref_slice %arg8[%run_scoped3A_93, %dma_wait3A, %dma_wait3A_134] : memref<5x128x64xf32, #tpu.memory_space<vmem>> -> memref<1x128x64xf32, #tpu.memory_space<vmem>>
      %dma_wait3A_136 = tpu.memref_squeeze %dma_wait3A_135 : memref<1x128x64xf32, #tpu.memory_space<vmem>> -> memref<128x64xf32, #tpu.memory_space<vmem>>
      %dma_wait3A_137 = arith.constant 0 : i32
      %dma_wait3A_138 = tpu.memref_slice %arg11[%add3A_92, %dma_wait3A_137] : memref<10240x64xf32, #tpu.memory_space<vmem_shared>> -> memref<128x64xf32, #tpu.memory_space<vmem_shared>>
      %dma_wait3A_139 = arith.constant 0 : i32
      %dma_wait3A_140 = tpu.memref_slice %arg11[%add3A_92, %dma_wait3A_139] : memref<10240x64xf32, #tpu.memory_space<vmem_shared>> -> memref<128x64xf32, #tpu.memory_space<vmem_shared>>
      %dma_wait3A_141 = arith.constant 0 : i32
      %dma_wait3A_142 = arith.constant 0 : i32
      %dma_wait3A_143 = tpu.memref_slice %arg8[%run_scoped3A_93, %dma_wait3A_141, %dma_wait3A_142] : memref<5x128x64xf32, #tpu.memory_space<vmem>> -> memref<1x128x64xf32, #tpu.memory_space<vmem>>
      %dma_wait3A_144 = tpu.memref_squeeze %dma_wait3A_143 : memref<1x128x64xf32, #tpu.memory_space<vmem>> -> memref<128x64xf32, #tpu.memory_space<vmem>>
      tpu.wait_dma2 semaphore(%run_scoped3A_122 : memref<!tpu.dma_semaphore, #tpu.memory_space<semaphore_mem>>) src(%dma_wait3A_144 : memref<128x64xf32, #tpu.memory_space<vmem>>) dst(%dma_wait3A_140 : memref<128x64xf32, #tpu.memory_space<vmem_shared>>)
      tpu.yield
    }) : () -> ()
    %barrier3A = arith.constant 0 : index
    tpu.barrier barrier_id(%barrier3A)
    %eq3A = arith.constant 0 : i32
    %eq3A_94 = arith.cmpi eq, %arg0, %eq3A : i32
    %convert_element_type3A = arith.extui %eq3A_94 : i1 to i32
    %cond3A = arith.constant 0 : i32
    %cond3A_95 = arith.cmpi ne, %convert_element_type3A, %cond3A : i32
    scf.if %cond3A_95 {
      %dma_start3A = arith.constant 0 : i32
      %dma_start3A_122 = arith.constant 0 : i32
      %dma_start3A_123 = arith.constant 0 : i32
      %dma_start3A_124 = arith.constant 0 : i32
      %dma_start3A_125 = arith.constant 0 : i32
      %dma_start3A_126 = tpu.memref_slice %arg8[%dma_start3A_123, %dma_start3A_124, %dma_start3A_125] : memref<5x128x64xf32, #tpu.memory_space<vmem>> -> memref<1x128x64xf32, #tpu.memory_space<vmem>>
      %dma_start3A_127 = tpu.memref_squeeze %dma_start3A_126 : memref<1x128x64xf32, #tpu.memory_space<vmem>> -> memref<128x64xf32, #tpu.memory_space<vmem>>
      %dma_start3A_128 = arith.constant 0 : i32
      %dma_start3A_129 = tpu.memref_slice %arg6[%dma_start3A_122, %dma_start3A_128] : memref<160x128xi32, #tpu.memory_space<vmem>> -> memref<1x128xi32, #tpu.memory_space<vmem>>
      %dma_start3A_130 = tpu.memref_squeeze %dma_start3A_129 : memref<1x128xi32, #tpu.memory_space<vmem>> -> memref<128xi32, #tpu.memory_space<vmem>>
      %dma_start3A_131 = arith.constant 0 : i32
      %dma_start3A_132 = arith.constant 0 : i32
      %dma_start3A_133 = tpu.memref_slice %arg2[%dma_start3A, %dma_start3A_131, %dma_start3A_132] : memref<2x10240x64xf32, #tpu.memory_space<hbm>> -> memref<1x10240x64xf32, #tpu.memory_space<hbm>>
      %dma_start3A_134 = tpu.memref_squeeze %dma_start3A_133 : memref<1x10240x64xf32, #tpu.memory_space<hbm>> -> memref<10240x64xf32, #tpu.memory_space<hbm>>
      %dma_start3A_135 = arith.constant 0 : i32
      %dma_start3A_136 = arith.constant 0 : i32
      %dma_start3A_137 = tpu.memref_slice %dma_start3A_134[%dma_start3A_135, %dma_start3A_136] : memref<10240x64xf32, #tpu.memory_space<hbm>> -> memref<10240x64xf32, #tpu.memory_space<hbm>>
      tpu.enqueue_indirect_dma source(%dma_start3A_137 : memref<10240x64xf32, #tpu.memory_space<hbm>>) target(%dma_start3A_127 : memref<128x64xf32, #tpu.memory_space<vmem>>) offsets(%dma_start3A_130 : memref<128xi32, #tpu.memory_space<vmem>>) semaphore(%arg13 : memref<!tpu.dma_semaphore, #tpu.memory_space<semaphore_mem>>)
      %dma_start3A_138 = arith.constant 0 : i32
      %dma_start3A_139 = arith.constant 1 : i32
      %dma_start3A_140 = arith.constant 1 : i32
      %dma_start3A_141 = arith.constant 0 : i32
      %dma_start3A_142 = arith.constant 0 : i32
      %dma_start3A_143 = tpu.memref_slice %arg8[%dma_start3A_140, %dma_start3A_141, %dma_start3A_142] : memref<5x128x64xf32, #tpu.memory_space<vmem>> -> memref<1x128x64xf32, #tpu.memory_space<vmem>>
      %dma_start3A_144 = tpu.memref_squeeze %dma_start3A_143 : memref<1x128x64xf32, #tpu.memory_space<vmem>> -> memref<128x64xf32, #tpu.memory_space<vmem>>
      %dma_start3A_145 = arith.constant 0 : i32
      %dma_start3A_146 = tpu.memref_slice %arg6[%dma_start3A_139, %dma_start3A_145] : memref<160x128xi32, #tpu.memory_space<vmem>> -> memref<1x128xi32, #tpu.memory_space<vmem>>
      %dma_start3A_147 = tpu.memref_squeeze %dma_start3A_146 : memref<1x128xi32, #tpu.memory_space<vmem>> -> memref<128xi32, #tpu.memory_space<vmem>>
      %dma_start3A_148 = arith.constant 0 : i32
      %dma_start3A_149 = arith.constant 0 : i32
      %dma_start3A_150 = tpu.memref_slice %arg2[%dma_start3A_138, %dma_start3A_148, %dma_start3A_149] : memref<2x10240x64xf32, #tpu.memory_space<hbm>> -> memref<1x10240x64xf32, #tpu.memory_space<hbm>>
      %dma_start3A_151 = tpu.memref_squeeze %dma_start3A_150 : memref<1x10240x64xf32, #tpu.memory_space<hbm>> -> memref<10240x64xf32, #tpu.memory_space<hbm>>
      %dma_start3A_152 = arith.constant 0 : i32
      %dma_start3A_153 = arith.constant 0 : i32
      %dma_start3A_154 = tpu.memref_slice %dma_start3A_151[%dma_start3A_152, %dma_start3A_153] : memref<10240x64xf32, #tpu.memory_space<hbm>> -> memref<10240x64xf32, #tpu.memory_space<hbm>>
      tpu.enqueue_indirect_dma source(%dma_start3A_154 : memref<10240x64xf32, #tpu.memory_space<hbm>>) target(%dma_start3A_144 : memref<128x64xf32, #tpu.memory_space<vmem>>) offsets(%dma_start3A_147 : memref<128xi32, #tpu.memory_space<vmem>>) semaphore(%arg13 : memref<!tpu.dma_semaphore, #tpu.memory_space<semaphore_mem>>)
      %dma_start3A_155 = arith.constant 0 : i32
      %dma_start3A_156 = arith.constant 2 : i32
      %dma_start3A_157 = arith.constant 2 : i32
      %dma_start3A_158 = arith.constant 0 : i32
      %dma_start3A_159 = arith.constant 0 : i32
      %dma_start3A_160 = tpu.memref_slice %arg8[%dma_start3A_157, %dma_start3A_158, %dma_start3A_159] : memref<5x128x64xf32, #tpu.memory_space<vmem>> -> memref<1x128x64xf32, #tpu.memory_space<vmem>>
      %dma_start3A_161 = tpu.memref_squeeze %dma_start3A_160 : memref<1x128x64xf32, #tpu.memory_space<vmem>> -> memref<128x64xf32, #tpu.memory_space<vmem>>
      %dma_start3A_162 = arith.constant 0 : i32
      %dma_start3A_163 = tpu.memref_slice %arg6[%dma_start3A_156, %dma_start3A_162] : memref<160x128xi32, #tpu.memory_space<vmem>> -> memref<1x128xi32, #tpu.memory_space<vmem>>
      %dma_start3A_164 = tpu.memref_squeeze %dma_start3A_163 : memref<1x128xi32, #tpu.memory_space<vmem>> -> memref<128xi32, #tpu.memory_space<vmem>>
      %dma_start3A_165 = arith.constant 0 : i32
      %dma_start3A_166 = arith.constant 0 : i32
      %dma_start3A_167 = tpu.memref_slice %arg2[%dma_start3A_155, %dma_start3A_165, %dma_start3A_166] : memref<2x10240x64xf32, #tpu.memory_space<hbm>> -> memref<1x10240x64xf32, #tpu.memory_space<hbm>>
      %dma_start3A_168 = tpu.memref_squeeze %dma_start3A_167 : memref<1x10240x64xf32, #tpu.memory_space<hbm>> -> memref<10240x64xf32, #tpu.memory_space<hbm>>
      %dma_start3A_169 = arith.constant 0 : i32
      %dma_start3A_170 = arith.constant 0 : i32
      %dma_start3A_171 = tpu.memref_slice %dma_start3A_168[%dma_start3A_169, %dma_start3A_170] : memref<10240x64xf32, #tpu.memory_space<hbm>> -> memref<10240x64xf32, #tpu.memory_space<hbm>>
      tpu.enqueue_indirect_dma source(%dma_start3A_171 : memref<10240x64xf32, #tpu.memory_space<hbm>>) target(%dma_start3A_161 : memref<128x64xf32, #tpu.memory_space<vmem>>) offsets(%dma_start3A_164 : memref<128xi32, #tpu.memory_space<vmem>>) semaphore(%arg13 : memref<!tpu.dma_semaphore, #tpu.memory_space<semaphore_mem>>)
      %scan3A_172 = arith.constant 0 : i32
      %scan3A_173 = arith.constant 0 : i32
      %scan3A_174 = arith.constant 0 : i32
      %scan3A_175 = arith.constant 160 : i32
      %scan3A_176 = arith.addi %scan3A_174, %scan3A_175 : i32
      %scan3A_177 = arith.constant 1 : i32
      %scan3A_178 = scf.for %scan3A_203 = %scan3A_174 to %scan3A_176 step %scan3A_177 iter_args(%scan3A_204 = %scan3A_173) -> (i32)  : i32 {
        %rem3A = arith.constant 5 : i32
        %rem3A_205 = arith.remsi %scan3A_203, %rem3A : i32
        %add3A_206 = arith.constant 3 : i32
        %add3A_207 = arith.addi %scan3A_203, %add3A_206 : i32
        %rem3A_208 = arith.constant 5 : i32
        %rem3A_209 = arith.remsi %add3A_207, %rem3A_208 : i32
        %add3A_210 = arith.constant 3 : i32
        %add3A_211 = arith.addi %scan3A_203, %add3A_210 : i32
        %ge3A = arith.constant 5 : i32
        %ge3A_212 = arith.cmpi sge, %add3A_211, %ge3A : i32
        %convert_element_type3A_213 = arith.extui %ge3A_212 : i1 to i32
        %cond3A_214 = arith.constant 0 : i32
        %cond3A_215 = arith.cmpi ne, %convert_element_type3A_213, %cond3A_214 : i32
        scf.if %cond3A_215 {
          %dma_wait3A_249 = arith.constant 0 : i32
          %dma_wait3A_250 = arith.constant 0 : i32
          %dma_wait3A_251 = arith.constant 0 : i32
          %dma_wait3A_252 = arith.constant 0 : i32
          %dma_wait3A_253 = tpu.memref_slice %arg8[%dma_wait3A_249, %dma_wait3A_251, %dma_wait3A_252] : memref<5x128x64xf32, #tpu.memory_space<vmem>> -> memref<1x128x64xf32, #tpu.memory_space<vmem>>
          %dma_wait3A_254 = tpu.memref_squeeze %dma_wait3A_253 : memref<1x128x64xf32, #tpu.memory_space<vmem>> -> memref<128x64xf32, #tpu.memory_space<vmem>>
          %dma_wait3A_255 = arith.constant 0 : i32
          %dma_wait3A_256 = tpu.memref_slice %arg7[%dma_wait3A_250, %dma_wait3A_255] : memref<160x128xi32, #tpu.memory_space<vmem>> -> memref<1x128xi32, #tpu.memory_space<vmem>>
          %dma_wait3A_257 = tpu.memref_squeeze %dma_wait3A_256 : memref<1x128xi32, #tpu.memory_space<vmem>> -> memref<128xi32, #tpu.memory_space<vmem>>
          %dma_wait3A_258 = arith.constant 0 : i32
          %dma_wait3A_259 = arith.constant 0 : i32
          %dma_wait3A_260 = tpu.memref_slice %arg11[%dma_wait3A_258, %dma_wait3A_259] : memref<10240x64xf32, #tpu.memory_space<vmem_shared>> -> memref<10240x64xf32, #tpu.memory_space<vmem_shared>>
          tpu.wait_indirect_dma semaphore(%arg14 : memref<!tpu.dma_semaphore, #tpu.memory_space<semaphore_mem>>) src(%dma_wait3A_254 : memref<128x64xf32, #tpu.memory_space<vmem>>) dst(%dma_wait3A_260 : memref<10240x64xf32, #tpu.memory_space<vmem_shared>>)
        } else {
        }
        %dma_wait3A_216 = arith.constant 0 : i32
        %dma_wait3A_217 = arith.constant 0 : i32
        %dma_wait3A_218 = arith.constant 0 : i32
        %dma_wait3A_219 = arith.constant 0 : i32
        %dma_wait3A_220 = tpu.memref_slice %arg8[%dma_wait3A_217, %dma_wait3A_218, %dma_wait3A_219] : memref<5x128x64xf32, #tpu.memory_space<vmem>> -> memref<1x128x64xf32, #tpu.memory_space<vmem>>
        %dma_wait3A_221 = tpu.memref_squeeze %dma_wait3A_220 : memref<1x128x64xf32, #tpu.memory_space<vmem>> -> memref<128x64xf32, #tpu.memory_space<vmem>>
        %dma_wait3A_222 = arith.constant 0 : i32
        %dma_wait3A_223 = tpu.memref_slice %arg6[%dma_wait3A_216, %dma_wait3A_222] : memref<160x128xi32, #tpu.memory_space<vmem>> -> memref<1x128xi32, #tpu.memory_space<vmem>>
        %dma_wait3A_224 = tpu.memref_squeeze %dma_wait3A_223 : memref<1x128xi32, #tpu.memory_space<vmem>> -> memref<128xi32, #tpu.memory_space<vmem>>
        %dma_wait3A_225 = arith.constant 0 : i32
        %dma_wait3A_226 = arith.constant 0 : i32
        %dma_wait3A_227 = tpu.memref_slice %arg2[%scan3A_172, %dma_wait3A_225, %dma_wait3A_226] : memref<2x10240x64xf32, #tpu.memory_space<hbm>> -> memref<1x10240x64xf32, #tpu.memory_space<hbm>>
        %dma_wait3A_228 = tpu.memref_squeeze %dma_wait3A_227 : memref<1x10240x64xf32, #tpu.memory_space<hbm>> -> memref<10240x64xf32, #tpu.memory_space<hbm>>
        %dma_wait3A_229 = arith.constant 0 : i32
        %dma_wait3A_230 = arith.constant 0 : i32
        %dma_wait3A_231 = tpu.memref_slice %dma_wait3A_228[%dma_wait3A_229, %dma_wait3A_230] : memref<10240x64xf32, #tpu.memory_space<hbm>> -> memref<10240x64xf32, #tpu.memory_space<hbm>>
        tpu.wait_indirect_dma semaphore(%arg13 : memref<!tpu.dma_semaphore, #tpu.memory_space<semaphore_mem>>) src(%dma_wait3A_231 : memref<10240x64xf32, #tpu.memory_space<hbm>>) dst(%dma_wait3A_221 : memref<128x64xf32, #tpu.memory_space<vmem>>)
        %add3A_232 = arith.constant 3 : i32
        %add3A_233 = arith.addi %scan3A_203, %add3A_232 : i32
        %lt3A = arith.constant 160 : i32
        %lt3A_234 = arith.cmpi slt, %add3A_233, %lt3A : i32
        %convert_element_type3A_235 = arith.extui %lt3A_234 : i1 to i32
        %cond3A_236 = arith.constant 0 : i32
        %cond3A_237 = arith.cmpi ne, %convert_element_type3A_235, %cond3A_236 : i32
        scf.if %cond3A_237 {
          %add3A_249 = arith.constant 3 : i32
          %add3A_250 = arith.addi %scan3A_203, %add3A_249 : i32
          %dma_start3A_251 = arith.constant 0 : i32
          %dma_start3A_252 = arith.constant 0 : i32
          %dma_start3A_253 = tpu.memref_slice %arg8[%rem3A_209, %dma_start3A_251, %dma_start3A_252] : memref<5x128x64xf32, #tpu.memory_space<vmem>> -> memref<1x128x64xf32, #tpu.memory_space<vmem>>
          %dma_start3A_254 = tpu.memref_squeeze %dma_start3A_253 : memref<1x128x64xf32, #tpu.memory_space<vmem>> -> memref<128x64xf32, #tpu.memory_space<vmem>>
          %dma_start3A_255 = arith.constant 0 : i32
          %dma_start3A_256 = tpu.memref_slice %arg6[%add3A_250, %dma_start3A_255] : memref<160x128xi32, #tpu.memory_space<vmem>> -> memref<1x128xi32, #tpu.memory_space<vmem>>
          %dma_start3A_257 = tpu.memref_squeeze %dma_start3A_256 : memref<1x128xi32, #tpu.memory_space<vmem>> -> memref<128xi32, #tpu.memory_space<vmem>>
          %dma_start3A_258 = arith.constant 0 : i32
          %dma_start3A_259 = arith.constant 0 : i32
          %dma_start3A_260 = tpu.memref_slice %arg2[%scan3A_172, %dma_start3A_258, %dma_start3A_259] : memref<2x10240x64xf32, #tpu.memory_space<hbm>> -> memref<1x10240x64xf32, #tpu.memory_space<hbm>>
          %dma_start3A_261 = tpu.memref_squeeze %dma_start3A_260 : memref<1x10240x64xf32, #tpu.memory_space<hbm>> -> memref<10240x64xf32, #tpu.memory_space<hbm>>
          %dma_start3A_262 = arith.constant 0 : i32
          %dma_start3A_263 = arith.constant 0 : i32
          %dma_start3A_264 = tpu.memref_slice %dma_start3A_261[%dma_start3A_262, %dma_start3A_263] : memref<10240x64xf32, #tpu.memory_space<hbm>> -> memref<10240x64xf32, #tpu.memory_space<hbm>>
          tpu.enqueue_indirect_dma source(%dma_start3A_264 : memref<10240x64xf32, #tpu.memory_space<hbm>>) target(%dma_start3A_254 : memref<128x64xf32, #tpu.memory_space<vmem>>) offsets(%dma_start3A_257 : memref<128xi32, #tpu.memory_space<vmem>>) semaphore(%arg13 : memref<!tpu.dma_semaphore, #tpu.memory_space<semaphore_mem>>)
        } else {
        }
        %dma_start3A_238 = arith.constant 0 : i32
        %dma_start3A_239 = arith.constant 0 : i32
        %dma_start3A_240 = tpu.memref_slice %arg8[%rem3A_205, %dma_start3A_238, %dma_start3A_239] : memref<5x128x64xf32, #tpu.memory_space<vmem>> -> memref<1x128x64xf32, #tpu.memory_space<vmem>>
        %dma_start3A_241 = tpu.memref_squeeze %dma_start3A_240 : memref<1x128x64xf32, #tpu.memory_space<vmem>> -> memref<128x64xf32, #tpu.memory_space<vmem>>
        %dma_start3A_242 = arith.constant 0 : i32
        %dma_start3A_243 = tpu.memref_slice %arg7[%scan3A_203, %dma_start3A_242] : memref<160x128xi32, #tpu.memory_space<vmem>> -> memref<1x128xi32, #tpu.memory_space<vmem>>
        %dma_start3A_244 = tpu.memref_squeeze %dma_start3A_243 : memref<1x128xi32, #tpu.memory_space<vmem>> -> memref<128xi32, #tpu.memory_space<vmem>>
        %dma_start3A_245 = arith.constant 0 : i32
        %dma_start3A_246 = arith.constant 0 : i32
        %dma_start3A_247 = tpu.memref_slice %arg11[%dma_start3A_245, %dma_start3A_246] : memref<10240x64xf32, #tpu.memory_space<vmem_shared>> -> memref<10240x64xf32, #tpu.memory_space<vmem_shared>>
        tpu.enqueue_indirect_dma source(%dma_start3A_241 : memref<128x64xf32, #tpu.memory_space<vmem>>) target(%dma_start3A_247 : memref<10240x64xf32, #tpu.memory_space<vmem_shared>>) offsets(%dma_start3A_244 : memref<128xi32, #tpu.memory_space<vmem>>) semaphore(%arg14 : memref<!tpu.dma_semaphore, #tpu.memory_space<semaphore_mem>>) {add = true}
        %scan3A_248 = arith.constant 0 : i32
        scf.yield %scan3A_248 : i32
      }
      %scan3A_179 = arith.constant 160 : i32
      %dma_wait3A = arith.constant 0 : i32
      %dma_wait3A_180 = arith.constant 0 : i32
      %dma_wait3A_181 = arith.constant 0 : i32
      %dma_wait3A_182 = arith.constant 0 : i32
      %dma_wait3A_183 = tpu.memref_slice %arg8[%dma_wait3A, %dma_wait3A_181, %dma_wait3A_182] : memref<5x128x64xf32, #tpu.memory_space<vmem>> -> memref<1x128x64xf32, #tpu.memory_space<vmem>>
      %dma_wait3A_184 = tpu.memref_squeeze %dma_wait3A_183 : memref<1x128x64xf32, #tpu.memory_space<vmem>> -> memref<128x64xf32, #tpu.memory_space<vmem>>
      %dma_wait3A_185 = arith.constant 0 : i32
      %dma_wait3A_186 = tpu.memref_slice %arg7[%dma_wait3A_180, %dma_wait3A_185] : memref<160x128xi32, #tpu.memory_space<vmem>> -> memref<1x128xi32, #tpu.memory_space<vmem>>
      %dma_wait3A_187 = tpu.memref_squeeze %dma_wait3A_186 : memref<1x128xi32, #tpu.memory_space<vmem>> -> memref<128xi32, #tpu.memory_space<vmem>>
      %dma_wait3A_188 = arith.constant 0 : i32
      %dma_wait3A_189 = arith.constant 0 : i32
      %dma_wait3A_190 = tpu.memref_slice %arg11[%dma_wait3A_188, %dma_wait3A_189] : memref<10240x64xf32, #tpu.memory_space<vmem_shared>> -> memref<10240x64xf32, #tpu.memory_space<vmem_shared>>
      tpu.wait_indirect_dma semaphore(%arg14 : memref<!tpu.dma_semaphore, #tpu.memory_space<semaphore_mem>>) src(%dma_wait3A_184 : memref<128x64xf32, #tpu.memory_space<vmem>>) dst(%dma_wait3A_190 : memref<10240x64xf32, #tpu.memory_space<vmem_shared>>)
      %dma_wait3A_191 = arith.constant 0 : i32
      %dma_wait3A_192 = arith.constant 0 : i32
      %dma_wait3A_193 = arith.constant 0 : i32
      %dma_wait3A_194 = arith.constant 0 : i32
      %dma_wait3A_195 = tpu.memref_slice %arg8[%dma_wait3A_191, %dma_wait3A_193, %dma_wait3A_194] : memref<5x128x64xf32, #tpu.memory_space<vmem>> -> memref<1x128x64xf32, #tpu.memory_space<vmem>>
      %dma_wait3A_196 = tpu.memref_squeeze %dma_wait3A_195 : memref<1x128x64xf32, #tpu.memory_space<vmem>> -> memref<128x64xf32, #tpu.memory_space<vmem>>
      %dma_wait3A_197 = arith.constant 0 : i32
      %dma_wait3A_198 = tpu.memref_slice %arg7[%dma_wait3A_192, %dma_wait3A_197] : memref<160x128xi32, #tpu.memory_space<vmem>> -> memref<1x128xi32, #tpu.memory_space<vmem>>
      %dma_wait3A_199 = tpu.memref_squeeze %dma_wait3A_198 : memref<1x128xi32, #tpu.memory_space<vmem>> -> memref<128xi32, #tpu.memory_space<vmem>>
      %dma_wait3A_200 = arith.constant 0 : i32
      %dma_wait3A_201 = arith.constant 0 : i32
      %dma_wait3A_202 = tpu.memref_slice %arg11[%dma_wait3A_200, %dma_wait3A_201] : memref<10240x64xf32, #tpu.memory_space<vmem_shared>> -> memref<10240x64xf32, #tpu.memory_space<vmem_shared>>
      tpu.wait_indirect_dma semaphore(%arg14 : memref<!tpu.dma_semaphore, #tpu.memory_space<semaphore_mem>>) src(%dma_wait3A_196 : memref<128x64xf32, #tpu.memory_space<vmem>>) dst(%dma_wait3A_202 : memref<10240x64xf32, #tpu.memory_space<vmem_shared>>)
    } else {
    }
    %eq3A_96 = arith.constant 1 : i32
    %eq3A_97 = arith.cmpi eq, %arg0, %eq3A_96 : i32
    %convert_element_type3A_98 = arith.extui %eq3A_97 : i1 to i32
    %cond3A_99 = arith.constant 0 : i32
    %cond3A_100 = arith.cmpi ne, %convert_element_type3A_98, %cond3A_99 : i32
    scf.if %cond3A_100 {
      %dma_start3A = arith.constant 1 : i32
      %dma_start3A_122 = arith.constant 0 : i32
      %dma_start3A_123 = arith.constant 0 : i32
      %dma_start3A_124 = arith.constant 0 : i32
      %dma_start3A_125 = arith.constant 0 : i32
      %dma_start3A_126 = tpu.memref_slice %arg8[%dma_start3A_123, %dma_start3A_124, %dma_start3A_125] : memref<5x128x64xf32, #tpu.memory_space<vmem>> -> memref<1x128x64xf32, #tpu.memory_space<vmem>>
      %dma_start3A_127 = tpu.memref_squeeze %dma_start3A_126 : memref<1x128x64xf32, #tpu.memory_space<vmem>> -> memref<128x64xf32, #tpu.memory_space<vmem>>
      %dma_start3A_128 = arith.constant 0 : i32
      %dma_start3A_129 = tpu.memref_slice %arg6[%dma_start3A_122, %dma_start3A_128] : memref<160x128xi32, #tpu.memory_space<vmem>> -> memref<1x128xi32, #tpu.memory_space<vmem>>
      %dma_start3A_130 = tpu.memref_squeeze %dma_start3A_129 : memref<1x128xi32, #tpu.memory_space<vmem>> -> memref<128xi32, #tpu.memory_space<vmem>>
      %dma_start3A_131 = arith.constant 0 : i32
      %dma_start3A_132 = arith.constant 0 : i32
      %dma_start3A_133 = tpu.memref_slice %arg2[%dma_start3A, %dma_start3A_131, %dma_start3A_132] : memref<2x10240x64xf32, #tpu.memory_space<hbm>> -> memref<1x10240x64xf32, #tpu.memory_space<hbm>>
      %dma_start3A_134 = tpu.memref_squeeze %dma_start3A_133 : memref<1x10240x64xf32, #tpu.memory_space<hbm>> -> memref<10240x64xf32, #tpu.memory_space<hbm>>
      %dma_start3A_135 = arith.constant 0 : i32
      %dma_start3A_136 = arith.constant 0 : i32
      %dma_start3A_137 = tpu.memref_slice %dma_start3A_134[%dma_start3A_135, %dma_start3A_136] : memref<10240x64xf32, #tpu.memory_space<hbm>> -> memref<10240x64xf32, #tpu.memory_space<hbm>>
      tpu.enqueue_indirect_dma source(%dma_start3A_137 : memref<10240x64xf32, #tpu.memory_space<hbm>>) target(%dma_start3A_127 : memref<128x64xf32, #tpu.memory_space<vmem>>) offsets(%dma_start3A_130 : memref<128xi32, #tpu.memory_space<vmem>>) semaphore(%arg13 : memref<!tpu.dma_semaphore, #tpu.memory_space<semaphore_mem>>)
      %dma_start3A_138 = arith.constant 1 : i32
      %dma_start3A_139 = arith.constant 1 : i32
      %dma_start3A_140 = arith.constant 1 : i32
      %dma_start3A_141 = arith.constant 0 : i32
      %dma_start3A_142 = arith.constant 0 : i32
      %dma_start3A_143 = tpu.memref_slice %arg8[%dma_start3A_140, %dma_start3A_141, %dma_start3A_142] : memref<5x128x64xf32, #tpu.memory_space<vmem>> -> memref<1x128x64xf32, #tpu.memory_space<vmem>>
      %dma_start3A_144 = tpu.memref_squeeze %dma_start3A_143 : memref<1x128x64xf32, #tpu.memory_space<vmem>> -> memref<128x64xf32, #tpu.memory_space<vmem>>
      %dma_start3A_145 = arith.constant 0 : i32
      %dma_start3A_146 = tpu.memref_slice %arg6[%dma_start3A_139, %dma_start3A_145] : memref<160x128xi32, #tpu.memory_space<vmem>> -> memref<1x128xi32, #tpu.memory_space<vmem>>
      %dma_start3A_147 = tpu.memref_squeeze %dma_start3A_146 : memref<1x128xi32, #tpu.memory_space<vmem>> -> memref<128xi32, #tpu.memory_space<vmem>>
      %dma_start3A_148 = arith.constant 0 : i32
      %dma_start3A_149 = arith.constant 0 : i32
      %dma_start3A_150 = tpu.memref_slice %arg2[%dma_start3A_138, %dma_start3A_148, %dma_start3A_149] : memref<2x10240x64xf32, #tpu.memory_space<hbm>> -> memref<1x10240x64xf32, #tpu.memory_space<hbm>>
      %dma_start3A_151 = tpu.memref_squeeze %dma_start3A_150 : memref<1x10240x64xf32, #tpu.memory_space<hbm>> -> memref<10240x64xf32, #tpu.memory_space<hbm>>
      %dma_start3A_152 = arith.constant 0 : i32
      %dma_start3A_153 = arith.constant 0 : i32
      %dma_start3A_154 = tpu.memref_slice %dma_start3A_151[%dma_start3A_152, %dma_start3A_153] : memref<10240x64xf32, #tpu.memory_space<hbm>> -> memref<10240x64xf32, #tpu.memory_space<hbm>>
      tpu.enqueue_indirect_dma source(%dma_start3A_154 : memref<10240x64xf32, #tpu.memory_space<hbm>>) target(%dma_start3A_144 : memref<128x64xf32, #tpu.memory_space<vmem>>) offsets(%dma_start3A_147 : memref<128xi32, #tpu.memory_space<vmem>>) semaphore(%arg13 : memref<!tpu.dma_semaphore, #tpu.memory_space<semaphore_mem>>)
      %dma_start3A_155 = arith.constant 1 : i32
      %dma_start3A_156 = arith.constant 2 : i32
      %dma_start3A_157 = arith.constant 2 : i32
      %dma_start3A_158 = arith.constant 0 : i32
      %dma_start3A_159 = arith.constant 0 : i32
      %dma_start3A_160 = tpu.memref_slice %arg8[%dma_start3A_157, %dma_start3A_158, %dma_start3A_159] : memref<5x128x64xf32, #tpu.memory_space<vmem>> -> memref<1x128x64xf32, #tpu.memory_space<vmem>>
      %dma_start3A_161 = tpu.memref_squeeze %dma_start3A_160 : memref<1x128x64xf32, #tpu.memory_space<vmem>> -> memref<128x64xf32, #tpu.memory_space<vmem>>
      %dma_start3A_162 = arith.constant 0 : i32
      %dma_start3A_163 = tpu.memref_slice %arg6[%dma_start3A_156, %dma_start3A_162] : memref<160x128xi32, #tpu.memory_space<vmem>> -> memref<1x128xi32, #tpu.memory_space<vmem>>
      %dma_start3A_164 = tpu.memref_squeeze %dma_start3A_163 : memref<1x128xi32, #tpu.memory_space<vmem>> -> memref<128xi32, #tpu.memory_space<vmem>>
      %dma_start3A_165 = arith.constant 0 : i32
      %dma_start3A_166 = arith.constant 0 : i32
      %dma_start3A_167 = tpu.memref_slice %arg2[%dma_start3A_155, %dma_start3A_165, %dma_start3A_166] : memref<2x10240x64xf32, #tpu.memory_space<hbm>> -> memref<1x10240x64xf32, #tpu.memory_space<hbm>>
      %dma_start3A_168 = tpu.memref_squeeze %dma_start3A_167 : memref<1x10240x64xf32, #tpu.memory_space<hbm>> -> memref<10240x64xf32, #tpu.memory_space<hbm>>
      %dma_start3A_169 = arith.constant 0 : i32
      %dma_start3A_170 = arith.constant 0 : i32
      %dma_start3A_171 = tpu.memref_slice %dma_start3A_168[%dma_start3A_169, %dma_start3A_170] : memref<10240x64xf32, #tpu.memory_space<hbm>> -> memref<10240x64xf32, #tpu.memory_space<hbm>>
      tpu.enqueue_indirect_dma source(%dma_start3A_171 : memref<10240x64xf32, #tpu.memory_space<hbm>>) target(%dma_start3A_161 : memref<128x64xf32, #tpu.memory_space<vmem>>) offsets(%dma_start3A_164 : memref<128xi32, #tpu.memory_space<vmem>>) semaphore(%arg13 : memref<!tpu.dma_semaphore, #tpu.memory_space<semaphore_mem>>)
      %scan3A_172 = arith.constant 1 : i32
      %scan3A_173 = arith.constant 0 : i32
      %scan3A_174 = arith.constant 0 : i32
      %scan3A_175 = arith.constant 160 : i32
      %scan3A_176 = arith.addi %scan3A_174, %scan3A_175 : i32
      %scan3A_177 = arith.constant 1 : i32
      %scan3A_178 = scf.for %scan3A_203 = %scan3A_174 to %scan3A_176 step %scan3A_177 iter_args(%scan3A_204 = %scan3A_173) -> (i32)  : i32 {
        %rem3A = arith.constant 5 : i32
        %rem3A_205 = arith.remsi %scan3A_203, %rem3A : i32
        %add3A_206 = arith.constant 3 : i32
        %add3A_207 = arith.addi %scan3A_203, %add3A_206 : i32
        %rem3A_208 = arith.constant 5 : i32
        %rem3A_209 = arith.remsi %add3A_207, %rem3A_208 : i32
        %add3A_210 = arith.constant 3 : i32
        %add3A_211 = arith.addi %scan3A_203, %add3A_210 : i32
        %ge3A = arith.constant 5 : i32
        %ge3A_212 = arith.cmpi sge, %add3A_211, %ge3A : i32
        %convert_element_type3A_213 = arith.extui %ge3A_212 : i1 to i32
        %cond3A_214 = arith.constant 0 : i32
        %cond3A_215 = arith.cmpi ne, %convert_element_type3A_213, %cond3A_214 : i32
        scf.if %cond3A_215 {
          %dma_wait3A_249 = arith.constant 0 : i32
          %dma_wait3A_250 = arith.constant 0 : i32
          %dma_wait3A_251 = arith.constant 0 : i32
          %dma_wait3A_252 = arith.constant 0 : i32
          %dma_wait3A_253 = tpu.memref_slice %arg8[%dma_wait3A_249, %dma_wait3A_251, %dma_wait3A_252] : memref<5x128x64xf32, #tpu.memory_space<vmem>> -> memref<1x128x64xf32, #tpu.memory_space<vmem>>
          %dma_wait3A_254 = tpu.memref_squeeze %dma_wait3A_253 : memref<1x128x64xf32, #tpu.memory_space<vmem>> -> memref<128x64xf32, #tpu.memory_space<vmem>>
          %dma_wait3A_255 = arith.constant 0 : i32
          %dma_wait3A_256 = tpu.memref_slice %arg7[%dma_wait3A_250, %dma_wait3A_255] : memref<160x128xi32, #tpu.memory_space<vmem>> -> memref<1x128xi32, #tpu.memory_space<vmem>>
          %dma_wait3A_257 = tpu.memref_squeeze %dma_wait3A_256 : memref<1x128xi32, #tpu.memory_space<vmem>> -> memref<128xi32, #tpu.memory_space<vmem>>
          %dma_wait3A_258 = arith.constant 0 : i32
          %dma_wait3A_259 = arith.constant 0 : i32
          %dma_wait3A_260 = tpu.memref_slice %arg11[%dma_wait3A_258, %dma_wait3A_259] : memref<10240x64xf32, #tpu.memory_space<vmem_shared>> -> memref<10240x64xf32, #tpu.memory_space<vmem_shared>>
          tpu.wait_indirect_dma semaphore(%arg14 : memref<!tpu.dma_semaphore, #tpu.memory_space<semaphore_mem>>) src(%dma_wait3A_254 : memref<128x64xf32, #tpu.memory_space<vmem>>) dst(%dma_wait3A_260 : memref<10240x64xf32, #tpu.memory_space<vmem_shared>>)
        } else {
        }
        %dma_wait3A_216 = arith.constant 0 : i32
        %dma_wait3A_217 = arith.constant 0 : i32
        %dma_wait3A_218 = arith.constant 0 : i32
        %dma_wait3A_219 = arith.constant 0 : i32
        %dma_wait3A_220 = tpu.memref_slice %arg8[%dma_wait3A_217, %dma_wait3A_218, %dma_wait3A_219] : memref<5x128x64xf32, #tpu.memory_space<vmem>> -> memref<1x128x64xf32, #tpu.memory_space<vmem>>
        %dma_wait3A_221 = tpu.memref_squeeze %dma_wait3A_220 : memref<1x128x64xf32, #tpu.memory_space<vmem>> -> memref<128x64xf32, #tpu.memory_space<vmem>>
        %dma_wait3A_222 = arith.constant 0 : i32
        %dma_wait3A_223 = tpu.memref_slice %arg6[%dma_wait3A_216, %dma_wait3A_222] : memref<160x128xi32, #tpu.memory_space<vmem>> -> memref<1x128xi32, #tpu.memory_space<vmem>>
        %dma_wait3A_224 = tpu.memref_squeeze %dma_wait3A_223 : memref<1x128xi32, #tpu.memory_space<vmem>> -> memref<128xi32, #tpu.memory_space<vmem>>
        %dma_wait3A_225 = arith.constant 0 : i32
        %dma_wait3A_226 = arith.constant 0 : i32
        %dma_wait3A_227 = tpu.memref_slice %arg2[%scan3A_172, %dma_wait3A_225, %dma_wait3A_226] : memref<2x10240x64xf32, #tpu.memory_space<hbm>> -> memref<1x10240x64xf32, #tpu.memory_space<hbm>>
        %dma_wait3A_228 = tpu.memref_squeeze %dma_wait3A_227 : memref<1x10240x64xf32, #tpu.memory_space<hbm>> -> memref<10240x64xf32, #tpu.memory_space<hbm>>
        %dma_wait3A_229 = arith.constant 0 : i32
        %dma_wait3A_230 = arith.constant 0 : i32
        %dma_wait3A_231 = tpu.memref_slice %dma_wait3A_228[%dma_wait3A_229, %dma_wait3A_230] : memref<10240x64xf32, #tpu.memory_space<hbm>> -> memref<10240x64xf32, #tpu.memory_space<hbm>>
        tpu.wait_indirect_dma semaphore(%arg13 : memref<!tpu.dma_semaphore, #tpu.memory_space<semaphore_mem>>) src(%dma_wait3A_231 : memref<10240x64xf32, #tpu.memory_space<hbm>>) dst(%dma_wait3A_221 : memref<128x64xf32, #tpu.memory_space<vmem>>)
        %add3A_232 = arith.constant 3 : i32
        %add3A_233 = arith.addi %scan3A_203, %add3A_232 : i32
        %lt3A = arith.constant 160 : i32
        %lt3A_234 = arith.cmpi slt, %add3A_233, %lt3A : i32
        %convert_element_type3A_235 = arith.extui %lt3A_234 : i1 to i32
        %cond3A_236 = arith.constant 0 : i32
        %cond3A_237 = arith.cmpi ne, %convert_element_type3A_235, %cond3A_236 : i32
        scf.if %cond3A_237 {
          %add3A_249 = arith.constant 3 : i32
          %add3A_250 = arith.addi %scan3A_203, %add3A_249 : i32
          %dma_start3A_251 = arith.constant 0 : i32
          %dma_start3A_252 = arith.constant 0 : i32
          %dma_start3A_253 = tpu.memref_slice %arg8[%rem3A_209, %dma_start3A_251, %dma_start3A_252] : memref<5x128x64xf32, #tpu.memory_space<vmem>> -> memref<1x128x64xf32, #tpu.memory_space<vmem>>
          %dma_start3A_254 = tpu.memref_squeeze %dma_start3A_253 : memref<1x128x64xf32, #tpu.memory_space<vmem>> -> memref<128x64xf32, #tpu.memory_space<vmem>>
          %dma_start3A_255 = arith.constant 0 : i32
          %dma_start3A_256 = tpu.memref_slice %arg6[%add3A_250, %dma_start3A_255] : memref<160x128xi32, #tpu.memory_space<vmem>> -> memref<1x128xi32, #tpu.memory_space<vmem>>
          %dma_start3A_257 = tpu.memref_squeeze %dma_start3A_256 : memref<1x128xi32, #tpu.memory_space<vmem>> -> memref<128xi32, #tpu.memory_space<vmem>>
          %dma_start3A_258 = arith.constant 0 : i32
          %dma_start3A_259 = arith.constant 0 : i32
          %dma_start3A_260 = tpu.memref_slice %arg2[%scan3A_172, %dma_start3A_258, %dma_start3A_259] : memref<2x10240x64xf32, #tpu.memory_space<hbm>> -> memref<1x10240x64xf32, #tpu.memory_space<hbm>>
          %dma_start3A_261 = tpu.memref_squeeze %dma_start3A_260 : memref<1x10240x64xf32, #tpu.memory_space<hbm>> -> memref<10240x64xf32, #tpu.memory_space<hbm>>
          %dma_start3A_262 = arith.constant 0 : i32
          %dma_start3A_263 = arith.constant 0 : i32
          %dma_start3A_264 = tpu.memref_slice %dma_start3A_261[%dma_start3A_262, %dma_start3A_263] : memref<10240x64xf32, #tpu.memory_space<hbm>> -> memref<10240x64xf32, #tpu.memory_space<hbm>>
          tpu.enqueue_indirect_dma source(%dma_start3A_264 : memref<10240x64xf32, #tpu.memory_space<hbm>>) target(%dma_start3A_254 : memref<128x64xf32, #tpu.memory_space<vmem>>) offsets(%dma_start3A_257 : memref<128xi32, #tpu.memory_space<vmem>>) semaphore(%arg13 : memref<!tpu.dma_semaphore, #tpu.memory_space<semaphore_mem>>)
        } else {
        }
        %dma_start3A_238 = arith.constant 0 : i32
        %dma_start3A_239 = arith.constant 0 : i32
        %dma_start3A_240 = tpu.memref_slice %arg8[%rem3A_205, %dma_start3A_238, %dma_start3A_239] : memref<5x128x64xf32, #tpu.memory_space<vmem>> -> memref<1x128x64xf32, #tpu.memory_space<vmem>>
        %dma_start3A_241 = tpu.memref_squeeze %dma_start3A_240 : memref<1x128x64xf32, #tpu.memory_space<vmem>> -> memref<128x64xf32, #tpu.memory_space<vmem>>
        %dma_start3A_242 = arith.constant 0 : i32
        %dma_start3A_243 = tpu.memref_slice %arg7[%scan3A_203, %dma_start3A_242] : memref<160x128xi32, #tpu.memory_space<vmem>> -> memref<1x128xi32, #tpu.memory_space<vmem>>
        %dma_start3A_244 = tpu.memref_squeeze %dma_start3A_243 : memref<1x128xi32, #tpu.memory_space<vmem>> -> memref<128xi32, #tpu.memory_space<vmem>>
        %dma_start3A_245 = arith.constant 0 : i32
        %dma_start3A_246 = arith.constant 0 : i32
        %dma_start3A_247 = tpu.memref_slice %arg11[%dma_start3A_245, %dma_start3A_246] : memref<10240x64xf32, #tpu.memory_space<vmem_shared>> -> memref<10240x64xf32, #tpu.memory_space<vmem_shared>>
        tpu.enqueue_indirect_dma source(%dma_start3A_241 : memref<128x64xf32, #tpu.memory_space<vmem>>) target(%dma_start3A_247 : memref<10240x64xf32, #tpu.memory_space<vmem_shared>>) offsets(%dma_start3A_244 : memref<128xi32, #tpu.memory_space<vmem>>) semaphore(%arg14 : memref<!tpu.dma_semaphore, #tpu.memory_space<semaphore_mem>>) {add = true}
        %scan3A_248 = arith.constant 0 : i32
        scf.yield %scan3A_248 : i32
      }
      %scan3A_179 = arith.constant 160 : i32
      %dma_wait3A = arith.constant 0 : i32
      %dma_wait3A_180 = arith.constant 0 : i32
      %dma_wait3A_181 = arith.constant 0 : i32
      %dma_wait3A_182 = arith.constant 0 : i32
      %dma_wait3A_183 = tpu.memref_slice %arg8[%dma_wait3A, %dma_wait3A_181, %dma_wait3A_182] : memref<5x128x64xf32, #tpu.memory_space<vmem>> -> memref<1x128x64xf32, #tpu.memory_space<vmem>>
      %dma_wait3A_184 = tpu.memref_squeeze %dma_wait3A_183 : memref<1x128x64xf32, #tpu.memory_space<vmem>> -> memref<128x64xf32, #tpu.memory_space<vmem>>
      %dma_wait3A_185 = arith.constant 0 : i32
      %dma_wait3A_186 = tpu.memref_slice %arg7[%dma_wait3A_180, %dma_wait3A_185] : memref<160x128xi32, #tpu.memory_space<vmem>> -> memref<1x128xi32, #tpu.memory_space<vmem>>
      %dma_wait3A_187 = tpu.memref_squeeze %dma_wait3A_186 : memref<1x128xi32, #tpu.memory_space<vmem>> -> memref<128xi32, #tpu.memory_space<vmem>>
      %dma_wait3A_188 = arith.constant 0 : i32
      %dma_wait3A_189 = arith.constant 0 : i32
      %dma_wait3A_190 = tpu.memref_slice %arg11[%dma_wait3A_188, %dma_wait3A_189] : memref<10240x64xf32, #tpu.memory_space<vmem_shared>> -> memref<10240x64xf32, #tpu.memory_space<vmem_shared>>
      tpu.wait_indirect_dma semaphore(%arg14 : memref<!tpu.dma_semaphore, #tpu.memory_space<semaphore_mem>>) src(%dma_wait3A_184 : memref<128x64xf32, #tpu.memory_space<vmem>>) dst(%dma_wait3A_190 : memref<10240x64xf32, #tpu.memory_space<vmem_shared>>)
      %dma_wait3A_191 = arith.constant 0 : i32
      %dma_wait3A_192 = arith.constant 0 : i32
      %dma_wait3A_193 = arith.constant 0 : i32
      %dma_wait3A_194 = arith.constant 0 : i32
      %dma_wait3A_195 = tpu.memref_slice %arg8[%dma_wait3A_191, %dma_wait3A_193, %dma_wait3A_194] : memref<5x128x64xf32, #tpu.memory_space<vmem>> -> memref<1x128x64xf32, #tpu.memory_space<vmem>>
      %dma_wait3A_196 = tpu.memref_squeeze %dma_wait3A_195 : memref<1x128x64xf32, #tpu.memory_space<vmem>> -> memref<128x64xf32, #tpu.memory_space<vmem>>
      %dma_wait3A_197 = arith.constant 0 : i32
      %dma_wait3A_198 = tpu.memref_slice %arg7[%dma_wait3A_192, %dma_wait3A_197] : memref<160x128xi32, #tpu.memory_space<vmem>> -> memref<1x128xi32, #tpu.memory_space<vmem>>
      %dma_wait3A_199 = tpu.memref_squeeze %dma_wait3A_198 : memref<1x128xi32, #tpu.memory_space<vmem>> -> memref<128xi32, #tpu.memory_space<vmem>>
      %dma_wait3A_200 = arith.constant 0 : i32
      %dma_wait3A_201 = arith.constant 0 : i32
      %dma_wait3A_202 = tpu.memref_slice %arg11[%dma_wait3A_200, %dma_wait3A_201] : memref<10240x64xf32, #tpu.memory_space<vmem_shared>> -> memref<10240x64xf32, #tpu.memory_space<vmem_shared>>
      tpu.wait_indirect_dma semaphore(%arg14 : memref<!tpu.dma_semaphore, #tpu.memory_space<semaphore_mem>>) src(%dma_wait3A_196 : memref<128x64xf32, #tpu.memory_space<vmem>>) dst(%dma_wait3A_202 : memref<10240x64xf32, #tpu.memory_space<vmem_shared>>)
    } else {
    }
    %barrier3A_101 = arith.constant 0 : index
    tpu.barrier barrier_id(%barrier3A_101)
    %mul3A_102 = arith.constant 640 : i32
    %mul3A_103 = arith.muli %arg1, %mul3A_102 : i32
    %add3A_104 = arith.constant 0 : i32
    %add3A_105 = arith.addi %mul3A_103, %add3A_104 : i32
    "tpu.region"() ({
      %run_scoped3A_122 = tpu.sem_alloc : memref<!tpu.dma_semaphore, #tpu.memory_space<semaphore_mem>>
      %dma_start3A = arith.constant 0 : i32
      %dma_start3A_123 = tpu.memref_slice %arg5[%arg0, %add3A_105, %dma_start3A] : memref<2x10240x64xf32, #tpu.memory_space<hbm>> -> memref<1x128x64xf32, #tpu.memory_space<hbm>>
      %dma_start3A_124 = tpu.memref_squeeze %dma_start3A_123 : memref<1x128x64xf32, #tpu.memory_space<hbm>> -> memref<128x64xf32, #tpu.memory_space<hbm>>
      %dma_start3A_125 = arith.constant 0 : i32
      %dma_start3A_126 = tpu.memref_slice %arg11[%add3A_105, %dma_start3A_125] : memref<10240x64xf32, #tpu.memory_space<vmem_shared>> -> memref<128x64xf32, #tpu.memory_space<vmem_shared>>
      tpu.enqueue_dma source(%dma_start3A_126 : memref<128x64xf32, #tpu.memory_space<vmem_shared>>) target(%dma_start3A_124 : memref<128x64xf32, #tpu.memory_space<hbm>>) target_semaphore(%run_scoped3A_122 : memref<!tpu.dma_semaphore, #tpu.memory_space<semaphore_mem>>)
      %dma_wait3A = arith.constant 0 : i32
      %dma_wait3A_127 = tpu.memref_slice %arg5[%arg0, %add3A_105, %dma_wait3A] : memref<2x10240x64xf32, #tpu.memory_space<hbm>> -> memref<1x128x64xf32, #tpu.memory_space<hbm>>
      %dma_wait3A_128 = tpu.memref_squeeze %dma_wait3A_127 : memref<1x128x64xf32, #tpu.memory_space<hbm>> -> memref<128x64xf32, #tpu.memory_space<hbm>>
      %dma_wait3A_129 = arith.constant 0 : i32
      %dma_wait3A_130 = tpu.memref_slice %arg11[%add3A_105, %dma_wait3A_129] : memref<10240x64xf32, #tpu.memory_space<vmem_shared>> -> memref<128x64xf32, #tpu.memory_space<vmem_shared>>
      tpu.wait_dma2 semaphore(%run_scoped3A_122 : memref<!tpu.dma_semaphore, #tpu.memory_space<semaphore_mem>>) src(%dma_wait3A_130 : memref<128x64xf32, #tpu.memory_space<vmem_shared>>) dst(%dma_wait3A_128 : memref<128x64xf32, #tpu.memory_space<hbm>>)
      tpu.yield
    }) : () -> ()
    %mul3A_106 = arith.constant 640 : i32
    %mul3A_107 = arith.muli %arg1, %mul3A_106 : i32
    %add3A_108 = arith.constant 128 : i32
    %add3A_109 = arith.addi %mul3A_107, %add3A_108 : i32
    "tpu.region"() ({
      %run_scoped3A_122 = tpu.sem_alloc : memref<!tpu.dma_semaphore, #tpu.memory_space<semaphore_mem>>
      %dma_start3A = arith.constant 0 : i32
      %dma_start3A_123 = tpu.memref_slice %arg5[%arg0, %add3A_109, %dma_start3A] : memref<2x10240x64xf32, #tpu.memory_space<hbm>> -> memref<1x128x64xf32, #tpu.memory_space<hbm>>
      %dma_start3A_124 = tpu.memref_squeeze %dma_start3A_123 : memref<1x128x64xf32, #tpu.memory_space<hbm>> -> memref<128x64xf32, #tpu.memory_space<hbm>>
      %dma_start3A_125 = arith.constant 0 : i32
      %dma_start3A_126 = tpu.memref_slice %arg11[%add3A_109, %dma_start3A_125] : memref<10240x64xf32, #tpu.memory_space<vmem_shared>> -> memref<128x64xf32, #tpu.memory_space<vmem_shared>>
      tpu.enqueue_dma source(%dma_start3A_126 : memref<128x64xf32, #tpu.memory_space<vmem_shared>>) target(%dma_start3A_124 : memref<128x64xf32, #tpu.memory_space<hbm>>) target_semaphore(%run_scoped3A_122 : memref<!tpu.dma_semaphore, #tpu.memory_space<semaphore_mem>>)
      %dma_wait3A = arith.constant 0 : i32
      %dma_wait3A_127 = tpu.memref_slice %arg5[%arg0, %add3A_109, %dma_wait3A] : memref<2x10240x64xf32, #tpu.memory_space<hbm>> -> memref<1x128x64xf32, #tpu.memory_space<hbm>>
      %dma_wait3A_128 = tpu.memref_squeeze %dma_wait3A_127 : memref<1x128x64xf32, #tpu.memory_space<hbm>> -> memref<128x64xf32, #tpu.memory_space<hbm>>
      %dma_wait3A_129 = arith.constant 0 : i32
      %dma_wait3A_130 = tpu.memref_slice %arg11[%add3A_109, %dma_wait3A_129] : memref<10240x64xf32, #tpu.memory_space<vmem_shared>> -> memref<128x64xf32, #tpu.memory_space<vmem_shared>>
      tpu.wait_dma2 semaphore(%run_scoped3A_122 : memref<!tpu.dma_semaphore, #tpu.memory_space<semaphore_mem>>) src(%dma_wait3A_130 : memref<128x64xf32, #tpu.memory_space<vmem_shared>>) dst(%dma_wait3A_128 : memref<128x64xf32, #tpu.memory_space<hbm>>)
      tpu.yield
    }) : () -> ()
    %mul3A_110 = arith.constant 640 : i32
    %mul3A_111 = arith.muli %arg1, %mul3A_110 : i32
    %add3A_112 = arith.constant 256 : i32
    %add3A_113 = arith.addi %mul3A_111, %add3A_112 : i32
    "tpu.region"() ({
      %run_scoped3A_122 = tpu.sem_alloc : memref<!tpu.dma_semaphore, #tpu.memory_space<semaphore_mem>>
      %dma_start3A = arith.constant 0 : i32
      %dma_start3A_123 = tpu.memref_slice %arg5[%arg0, %add3A_113, %dma_start3A] : memref<2x10240x64xf32, #tpu.memory_space<hbm>> -> memref<1x128x64xf32, #tpu.memory_space<hbm>>
      %dma_start3A_124 = tpu.memref_squeeze %dma_start3A_123 : memref<1x128x64xf32, #tpu.memory_space<hbm>> -> memref<128x64xf32, #tpu.memory_space<hbm>>
      %dma_start3A_125 = arith.constant 0 : i32
      %dma_start3A_126 = tpu.memref_slice %arg11[%add3A_113, %dma_start3A_125] : memref<10240x64xf32, #tpu.memory_space<vmem_shared>> -> memref<128x64xf32, #tpu.memory_space<vmem_shared>>
      tpu.enqueue_dma source(%dma_start3A_126 : memref<128x64xf32, #tpu.memory_space<vmem_shared>>) target(%dma_start3A_124 : memref<128x64xf32, #tpu.memory_space<hbm>>) target_semaphore(%run_scoped3A_122 : memref<!tpu.dma_semaphore, #tpu.memory_space<semaphore_mem>>)
      %dma_wait3A = arith.constant 0 : i32
      %dma_wait3A_127 = tpu.memref_slice %arg5[%arg0, %add3A_113, %dma_wait3A] : memref<2x10240x64xf32, #tpu.memory_space<hbm>> -> memref<1x128x64xf32, #tpu.memory_space<hbm>>
      %dma_wait3A_128 = tpu.memref_squeeze %dma_wait3A_127 : memref<1x128x64xf32, #tpu.memory_space<hbm>> -> memref<128x64xf32, #tpu.memory_space<hbm>>
      %dma_wait3A_129 = arith.constant 0 : i32
      %dma_wait3A_130 = tpu.memref_slice %arg11[%add3A_113, %dma_wait3A_129] : memref<10240x64xf32, #tpu.memory_space<vmem_shared>> -> memref<128x64xf32, #tpu.memory_space<vmem_shared>>
      tpu.wait_dma2 semaphore(%run_scoped3A_122 : memref<!tpu.dma_semaphore, #tpu.memory_space<semaphore_mem>>) src(%dma_wait3A_130 : memref<128x64xf32, #tpu.memory_space<vmem_shared>>) dst(%dma_wait3A_128 : memref<128x64xf32, #tpu.memory_space<hbm>>)
      tpu.yield
    }) : () -> ()
    %mul3A_114 = arith.constant 640 : i32
    %mul3A_115 = arith.muli %arg1, %mul3A_114 : i32
    %add3A_116 = arith.constant 384 : i32
    %add3A_117 = arith.addi %mul3A_115, %add3A_116 : i32
    "tpu.region"() ({
      %run_scoped3A_122 = tpu.sem_alloc : memref<!tpu.dma_semaphore, #tpu.memory_space<semaphore_mem>>
      %dma_start3A = arith.constant 0 : i32
      %dma_start3A_123 = tpu.memref_slice %arg5[%arg0, %add3A_117, %dma_start3A] : memref<2x10240x64xf32, #tpu.memory_space<hbm>> -> memref<1x128x64xf32, #tpu.memory_space<hbm>>
      %dma_start3A_124 = tpu.memref_squeeze %dma_start3A_123 : memref<1x128x64xf32, #tpu.memory_space<hbm>> -> memref<128x64xf32, #tpu.memory_space<hbm>>
      %dma_start3A_125 = arith.constant 0 : i32
      %dma_start3A_126 = tpu.memref_slice %arg11[%add3A_117, %dma_start3A_125] : memref<10240x64xf32, #tpu.memory_space<vmem_shared>> -> memref<128x64xf32, #tpu.memory_space<vmem_shared>>
      tpu.enqueue_dma source(%dma_start3A_126 : memref<128x64xf32, #tpu.memory_space<vmem_shared>>) target(%dma_start3A_124 : memref<128x64xf32, #tpu.memory_space<hbm>>) target_semaphore(%run_scoped3A_122 : memref<!tpu.dma_semaphore, #tpu.memory_space<semaphore_mem>>)
      %dma_wait3A = arith.constant 0 : i32
      %dma_wait3A_127 = tpu.memref_slice %arg5[%arg0, %add3A_117, %dma_wait3A] : memref<2x10240x64xf32, #tpu.memory_space<hbm>> -> memref<1x128x64xf32, #tpu.memory_space<hbm>>
      %dma_wait3A_128 = tpu.memref_squeeze %dma_wait3A_127 : memref<1x128x64xf32, #tpu.memory_space<hbm>> -> memref<128x64xf32, #tpu.memory_space<hbm>>
      %dma_wait3A_129 = arith.constant 0 : i32
      %dma_wait3A_130 = tpu.memref_slice %arg11[%add3A_117, %dma_wait3A_129] : memref<10240x64xf32, #tpu.memory_space<vmem_shared>> -> memref<128x64xf32, #tpu.memory_space<vmem_shared>>
      tpu.wait_dma2 semaphore(%run_scoped3A_122 : memref<!tpu.dma_semaphore, #tpu.memory_space<semaphore_mem>>) src(%dma_wait3A_130 : memref<128x64xf32, #tpu.memory_space<vmem_shared>>) dst(%dma_wait3A_128 : memref<128x64xf32, #tpu.memory_space<hbm>>)
      tpu.yield
    }) : () -> ()
    %mul3A_118 = arith.constant 640 : i32
    %mul3A_119 = arith.muli %arg1, %mul3A_118 : i32
    %add3A_120 = arith.constant 512 : i32
    %add3A_121 = arith.addi %mul3A_119, %add3A_120 : i32
    "tpu.region"() ({
      %run_scoped3A_122 = tpu.sem_alloc : memref<!tpu.dma_semaphore, #tpu.memory_space<semaphore_mem>>
      %dma_start3A = arith.constant 0 : i32
      %dma_start3A_123 = tpu.memref_slice %arg5[%arg0, %add3A_121, %dma_start3A] : memref<2x10240x64xf32, #tpu.memory_space<hbm>> -> memref<1x128x64xf32, #tpu.memory_space<hbm>>
      %dma_start3A_124 = tpu.memref_squeeze %dma_start3A_123 : memref<1x128x64xf32, #tpu.memory_space<hbm>> -> memref<128x64xf32, #tpu.memory_space<hbm>>
      %dma_start3A_125 = arith.constant 0 : i32
      %dma_start3A_126 = tpu.memref_slice %arg11[%add3A_121, %dma_start3A_125] : memref<10240x64xf32, #tpu.memory_space<vmem_shared>> -> memref<128x64xf32, #tpu.memory_space<vmem_shared>>
      tpu.enqueue_dma source(%dma_start3A_126 : memref<128x64xf32, #tpu.memory_space<vmem_shared>>) target(%dma_start3A_124 : memref<128x64xf32, #tpu.memory_space<hbm>>) target_semaphore(%run_scoped3A_122 : memref<!tpu.dma_semaphore, #tpu.memory_space<semaphore_mem>>)
      %dma_wait3A = arith.constant 0 : i32
      %dma_wait3A_127 = tpu.memref_slice %arg5[%arg0, %add3A_121, %dma_wait3A] : memref<2x10240x64xf32, #tpu.memory_space<hbm>> -> memref<1x128x64xf32, #tpu.memory_space<hbm>>
      %dma_wait3A_128 = tpu.memref_squeeze %dma_wait3A_127 : memref<1x128x64xf32, #tpu.memory_space<hbm>> -> memref<128x64xf32, #tpu.memory_space<hbm>>
      %dma_wait3A_129 = arith.constant 0 : i32
      %dma_wait3A_130 = tpu.memref_slice %arg11[%add3A_121, %dma_wait3A_129] : memref<10240x64xf32, #tpu.memory_space<vmem_shared>> -> memref<128x64xf32, #tpu.memory_space<vmem_shared>>
      tpu.wait_dma2 semaphore(%run_scoped3A_122 : memref<!tpu.dma_semaphore, #tpu.memory_space<semaphore_mem>>) src(%dma_wait3A_130 : memref<128x64xf32, #tpu.memory_space<vmem_shared>>) dst(%dma_wait3A_128 : memref<128x64xf32, #tpu.memory_space<hbm>>)
      tpu.yield
    }) : () -> ()
    return
  }
}

#map = affine_map<(d0, d1) -> (0, 0, 0)>
#map1 = affine_map<(d0, d1) -> (0)>
module attributes {stable_mosaic.version = 14 : i64} {
  func.func @_sc_aggregate(%arg0: i32, %arg1: i32, %arg2: memref<2x10240x64xf32, #tpu.memory_space<hbm>>, %arg3: memref<16x160x128xi32, #tpu.memory_space<hbm>>, %arg4: memref<16x160x128xi32, #tpu.memory_space<hbm>>, %arg5: memref<2x10240x64xf32, #tpu.memory_space<hbm>>, %arg6: memref<10240xf32, #tpu.memory_space<hbm>>, %arg7: memref<160x128xi32, #tpu.memory_space<vmem>>, %arg8: memref<160x128xi32, #tpu.memory_space<vmem>>, %arg9: memref<5x128x64xf32, #tpu.memory_space<vmem>>, %arg10: memref<128xf32, #tpu.memory_space<vmem>>, %arg11: memref<128xf32, #tpu.memory_space<vmem>>, %arg12: memref<10240x64xf32, #tpu.memory_space<vmem_shared>>, %arg13: memref<10240xf32, #tpu.memory_space<vmem_shared>>, %arg14: memref<!tpu.dma_semaphore, #tpu.memory_space<semaphore_mem>>, %arg15: memref<!tpu.dma_semaphore, #tpu.memory_space<semaphore_mem>>, %arg16: memref<!tpu.dma_semaphore, #tpu.memory_space<semaphore_mem>>) attributes {dimension_semantics = [#tpu.dimension_semantics<core_parallel>, #tpu.dimension_semantics<subcore_parallel>], iteration_bounds = array<i64: 2, 16>, scalar_prefetch = 0 : i64, scratch_operands = 10 : i64, tpu.core_type = #tpu.core_type<sc_vector_subcore>, window_params = [{transform_indices = #map}, {transform_indices = #map}, {transform_indices = #map}, {transform_indices = #map}, {transform_indices = #map1}]} {
    "tpu.region"() ({
      %run_scoped3A_147 = tpu.sem_alloc : memref<!tpu.dma_semaphore, #tpu.memory_space<semaphore_mem>>
      %dma_start3A = arith.constant 0 : i32
      %dma_start3A_148 = arith.constant 0 : i32
      %dma_start3A_149 = tpu.memref_slice %arg3[%arg1, %dma_start3A, %dma_start3A_148] : memref<16x160x128xi32, #tpu.memory_space<hbm>> -> memref<1x160x128xi32, #tpu.memory_space<hbm>>
      %dma_start3A_150 = tpu.memref_squeeze %dma_start3A_149 : memref<1x160x128xi32, #tpu.memory_space<hbm>> -> memref<160x128xi32, #tpu.memory_space<hbm>>
      %dma_start3A_151 = arith.constant 0 : i32
      %dma_start3A_152 = arith.constant 0 : i32
      %dma_start3A_153 = tpu.memref_slice %arg3[%arg1, %dma_start3A_151, %dma_start3A_152] : memref<16x160x128xi32, #tpu.memory_space<hbm>> -> memref<1x160x128xi32, #tpu.memory_space<hbm>>
      %dma_start3A_154 = tpu.memref_squeeze %dma_start3A_153 : memref<1x160x128xi32, #tpu.memory_space<hbm>> -> memref<160x128xi32, #tpu.memory_space<hbm>>
      tpu.enqueue_dma source(%dma_start3A_154 : memref<160x128xi32, #tpu.memory_space<hbm>>) target(%arg7 : memref<160x128xi32, #tpu.memory_space<vmem>>) target_semaphore(%run_scoped3A_147 : memref<!tpu.dma_semaphore, #tpu.memory_space<semaphore_mem>>)
      %dma_wait3A = arith.constant 0 : i32
      %dma_wait3A_155 = arith.constant 0 : i32
      %dma_wait3A_156 = tpu.memref_slice %arg3[%arg1, %dma_wait3A, %dma_wait3A_155] : memref<16x160x128xi32, #tpu.memory_space<hbm>> -> memref<1x160x128xi32, #tpu.memory_space<hbm>>
      %dma_wait3A_157 = tpu.memref_squeeze %dma_wait3A_156 : memref<1x160x128xi32, #tpu.memory_space<hbm>> -> memref<160x128xi32, #tpu.memory_space<hbm>>
      %dma_wait3A_158 = arith.constant 0 : i32
      %dma_wait3A_159 = arith.constant 0 : i32
      %dma_wait3A_160 = tpu.memref_slice %arg3[%arg1, %dma_wait3A_158, %dma_wait3A_159] : memref<16x160x128xi32, #tpu.memory_space<hbm>> -> memref<1x160x128xi32, #tpu.memory_space<hbm>>
      %dma_wait3A_161 = tpu.memref_squeeze %dma_wait3A_160 : memref<1x160x128xi32, #tpu.memory_space<hbm>> -> memref<160x128xi32, #tpu.memory_space<hbm>>
      tpu.wait_dma2 semaphore(%run_scoped3A_147 : memref<!tpu.dma_semaphore, #tpu.memory_space<semaphore_mem>>) src(%dma_wait3A_161 : memref<160x128xi32, #tpu.memory_space<hbm>>) dst(%arg7 : memref<160x128xi32, #tpu.memory_space<vmem>>)
      tpu.yield
    }) : () -> ()
    "tpu.region"() ({
      %run_scoped3A_147 = tpu.sem_alloc : memref<!tpu.dma_semaphore, #tpu.memory_space<semaphore_mem>>
      %dma_start3A = arith.constant 0 : i32
      %dma_start3A_148 = arith.constant 0 : i32
      %dma_start3A_149 = tpu.memref_slice %arg4[%arg1, %dma_start3A, %dma_start3A_148] : memref<16x160x128xi32, #tpu.memory_space<hbm>> -> memref<1x160x128xi32, #tpu.memory_space<hbm>>
      %dma_start3A_150 = tpu.memref_squeeze %dma_start3A_149 : memref<1x160x128xi32, #tpu.memory_space<hbm>> -> memref<160x128xi32, #tpu.memory_space<hbm>>
      %dma_start3A_151 = arith.constant 0 : i32
      %dma_start3A_152 = arith.constant 0 : i32
      %dma_start3A_153 = tpu.memref_slice %arg4[%arg1, %dma_start3A_151, %dma_start3A_152] : memref<16x160x128xi32, #tpu.memory_space<hbm>> -> memref<1x160x128xi32, #tpu.memory_space<hbm>>
      %dma_start3A_154 = tpu.memref_squeeze %dma_start3A_153 : memref<1x160x128xi32, #tpu.memory_space<hbm>> -> memref<160x128xi32, #tpu.memory_space<hbm>>
      tpu.enqueue_dma source(%dma_start3A_154 : memref<160x128xi32, #tpu.memory_space<hbm>>) target(%arg8 : memref<160x128xi32, #tpu.memory_space<vmem>>) target_semaphore(%run_scoped3A_147 : memref<!tpu.dma_semaphore, #tpu.memory_space<semaphore_mem>>)
      %dma_wait3A = arith.constant 0 : i32
      %dma_wait3A_155 = arith.constant 0 : i32
      %dma_wait3A_156 = tpu.memref_slice %arg4[%arg1, %dma_wait3A, %dma_wait3A_155] : memref<16x160x128xi32, #tpu.memory_space<hbm>> -> memref<1x160x128xi32, #tpu.memory_space<hbm>>
      %dma_wait3A_157 = tpu.memref_squeeze %dma_wait3A_156 : memref<1x160x128xi32, #tpu.memory_space<hbm>> -> memref<160x128xi32, #tpu.memory_space<hbm>>
      %dma_wait3A_158 = arith.constant 0 : i32
      %dma_wait3A_159 = arith.constant 0 : i32
      %dma_wait3A_160 = tpu.memref_slice %arg4[%arg1, %dma_wait3A_158, %dma_wait3A_159] : memref<16x160x128xi32, #tpu.memory_space<hbm>> -> memref<1x160x128xi32, #tpu.memory_space<hbm>>
      %dma_wait3A_161 = tpu.memref_squeeze %dma_wait3A_160 : memref<1x160x128xi32, #tpu.memory_space<hbm>> -> memref<160x128xi32, #tpu.memory_space<hbm>>
      tpu.wait_dma2 semaphore(%run_scoped3A_147 : memref<!tpu.dma_semaphore, #tpu.memory_space<semaphore_mem>>) src(%dma_wait3A_161 : memref<160x128xi32, #tpu.memory_space<hbm>>) dst(%arg8 : memref<160x128xi32, #tpu.memory_space<vmem>>)
      tpu.yield
    }) : () -> ()
    %broadcast_in_dim3A = arith.constant 0.000000e+00 : f32
    %broadcast_in_dim3A_0 = vector.broadcast %broadcast_in_dim3A : f32 to vector<16xf32>
    %broadcast_in_dim3A_1 = arith.constant 1.000000e+00 : f32
    %broadcast_in_dim3A_2 = vector.broadcast %broadcast_in_dim3A_1 : f32 to vector<16xf32>
    %swap3A = arith.constant 0 : index
    %swap3A_3 = tpu.vector_load %arg10[%swap3A] {strides = array<i32>} : memref<128xf32, #tpu.memory_space<vmem>>, vector<16xf32>,
    %swap3A_4 = vector.shape_cast %swap3A_3 : vector<16xf32> to vector<16xf32>
    %swap3A_5 = vector.shape_cast %broadcast_in_dim3A_2 : vector<16xf32> to vector<16xf32>
    tpu.vector_store %arg10[%swap3A], %swap3A_5 {strides = array<i32>} : memref<128xf32, #tpu.memory_space<vmem>>, vector<16xf32>,
    %swap3A_6 = arith.constant 0 : index
    %swap3A_7 = tpu.vector_load %arg11[%swap3A_6] {strides = array<i32>} : memref<128xf32, #tpu.memory_space<vmem>>, vector<16xf32>,
    %swap3A_8 = vector.shape_cast %swap3A_7 : vector<16xf32> to vector<16xf32>
    %swap3A_9 = vector.shape_cast %broadcast_in_dim3A_0 : vector<16xf32> to vector<16xf32>
    tpu.vector_store %arg11[%swap3A_6], %swap3A_9 {strides = array<i32>} : memref<128xf32, #tpu.memory_space<vmem>>, vector<16xf32>,
    %swap3A_10 = arith.constant 16 : index
    %swap3A_11 = tpu.vector_load %arg10[%swap3A_10] {strides = array<i32>} : memref<128xf32, #tpu.memory_space<vmem>>, vector<16xf32>,
    %swap3A_12 = vector.shape_cast %swap3A_11 : vector<16xf32> to vector<16xf32>
    %swap3A_13 = vector.shape_cast %broadcast_in_dim3A_2 : vector<16xf32> to vector<16xf32>
    tpu.vector_store %arg10[%swap3A_10], %swap3A_13 {strides = array<i32>} : memref<128xf32, #tpu.memory_space<vmem>>, vector<16xf32>,
    %swap3A_14 = arith.constant 16 : index
    %swap3A_15 = tpu.vector_load %arg11[%swap3A_14] {strides = array<i32>} : memref<128xf32, #tpu.memory_space<vmem>>, vector<16xf32>,
    %swap3A_16 = vector.shape_cast %swap3A_15 : vector<16xf32> to vector<16xf32>
    %swap3A_17 = vector.shape_cast %broadcast_in_dim3A_0 : vector<16xf32> to vector<16xf32>
    tpu.vector_store %arg11[%swap3A_14], %swap3A_17 {strides = array<i32>} : memref<128xf32, #tpu.memory_space<vmem>>, vector<16xf32>,
    %swap3A_18 = arith.constant 32 : index
    %swap3A_19 = tpu.vector_load %arg10[%swap3A_18] {strides = array<i32>} : memref<128xf32, #tpu.memory_space<vmem>>, vector<16xf32>,
    %swap3A_20 = vector.shape_cast %swap3A_19 : vector<16xf32> to vector<16xf32>
    %swap3A_21 = vector.shape_cast %broadcast_in_dim3A_2 : vector<16xf32> to vector<16xf32>
    tpu.vector_store %arg10[%swap3A_18], %swap3A_21 {strides = array<i32>} : memref<128xf32, #tpu.memory_space<vmem>>, vector<16xf32>,
    %swap3A_22 = arith.constant 32 : index
    %swap3A_23 = tpu.vector_load %arg11[%swap3A_22] {strides = array<i32>} : memref<128xf32, #tpu.memory_space<vmem>>, vector<16xf32>,
    %swap3A_24 = vector.shape_cast %swap3A_23 : vector<16xf32> to vector<16xf32>
    %swap3A_25 = vector.shape_cast %broadcast_in_dim3A_0 : vector<16xf32> to vector<16xf32>
    tpu.vector_store %arg11[%swap3A_22], %swap3A_25 {strides = array<i32>} : memref<128xf32, #tpu.memory_space<vmem>>, vector<16xf32>,
    %swap3A_26 = arith.constant 48 : index
    %swap3A_27 = tpu.vector_load %arg10[%swap3A_26] {strides = array<i32>} : memref<128xf32, #tpu.memory_space<vmem>>, vector<16xf32>,
    %swap3A_28 = vector.shape_cast %swap3A_27 : vector<16xf32> to vector<16xf32>
    %swap3A_29 = vector.shape_cast %broadcast_in_dim3A_2 : vector<16xf32> to vector<16xf32>
    tpu.vector_store %arg10[%swap3A_26], %swap3A_29 {strides = array<i32>} : memref<128xf32, #tpu.memory_space<vmem>>, vector<16xf32>,
    %swap3A_30 = arith.constant 48 : index
    %swap3A_31 = tpu.vector_load %arg11[%swap3A_30] {strides = array<i32>} : memref<128xf32, #tpu.memory_space<vmem>>, vector<16xf32>,
    %swap3A_32 = vector.shape_cast %swap3A_31 : vector<16xf32> to vector<16xf32>
    %swap3A_33 = vector.shape_cast %broadcast_in_dim3A_0 : vector<16xf32> to vector<16xf32>
    tpu.vector_store %arg11[%swap3A_30], %swap3A_33 {strides = array<i32>} : memref<128xf32, #tpu.memory_space<vmem>>, vector<16xf32>,
    %swap3A_34 = arith.constant 64 : index
    %swap3A_35 = tpu.vector_load %arg10[%swap3A_34] {strides = array<i32>} : memref<128xf32, #tpu.memory_space<vmem>>, vector<16xf32>,
    %swap3A_36 = vector.shape_cast %swap3A_35 : vector<16xf32> to vector<16xf32>
    %swap3A_37 = vector.shape_cast %broadcast_in_dim3A_2 : vector<16xf32> to vector<16xf32>
    tpu.vector_store %arg10[%swap3A_34], %swap3A_37 {strides = array<i32>} : memref<128xf32, #tpu.memory_space<vmem>>, vector<16xf32>,
    %swap3A_38 = arith.constant 64 : index
    %swap3A_39 = tpu.vector_load %arg11[%swap3A_38] {strides = array<i32>} : memref<128xf32, #tpu.memory_space<vmem>>, vector<16xf32>,
    %swap3A_40 = vector.shape_cast %swap3A_39 : vector<16xf32> to vector<16xf32>
    %swap3A_41 = vector.shape_cast %broadcast_in_dim3A_0 : vector<16xf32> to vector<16xf32>
    tpu.vector_store %arg11[%swap3A_38], %swap3A_41 {strides = array<i32>} : memref<128xf32, #tpu.memory_space<vmem>>, vector<16xf32>,
    %swap3A_42 = arith.constant 80 : index
    %swap3A_43 = tpu.vector_load %arg10[%swap3A_42] {strides = array<i32>} : memref<128xf32, #tpu.memory_space<vmem>>, vector<16xf32>,
    %swap3A_44 = vector.shape_cast %swap3A_43 : vector<16xf32> to vector<16xf32>
    %swap3A_45 = vector.shape_cast %broadcast_in_dim3A_2 : vector<16xf32> to vector<16xf32>
    tpu.vector_store %arg10[%swap3A_42], %swap3A_45 {strides = array<i32>} : memref<128xf32, #tpu.memory_space<vmem>>, vector<16xf32>,
    %swap3A_46 = arith.constant 80 : index
    %swap3A_47 = tpu.vector_load %arg11[%swap3A_46] {strides = array<i32>} : memref<128xf32, #tpu.memory_space<vmem>>, vector<16xf32>,
    %swap3A_48 = vector.shape_cast %swap3A_47 : vector<16xf32> to vector<16xf32>
    %swap3A_49 = vector.shape_cast %broadcast_in_dim3A_0 : vector<16xf32> to vector<16xf32>
    tpu.vector_store %arg11[%swap3A_46], %swap3A_49 {strides = array<i32>} : memref<128xf32, #tpu.memory_space<vmem>>, vector<16xf32>,
    %swap3A_50 = arith.constant 96 : index
    %swap3A_51 = tpu.vector_load %arg10[%swap3A_50] {strides = array<i32>} : memref<128xf32, #tpu.memory_space<vmem>>, vector<16xf32>,
    %swap3A_52 = vector.shape_cast %swap3A_51 : vector<16xf32> to vector<16xf32>
    %swap3A_53 = vector.shape_cast %broadcast_in_dim3A_2 : vector<16xf32> to vector<16xf32>
    tpu.vector_store %arg10[%swap3A_50], %swap3A_53 {strides = array<i32>} : memref<128xf32, #tpu.memory_space<vmem>>, vector<16xf32>,
    %swap3A_54 = arith.constant 96 : index
    %swap3A_55 = tpu.vector_load %arg11[%swap3A_54] {strides = array<i32>} : memref<128xf32, #tpu.memory_space<vmem>>, vector<16xf32>,
    %swap3A_56 = vector.shape_cast %swap3A_55 : vector<16xf32> to vector<16xf32>
    %swap3A_57 = vector.shape_cast %broadcast_in_dim3A_0 : vector<16xf32> to vector<16xf32>
    tpu.vector_store %arg11[%swap3A_54], %swap3A_57 {strides = array<i32>} : memref<128xf32, #tpu.memory_space<vmem>>, vector<16xf32>,
    %swap3A_58 = arith.constant 112 : index
    %swap3A_59 = tpu.vector_load %arg10[%swap3A_58] {strides = array<i32>} : memref<128xf32, #tpu.memory_space<vmem>>, vector<16xf32>,
    %swap3A_60 = vector.shape_cast %swap3A_59 : vector<16xf32> to vector<16xf32>
    %swap3A_61 = vector.shape_cast %broadcast_in_dim3A_2 : vector<16xf32> to vector<16xf32>
    tpu.vector_store %arg10[%swap3A_58], %swap3A_61 {strides = array<i32>} : memref<128xf32, #tpu.memory_space<vmem>>, vector<16xf32>,
    %swap3A_62 = arith.constant 112 : index
    %swap3A_63 = tpu.vector_load %arg11[%swap3A_62] {strides = array<i32>} : memref<128xf32, #tpu.memory_space<vmem>>, vector<16xf32>,
    %swap3A_64 = vector.shape_cast %swap3A_63 : vector<16xf32> to vector<16xf32>
    %swap3A_65 = vector.shape_cast %broadcast_in_dim3A_0 : vector<16xf32> to vector<16xf32>
    tpu.vector_store %arg11[%swap3A_62], %swap3A_65 {strides = array<i32>} : memref<128xf32, #tpu.memory_space<vmem>>, vector<16xf32>,
    %scan3A = arith.constant 0 : i32
    %scan3A_66 = arith.constant 0 : i32
    %scan3A_67 = arith.constant 128 : i32
    %scan3A_68 = arith.addi %scan3A_66, %scan3A_67 : i32
    %scan3A_69 = arith.constant 1 : i32
    %scan3A_70 = scf.for %scan3A_147 = %scan3A_66 to %scan3A_68 step %scan3A_69 iter_args(%scan3A_148 = %scan3A) -> (i32)  : i32 {
      %swap3A_149 = arith.constant 0 : i32
      %swap3A_150 = arith.index_cast %swap3A_149 : i32 to index
      %swap3A_151 = arith.index_cast %scan3A_147 : i32 to index
      %swap3A_152 = arith.constant 0 : index
      %swap3A_153 = tpu.vector_load %arg9[%swap3A_150, %swap3A_151, %swap3A_152] {strides = array<i32>} : memref<5x128x64xf32, #tpu.memory_space<vmem>>, vector<1x1x16xf32>,
      %swap3A_154 = vector.shape_cast %swap3A_153 : vector<1x1x16xf32> to vector<16xf32>
      %swap3A_155 = vector.shape_cast %broadcast_in_dim3A_0 : vector<16xf32> to vector<1x1x16xf32>
      tpu.vector_store %arg9[%swap3A_150, %swap3A_151, %swap3A_152], %swap3A_155 {strides = array<i32>} : memref<5x128x64xf32, #tpu.memory_space<vmem>>, vector<1x1x16xf32>,
      %swap3A_156 = arith.constant 0 : i32
      %swap3A_157 = arith.index_cast %swap3A_156 : i32 to index
      %swap3A_158 = arith.index_cast %scan3A_147 : i32 to index
      %swap3A_159 = arith.constant 16 : index
      %swap3A_160 = tpu.vector_load %arg9[%swap3A_157, %swap3A_158, %swap3A_159] {strides = array<i32>} : memref<5x128x64xf32, #tpu.memory_space<vmem>>, vector<1x1x16xf32>,
      %swap3A_161 = vector.shape_cast %swap3A_160 : vector<1x1x16xf32> to vector<16xf32>
      %swap3A_162 = vector.shape_cast %broadcast_in_dim3A_0 : vector<16xf32> to vector<1x1x16xf32>
      tpu.vector_store %arg9[%swap3A_157, %swap3A_158, %swap3A_159], %swap3A_162 {strides = array<i32>} : memref<5x128x64xf32, #tpu.memory_space<vmem>>, vector<1x1x16xf32>,
      %swap3A_163 = arith.constant 0 : i32
      %swap3A_164 = arith.index_cast %swap3A_163 : i32 to index
      %swap3A_165 = arith.index_cast %scan3A_147 : i32 to index
      %swap3A_166 = arith.constant 32 : index
      %swap3A_167 = tpu.vector_load %arg9[%swap3A_164, %swap3A_165, %swap3A_166] {strides = array<i32>} : memref<5x128x64xf32, #tpu.memory_space<vmem>>, vector<1x1x16xf32>,
      %swap3A_168 = vector.shape_cast %swap3A_167 : vector<1x1x16xf32> to vector<16xf32>
      %swap3A_169 = vector.shape_cast %broadcast_in_dim3A_0 : vector<16xf32> to vector<1x1x16xf32>
      tpu.vector_store %arg9[%swap3A_164, %swap3A_165, %swap3A_166], %swap3A_169 {strides = array<i32>} : memref<5x128x64xf32, #tpu.memory_space<vmem>>, vector<1x1x16xf32>,
      %swap3A_170 = arith.constant 0 : i32
      %swap3A_171 = arith.index_cast %swap3A_170 : i32 to index
      %swap3A_172 = arith.index_cast %scan3A_147 : i32 to index
      %swap3A_173 = arith.constant 48 : index
      %swap3A_174 = tpu.vector_load %arg9[%swap3A_171, %swap3A_172, %swap3A_173] {strides = array<i32>} : memref<5x128x64xf32, #tpu.memory_space<vmem>>, vector<1x1x16xf32>,
      %swap3A_175 = vector.shape_cast %swap3A_174 : vector<1x1x16xf32> to vector<16xf32>
      %swap3A_176 = vector.shape_cast %broadcast_in_dim3A_0 : vector<16xf32> to vector<1x1x16xf32>
      tpu.vector_store %arg9[%swap3A_171, %swap3A_172, %swap3A_173], %swap3A_176 {strides = array<i32>} : memref<5x128x64xf32, #tpu.memory_space<vmem>>, vector<1x1x16xf32>,
      %scan3A_177 = arith.constant 0 : i32
      scf.yield %scan3A_177 : i32
    }
    %scan3A_71 = arith.constant 128 : i32
    %mul3A = arith.constant 640 : i32
    %mul3A_72 = arith.muli %arg1, %mul3A : i32
    %add3A = arith.constant 0 : i32
    %add3A_73 = arith.addi %mul3A_72, %add3A : i32
    %run_scoped3A = arith.constant 0 : i32
    "tpu.region"() ({
      %run_scoped3A_147 = tpu.sem_alloc : memref<!tpu.dma_semaphore, #tpu.memory_space<semaphore_mem>>
      %dma_start3A = arith.constant 0 : i32
      %dma_start3A_148 = arith.constant 0 : i32
      %dma_start3A_149 = tpu.memref_slice %arg9[%run_scoped3A, %dma_start3A, %dma_start3A_148] : memref<5x128x64xf32, #tpu.memory_space<vmem>> -> memref<1x128x64xf32, #tpu.memory_space<vmem>>
      %dma_start3A_150 = tpu.memref_squeeze %dma_start3A_149 : memref<1x128x64xf32, #tpu.memory_space<vmem>> -> memref<128x64xf32, #tpu.memory_space<vmem>>
      %dma_start3A_151 = arith.constant 0 : i32
      %dma_start3A_152 = tpu.memref_slice %arg12[%add3A_73, %dma_start3A_151] : memref<10240x64xf32, #tpu.memory_space<vmem_shared>> -> memref<128x64xf32, #tpu.memory_space<vmem_shared>>
      %dma_start3A_153 = arith.constant 0 : i32
      %dma_start3A_154 = tpu.memref_slice %arg12[%add3A_73, %dma_start3A_153] : memref<10240x64xf32, #tpu.memory_space<vmem_shared>> -> memref<128x64xf32, #tpu.memory_space<vmem_shared>>
      %dma_start3A_155 = arith.constant 0 : i32
      %dma_start3A_156 = arith.constant 0 : i32
      %dma_start3A_157 = tpu.memref_slice %arg9[%run_scoped3A, %dma_start3A_155, %dma_start3A_156] : memref<5x128x64xf32, #tpu.memory_space<vmem>> -> memref<1x128x64xf32, #tpu.memory_space<vmem>>
      %dma_start3A_158 = tpu.memref_squeeze %dma_start3A_157 : memref<1x128x64xf32, #tpu.memory_space<vmem>> -> memref<128x64xf32, #tpu.memory_space<vmem>>
      tpu.enqueue_dma source(%dma_start3A_158 : memref<128x64xf32, #tpu.memory_space<vmem>>) target(%dma_start3A_154 : memref<128x64xf32, #tpu.memory_space<vmem_shared>>) target_semaphore(%run_scoped3A_147 : memref<!tpu.dma_semaphore, #tpu.memory_space<semaphore_mem>>)
      %dma_wait3A = arith.constant 0 : i32
      %dma_wait3A_159 = arith.constant 0 : i32
      %dma_wait3A_160 = tpu.memref_slice %arg9[%run_scoped3A, %dma_wait3A, %dma_wait3A_159] : memref<5x128x64xf32, #tpu.memory_space<vmem>> -> memref<1x128x64xf32, #tpu.memory_space<vmem>>
      %dma_wait3A_161 = tpu.memref_squeeze %dma_wait3A_160 : memref<1x128x64xf32, #tpu.memory_space<vmem>> -> memref<128x64xf32, #tpu.memory_space<vmem>>
      %dma_wait3A_162 = arith.constant 0 : i32
      %dma_wait3A_163 = tpu.memref_slice %arg12[%add3A_73, %dma_wait3A_162] : memref<10240x64xf32, #tpu.memory_space<vmem_shared>> -> memref<128x64xf32, #tpu.memory_space<vmem_shared>>
      %dma_wait3A_164 = arith.constant 0 : i32
      %dma_wait3A_165 = tpu.memref_slice %arg12[%add3A_73, %dma_wait3A_164] : memref<10240x64xf32, #tpu.memory_space<vmem_shared>> -> memref<128x64xf32, #tpu.memory_space<vmem_shared>>
      %dma_wait3A_166 = arith.constant 0 : i32
      %dma_wait3A_167 = arith.constant 0 : i32
      %dma_wait3A_168 = tpu.memref_slice %arg9[%run_scoped3A, %dma_wait3A_166, %dma_wait3A_167] : memref<5x128x64xf32, #tpu.memory_space<vmem>> -> memref<1x128x64xf32, #tpu.memory_space<vmem>>
      %dma_wait3A_169 = tpu.memref_squeeze %dma_wait3A_168 : memref<1x128x64xf32, #tpu.memory_space<vmem>> -> memref<128x64xf32, #tpu.memory_space<vmem>>
      tpu.wait_dma2 semaphore(%run_scoped3A_147 : memref<!tpu.dma_semaphore, #tpu.memory_space<semaphore_mem>>) src(%dma_wait3A_169 : memref<128x64xf32, #tpu.memory_space<vmem>>) dst(%dma_wait3A_165 : memref<128x64xf32, #tpu.memory_space<vmem_shared>>)
      tpu.yield
    }) : () -> ()
    %mul3A_74 = arith.constant 640 : i32
    %mul3A_75 = arith.muli %arg1, %mul3A_74 : i32
    %add3A_76 = arith.constant 0 : i32
    %add3A_77 = arith.addi %mul3A_75, %add3A_76 : i32
    "tpu.region"() ({
      %run_scoped3A_147 = tpu.sem_alloc : memref<!tpu.dma_semaphore, #tpu.memory_space<semaphore_mem>>
      %dma_start3A = tpu.memref_slice %arg13[%add3A_77] : memref<10240xf32, #tpu.memory_space<vmem_shared>> -> memref<128xf32, #tpu.memory_space<vmem_shared>>
      %dma_start3A_148 = tpu.memref_slice %arg13[%add3A_77] : memref<10240xf32, #tpu.memory_space<vmem_shared>> -> memref<128xf32, #tpu.memory_space<vmem_shared>>
      tpu.enqueue_dma source(%arg11 : memref<128xf32, #tpu.memory_space<vmem>>) target(%dma_start3A_148 : memref<128xf32, #tpu.memory_space<vmem_shared>>) target_semaphore(%run_scoped3A_147 : memref<!tpu.dma_semaphore, #tpu.memory_space<semaphore_mem>>)
      %dma_wait3A = tpu.memref_slice %arg13[%add3A_77] : memref<10240xf32, #tpu.memory_space<vmem_shared>> -> memref<128xf32, #tpu.memory_space<vmem_shared>>
      %dma_wait3A_149 = tpu.memref_slice %arg13[%add3A_77] : memref<10240xf32, #tpu.memory_space<vmem_shared>> -> memref<128xf32, #tpu.memory_space<vmem_shared>>
      tpu.wait_dma2 semaphore(%run_scoped3A_147 : memref<!tpu.dma_semaphore, #tpu.memory_space<semaphore_mem>>) src(%arg11 : memref<128xf32, #tpu.memory_space<vmem>>) dst(%dma_wait3A_149 : memref<128xf32, #tpu.memory_space<vmem_shared>>)
      tpu.yield
    }) : () -> ()
    %mul3A_78 = arith.constant 640 : i32
    %mul3A_79 = arith.muli %arg1, %mul3A_78 : i32
    %add3A_80 = arith.constant 128 : i32
    %add3A_81 = arith.addi %mul3A_79, %add3A_80 : i32
    %run_scoped3A_82 = arith.constant 0 : i32
    "tpu.region"() ({
      %run_scoped3A_147 = tpu.sem_alloc : memref<!tpu.dma_semaphore, #tpu.memory_space<semaphore_mem>>
      %dma_start3A = arith.constant 0 : i32
      %dma_start3A_148 = arith.constant 0 : i32
      %dma_start3A_149 = tpu.memref_slice %arg9[%run_scoped3A_82, %dma_start3A, %dma_start3A_148] : memref<5x128x64xf32, #tpu.memory_space<vmem>> -> memref<1x128x64xf32, #tpu.memory_space<vmem>>
      %dma_start3A_150 = tpu.memref_squeeze %dma_start3A_149 : memref<1x128x64xf32, #tpu.memory_space<vmem>> -> memref<128x64xf32, #tpu.memory_space<vmem>>
      %dma_start3A_151 = arith.constant 0 : i32
      %dma_start3A_152 = tpu.memref_slice %arg12[%add3A_81, %dma_start3A_151] : memref<10240x64xf32, #tpu.memory_space<vmem_shared>> -> memref<128x64xf32, #tpu.memory_space<vmem_shared>>
      %dma_start3A_153 = arith.constant 0 : i32
      %dma_start3A_154 = tpu.memref_slice %arg12[%add3A_81, %dma_start3A_153] : memref<10240x64xf32, #tpu.memory_space<vmem_shared>> -> memref<128x64xf32, #tpu.memory_space<vmem_shared>>
      %dma_start3A_155 = arith.constant 0 : i32
      %dma_start3A_156 = arith.constant 0 : i32
      %dma_start3A_157 = tpu.memref_slice %arg9[%run_scoped3A_82, %dma_start3A_155, %dma_start3A_156] : memref<5x128x64xf32, #tpu.memory_space<vmem>> -> memref<1x128x64xf32, #tpu.memory_space<vmem>>
      %dma_start3A_158 = tpu.memref_squeeze %dma_start3A_157 : memref<1x128x64xf32, #tpu.memory_space<vmem>> -> memref<128x64xf32, #tpu.memory_space<vmem>>
      tpu.enqueue_dma source(%dma_start3A_158 : memref<128x64xf32, #tpu.memory_space<vmem>>) target(%dma_start3A_154 : memref<128x64xf32, #tpu.memory_space<vmem_shared>>) target_semaphore(%run_scoped3A_147 : memref<!tpu.dma_semaphore, #tpu.memory_space<semaphore_mem>>)
      %dma_wait3A = arith.constant 0 : i32
      %dma_wait3A_159 = arith.constant 0 : i32
      %dma_wait3A_160 = tpu.memref_slice %arg9[%run_scoped3A_82, %dma_wait3A, %dma_wait3A_159] : memref<5x128x64xf32, #tpu.memory_space<vmem>> -> memref<1x128x64xf32, #tpu.memory_space<vmem>>
      %dma_wait3A_161 = tpu.memref_squeeze %dma_wait3A_160 : memref<1x128x64xf32, #tpu.memory_space<vmem>> -> memref<128x64xf32, #tpu.memory_space<vmem>>
      %dma_wait3A_162 = arith.constant 0 : i32
      %dma_wait3A_163 = tpu.memref_slice %arg12[%add3A_81, %dma_wait3A_162] : memref<10240x64xf32, #tpu.memory_space<vmem_shared>> -> memref<128x64xf32, #tpu.memory_space<vmem_shared>>
      %dma_wait3A_164 = arith.constant 0 : i32
      %dma_wait3A_165 = tpu.memref_slice %arg12[%add3A_81, %dma_wait3A_164] : memref<10240x64xf32, #tpu.memory_space<vmem_shared>> -> memref<128x64xf32, #tpu.memory_space<vmem_shared>>
      %dma_wait3A_166 = arith.constant 0 : i32
      %dma_wait3A_167 = arith.constant 0 : i32
      %dma_wait3A_168 = tpu.memref_slice %arg9[%run_scoped3A_82, %dma_wait3A_166, %dma_wait3A_167] : memref<5x128x64xf32, #tpu.memory_space<vmem>> -> memref<1x128x64xf32, #tpu.memory_space<vmem>>
      %dma_wait3A_169 = tpu.memref_squeeze %dma_wait3A_168 : memref<1x128x64xf32, #tpu.memory_space<vmem>> -> memref<128x64xf32, #tpu.memory_space<vmem>>
      tpu.wait_dma2 semaphore(%run_scoped3A_147 : memref<!tpu.dma_semaphore, #tpu.memory_space<semaphore_mem>>) src(%dma_wait3A_169 : memref<128x64xf32, #tpu.memory_space<vmem>>) dst(%dma_wait3A_165 : memref<128x64xf32, #tpu.memory_space<vmem_shared>>)
      tpu.yield
    }) : () -> ()
    %mul3A_83 = arith.constant 640 : i32
    %mul3A_84 = arith.muli %arg1, %mul3A_83 : i32
    %add3A_85 = arith.constant 128 : i32
    %add3A_86 = arith.addi %mul3A_84, %add3A_85 : i32
    "tpu.region"() ({
      %run_scoped3A_147 = tpu.sem_alloc : memref<!tpu.dma_semaphore, #tpu.memory_space<semaphore_mem>>
      %dma_start3A = tpu.memref_slice %arg13[%add3A_86] : memref<10240xf32, #tpu.memory_space<vmem_shared>> -> memref<128xf32, #tpu.memory_space<vmem_shared>>
      %dma_start3A_148 = tpu.memref_slice %arg13[%add3A_86] : memref<10240xf32, #tpu.memory_space<vmem_shared>> -> memref<128xf32, #tpu.memory_space<vmem_shared>>
      tpu.enqueue_dma source(%arg11 : memref<128xf32, #tpu.memory_space<vmem>>) target(%dma_start3A_148 : memref<128xf32, #tpu.memory_space<vmem_shared>>) target_semaphore(%run_scoped3A_147 : memref<!tpu.dma_semaphore, #tpu.memory_space<semaphore_mem>>)
      %dma_wait3A = tpu.memref_slice %arg13[%add3A_86] : memref<10240xf32, #tpu.memory_space<vmem_shared>> -> memref<128xf32, #tpu.memory_space<vmem_shared>>
      %dma_wait3A_149 = tpu.memref_slice %arg13[%add3A_86] : memref<10240xf32, #tpu.memory_space<vmem_shared>> -> memref<128xf32, #tpu.memory_space<vmem_shared>>
      tpu.wait_dma2 semaphore(%run_scoped3A_147 : memref<!tpu.dma_semaphore, #tpu.memory_space<semaphore_mem>>) src(%arg11 : memref<128xf32, #tpu.memory_space<vmem>>) dst(%dma_wait3A_149 : memref<128xf32, #tpu.memory_space<vmem_shared>>)
      tpu.yield
    }) : () -> ()
    %mul3A_87 = arith.constant 640 : i32
    %mul3A_88 = arith.muli %arg1, %mul3A_87 : i32
    %add3A_89 = arith.constant 256 : i32
    %add3A_90 = arith.addi %mul3A_88, %add3A_89 : i32
    %run_scoped3A_91 = arith.constant 0 : i32
    "tpu.region"() ({
      %run_scoped3A_147 = tpu.sem_alloc : memref<!tpu.dma_semaphore, #tpu.memory_space<semaphore_mem>>
      %dma_start3A = arith.constant 0 : i32
      %dma_start3A_148 = arith.constant 0 : i32
      %dma_start3A_149 = tpu.memref_slice %arg9[%run_scoped3A_91, %dma_start3A, %dma_start3A_148] : memref<5x128x64xf32, #tpu.memory_space<vmem>> -> memref<1x128x64xf32, #tpu.memory_space<vmem>>
      %dma_start3A_150 = tpu.memref_squeeze %dma_start3A_149 : memref<1x128x64xf32, #tpu.memory_space<vmem>> -> memref<128x64xf32, #tpu.memory_space<vmem>>
      %dma_start3A_151 = arith.constant 0 : i32
      %dma_start3A_152 = tpu.memref_slice %arg12[%add3A_90, %dma_start3A_151] : memref<10240x64xf32, #tpu.memory_space<vmem_shared>> -> memref<128x64xf32, #tpu.memory_space<vmem_shared>>
      %dma_start3A_153 = arith.constant 0 : i32
      %dma_start3A_154 = tpu.memref_slice %arg12[%add3A_90, %dma_start3A_153] : memref<10240x64xf32, #tpu.memory_space<vmem_shared>> -> memref<128x64xf32, #tpu.memory_space<vmem_shared>>
      %dma_start3A_155 = arith.constant 0 : i32
      %dma_start3A_156 = arith.constant 0 : i32
      %dma_start3A_157 = tpu.memref_slice %arg9[%run_scoped3A_91, %dma_start3A_155, %dma_start3A_156] : memref<5x128x64xf32, #tpu.memory_space<vmem>> -> memref<1x128x64xf32, #tpu.memory_space<vmem>>
      %dma_start3A_158 = tpu.memref_squeeze %dma_start3A_157 : memref<1x128x64xf32, #tpu.memory_space<vmem>> -> memref<128x64xf32, #tpu.memory_space<vmem>>
      tpu.enqueue_dma source(%dma_start3A_158 : memref<128x64xf32, #tpu.memory_space<vmem>>) target(%dma_start3A_154 : memref<128x64xf32, #tpu.memory_space<vmem_shared>>) target_semaphore(%run_scoped3A_147 : memref<!tpu.dma_semaphore, #tpu.memory_space<semaphore_mem>>)
      %dma_wait3A = arith.constant 0 : i32
      %dma_wait3A_159 = arith.constant 0 : i32
      %dma_wait3A_160 = tpu.memref_slice %arg9[%run_scoped3A_91, %dma_wait3A, %dma_wait3A_159] : memref<5x128x64xf32, #tpu.memory_space<vmem>> -> memref<1x128x64xf32, #tpu.memory_space<vmem>>
      %dma_wait3A_161 = tpu.memref_squeeze %dma_wait3A_160 : memref<1x128x64xf32, #tpu.memory_space<vmem>> -> memref<128x64xf32, #tpu.memory_space<vmem>>
      %dma_wait3A_162 = arith.constant 0 : i32
      %dma_wait3A_163 = tpu.memref_slice %arg12[%add3A_90, %dma_wait3A_162] : memref<10240x64xf32, #tpu.memory_space<vmem_shared>> -> memref<128x64xf32, #tpu.memory_space<vmem_shared>>
      %dma_wait3A_164 = arith.constant 0 : i32
      %dma_wait3A_165 = tpu.memref_slice %arg12[%add3A_90, %dma_wait3A_164] : memref<10240x64xf32, #tpu.memory_space<vmem_shared>> -> memref<128x64xf32, #tpu.memory_space<vmem_shared>>
      %dma_wait3A_166 = arith.constant 0 : i32
      %dma_wait3A_167 = arith.constant 0 : i32
      %dma_wait3A_168 = tpu.memref_slice %arg9[%run_scoped3A_91, %dma_wait3A_166, %dma_wait3A_167] : memref<5x128x64xf32, #tpu.memory_space<vmem>> -> memref<1x128x64xf32, #tpu.memory_space<vmem>>
      %dma_wait3A_169 = tpu.memref_squeeze %dma_wait3A_168 : memref<1x128x64xf32, #tpu.memory_space<vmem>> -> memref<128x64xf32, #tpu.memory_space<vmem>>
      tpu.wait_dma2 semaphore(%run_scoped3A_147 : memref<!tpu.dma_semaphore, #tpu.memory_space<semaphore_mem>>) src(%dma_wait3A_169 : memref<128x64xf32, #tpu.memory_space<vmem>>) dst(%dma_wait3A_165 : memref<128x64xf32, #tpu.memory_space<vmem_shared>>)
      tpu.yield
    }) : () -> ()
    %mul3A_92 = arith.constant 640 : i32
    %mul3A_93 = arith.muli %arg1, %mul3A_92 : i32
    %add3A_94 = arith.constant 256 : i32
    %add3A_95 = arith.addi %mul3A_93, %add3A_94 : i32
    "tpu.region"() ({
      %run_scoped3A_147 = tpu.sem_alloc : memref<!tpu.dma_semaphore, #tpu.memory_space<semaphore_mem>>
      %dma_start3A = tpu.memref_slice %arg13[%add3A_95] : memref<10240xf32, #tpu.memory_space<vmem_shared>> -> memref<128xf32, #tpu.memory_space<vmem_shared>>
      %dma_start3A_148 = tpu.memref_slice %arg13[%add3A_95] : memref<10240xf32, #tpu.memory_space<vmem_shared>> -> memref<128xf32, #tpu.memory_space<vmem_shared>>
      tpu.enqueue_dma source(%arg11 : memref<128xf32, #tpu.memory_space<vmem>>) target(%dma_start3A_148 : memref<128xf32, #tpu.memory_space<vmem_shared>>) target_semaphore(%run_scoped3A_147 : memref<!tpu.dma_semaphore, #tpu.memory_space<semaphore_mem>>)
      %dma_wait3A = tpu.memref_slice %arg13[%add3A_95] : memref<10240xf32, #tpu.memory_space<vmem_shared>> -> memref<128xf32, #tpu.memory_space<vmem_shared>>
      %dma_wait3A_149 = tpu.memref_slice %arg13[%add3A_95] : memref<10240xf32, #tpu.memory_space<vmem_shared>> -> memref<128xf32, #tpu.memory_space<vmem_shared>>
      tpu.wait_dma2 semaphore(%run_scoped3A_147 : memref<!tpu.dma_semaphore, #tpu.memory_space<semaphore_mem>>) src(%arg11 : memref<128xf32, #tpu.memory_space<vmem>>) dst(%dma_wait3A_149 : memref<128xf32, #tpu.memory_space<vmem_shared>>)
      tpu.yield
    }) : () -> ()
    %mul3A_96 = arith.constant 640 : i32
    %mul3A_97 = arith.muli %arg1, %mul3A_96 : i32
    %add3A_98 = arith.constant 384 : i32
    %add3A_99 = arith.addi %mul3A_97, %add3A_98 : i32
    %run_scoped3A_100 = arith.constant 0 : i32
    "tpu.region"() ({
      %run_scoped3A_147 = tpu.sem_alloc : memref<!tpu.dma_semaphore, #tpu.memory_space<semaphore_mem>>
      %dma_start3A = arith.constant 0 : i32
      %dma_start3A_148 = arith.constant 0 : i32
      %dma_start3A_149 = tpu.memref_slice %arg9[%run_scoped3A_100, %dma_start3A, %dma_start3A_148] : memref<5x128x64xf32, #tpu.memory_space<vmem>> -> memref<1x128x64xf32, #tpu.memory_space<vmem>>
      %dma_start3A_150 = tpu.memref_squeeze %dma_start3A_149 : memref<1x128x64xf32, #tpu.memory_space<vmem>> -> memref<128x64xf32, #tpu.memory_space<vmem>>
      %dma_start3A_151 = arith.constant 0 : i32
      %dma_start3A_152 = tpu.memref_slice %arg12[%add3A_99, %dma_start3A_151] : memref<10240x64xf32, #tpu.memory_space<vmem_shared>> -> memref<128x64xf32, #tpu.memory_space<vmem_shared>>
      %dma_start3A_153 = arith.constant 0 : i32
      %dma_start3A_154 = tpu.memref_slice %arg12[%add3A_99, %dma_start3A_153] : memref<10240x64xf32, #tpu.memory_space<vmem_shared>> -> memref<128x64xf32, #tpu.memory_space<vmem_shared>>
      %dma_start3A_155 = arith.constant 0 : i32
      %dma_start3A_156 = arith.constant 0 : i32
      %dma_start3A_157 = tpu.memref_slice %arg9[%run_scoped3A_100, %dma_start3A_155, %dma_start3A_156] : memref<5x128x64xf32, #tpu.memory_space<vmem>> -> memref<1x128x64xf32, #tpu.memory_space<vmem>>
      %dma_start3A_158 = tpu.memref_squeeze %dma_start3A_157 : memref<1x128x64xf32, #tpu.memory_space<vmem>> -> memref<128x64xf32, #tpu.memory_space<vmem>>
      tpu.enqueue_dma source(%dma_start3A_158 : memref<128x64xf32, #tpu.memory_space<vmem>>) target(%dma_start3A_154 : memref<128x64xf32, #tpu.memory_space<vmem_shared>>) target_semaphore(%run_scoped3A_147 : memref<!tpu.dma_semaphore, #tpu.memory_space<semaphore_mem>>)
      %dma_wait3A = arith.constant 0 : i32
      %dma_wait3A_159 = arith.constant 0 : i32
      %dma_wait3A_160 = tpu.memref_slice %arg9[%run_scoped3A_100, %dma_wait3A, %dma_wait3A_159] : memref<5x128x64xf32, #tpu.memory_space<vmem>> -> memref<1x128x64xf32, #tpu.memory_space<vmem>>
      %dma_wait3A_161 = tpu.memref_squeeze %dma_wait3A_160 : memref<1x128x64xf32, #tpu.memory_space<vmem>> -> memref<128x64xf32, #tpu.memory_space<vmem>>
      %dma_wait3A_162 = arith.constant 0 : i32
      %dma_wait3A_163 = tpu.memref_slice %arg12[%add3A_99, %dma_wait3A_162] : memref<10240x64xf32, #tpu.memory_space<vmem_shared>> -> memref<128x64xf32, #tpu.memory_space<vmem_shared>>
      %dma_wait3A_164 = arith.constant 0 : i32
      %dma_wait3A_165 = tpu.memref_slice %arg12[%add3A_99, %dma_wait3A_164] : memref<10240x64xf32, #tpu.memory_space<vmem_shared>> -> memref<128x64xf32, #tpu.memory_space<vmem_shared>>
      %dma_wait3A_166 = arith.constant 0 : i32
      %dma_wait3A_167 = arith.constant 0 : i32
      %dma_wait3A_168 = tpu.memref_slice %arg9[%run_scoped3A_100, %dma_wait3A_166, %dma_wait3A_167] : memref<5x128x64xf32, #tpu.memory_space<vmem>> -> memref<1x128x64xf32, #tpu.memory_space<vmem>>
      %dma_wait3A_169 = tpu.memref_squeeze %dma_wait3A_168 : memref<1x128x64xf32, #tpu.memory_space<vmem>> -> memref<128x64xf32, #tpu.memory_space<vmem>>
      tpu.wait_dma2 semaphore(%run_scoped3A_147 : memref<!tpu.dma_semaphore, #tpu.memory_space<semaphore_mem>>) src(%dma_wait3A_169 : memref<128x64xf32, #tpu.memory_space<vmem>>) dst(%dma_wait3A_165 : memref<128x64xf32, #tpu.memory_space<vmem_shared>>)
      tpu.yield
    }) : () -> ()
    %mul3A_101 = arith.constant 640 : i32
    %mul3A_102 = arith.muli %arg1, %mul3A_101 : i32
    %add3A_103 = arith.constant 384 : i32
    %add3A_104 = arith.addi %mul3A_102, %add3A_103 : i32
    "tpu.region"() ({
      %run_scoped3A_147 = tpu.sem_alloc : memref<!tpu.dma_semaphore, #tpu.memory_space<semaphore_mem>>
      %dma_start3A = tpu.memref_slice %arg13[%add3A_104] : memref<10240xf32, #tpu.memory_space<vmem_shared>> -> memref<128xf32, #tpu.memory_space<vmem_shared>>
      %dma_start3A_148 = tpu.memref_slice %arg13[%add3A_104] : memref<10240xf32, #tpu.memory_space<vmem_shared>> -> memref<128xf32, #tpu.memory_space<vmem_shared>>
      tpu.enqueue_dma source(%arg11 : memref<128xf32, #tpu.memory_space<vmem>>) target(%dma_start3A_148 : memref<128xf32, #tpu.memory_space<vmem_shared>>) target_semaphore(%run_scoped3A_147 : memref<!tpu.dma_semaphore, #tpu.memory_space<semaphore_mem>>)
      %dma_wait3A = tpu.memref_slice %arg13[%add3A_104] : memref<10240xf32, #tpu.memory_space<vmem_shared>> -> memref<128xf32, #tpu.memory_space<vmem_shared>>
      %dma_wait3A_149 = tpu.memref_slice %arg13[%add3A_104] : memref<10240xf32, #tpu.memory_space<vmem_shared>> -> memref<128xf32, #tpu.memory_space<vmem_shared>>
      tpu.wait_dma2 semaphore(%run_scoped3A_147 : memref<!tpu.dma_semaphore, #tpu.memory_space<semaphore_mem>>) src(%arg11 : memref<128xf32, #tpu.memory_space<vmem>>) dst(%dma_wait3A_149 : memref<128xf32, #tpu.memory_space<vmem_shared>>)
      tpu.yield
    }) : () -> ()
    %mul3A_105 = arith.constant 640 : i32
    %mul3A_106 = arith.muli %arg1, %mul3A_105 : i32
    %add3A_107 = arith.constant 512 : i32
    %add3A_108 = arith.addi %mul3A_106, %add3A_107 : i32
    %run_scoped3A_109 = arith.constant 0 : i32
    "tpu.region"() ({
      %run_scoped3A_147 = tpu.sem_alloc : memref<!tpu.dma_semaphore, #tpu.memory_space<semaphore_mem>>
      %dma_start3A = arith.constant 0 : i32
      %dma_start3A_148 = arith.constant 0 : i32
      %dma_start3A_149 = tpu.memref_slice %arg9[%run_scoped3A_109, %dma_start3A, %dma_start3A_148] : memref<5x128x64xf32, #tpu.memory_space<vmem>> -> memref<1x128x64xf32, #tpu.memory_space<vmem>>
      %dma_start3A_150 = tpu.memref_squeeze %dma_start3A_149 : memref<1x128x64xf32, #tpu.memory_space<vmem>> -> memref<128x64xf32, #tpu.memory_space<vmem>>
      %dma_start3A_151 = arith.constant 0 : i32
      %dma_start3A_152 = tpu.memref_slice %arg12[%add3A_108, %dma_start3A_151] : memref<10240x64xf32, #tpu.memory_space<vmem_shared>> -> memref<128x64xf32, #tpu.memory_space<vmem_shared>>
      %dma_start3A_153 = arith.constant 0 : i32
      %dma_start3A_154 = tpu.memref_slice %arg12[%add3A_108, %dma_start3A_153] : memref<10240x64xf32, #tpu.memory_space<vmem_shared>> -> memref<128x64xf32, #tpu.memory_space<vmem_shared>>
      %dma_start3A_155 = arith.constant 0 : i32
      %dma_start3A_156 = arith.constant 0 : i32
      %dma_start3A_157 = tpu.memref_slice %arg9[%run_scoped3A_109, %dma_start3A_155, %dma_start3A_156] : memref<5x128x64xf32, #tpu.memory_space<vmem>> -> memref<1x128x64xf32, #tpu.memory_space<vmem>>
      %dma_start3A_158 = tpu.memref_squeeze %dma_start3A_157 : memref<1x128x64xf32, #tpu.memory_space<vmem>> -> memref<128x64xf32, #tpu.memory_space<vmem>>
      tpu.enqueue_dma source(%dma_start3A_158 : memref<128x64xf32, #tpu.memory_space<vmem>>) target(%dma_start3A_154 : memref<128x64xf32, #tpu.memory_space<vmem_shared>>) target_semaphore(%run_scoped3A_147 : memref<!tpu.dma_semaphore, #tpu.memory_space<semaphore_mem>>)
      %dma_wait3A = arith.constant 0 : i32
      %dma_wait3A_159 = arith.constant 0 : i32
      %dma_wait3A_160 = tpu.memref_slice %arg9[%run_scoped3A_109, %dma_wait3A, %dma_wait3A_159] : memref<5x128x64xf32, #tpu.memory_space<vmem>> -> memref<1x128x64xf32, #tpu.memory_space<vmem>>
      %dma_wait3A_161 = tpu.memref_squeeze %dma_wait3A_160 : memref<1x128x64xf32, #tpu.memory_space<vmem>> -> memref<128x64xf32, #tpu.memory_space<vmem>>
      %dma_wait3A_162 = arith.constant 0 : i32
      %dma_wait3A_163 = tpu.memref_slice %arg12[%add3A_108, %dma_wait3A_162] : memref<10240x64xf32, #tpu.memory_space<vmem_shared>> -> memref<128x64xf32, #tpu.memory_space<vmem_shared>>
      %dma_wait3A_164 = arith.constant 0 : i32
      %dma_wait3A_165 = tpu.memref_slice %arg12[%add3A_108, %dma_wait3A_164] : memref<10240x64xf32, #tpu.memory_space<vmem_shared>> -> memref<128x64xf32, #tpu.memory_space<vmem_shared>>
      %dma_wait3A_166 = arith.constant 0 : i32
      %dma_wait3A_167 = arith.constant 0 : i32
      %dma_wait3A_168 = tpu.memref_slice %arg9[%run_scoped3A_109, %dma_wait3A_166, %dma_wait3A_167] : memref<5x128x64xf32, #tpu.memory_space<vmem>> -> memref<1x128x64xf32, #tpu.memory_space<vmem>>
      %dma_wait3A_169 = tpu.memref_squeeze %dma_wait3A_168 : memref<1x128x64xf32, #tpu.memory_space<vmem>> -> memref<128x64xf32, #tpu.memory_space<vmem>>
      tpu.wait_dma2 semaphore(%run_scoped3A_147 : memref<!tpu.dma_semaphore, #tpu.memory_space<semaphore_mem>>) src(%dma_wait3A_169 : memref<128x64xf32, #tpu.memory_space<vmem>>) dst(%dma_wait3A_165 : memref<128x64xf32, #tpu.memory_space<vmem_shared>>)
      tpu.yield
    }) : () -> ()
    %mul3A_110 = arith.constant 640 : i32
    %mul3A_111 = arith.muli %arg1, %mul3A_110 : i32
    %add3A_112 = arith.constant 512 : i32
    %add3A_113 = arith.addi %mul3A_111, %add3A_112 : i32
    "tpu.region"() ({
      %run_scoped3A_147 = tpu.sem_alloc : memref<!tpu.dma_semaphore, #tpu.memory_space<semaphore_mem>>
      %dma_start3A = tpu.memref_slice %arg13[%add3A_113] : memref<10240xf32, #tpu.memory_space<vmem_shared>> -> memref<128xf32, #tpu.memory_space<vmem_shared>>
      %dma_start3A_148 = tpu.memref_slice %arg13[%add3A_113] : memref<10240xf32, #tpu.memory_space<vmem_shared>> -> memref<128xf32, #tpu.memory_space<vmem_shared>>
      tpu.enqueue_dma source(%arg11 : memref<128xf32, #tpu.memory_space<vmem>>) target(%dma_start3A_148 : memref<128xf32, #tpu.memory_space<vmem_shared>>) target_semaphore(%run_scoped3A_147 : memref<!tpu.dma_semaphore, #tpu.memory_space<semaphore_mem>>)
      %dma_wait3A = tpu.memref_slice %arg13[%add3A_113] : memref<10240xf32, #tpu.memory_space<vmem_shared>> -> memref<128xf32, #tpu.memory_space<vmem_shared>>
      %dma_wait3A_149 = tpu.memref_slice %arg13[%add3A_113] : memref<10240xf32, #tpu.memory_space<vmem_shared>> -> memref<128xf32, #tpu.memory_space<vmem_shared>>
      tpu.wait_dma2 semaphore(%run_scoped3A_147 : memref<!tpu.dma_semaphore, #tpu.memory_space<semaphore_mem>>) src(%arg11 : memref<128xf32, #tpu.memory_space<vmem>>) dst(%dma_wait3A_149 : memref<128xf32, #tpu.memory_space<vmem_shared>>)
      tpu.yield
    }) : () -> ()
    %barrier3A = arith.constant 0 : index
    tpu.barrier barrier_id(%barrier3A)
    %eq3A = arith.constant 0 : i32
    %eq3A_114 = arith.cmpi eq, %arg0, %eq3A : i32
    %convert_element_type3A = arith.extui %eq3A_114 : i1 to i32
    %cond3A = arith.constant 0 : i32
    %cond3A_115 = arith.cmpi ne, %convert_element_type3A, %cond3A : i32
    scf.if %cond3A_115 {
      %dma_start3A = arith.constant 0 : i32
      %dma_start3A_147 = arith.constant 0 : i32
      %dma_start3A_148 = arith.constant 0 : i32
      %dma_start3A_149 = arith.constant 0 : i32
      %dma_start3A_150 = arith.constant 0 : i32
      %dma_start3A_151 = tpu.memref_slice %arg9[%dma_start3A_148, %dma_start3A_149, %dma_start3A_150] : memref<5x128x64xf32, #tpu.memory_space<vmem>> -> memref<1x128x64xf32, #tpu.memory_space<vmem>>
      %dma_start3A_152 = tpu.memref_squeeze %dma_start3A_151 : memref<1x128x64xf32, #tpu.memory_space<vmem>> -> memref<128x64xf32, #tpu.memory_space<vmem>>
      %dma_start3A_153 = arith.constant 0 : i32
      %dma_start3A_154 = tpu.memref_slice %arg7[%dma_start3A_147, %dma_start3A_153] : memref<160x128xi32, #tpu.memory_space<vmem>> -> memref<1x128xi32, #tpu.memory_space<vmem>>
      %dma_start3A_155 = tpu.memref_squeeze %dma_start3A_154 : memref<1x128xi32, #tpu.memory_space<vmem>> -> memref<128xi32, #tpu.memory_space<vmem>>
      %dma_start3A_156 = arith.constant 0 : i32
      %dma_start3A_157 = arith.constant 0 : i32
      %dma_start3A_158 = tpu.memref_slice %arg2[%dma_start3A, %dma_start3A_156, %dma_start3A_157] : memref<2x10240x64xf32, #tpu.memory_space<hbm>> -> memref<1x10240x64xf32, #tpu.memory_space<hbm>>
      %dma_start3A_159 = tpu.memref_squeeze %dma_start3A_158 : memref<1x10240x64xf32, #tpu.memory_space<hbm>> -> memref<10240x64xf32, #tpu.memory_space<hbm>>
      %dma_start3A_160 = arith.constant 0 : i32
      %dma_start3A_161 = arith.constant 0 : i32
      %dma_start3A_162 = tpu.memref_slice %dma_start3A_159[%dma_start3A_160, %dma_start3A_161] : memref<10240x64xf32, #tpu.memory_space<hbm>> -> memref<10240x64xf32, #tpu.memory_space<hbm>>
      tpu.enqueue_indirect_dma source(%dma_start3A_162 : memref<10240x64xf32, #tpu.memory_space<hbm>>) target(%dma_start3A_152 : memref<128x64xf32, #tpu.memory_space<vmem>>) offsets(%dma_start3A_155 : memref<128xi32, #tpu.memory_space<vmem>>) semaphore(%arg14 : memref<!tpu.dma_semaphore, #tpu.memory_space<semaphore_mem>>)
      %dma_start3A_163 = arith.constant 0 : i32
      %dma_start3A_164 = arith.constant 1 : i32
      %dma_start3A_165 = arith.constant 1 : i32
      %dma_start3A_166 = arith.constant 0 : i32
      %dma_start3A_167 = arith.constant 0 : i32
      %dma_start3A_168 = tpu.memref_slice %arg9[%dma_start3A_165, %dma_start3A_166, %dma_start3A_167] : memref<5x128x64xf32, #tpu.memory_space<vmem>> -> memref<1x128x64xf32, #tpu.memory_space<vmem>>
      %dma_start3A_169 = tpu.memref_squeeze %dma_start3A_168 : memref<1x128x64xf32, #tpu.memory_space<vmem>> -> memref<128x64xf32, #tpu.memory_space<vmem>>
      %dma_start3A_170 = arith.constant 0 : i32
      %dma_start3A_171 = tpu.memref_slice %arg7[%dma_start3A_164, %dma_start3A_170] : memref<160x128xi32, #tpu.memory_space<vmem>> -> memref<1x128xi32, #tpu.memory_space<vmem>>
      %dma_start3A_172 = tpu.memref_squeeze %dma_start3A_171 : memref<1x128xi32, #tpu.memory_space<vmem>> -> memref<128xi32, #tpu.memory_space<vmem>>
      %dma_start3A_173 = arith.constant 0 : i32
      %dma_start3A_174 = arith.constant 0 : i32
      %dma_start3A_175 = tpu.memref_slice %arg2[%dma_start3A_163, %dma_start3A_173, %dma_start3A_174] : memref<2x10240x64xf32, #tpu.memory_space<hbm>> -> memref<1x10240x64xf32, #tpu.memory_space<hbm>>
      %dma_start3A_176 = tpu.memref_squeeze %dma_start3A_175 : memref<1x10240x64xf32, #tpu.memory_space<hbm>> -> memref<10240x64xf32, #tpu.memory_space<hbm>>
      %dma_start3A_177 = arith.constant 0 : i32
      %dma_start3A_178 = arith.constant 0 : i32
      %dma_start3A_179 = tpu.memref_slice %dma_start3A_176[%dma_start3A_177, %dma_start3A_178] : memref<10240x64xf32, #tpu.memory_space<hbm>> -> memref<10240x64xf32, #tpu.memory_space<hbm>>
      tpu.enqueue_indirect_dma source(%dma_start3A_179 : memref<10240x64xf32, #tpu.memory_space<hbm>>) target(%dma_start3A_169 : memref<128x64xf32, #tpu.memory_space<vmem>>) offsets(%dma_start3A_172 : memref<128xi32, #tpu.memory_space<vmem>>) semaphore(%arg14 : memref<!tpu.dma_semaphore, #tpu.memory_space<semaphore_mem>>)
      %dma_start3A_180 = arith.constant 0 : i32
      %dma_start3A_181 = arith.constant 2 : i32
      %dma_start3A_182 = arith.constant 2 : i32
      %dma_start3A_183 = arith.constant 0 : i32
      %dma_start3A_184 = arith.constant 0 : i32
      %dma_start3A_185 = tpu.memref_slice %arg9[%dma_start3A_182, %dma_start3A_183, %dma_start3A_184] : memref<5x128x64xf32, #tpu.memory_space<vmem>> -> memref<1x128x64xf32, #tpu.memory_space<vmem>>
      %dma_start3A_186 = tpu.memref_squeeze %dma_start3A_185 : memref<1x128x64xf32, #tpu.memory_space<vmem>> -> memref<128x64xf32, #tpu.memory_space<vmem>>
      %dma_start3A_187 = arith.constant 0 : i32
      %dma_start3A_188 = tpu.memref_slice %arg7[%dma_start3A_181, %dma_start3A_187] : memref<160x128xi32, #tpu.memory_space<vmem>> -> memref<1x128xi32, #tpu.memory_space<vmem>>
      %dma_start3A_189 = tpu.memref_squeeze %dma_start3A_188 : memref<1x128xi32, #tpu.memory_space<vmem>> -> memref<128xi32, #tpu.memory_space<vmem>>
      %dma_start3A_190 = arith.constant 0 : i32
      %dma_start3A_191 = arith.constant 0 : i32
      %dma_start3A_192 = tpu.memref_slice %arg2[%dma_start3A_180, %dma_start3A_190, %dma_start3A_191] : memref<2x10240x64xf32, #tpu.memory_space<hbm>> -> memref<1x10240x64xf32, #tpu.memory_space<hbm>>
      %dma_start3A_193 = tpu.memref_squeeze %dma_start3A_192 : memref<1x10240x64xf32, #tpu.memory_space<hbm>> -> memref<10240x64xf32, #tpu.memory_space<hbm>>
      %dma_start3A_194 = arith.constant 0 : i32
      %dma_start3A_195 = arith.constant 0 : i32
      %dma_start3A_196 = tpu.memref_slice %dma_start3A_193[%dma_start3A_194, %dma_start3A_195] : memref<10240x64xf32, #tpu.memory_space<hbm>> -> memref<10240x64xf32, #tpu.memory_space<hbm>>
      tpu.enqueue_indirect_dma source(%dma_start3A_196 : memref<10240x64xf32, #tpu.memory_space<hbm>>) target(%dma_start3A_186 : memref<128x64xf32, #tpu.memory_space<vmem>>) offsets(%dma_start3A_189 : memref<128xi32, #tpu.memory_space<vmem>>) semaphore(%arg14 : memref<!tpu.dma_semaphore, #tpu.memory_space<semaphore_mem>>)
      %scan3A_197 = arith.constant 0 : i32
      %scan3A_198 = arith.constant 0 : i32
      %scan3A_199 = arith.constant 0 : i32
      %scan3A_200 = arith.constant 160 : i32
      %scan3A_201 = arith.addi %scan3A_199, %scan3A_200 : i32
      %scan3A_202 = arith.constant 1 : i32
      %scan3A_203 = scf.for %scan3A_234 = %scan3A_199 to %scan3A_201 step %scan3A_202 iter_args(%scan3A_235 = %scan3A_198) -> (i32)  : i32 {
        %rem3A = arith.constant 5 : i32
        %rem3A_236 = arith.remsi %scan3A_234, %rem3A : i32
        %add3A_237 = arith.constant 3 : i32
        %add3A_238 = arith.addi %scan3A_234, %add3A_237 : i32
        %rem3A_239 = arith.constant 5 : i32
        %rem3A_240 = arith.remsi %add3A_238, %rem3A_239 : i32
        %add3A_241 = arith.constant 3 : i32
        %add3A_242 = arith.addi %scan3A_234, %add3A_241 : i32
        %ge3A = arith.constant 5 : i32
        %ge3A_243 = arith.cmpi sge, %add3A_242, %ge3A : i32
        %convert_element_type3A_244 = arith.extui %ge3A_243 : i1 to i32
        %cond3A_245 = arith.constant 0 : i32
        %cond3A_246 = arith.cmpi ne, %convert_element_type3A_244, %cond3A_245 : i32
        scf.if %cond3A_246 {
          %dma_wait3A_290 = arith.constant 0 : i32
          %dma_wait3A_291 = arith.constant 0 : i32
          %dma_wait3A_292 = arith.constant 0 : i32
          %dma_wait3A_293 = arith.constant 0 : i32
          %dma_wait3A_294 = tpu.memref_slice %arg9[%dma_wait3A_290, %dma_wait3A_292, %dma_wait3A_293] : memref<5x128x64xf32, #tpu.memory_space<vmem>> -> memref<1x128x64xf32, #tpu.memory_space<vmem>>
          %dma_wait3A_295 = tpu.memref_squeeze %dma_wait3A_294 : memref<1x128x64xf32, #tpu.memory_space<vmem>> -> memref<128x64xf32, #tpu.memory_space<vmem>>
          %dma_wait3A_296 = arith.constant 0 : i32
          %dma_wait3A_297 = tpu.memref_slice %arg8[%dma_wait3A_291, %dma_wait3A_296] : memref<160x128xi32, #tpu.memory_space<vmem>> -> memref<1x128xi32, #tpu.memory_space<vmem>>
          %dma_wait3A_298 = tpu.memref_squeeze %dma_wait3A_297 : memref<1x128xi32, #tpu.memory_space<vmem>> -> memref<128xi32, #tpu.memory_space<vmem>>
          %dma_wait3A_299 = arith.constant 0 : i32
          %dma_wait3A_300 = arith.constant 0 : i32
          %dma_wait3A_301 = tpu.memref_slice %arg12[%dma_wait3A_299, %dma_wait3A_300] : memref<10240x64xf32, #tpu.memory_space<vmem_shared>> -> memref<10240x64xf32, #tpu.memory_space<vmem_shared>>
          tpu.wait_indirect_dma semaphore(%arg15 : memref<!tpu.dma_semaphore, #tpu.memory_space<semaphore_mem>>) src(%dma_wait3A_295 : memref<128x64xf32, #tpu.memory_space<vmem>>) dst(%dma_wait3A_301 : memref<10240x64xf32, #tpu.memory_space<vmem_shared>>)
        } else {
        }
        %dma_wait3A_247 = arith.constant 0 : i32
        %dma_wait3A_248 = arith.constant 0 : i32
        %dma_wait3A_249 = arith.constant 0 : i32
        %dma_wait3A_250 = arith.constant 0 : i32
        %dma_wait3A_251 = tpu.memref_slice %arg9[%dma_wait3A_248, %dma_wait3A_249, %dma_wait3A_250] : memref<5x128x64xf32, #tpu.memory_space<vmem>> -> memref<1x128x64xf32, #tpu.memory_space<vmem>>
        %dma_wait3A_252 = tpu.memref_squeeze %dma_wait3A_251 : memref<1x128x64xf32, #tpu.memory_space<vmem>> -> memref<128x64xf32, #tpu.memory_space<vmem>>
        %dma_wait3A_253 = arith.constant 0 : i32
        %dma_wait3A_254 = tpu.memref_slice %arg7[%dma_wait3A_247, %dma_wait3A_253] : memref<160x128xi32, #tpu.memory_space<vmem>> -> memref<1x128xi32, #tpu.memory_space<vmem>>
        %dma_wait3A_255 = tpu.memref_squeeze %dma_wait3A_254 : memref<1x128xi32, #tpu.memory_space<vmem>> -> memref<128xi32, #tpu.memory_space<vmem>>
        %dma_wait3A_256 = arith.constant 0 : i32
        %dma_wait3A_257 = arith.constant 0 : i32
        %dma_wait3A_258 = tpu.memref_slice %arg2[%scan3A_197, %dma_wait3A_256, %dma_wait3A_257] : memref<2x10240x64xf32, #tpu.memory_space<hbm>> -> memref<1x10240x64xf32, #tpu.memory_space<hbm>>
        %dma_wait3A_259 = tpu.memref_squeeze %dma_wait3A_258 : memref<1x10240x64xf32, #tpu.memory_space<hbm>> -> memref<10240x64xf32, #tpu.memory_space<hbm>>
        %dma_wait3A_260 = arith.constant 0 : i32
        %dma_wait3A_261 = arith.constant 0 : i32
        %dma_wait3A_262 = tpu.memref_slice %dma_wait3A_259[%dma_wait3A_260, %dma_wait3A_261] : memref<10240x64xf32, #tpu.memory_space<hbm>> -> memref<10240x64xf32, #tpu.memory_space<hbm>>
        tpu.wait_indirect_dma semaphore(%arg14 : memref<!tpu.dma_semaphore, #tpu.memory_space<semaphore_mem>>) src(%dma_wait3A_262 : memref<10240x64xf32, #tpu.memory_space<hbm>>) dst(%dma_wait3A_252 : memref<128x64xf32, #tpu.memory_space<vmem>>)
        %add3A_263 = arith.constant 3 : i32
        %add3A_264 = arith.addi %scan3A_234, %add3A_263 : i32
        %lt3A = arith.constant 160 : i32
        %lt3A_265 = arith.cmpi slt, %add3A_264, %lt3A : i32
        %convert_element_type3A_266 = arith.extui %lt3A_265 : i1 to i32
        %cond3A_267 = arith.constant 0 : i32
        %cond3A_268 = arith.cmpi ne, %convert_element_type3A_266, %cond3A_267 : i32
        scf.if %cond3A_268 {
          %add3A_290 = arith.constant 3 : i32
          %add3A_291 = arith.addi %scan3A_234, %add3A_290 : i32
          %dma_start3A_292 = arith.constant 0 : i32
          %dma_start3A_293 = arith.constant 0 : i32
          %dma_start3A_294 = tpu.memref_slice %arg9[%rem3A_240, %dma_start3A_292, %dma_start3A_293] : memref<5x128x64xf32, #tpu.memory_space<vmem>> -> memref<1x128x64xf32, #tpu.memory_space<vmem>>
          %dma_start3A_295 = tpu.memref_squeeze %dma_start3A_294 : memref<1x128x64xf32, #tpu.memory_space<vmem>> -> memref<128x64xf32, #tpu.memory_space<vmem>>
          %dma_start3A_296 = arith.constant 0 : i32
          %dma_start3A_297 = tpu.memref_slice %arg7[%add3A_291, %dma_start3A_296] : memref<160x128xi32, #tpu.memory_space<vmem>> -> memref<1x128xi32, #tpu.memory_space<vmem>>
          %dma_start3A_298 = tpu.memref_squeeze %dma_start3A_297 : memref<1x128xi32, #tpu.memory_space<vmem>> -> memref<128xi32, #tpu.memory_space<vmem>>
          %dma_start3A_299 = arith.constant 0 : i32
          %dma_start3A_300 = arith.constant 0 : i32
          %dma_start3A_301 = tpu.memref_slice %arg2[%scan3A_197, %dma_start3A_299, %dma_start3A_300] : memref<2x10240x64xf32, #tpu.memory_space<hbm>> -> memref<1x10240x64xf32, #tpu.memory_space<hbm>>
          %dma_start3A_302 = tpu.memref_squeeze %dma_start3A_301 : memref<1x10240x64xf32, #tpu.memory_space<hbm>> -> memref<10240x64xf32, #tpu.memory_space<hbm>>
          %dma_start3A_303 = arith.constant 0 : i32
          %dma_start3A_304 = arith.constant 0 : i32
          %dma_start3A_305 = tpu.memref_slice %dma_start3A_302[%dma_start3A_303, %dma_start3A_304] : memref<10240x64xf32, #tpu.memory_space<hbm>> -> memref<10240x64xf32, #tpu.memory_space<hbm>>
          tpu.enqueue_indirect_dma source(%dma_start3A_305 : memref<10240x64xf32, #tpu.memory_space<hbm>>) target(%dma_start3A_295 : memref<128x64xf32, #tpu.memory_space<vmem>>) offsets(%dma_start3A_298 : memref<128xi32, #tpu.memory_space<vmem>>) semaphore(%arg14 : memref<!tpu.dma_semaphore, #tpu.memory_space<semaphore_mem>>)
        } else {
        }
        %dma_start3A_269 = arith.constant 0 : i32
        %dma_start3A_270 = arith.constant 0 : i32
        %dma_start3A_271 = tpu.memref_slice %arg9[%rem3A_236, %dma_start3A_269, %dma_start3A_270] : memref<5x128x64xf32, #tpu.memory_space<vmem>> -> memref<1x128x64xf32, #tpu.memory_space<vmem>>
        %dma_start3A_272 = tpu.memref_squeeze %dma_start3A_271 : memref<1x128x64xf32, #tpu.memory_space<vmem>> -> memref<128x64xf32, #tpu.memory_space<vmem>>
        %dma_start3A_273 = arith.constant 0 : i32
        %dma_start3A_274 = tpu.memref_slice %arg8[%scan3A_234, %dma_start3A_273] : memref<160x128xi32, #tpu.memory_space<vmem>> -> memref<1x128xi32, #tpu.memory_space<vmem>>
        %dma_start3A_275 = tpu.memref_squeeze %dma_start3A_274 : memref<1x128xi32, #tpu.memory_space<vmem>> -> memref<128xi32, #tpu.memory_space<vmem>>
        %dma_start3A_276 = arith.constant 0 : i32
        %dma_start3A_277 = arith.constant 0 : i32
        %dma_start3A_278 = tpu.memref_slice %arg12[%dma_start3A_276, %dma_start3A_277] : memref<10240x64xf32, #tpu.memory_space<vmem_shared>> -> memref<10240x64xf32, #tpu.memory_space<vmem_shared>>
        tpu.enqueue_indirect_dma source(%dma_start3A_272 : memref<128x64xf32, #tpu.memory_space<vmem>>) target(%dma_start3A_278 : memref<10240x64xf32, #tpu.memory_space<vmem_shared>>) offsets(%dma_start3A_275 : memref<128xi32, #tpu.memory_space<vmem>>) semaphore(%arg15 : memref<!tpu.dma_semaphore, #tpu.memory_space<semaphore_mem>>) {add = true}
        %ge3A_279 = arith.constant 1 : i32
        %ge3A_280 = arith.cmpi sge, %scan3A_234, %ge3A_279 : i32
        %convert_element_type3A_281 = arith.extui %ge3A_280 : i1 to i32
        %cond3A_282 = arith.constant 0 : i32
        %cond3A_283 = arith.cmpi ne, %convert_element_type3A_281, %cond3A_282 : i32
        scf.if %cond3A_283 {
          %dma_wait3A_290 = arith.constant 0 : i32
          %dma_wait3A_291 = arith.constant 0 : i32
          %dma_wait3A_292 = tpu.memref_slice %arg8[%dma_wait3A_290, %dma_wait3A_291] : memref<160x128xi32, #tpu.memory_space<vmem>> -> memref<1x128xi32, #tpu.memory_space<vmem>>
          %dma_wait3A_293 = tpu.memref_squeeze %dma_wait3A_292 : memref<1x128xi32, #tpu.memory_space<vmem>> -> memref<128xi32, #tpu.memory_space<vmem>>
          %dma_wait3A_294 = arith.constant 0 : i32
          %dma_wait3A_295 = tpu.memref_slice %arg13[%dma_wait3A_294] : memref<10240xf32, #tpu.memory_space<vmem_shared>> -> memref<10240xf32, #tpu.memory_space<vmem_shared>>
          tpu.wait_indirect_dma semaphore(%arg16 : memref<!tpu.dma_semaphore, #tpu.memory_space<semaphore_mem>>) src(%arg10 : memref<128xf32, #tpu.memory_space<vmem>>) dst(%dma_wait3A_295 : memref<10240xf32, #tpu.memory_space<vmem_shared>>)
        } else {
        }
        %dma_start3A_284 = arith.constant 0 : i32
        %dma_start3A_285 = tpu.memref_slice %arg8[%scan3A_234, %dma_start3A_284] : memref<160x128xi32, #tpu.memory_space<vmem>> -> memref<1x128xi32, #tpu.memory_space<vmem>>
        %dma_start3A_286 = tpu.memref_squeeze %dma_start3A_285 : memref<1x128xi32, #tpu.memory_space<vmem>> -> memref<128xi32, #tpu.memory_space<vmem>>
        %dma_start3A_287 = arith.constant 0 : i32
        %dma_start3A_288 = tpu.memref_slice %arg13[%dma_start3A_287] : memref<10240xf32, #tpu.memory_space<vmem_shared>> -> memref<10240xf32, #tpu.memory_space<vmem_shared>>
        tpu.enqueue_indirect_dma source(%arg10 : memref<128xf32, #tpu.memory_space<vmem>>) target(%dma_start3A_288 : memref<10240xf32, #tpu.memory_space<vmem_shared>>) offsets(%dma_start3A_286 : memref<128xi32, #tpu.memory_space<vmem>>) semaphore(%arg16 : memref<!tpu.dma_semaphore, #tpu.memory_space<semaphore_mem>>) {add = true}
        %scan3A_289 = arith.constant 0 : i32
        scf.yield %scan3A_289 : i32
      }
      %scan3A_204 = arith.constant 160 : i32
      %dma_wait3A = arith.constant 0 : i32
      %dma_wait3A_205 = arith.constant 0 : i32
      %dma_wait3A_206 = arith.constant 0 : i32
      %dma_wait3A_207 = arith.constant 0 : i32
      %dma_wait3A_208 = tpu.memref_slice %arg9[%dma_wait3A, %dma_wait3A_206, %dma_wait3A_207] : memref<5x128x64xf32, #tpu.memory_space<vmem>> -> memref<1x128x64xf32, #tpu.memory_space<vmem>>
      %dma_wait3A_209 = tpu.memref_squeeze %dma_wait3A_208 : memref<1x128x64xf32, #tpu.memory_space<vmem>> -> memref<128x64xf32, #tpu.memory_space<vmem>>
      %dma_wait3A_210 = arith.constant 0 : i32
      %dma_wait3A_211 = tpu.memref_slice %arg8[%dma_wait3A_205, %dma_wait3A_210] : memref<160x128xi32, #tpu.memory_space<vmem>> -> memref<1x128xi32, #tpu.memory_space<vmem>>
      %dma_wait3A_212 = tpu.memref_squeeze %dma_wait3A_211 : memref<1x128xi32, #tpu.memory_space<vmem>> -> memref<128xi32, #tpu.memory_space<vmem>>
      %dma_wait3A_213 = arith.constant 0 : i32
      %dma_wait3A_214 = arith.constant 0 : i32
      %dma_wait3A_215 = tpu.memref_slice %arg12[%dma_wait3A_213, %dma_wait3A_214] : memref<10240x64xf32, #tpu.memory_space<vmem_shared>> -> memref<10240x64xf32, #tpu.memory_space<vmem_shared>>
      tpu.wait_indirect_dma semaphore(%arg15 : memref<!tpu.dma_semaphore, #tpu.memory_space<semaphore_mem>>) src(%dma_wait3A_209 : memref<128x64xf32, #tpu.memory_space<vmem>>) dst(%dma_wait3A_215 : memref<10240x64xf32, #tpu.memory_space<vmem_shared>>)
      %dma_wait3A_216 = arith.constant 0 : i32
      %dma_wait3A_217 = arith.constant 0 : i32
      %dma_wait3A_218 = arith.constant 0 : i32
      %dma_wait3A_219 = arith.constant 0 : i32
      %dma_wait3A_220 = tpu.memref_slice %arg9[%dma_wait3A_216, %dma_wait3A_218, %dma_wait3A_219] : memref<5x128x64xf32, #tpu.memory_space<vmem>> -> memref<1x128x64xf32, #tpu.memory_space<vmem>>
      %dma_wait3A_221 = tpu.memref_squeeze %dma_wait3A_220 : memref<1x128x64xf32, #tpu.memory_space<vmem>> -> memref<128x64xf32, #tpu.memory_space<vmem>>
      %dma_wait3A_222 = arith.constant 0 : i32
      %dma_wait3A_223 = tpu.memref_slice %arg8[%dma_wait3A_217, %dma_wait3A_222] : memref<160x128xi32, #tpu.memory_space<vmem>> -> memref<1x128xi32, #tpu.memory_space<vmem>>
      %dma_wait3A_224 = tpu.memref_squeeze %dma_wait3A_223 : memref<1x128xi32, #tpu.memory_space<vmem>> -> memref<128xi32, #tpu.memory_space<vmem>>
      %dma_wait3A_225 = arith.constant 0 : i32
      %dma_wait3A_226 = arith.constant 0 : i32
      %dma_wait3A_227 = tpu.memref_slice %arg12[%dma_wait3A_225, %dma_wait3A_226] : memref<10240x64xf32, #tpu.memory_space<vmem_shared>> -> memref<10240x64xf32, #tpu.memory_space<vmem_shared>>
      tpu.wait_indirect_dma semaphore(%arg15 : memref<!tpu.dma_semaphore, #tpu.memory_space<semaphore_mem>>) src(%dma_wait3A_221 : memref<128x64xf32, #tpu.memory_space<vmem>>) dst(%dma_wait3A_227 : memref<10240x64xf32, #tpu.memory_space<vmem_shared>>)
      %dma_wait3A_228 = arith.constant 0 : i32
      %dma_wait3A_229 = arith.constant 0 : i32
      %dma_wait3A_230 = tpu.memref_slice %arg8[%dma_wait3A_228, %dma_wait3A_229] : memref<160x128xi32, #tpu.memory_space<vmem>> -> memref<1x128xi32, #tpu.memory_space<vmem>>
      %dma_wait3A_231 = tpu.memref_squeeze %dma_wait3A_230 : memref<1x128xi32, #tpu.memory_space<vmem>> -> memref<128xi32, #tpu.memory_space<vmem>>
      %dma_wait3A_232 = arith.constant 0 : i32
      %dma_wait3A_233 = tpu.memref_slice %arg13[%dma_wait3A_232] : memref<10240xf32, #tpu.memory_space<vmem_shared>> -> memref<10240xf32, #tpu.memory_space<vmem_shared>>
      tpu.wait_indirect_dma semaphore(%arg16 : memref<!tpu.dma_semaphore, #tpu.memory_space<semaphore_mem>>) src(%arg10 : memref<128xf32, #tpu.memory_space<vmem>>) dst(%dma_wait3A_233 : memref<10240xf32, #tpu.memory_space<vmem_shared>>)
    } else {
    }
    %eq3A_116 = arith.constant 1 : i32
    %eq3A_117 = arith.cmpi eq, %arg0, %eq3A_116 : i32
    %convert_element_type3A_118 = arith.extui %eq3A_117 : i1 to i32
    %cond3A_119 = arith.constant 0 : i32
    %cond3A_120 = arith.cmpi ne, %convert_element_type3A_118, %cond3A_119 : i32
    scf.if %cond3A_120 {
      %dma_start3A = arith.constant 1 : i32
      %dma_start3A_147 = arith.constant 0 : i32
      %dma_start3A_148 = arith.constant 0 : i32
      %dma_start3A_149 = arith.constant 0 : i32
      %dma_start3A_150 = arith.constant 0 : i32
      %dma_start3A_151 = tpu.memref_slice %arg9[%dma_start3A_148, %dma_start3A_149, %dma_start3A_150] : memref<5x128x64xf32, #tpu.memory_space<vmem>> -> memref<1x128x64xf32, #tpu.memory_space<vmem>>
      %dma_start3A_152 = tpu.memref_squeeze %dma_start3A_151 : memref<1x128x64xf32, #tpu.memory_space<vmem>> -> memref<128x64xf32, #tpu.memory_space<vmem>>
      %dma_start3A_153 = arith.constant 0 : i32
      %dma_start3A_154 = tpu.memref_slice %arg7[%dma_start3A_147, %dma_start3A_153] : memref<160x128xi32, #tpu.memory_space<vmem>> -> memref<1x128xi32, #tpu.memory_space<vmem>>
      %dma_start3A_155 = tpu.memref_squeeze %dma_start3A_154 : memref<1x128xi32, #tpu.memory_space<vmem>> -> memref<128xi32, #tpu.memory_space<vmem>>
      %dma_start3A_156 = arith.constant 0 : i32
      %dma_start3A_157 = arith.constant 0 : i32
      %dma_start3A_158 = tpu.memref_slice %arg2[%dma_start3A, %dma_start3A_156, %dma_start3A_157] : memref<2x10240x64xf32, #tpu.memory_space<hbm>> -> memref<1x10240x64xf32, #tpu.memory_space<hbm>>
      %dma_start3A_159 = tpu.memref_squeeze %dma_start3A_158 : memref<1x10240x64xf32, #tpu.memory_space<hbm>> -> memref<10240x64xf32, #tpu.memory_space<hbm>>
      %dma_start3A_160 = arith.constant 0 : i32
      %dma_start3A_161 = arith.constant 0 : i32
      %dma_start3A_162 = tpu.memref_slice %dma_start3A_159[%dma_start3A_160, %dma_start3A_161] : memref<10240x64xf32, #tpu.memory_space<hbm>> -> memref<10240x64xf32, #tpu.memory_space<hbm>>
      tpu.enqueue_indirect_dma source(%dma_start3A_162 : memref<10240x64xf32, #tpu.memory_space<hbm>>) target(%dma_start3A_152 : memref<128x64xf32, #tpu.memory_space<vmem>>) offsets(%dma_start3A_155 : memref<128xi32, #tpu.memory_space<vmem>>) semaphore(%arg14 : memref<!tpu.dma_semaphore, #tpu.memory_space<semaphore_mem>>)
      %dma_start3A_163 = arith.constant 1 : i32
      %dma_start3A_164 = arith.constant 1 : i32
      %dma_start3A_165 = arith.constant 1 : i32
      %dma_start3A_166 = arith.constant 0 : i32
      %dma_start3A_167 = arith.constant 0 : i32
      %dma_start3A_168 = tpu.memref_slice %arg9[%dma_start3A_165, %dma_start3A_166, %dma_start3A_167] : memref<5x128x64xf32, #tpu.memory_space<vmem>> -> memref<1x128x64xf32, #tpu.memory_space<vmem>>
      %dma_start3A_169 = tpu.memref_squeeze %dma_start3A_168 : memref<1x128x64xf32, #tpu.memory_space<vmem>> -> memref<128x64xf32, #tpu.memory_space<vmem>>
      %dma_start3A_170 = arith.constant 0 : i32
      %dma_start3A_171 = tpu.memref_slice %arg7[%dma_start3A_164, %dma_start3A_170] : memref<160x128xi32, #tpu.memory_space<vmem>> -> memref<1x128xi32, #tpu.memory_space<vmem>>
      %dma_start3A_172 = tpu.memref_squeeze %dma_start3A_171 : memref<1x128xi32, #tpu.memory_space<vmem>> -> memref<128xi32, #tpu.memory_space<vmem>>
      %dma_start3A_173 = arith.constant 0 : i32
      %dma_start3A_174 = arith.constant 0 : i32
      %dma_start3A_175 = tpu.memref_slice %arg2[%dma_start3A_163, %dma_start3A_173, %dma_start3A_174] : memref<2x10240x64xf32, #tpu.memory_space<hbm>> -> memref<1x10240x64xf32, #tpu.memory_space<hbm>>
      %dma_start3A_176 = tpu.memref_squeeze %dma_start3A_175 : memref<1x10240x64xf32, #tpu.memory_space<hbm>> -> memref<10240x64xf32, #tpu.memory_space<hbm>>
      %dma_start3A_177 = arith.constant 0 : i32
      %dma_start3A_178 = arith.constant 0 : i32
      %dma_start3A_179 = tpu.memref_slice %dma_start3A_176[%dma_start3A_177, %dma_start3A_178] : memref<10240x64xf32, #tpu.memory_space<hbm>> -> memref<10240x64xf32, #tpu.memory_space<hbm>>
      tpu.enqueue_indirect_dma source(%dma_start3A_179 : memref<10240x64xf32, #tpu.memory_space<hbm>>) target(%dma_start3A_169 : memref<128x64xf32, #tpu.memory_space<vmem>>) offsets(%dma_start3A_172 : memref<128xi32, #tpu.memory_space<vmem>>) semaphore(%arg14 : memref<!tpu.dma_semaphore, #tpu.memory_space<semaphore_mem>>)
      %dma_start3A_180 = arith.constant 1 : i32
      %dma_start3A_181 = arith.constant 2 : i32
      %dma_start3A_182 = arith.constant 2 : i32
      %dma_start3A_183 = arith.constant 0 : i32
      %dma_start3A_184 = arith.constant 0 : i32
      %dma_start3A_185 = tpu.memref_slice %arg9[%dma_start3A_182, %dma_start3A_183, %dma_start3A_184] : memref<5x128x64xf32, #tpu.memory_space<vmem>> -> memref<1x128x64xf32, #tpu.memory_space<vmem>>
      %dma_start3A_186 = tpu.memref_squeeze %dma_start3A_185 : memref<1x128x64xf32, #tpu.memory_space<vmem>> -> memref<128x64xf32, #tpu.memory_space<vmem>>
      %dma_start3A_187 = arith.constant 0 : i32
      %dma_start3A_188 = tpu.memref_slice %arg7[%dma_start3A_181, %dma_start3A_187] : memref<160x128xi32, #tpu.memory_space<vmem>> -> memref<1x128xi32, #tpu.memory_space<vmem>>
      %dma_start3A_189 = tpu.memref_squeeze %dma_start3A_188 : memref<1x128xi32, #tpu.memory_space<vmem>> -> memref<128xi32, #tpu.memory_space<vmem>>
      %dma_start3A_190 = arith.constant 0 : i32
      %dma_start3A_191 = arith.constant 0 : i32
      %dma_start3A_192 = tpu.memref_slice %arg2[%dma_start3A_180, %dma_start3A_190, %dma_start3A_191] : memref<2x10240x64xf32, #tpu.memory_space<hbm>> -> memref<1x10240x64xf32, #tpu.memory_space<hbm>>
      %dma_start3A_193 = tpu.memref_squeeze %dma_start3A_192 : memref<1x10240x64xf32, #tpu.memory_space<hbm>> -> memref<10240x64xf32, #tpu.memory_space<hbm>>
      %dma_start3A_194 = arith.constant 0 : i32
      %dma_start3A_195 = arith.constant 0 : i32
      %dma_start3A_196 = tpu.memref_slice %dma_start3A_193[%dma_start3A_194, %dma_start3A_195] : memref<10240x64xf32, #tpu.memory_space<hbm>> -> memref<10240x64xf32, #tpu.memory_space<hbm>>
      tpu.enqueue_indirect_dma source(%dma_start3A_196 : memref<10240x64xf32, #tpu.memory_space<hbm>>) target(%dma_start3A_186 : memref<128x64xf32, #tpu.memory_space<vmem>>) offsets(%dma_start3A_189 : memref<128xi32, #tpu.memory_space<vmem>>) semaphore(%arg14 : memref<!tpu.dma_semaphore, #tpu.memory_space<semaphore_mem>>)
      %scan3A_197 = arith.constant 1 : i32
      %scan3A_198 = arith.constant 0 : i32
      %scan3A_199 = arith.constant 0 : i32
      %scan3A_200 = arith.constant 160 : i32
      %scan3A_201 = arith.addi %scan3A_199, %scan3A_200 : i32
      %scan3A_202 = arith.constant 1 : i32
      %scan3A_203 = scf.for %scan3A_228 = %scan3A_199 to %scan3A_201 step %scan3A_202 iter_args(%scan3A_229 = %scan3A_198) -> (i32)  : i32 {
        %rem3A = arith.constant 5 : i32
        %rem3A_230 = arith.remsi %scan3A_228, %rem3A : i32
        %add3A_231 = arith.constant 3 : i32
        %add3A_232 = arith.addi %scan3A_228, %add3A_231 : i32
        %rem3A_233 = arith.constant 5 : i32
        %rem3A_234 = arith.remsi %add3A_232, %rem3A_233 : i32
        %add3A_235 = arith.constant 3 : i32
        %add3A_236 = arith.addi %scan3A_228, %add3A_235 : i32
        %ge3A = arith.constant 5 : i32
        %ge3A_237 = arith.cmpi sge, %add3A_236, %ge3A : i32
        %convert_element_type3A_238 = arith.extui %ge3A_237 : i1 to i32
        %cond3A_239 = arith.constant 0 : i32
        %cond3A_240 = arith.cmpi ne, %convert_element_type3A_238, %cond3A_239 : i32
        scf.if %cond3A_240 {
          %dma_wait3A_274 = arith.constant 0 : i32
          %dma_wait3A_275 = arith.constant 0 : i32
          %dma_wait3A_276 = arith.constant 0 : i32
          %dma_wait3A_277 = arith.constant 0 : i32
          %dma_wait3A_278 = tpu.memref_slice %arg9[%dma_wait3A_274, %dma_wait3A_276, %dma_wait3A_277] : memref<5x128x64xf32, #tpu.memory_space<vmem>> -> memref<1x128x64xf32, #tpu.memory_space<vmem>>
          %dma_wait3A_279 = tpu.memref_squeeze %dma_wait3A_278 : memref<1x128x64xf32, #tpu.memory_space<vmem>> -> memref<128x64xf32, #tpu.memory_space<vmem>>
          %dma_wait3A_280 = arith.constant 0 : i32
          %dma_wait3A_281 = tpu.memref_slice %arg8[%dma_wait3A_275, %dma_wait3A_280] : memref<160x128xi32, #tpu.memory_space<vmem>> -> memref<1x128xi32, #tpu.memory_space<vmem>>
          %dma_wait3A_282 = tpu.memref_squeeze %dma_wait3A_281 : memref<1x128xi32, #tpu.memory_space<vmem>> -> memref<128xi32, #tpu.memory_space<vmem>>
          %dma_wait3A_283 = arith.constant 0 : i32
          %dma_wait3A_284 = arith.constant 0 : i32
          %dma_wait3A_285 = tpu.memref_slice %arg12[%dma_wait3A_283, %dma_wait3A_284] : memref<10240x64xf32, #tpu.memory_space<vmem_shared>> -> memref<10240x64xf32, #tpu.memory_space<vmem_shared>>
          tpu.wait_indirect_dma semaphore(%arg15 : memref<!tpu.dma_semaphore, #tpu.memory_space<semaphore_mem>>) src(%dma_wait3A_279 : memref<128x64xf32, #tpu.memory_space<vmem>>) dst(%dma_wait3A_285 : memref<10240x64xf32, #tpu.memory_space<vmem_shared>>)
        } else {
        }
        %dma_wait3A_241 = arith.constant 0 : i32
        %dma_wait3A_242 = arith.constant 0 : i32
        %dma_wait3A_243 = arith.constant 0 : i32
        %dma_wait3A_244 = arith.constant 0 : i32
        %dma_wait3A_245 = tpu.memref_slice %arg9[%dma_wait3A_242, %dma_wait3A_243, %dma_wait3A_244] : memref<5x128x64xf32, #tpu.memory_space<vmem>> -> memref<1x128x64xf32, #tpu.memory_space<vmem>>
        %dma_wait3A_246 = tpu.memref_squeeze %dma_wait3A_245 : memref<1x128x64xf32, #tpu.memory_space<vmem>> -> memref<128x64xf32, #tpu.memory_space<vmem>>
        %dma_wait3A_247 = arith.constant 0 : i32
        %dma_wait3A_248 = tpu.memref_slice %arg7[%dma_wait3A_241, %dma_wait3A_247] : memref<160x128xi32, #tpu.memory_space<vmem>> -> memref<1x128xi32, #tpu.memory_space<vmem>>
        %dma_wait3A_249 = tpu.memref_squeeze %dma_wait3A_248 : memref<1x128xi32, #tpu.memory_space<vmem>> -> memref<128xi32, #tpu.memory_space<vmem>>
        %dma_wait3A_250 = arith.constant 0 : i32
        %dma_wait3A_251 = arith.constant 0 : i32
        %dma_wait3A_252 = tpu.memref_slice %arg2[%scan3A_197, %dma_wait3A_250, %dma_wait3A_251] : memref<2x10240x64xf32, #tpu.memory_space<hbm>> -> memref<1x10240x64xf32, #tpu.memory_space<hbm>>
        %dma_wait3A_253 = tpu.memref_squeeze %dma_wait3A_252 : memref<1x10240x64xf32, #tpu.memory_space<hbm>> -> memref<10240x64xf32, #tpu.memory_space<hbm>>
        %dma_wait3A_254 = arith.constant 0 : i32
        %dma_wait3A_255 = arith.constant 0 : i32
        %dma_wait3A_256 = tpu.memref_slice %dma_wait3A_253[%dma_wait3A_254, %dma_wait3A_255] : memref<10240x64xf32, #tpu.memory_space<hbm>> -> memref<10240x64xf32, #tpu.memory_space<hbm>>
        tpu.wait_indirect_dma semaphore(%arg14 : memref<!tpu.dma_semaphore, #tpu.memory_space<semaphore_mem>>) src(%dma_wait3A_256 : memref<10240x64xf32, #tpu.memory_space<hbm>>) dst(%dma_wait3A_246 : memref<128x64xf32, #tpu.memory_space<vmem>>)
        %add3A_257 = arith.constant 3 : i32
        %add3A_258 = arith.addi %scan3A_228, %add3A_257 : i32
        %lt3A = arith.constant 160 : i32
        %lt3A_259 = arith.cmpi slt, %add3A_258, %lt3A : i32
        %convert_element_type3A_260 = arith.extui %lt3A_259 : i1 to i32
        %cond3A_261 = arith.constant 0 : i32
        %cond3A_262 = arith.cmpi ne, %convert_element_type3A_260, %cond3A_261 : i32
        scf.if %cond3A_262 {
          %add3A_274 = arith.constant 3 : i32
          %add3A_275 = arith.addi %scan3A_228, %add3A_274 : i32
          %dma_start3A_276 = arith.constant 0 : i32
          %dma_start3A_277 = arith.constant 0 : i32
          %dma_start3A_278 = tpu.memref_slice %arg9[%rem3A_234, %dma_start3A_276, %dma_start3A_277] : memref<5x128x64xf32, #tpu.memory_space<vmem>> -> memref<1x128x64xf32, #tpu.memory_space<vmem>>
          %dma_start3A_279 = tpu.memref_squeeze %dma_start3A_278 : memref<1x128x64xf32, #tpu.memory_space<vmem>> -> memref<128x64xf32, #tpu.memory_space<vmem>>
          %dma_start3A_280 = arith.constant 0 : i32
          %dma_start3A_281 = tpu.memref_slice %arg7[%add3A_275, %dma_start3A_280] : memref<160x128xi32, #tpu.memory_space<vmem>> -> memref<1x128xi32, #tpu.memory_space<vmem>>
          %dma_start3A_282 = tpu.memref_squeeze %dma_start3A_281 : memref<1x128xi32, #tpu.memory_space<vmem>> -> memref<128xi32, #tpu.memory_space<vmem>>
          %dma_start3A_283 = arith.constant 0 : i32
          %dma_start3A_284 = arith.constant 0 : i32
          %dma_start3A_285 = tpu.memref_slice %arg2[%scan3A_197, %dma_start3A_283, %dma_start3A_284] : memref<2x10240x64xf32, #tpu.memory_space<hbm>> -> memref<1x10240x64xf32, #tpu.memory_space<hbm>>
          %dma_start3A_286 = tpu.memref_squeeze %dma_start3A_285 : memref<1x10240x64xf32, #tpu.memory_space<hbm>> -> memref<10240x64xf32, #tpu.memory_space<hbm>>
          %dma_start3A_287 = arith.constant 0 : i32
          %dma_start3A_288 = arith.constant 0 : i32
          %dma_start3A_289 = tpu.memref_slice %dma_start3A_286[%dma_start3A_287, %dma_start3A_288] : memref<10240x64xf32, #tpu.memory_space<hbm>> -> memref<10240x64xf32, #tpu.memory_space<hbm>>
          tpu.enqueue_indirect_dma source(%dma_start3A_289 : memref<10240x64xf32, #tpu.memory_space<hbm>>) target(%dma_start3A_279 : memref<128x64xf32, #tpu.memory_space<vmem>>) offsets(%dma_start3A_282 : memref<128xi32, #tpu.memory_space<vmem>>) semaphore(%arg14 : memref<!tpu.dma_semaphore, #tpu.memory_space<semaphore_mem>>)
        } else {
        }
        %dma_start3A_263 = arith.constant 0 : i32
        %dma_start3A_264 = arith.constant 0 : i32
        %dma_start3A_265 = tpu.memref_slice %arg9[%rem3A_230, %dma_start3A_263, %dma_start3A_264] : memref<5x128x64xf32, #tpu.memory_space<vmem>> -> memref<1x128x64xf32, #tpu.memory_space<vmem>>
        %dma_start3A_266 = tpu.memref_squeeze %dma_start3A_265 : memref<1x128x64xf32, #tpu.memory_space<vmem>> -> memref<128x64xf32, #tpu.memory_space<vmem>>
        %dma_start3A_267 = arith.constant 0 : i32
        %dma_start3A_268 = tpu.memref_slice %arg8[%scan3A_228, %dma_start3A_267] : memref<160x128xi32, #tpu.memory_space<vmem>> -> memref<1x128xi32, #tpu.memory_space<vmem>>
        %dma_start3A_269 = tpu.memref_squeeze %dma_start3A_268 : memref<1x128xi32, #tpu.memory_space<vmem>> -> memref<128xi32, #tpu.memory_space<vmem>>
        %dma_start3A_270 = arith.constant 0 : i32
        %dma_start3A_271 = arith.constant 0 : i32
        %dma_start3A_272 = tpu.memref_slice %arg12[%dma_start3A_270, %dma_start3A_271] : memref<10240x64xf32, #tpu.memory_space<vmem_shared>> -> memref<10240x64xf32, #tpu.memory_space<vmem_shared>>
        tpu.enqueue_indirect_dma source(%dma_start3A_266 : memref<128x64xf32, #tpu.memory_space<vmem>>) target(%dma_start3A_272 : memref<10240x64xf32, #tpu.memory_space<vmem_shared>>) offsets(%dma_start3A_269 : memref<128xi32, #tpu.memory_space<vmem>>) semaphore(%arg15 : memref<!tpu.dma_semaphore, #tpu.memory_space<semaphore_mem>>) {add = true}
        %scan3A_273 = arith.constant 0 : i32
        scf.yield %scan3A_273 : i32
      }
      %scan3A_204 = arith.constant 160 : i32
      %dma_wait3A = arith.constant 0 : i32
      %dma_wait3A_205 = arith.constant 0 : i32
      %dma_wait3A_206 = arith.constant 0 : i32
      %dma_wait3A_207 = arith.constant 0 : i32
      %dma_wait3A_208 = tpu.memref_slice %arg9[%dma_wait3A, %dma_wait3A_206, %dma_wait3A_207] : memref<5x128x64xf32, #tpu.memory_space<vmem>> -> memref<1x128x64xf32, #tpu.memory_space<vmem>>
      %dma_wait3A_209 = tpu.memref_squeeze %dma_wait3A_208 : memref<1x128x64xf32, #tpu.memory_space<vmem>> -> memref<128x64xf32, #tpu.memory_space<vmem>>
      %dma_wait3A_210 = arith.constant 0 : i32
      %dma_wait3A_211 = tpu.memref_slice %arg8[%dma_wait3A_205, %dma_wait3A_210] : memref<160x128xi32, #tpu.memory_space<vmem>> -> memref<1x128xi32, #tpu.memory_space<vmem>>
      %dma_wait3A_212 = tpu.memref_squeeze %dma_wait3A_211 : memref<1x128xi32, #tpu.memory_space<vmem>> -> memref<128xi32, #tpu.memory_space<vmem>>
      %dma_wait3A_213 = arith.constant 0 : i32
      %dma_wait3A_214 = arith.constant 0 : i32
      %dma_wait3A_215 = tpu.memref_slice %arg12[%dma_wait3A_213, %dma_wait3A_214] : memref<10240x64xf32, #tpu.memory_space<vmem_shared>> -> memref<10240x64xf32, #tpu.memory_space<vmem_shared>>
      tpu.wait_indirect_dma semaphore(%arg15 : memref<!tpu.dma_semaphore, #tpu.memory_space<semaphore_mem>>) src(%dma_wait3A_209 : memref<128x64xf32, #tpu.memory_space<vmem>>) dst(%dma_wait3A_215 : memref<10240x64xf32, #tpu.memory_space<vmem_shared>>)
      %dma_wait3A_216 = arith.constant 0 : i32
      %dma_wait3A_217 = arith.constant 0 : i32
      %dma_wait3A_218 = arith.constant 0 : i32
      %dma_wait3A_219 = arith.constant 0 : i32
      %dma_wait3A_220 = tpu.memref_slice %arg9[%dma_wait3A_216, %dma_wait3A_218, %dma_wait3A_219] : memref<5x128x64xf32, #tpu.memory_space<vmem>> -> memref<1x128x64xf32, #tpu.memory_space<vmem>>
      %dma_wait3A_221 = tpu.memref_squeeze %dma_wait3A_220 : memref<1x128x64xf32, #tpu.memory_space<vmem>> -> memref<128x64xf32, #tpu.memory_space<vmem>>
      %dma_wait3A_222 = arith.constant 0 : i32
      %dma_wait3A_223 = tpu.memref_slice %arg8[%dma_wait3A_217, %dma_wait3A_222] : memref<160x128xi32, #tpu.memory_space<vmem>> -> memref<1x128xi32, #tpu.memory_space<vmem>>
      %dma_wait3A_224 = tpu.memref_squeeze %dma_wait3A_223 : memref<1x128xi32, #tpu.memory_space<vmem>> -> memref<128xi32, #tpu.memory_space<vmem>>
      %dma_wait3A_225 = arith.constant 0 : i32
      %dma_wait3A_226 = arith.constant 0 : i32
      %dma_wait3A_227 = tpu.memref_slice %arg12[%dma_wait3A_225, %dma_wait3A_226] : memref<10240x64xf32, #tpu.memory_space<vmem_shared>> -> memref<10240x64xf32, #tpu.memory_space<vmem_shared>>
      tpu.wait_indirect_dma semaphore(%arg15 : memref<!tpu.dma_semaphore, #tpu.memory_space<semaphore_mem>>) src(%dma_wait3A_221 : memref<128x64xf32, #tpu.memory_space<vmem>>) dst(%dma_wait3A_227 : memref<10240x64xf32, #tpu.memory_space<vmem_shared>>)
    } else {
    }
    %barrier3A_121 = arith.constant 0 : index
    tpu.barrier barrier_id(%barrier3A_121)
    %mul3A_122 = arith.constant 640 : i32
    %mul3A_123 = arith.muli %arg1, %mul3A_122 : i32
    %add3A_124 = arith.constant 0 : i32
    %add3A_125 = arith.addi %mul3A_123, %add3A_124 : i32
    "tpu.region"() ({
      %run_scoped3A_147 = tpu.sem_alloc : memref<!tpu.dma_semaphore, #tpu.memory_space<semaphore_mem>>
      %dma_start3A = arith.constant 0 : i32
      %dma_start3A_148 = tpu.memref_slice %arg5[%arg0, %add3A_125, %dma_start3A] : memref<2x10240x64xf32, #tpu.memory_space<hbm>> -> memref<1x128x64xf32, #tpu.memory_space<hbm>>
      %dma_start3A_149 = tpu.memref_squeeze %dma_start3A_148 : memref<1x128x64xf32, #tpu.memory_space<hbm>> -> memref<128x64xf32, #tpu.memory_space<hbm>>
      %dma_start3A_150 = arith.constant 0 : i32
      %dma_start3A_151 = tpu.memref_slice %arg12[%add3A_125, %dma_start3A_150] : memref<10240x64xf32, #tpu.memory_space<vmem_shared>> -> memref<128x64xf32, #tpu.memory_space<vmem_shared>>
      tpu.enqueue_dma source(%dma_start3A_151 : memref<128x64xf32, #tpu.memory_space<vmem_shared>>) target(%dma_start3A_149 : memref<128x64xf32, #tpu.memory_space<hbm>>) target_semaphore(%run_scoped3A_147 : memref<!tpu.dma_semaphore, #tpu.memory_space<semaphore_mem>>)
      %dma_wait3A = arith.constant 0 : i32
      %dma_wait3A_152 = tpu.memref_slice %arg5[%arg0, %add3A_125, %dma_wait3A] : memref<2x10240x64xf32, #tpu.memory_space<hbm>> -> memref<1x128x64xf32, #tpu.memory_space<hbm>>
      %dma_wait3A_153 = tpu.memref_squeeze %dma_wait3A_152 : memref<1x128x64xf32, #tpu.memory_space<hbm>> -> memref<128x64xf32, #tpu.memory_space<hbm>>
      %dma_wait3A_154 = arith.constant 0 : i32
      %dma_wait3A_155 = tpu.memref_slice %arg12[%add3A_125, %dma_wait3A_154] : memref<10240x64xf32, #tpu.memory_space<vmem_shared>> -> memref<128x64xf32, #tpu.memory_space<vmem_shared>>
      tpu.wait_dma2 semaphore(%run_scoped3A_147 : memref<!tpu.dma_semaphore, #tpu.memory_space<semaphore_mem>>) src(%dma_wait3A_155 : memref<128x64xf32, #tpu.memory_space<vmem_shared>>) dst(%dma_wait3A_153 : memref<128x64xf32, #tpu.memory_space<hbm>>)
      tpu.yield
    }) : () -> ()
    %mul3A_126 = arith.constant 640 : i32
    %mul3A_127 = arith.muli %arg1, %mul3A_126 : i32
    %add3A_128 = arith.constant 128 : i32
    %add3A_129 = arith.addi %mul3A_127, %add3A_128 : i32
    "tpu.region"() ({
      %run_scoped3A_147 = tpu.sem_alloc : memref<!tpu.dma_semaphore, #tpu.memory_space<semaphore_mem>>
      %dma_start3A = arith.constant 0 : i32
      %dma_start3A_148 = tpu.memref_slice %arg5[%arg0, %add3A_129, %dma_start3A] : memref<2x10240x64xf32, #tpu.memory_space<hbm>> -> memref<1x128x64xf32, #tpu.memory_space<hbm>>
      %dma_start3A_149 = tpu.memref_squeeze %dma_start3A_148 : memref<1x128x64xf32, #tpu.memory_space<hbm>> -> memref<128x64xf32, #tpu.memory_space<hbm>>
      %dma_start3A_150 = arith.constant 0 : i32
      %dma_start3A_151 = tpu.memref_slice %arg12[%add3A_129, %dma_start3A_150] : memref<10240x64xf32, #tpu.memory_space<vmem_shared>> -> memref<128x64xf32, #tpu.memory_space<vmem_shared>>
      tpu.enqueue_dma source(%dma_start3A_151 : memref<128x64xf32, #tpu.memory_space<vmem_shared>>) target(%dma_start3A_149 : memref<128x64xf32, #tpu.memory_space<hbm>>) target_semaphore(%run_scoped3A_147 : memref<!tpu.dma_semaphore, #tpu.memory_space<semaphore_mem>>)
      %dma_wait3A = arith.constant 0 : i32
      %dma_wait3A_152 = tpu.memref_slice %arg5[%arg0, %add3A_129, %dma_wait3A] : memref<2x10240x64xf32, #tpu.memory_space<hbm>> -> memref<1x128x64xf32, #tpu.memory_space<hbm>>
      %dma_wait3A_153 = tpu.memref_squeeze %dma_wait3A_152 : memref<1x128x64xf32, #tpu.memory_space<hbm>> -> memref<128x64xf32, #tpu.memory_space<hbm>>
      %dma_wait3A_154 = arith.constant 0 : i32
      %dma_wait3A_155 = tpu.memref_slice %arg12[%add3A_129, %dma_wait3A_154] : memref<10240x64xf32, #tpu.memory_space<vmem_shared>> -> memref<128x64xf32, #tpu.memory_space<vmem_shared>>
      tpu.wait_dma2 semaphore(%run_scoped3A_147 : memref<!tpu.dma_semaphore, #tpu.memory_space<semaphore_mem>>) src(%dma_wait3A_155 : memref<128x64xf32, #tpu.memory_space<vmem_shared>>) dst(%dma_wait3A_153 : memref<128x64xf32, #tpu.memory_space<hbm>>)
      tpu.yield
    }) : () -> ()
    %mul3A_130 = arith.constant 640 : i32
    %mul3A_131 = arith.muli %arg1, %mul3A_130 : i32
    %add3A_132 = arith.constant 256 : i32
    %add3A_133 = arith.addi %mul3A_131, %add3A_132 : i32
    "tpu.region"() ({
      %run_scoped3A_147 = tpu.sem_alloc : memref<!tpu.dma_semaphore, #tpu.memory_space<semaphore_mem>>
      %dma_start3A = arith.constant 0 : i32
      %dma_start3A_148 = tpu.memref_slice %arg5[%arg0, %add3A_133, %dma_start3A] : memref<2x10240x64xf32, #tpu.memory_space<hbm>> -> memref<1x128x64xf32, #tpu.memory_space<hbm>>
      %dma_start3A_149 = tpu.memref_squeeze %dma_start3A_148 : memref<1x128x64xf32, #tpu.memory_space<hbm>> -> memref<128x64xf32, #tpu.memory_space<hbm>>
      %dma_start3A_150 = arith.constant 0 : i32
      %dma_start3A_151 = tpu.memref_slice %arg12[%add3A_133, %dma_start3A_150] : memref<10240x64xf32, #tpu.memory_space<vmem_shared>> -> memref<128x64xf32, #tpu.memory_space<vmem_shared>>
      tpu.enqueue_dma source(%dma_start3A_151 : memref<128x64xf32, #tpu.memory_space<vmem_shared>>) target(%dma_start3A_149 : memref<128x64xf32, #tpu.memory_space<hbm>>) target_semaphore(%run_scoped3A_147 : memref<!tpu.dma_semaphore, #tpu.memory_space<semaphore_mem>>)
      %dma_wait3A = arith.constant 0 : i32
      %dma_wait3A_152 = tpu.memref_slice %arg5[%arg0, %add3A_133, %dma_wait3A] : memref<2x10240x64xf32, #tpu.memory_space<hbm>> -> memref<1x128x64xf32, #tpu.memory_space<hbm>>
      %dma_wait3A_153 = tpu.memref_squeeze %dma_wait3A_152 : memref<1x128x64xf32, #tpu.memory_space<hbm>> -> memref<128x64xf32, #tpu.memory_space<hbm>>
      %dma_wait3A_154 = arith.constant 0 : i32
      %dma_wait3A_155 = tpu.memref_slice %arg12[%add3A_133, %dma_wait3A_154] : memref<10240x64xf32, #tpu.memory_space<vmem_shared>> -> memref<128x64xf32, #tpu.memory_space<vmem_shared>>
      tpu.wait_dma2 semaphore(%run_scoped3A_147 : memref<!tpu.dma_semaphore, #tpu.memory_space<semaphore_mem>>) src(%dma_wait3A_155 : memref<128x64xf32, #tpu.memory_space<vmem_shared>>) dst(%dma_wait3A_153 : memref<128x64xf32, #tpu.memory_space<hbm>>)
      tpu.yield
    }) : () -> ()
    %mul3A_134 = arith.constant 640 : i32
    %mul3A_135 = arith.muli %arg1, %mul3A_134 : i32
    %add3A_136 = arith.constant 384 : i32
    %add3A_137 = arith.addi %mul3A_135, %add3A_136 : i32
    "tpu.region"() ({
      %run_scoped3A_147 = tpu.sem_alloc : memref<!tpu.dma_semaphore, #tpu.memory_space<semaphore_mem>>
      %dma_start3A = arith.constant 0 : i32
      %dma_start3A_148 = tpu.memref_slice %arg5[%arg0, %add3A_137, %dma_start3A] : memref<2x10240x64xf32, #tpu.memory_space<hbm>> -> memref<1x128x64xf32, #tpu.memory_space<hbm>>
      %dma_start3A_149 = tpu.memref_squeeze %dma_start3A_148 : memref<1x128x64xf32, #tpu.memory_space<hbm>> -> memref<128x64xf32, #tpu.memory_space<hbm>>
      %dma_start3A_150 = arith.constant 0 : i32
      %dma_start3A_151 = tpu.memref_slice %arg12[%add3A_137, %dma_start3A_150] : memref<10240x64xf32, #tpu.memory_space<vmem_shared>> -> memref<128x64xf32, #tpu.memory_space<vmem_shared>>
      tpu.enqueue_dma source(%dma_start3A_151 : memref<128x64xf32, #tpu.memory_space<vmem_shared>>) target(%dma_start3A_149 : memref<128x64xf32, #tpu.memory_space<hbm>>) target_semaphore(%run_scoped3A_147 : memref<!tpu.dma_semaphore, #tpu.memory_space<semaphore_mem>>)
      %dma_wait3A = arith.constant 0 : i32
      %dma_wait3A_152 = tpu.memref_slice %arg5[%arg0, %add3A_137, %dma_wait3A] : memref<2x10240x64xf32, #tpu.memory_space<hbm>> -> memref<1x128x64xf32, #tpu.memory_space<hbm>>
      %dma_wait3A_153 = tpu.memref_squeeze %dma_wait3A_152 : memref<1x128x64xf32, #tpu.memory_space<hbm>> -> memref<128x64xf32, #tpu.memory_space<hbm>>
      %dma_wait3A_154 = arith.constant 0 : i32
      %dma_wait3A_155 = tpu.memref_slice %arg12[%add3A_137, %dma_wait3A_154] : memref<10240x64xf32, #tpu.memory_space<vmem_shared>> -> memref<128x64xf32, #tpu.memory_space<vmem_shared>>
      tpu.wait_dma2 semaphore(%run_scoped3A_147 : memref<!tpu.dma_semaphore, #tpu.memory_space<semaphore_mem>>) src(%dma_wait3A_155 : memref<128x64xf32, #tpu.memory_space<vmem_shared>>) dst(%dma_wait3A_153 : memref<128x64xf32, #tpu.memory_space<hbm>>)
      tpu.yield
    }) : () -> ()
    %mul3A_138 = arith.constant 640 : i32
    %mul3A_139 = arith.muli %arg1, %mul3A_138 : i32
    %add3A_140 = arith.constant 512 : i32
    %add3A_141 = arith.addi %mul3A_139, %add3A_140 : i32
    "tpu.region"() ({
      %run_scoped3A_147 = tpu.sem_alloc : memref<!tpu.dma_semaphore, #tpu.memory_space<semaphore_mem>>
      %dma_start3A = arith.constant 0 : i32
      %dma_start3A_148 = tpu.memref_slice %arg5[%arg0, %add3A_141, %dma_start3A] : memref<2x10240x64xf32, #tpu.memory_space<hbm>> -> memref<1x128x64xf32, #tpu.memory_space<hbm>>
      %dma_start3A_149 = tpu.memref_squeeze %dma_start3A_148 : memref<1x128x64xf32, #tpu.memory_space<hbm>> -> memref<128x64xf32, #tpu.memory_space<hbm>>
      %dma_start3A_150 = arith.constant 0 : i32
      %dma_start3A_151 = tpu.memref_slice %arg12[%add3A_141, %dma_start3A_150] : memref<10240x64xf32, #tpu.memory_space<vmem_shared>> -> memref<128x64xf32, #tpu.memory_space<vmem_shared>>
      tpu.enqueue_dma source(%dma_start3A_151 : memref<128x64xf32, #tpu.memory_space<vmem_shared>>) target(%dma_start3A_149 : memref<128x64xf32, #tpu.memory_space<hbm>>) target_semaphore(%run_scoped3A_147 : memref<!tpu.dma_semaphore, #tpu.memory_space<semaphore_mem>>)
      %dma_wait3A = arith.constant 0 : i32
      %dma_wait3A_152 = tpu.memref_slice %arg5[%arg0, %add3A_141, %dma_wait3A] : memref<2x10240x64xf32, #tpu.memory_space<hbm>> -> memref<1x128x64xf32, #tpu.memory_space<hbm>>
      %dma_wait3A_153 = tpu.memref_squeeze %dma_wait3A_152 : memref<1x128x64xf32, #tpu.memory_space<hbm>> -> memref<128x64xf32, #tpu.memory_space<hbm>>
      %dma_wait3A_154 = arith.constant 0 : i32
      %dma_wait3A_155 = tpu.memref_slice %arg12[%add3A_141, %dma_wait3A_154] : memref<10240x64xf32, #tpu.memory_space<vmem_shared>> -> memref<128x64xf32, #tpu.memory_space<vmem_shared>>
      tpu.wait_dma2 semaphore(%run_scoped3A_147 : memref<!tpu.dma_semaphore, #tpu.memory_space<semaphore_mem>>) src(%dma_wait3A_155 : memref<128x64xf32, #tpu.memory_space<vmem_shared>>) dst(%dma_wait3A_153 : memref<128x64xf32, #tpu.memory_space<hbm>>)
      tpu.yield
    }) : () -> ()
    %eq3A_142 = arith.constant 0 : i32
    %eq3A_143 = arith.cmpi eq, %arg0, %eq3A_142 : i32
    %convert_element_type3A_144 = arith.extui %eq3A_143 : i1 to i32
    %cond3A_145 = arith.constant 0 : i32
    %cond3A_146 = arith.cmpi ne, %convert_element_type3A_144, %cond3A_145 : i32
    scf.if %cond3A_146 {
      %mul3A_147 = arith.constant 640 : i32
      %mul3A_148 = arith.muli %arg1, %mul3A_147 : i32
      %mul3A_149 = arith.constant 640 : i32
      %mul3A_150 = arith.muli %arg1, %mul3A_149 : i32
      "tpu.region"() ({
        %run_scoped3A_151 = tpu.sem_alloc : memref<!tpu.dma_semaphore, #tpu.memory_space<semaphore_mem>>
        %dma_start3A = tpu.memref_slice %arg6[%mul3A_150] : memref<10240xf32, #tpu.memory_space<hbm>> -> memref<640xf32, #tpu.memory_space<hbm>>
        %dma_start3A_152 = tpu.memref_slice %arg13[%mul3A_148] : memref<10240xf32, #tpu.memory_space<vmem_shared>> -> memref<640xf32, #tpu.memory_space<vmem_shared>>
        tpu.enqueue_dma source(%dma_start3A_152 : memref<640xf32, #tpu.memory_space<vmem_shared>>) target(%dma_start3A : memref<640xf32, #tpu.memory_space<hbm>>) target_semaphore(%run_scoped3A_151 : memref<!tpu.dma_semaphore, #tpu.memory_space<semaphore_mem>>)
        %dma_wait3A = tpu.memref_slice %arg6[%mul3A_150] : memref<10240xf32, #tpu.memory_space<hbm>> -> memref<640xf32, #tpu.memory_space<hbm>>
        %dma_wait3A_153 = tpu.memref_slice %arg13[%mul3A_148] : memref<10240xf32, #tpu.memory_space<vmem_shared>> -> memref<640xf32, #tpu.memory_space<vmem_shared>>
        tpu.wait_dma2 semaphore(%run_scoped3A_151 : memref<!tpu.dma_semaphore, #tpu.memory_space<semaphore_mem>>) src(%dma_wait3A_153 : memref<640xf32, #tpu.memory_space<vmem_shared>>) dst(%dma_wait3A : memref<640xf32, #tpu.memory_space<hbm>>)
        tpu.yield
      }) : () -> ()
    } else {
    }
    return
  }
}

#map = affine_map<(d0, d1) -> (0, 0)>
#map1 = affine_map<(d0, d1) -> (0, 0, 0)>
module attributes {stable_mosaic.version = 14 : i64} {
  func.func @_sc_decode_gather(%arg0: i32, %arg1: i32, %arg2: memref<10240x128xf32, #tpu.memory_space<hbm>>, %arg3: memref<32x98x64xi32, #tpu.memory_space<hbm>>, %arg4: memref<32x98x64xi32, #tpu.memory_space<hbm>>, %arg5: memref<2x200704x128xf32, #tpu.memory_space<hbm>>, %arg6: memref<98x64xi32, #tpu.memory_space<vmem>>, %arg7: memref<98x64xi32, #tpu.memory_space<vmem>>, %arg8: memref<6x64x128xf32, #tpu.memory_space<vmem>>, %arg9: memref<6x64x128xf32, #tpu.memory_space<vmem>>, %arg10: memref<!tpu.dma_semaphore, #tpu.memory_space<semaphore_mem>>, %arg11: memref<!tpu.dma_semaphore, #tpu.memory_space<semaphore_mem>>) attributes {dimension_semantics = [#tpu.dimension_semantics<core_parallel>, #tpu.dimension_semantics<subcore_parallel>], iteration_bounds = array<i64: 2, 16>, scalar_prefetch = 0 : i64, scratch_operands = 6 : i64, tpu.core_type = #tpu.core_type<sc_vector_subcore>, window_params = [{transform_indices = #map}, {transform_indices = #map1}, {transform_indices = #map1}, {transform_indices = #map1}]} {
    %mul3A = arith.constant 2 : i32
    %mul3A_0 = arith.muli %arg1, %mul3A : i32
    %add3A = arith.addi %mul3A_0, %arg0 : i32
    "tpu.region"() ({
      %run_scoped3A = tpu.sem_alloc : memref<!tpu.dma_semaphore, #tpu.memory_space<semaphore_mem>>
      %dma_start3A_177 = arith.constant 0 : i32
      %dma_start3A_178 = arith.constant 0 : i32
      %dma_start3A_179 = tpu.memref_slice %arg3[%add3A, %dma_start3A_177, %dma_start3A_178] : memref<32x98x64xi32, #tpu.memory_space<hbm>> -> memref<1x98x64xi32, #tpu.memory_space<hbm>>
      %dma_start3A_180 = tpu.memref_squeeze %dma_start3A_179 : memref<1x98x64xi32, #tpu.memory_space<hbm>> -> memref<98x64xi32, #tpu.memory_space<hbm>>
      %dma_start3A_181 = arith.constant 0 : i32
      %dma_start3A_182 = arith.constant 0 : i32
      %dma_start3A_183 = tpu.memref_slice %arg3[%add3A, %dma_start3A_181, %dma_start3A_182] : memref<32x98x64xi32, #tpu.memory_space<hbm>> -> memref<1x98x64xi32, #tpu.memory_space<hbm>>
      %dma_start3A_184 = tpu.memref_squeeze %dma_start3A_183 : memref<1x98x64xi32, #tpu.memory_space<hbm>> -> memref<98x64xi32, #tpu.memory_space<hbm>>
      tpu.enqueue_dma source(%dma_start3A_184 : memref<98x64xi32, #tpu.memory_space<hbm>>) target(%arg6 : memref<98x64xi32, #tpu.memory_space<vmem>>) target_semaphore(%run_scoped3A : memref<!tpu.dma_semaphore, #tpu.memory_space<semaphore_mem>>)
      %dma_wait3A_185 = arith.constant 0 : i32
      %dma_wait3A_186 = arith.constant 0 : i32
      %dma_wait3A_187 = tpu.memref_slice %arg3[%add3A, %dma_wait3A_185, %dma_wait3A_186] : memref<32x98x64xi32, #tpu.memory_space<hbm>> -> memref<1x98x64xi32, #tpu.memory_space<hbm>>
      %dma_wait3A_188 = tpu.memref_squeeze %dma_wait3A_187 : memref<1x98x64xi32, #tpu.memory_space<hbm>> -> memref<98x64xi32, #tpu.memory_space<hbm>>
      %dma_wait3A_189 = arith.constant 0 : i32
      %dma_wait3A_190 = arith.constant 0 : i32
      %dma_wait3A_191 = tpu.memref_slice %arg3[%add3A, %dma_wait3A_189, %dma_wait3A_190] : memref<32x98x64xi32, #tpu.memory_space<hbm>> -> memref<1x98x64xi32, #tpu.memory_space<hbm>>
      %dma_wait3A_192 = tpu.memref_squeeze %dma_wait3A_191 : memref<1x98x64xi32, #tpu.memory_space<hbm>> -> memref<98x64xi32, #tpu.memory_space<hbm>>
      tpu.wait_dma2 semaphore(%run_scoped3A : memref<!tpu.dma_semaphore, #tpu.memory_space<semaphore_mem>>) src(%dma_wait3A_192 : memref<98x64xi32, #tpu.memory_space<hbm>>) dst(%arg6 : memref<98x64xi32, #tpu.memory_space<vmem>>)
      tpu.yield
    }) : () -> ()
    "tpu.region"() ({
      %run_scoped3A = tpu.sem_alloc : memref<!tpu.dma_semaphore, #tpu.memory_space<semaphore_mem>>
      %dma_start3A_177 = arith.constant 0 : i32
      %dma_start3A_178 = arith.constant 0 : i32
      %dma_start3A_179 = tpu.memref_slice %arg4[%add3A, %dma_start3A_177, %dma_start3A_178] : memref<32x98x64xi32, #tpu.memory_space<hbm>> -> memref<1x98x64xi32, #tpu.memory_space<hbm>>
      %dma_start3A_180 = tpu.memref_squeeze %dma_start3A_179 : memref<1x98x64xi32, #tpu.memory_space<hbm>> -> memref<98x64xi32, #tpu.memory_space<hbm>>
      %dma_start3A_181 = arith.constant 0 : i32
      %dma_start3A_182 = arith.constant 0 : i32
      %dma_start3A_183 = tpu.memref_slice %arg4[%add3A, %dma_start3A_181, %dma_start3A_182] : memref<32x98x64xi32, #tpu.memory_space<hbm>> -> memref<1x98x64xi32, #tpu.memory_space<hbm>>
      %dma_start3A_184 = tpu.memref_squeeze %dma_start3A_183 : memref<1x98x64xi32, #tpu.memory_space<hbm>> -> memref<98x64xi32, #tpu.memory_space<hbm>>
      tpu.enqueue_dma source(%dma_start3A_184 : memref<98x64xi32, #tpu.memory_space<hbm>>) target(%arg7 : memref<98x64xi32, #tpu.memory_space<vmem>>) target_semaphore(%run_scoped3A : memref<!tpu.dma_semaphore, #tpu.memory_space<semaphore_mem>>)
      %dma_wait3A_185 = arith.constant 0 : i32
      %dma_wait3A_186 = arith.constant 0 : i32
      %dma_wait3A_187 = tpu.memref_slice %arg4[%add3A, %dma_wait3A_185, %dma_wait3A_186] : memref<32x98x64xi32, #tpu.memory_space<hbm>> -> memref<1x98x64xi32, #tpu.memory_space<hbm>>
      %dma_wait3A_188 = tpu.memref_squeeze %dma_wait3A_187 : memref<1x98x64xi32, #tpu.memory_space<hbm>> -> memref<98x64xi32, #tpu.memory_space<hbm>>
      %dma_wait3A_189 = arith.constant 0 : i32
      %dma_wait3A_190 = arith.constant 0 : i32
      %dma_wait3A_191 = tpu.memref_slice %arg4[%add3A, %dma_wait3A_189, %dma_wait3A_190] : memref<32x98x64xi32, #tpu.memory_space<hbm>> -> memref<1x98x64xi32, #tpu.memory_space<hbm>>
      %dma_wait3A_192 = tpu.memref_squeeze %dma_wait3A_191 : memref<1x98x64xi32, #tpu.memory_space<hbm>> -> memref<98x64xi32, #tpu.memory_space<hbm>>
      tpu.wait_dma2 semaphore(%run_scoped3A : memref<!tpu.dma_semaphore, #tpu.memory_space<semaphore_mem>>) src(%dma_wait3A_192 : memref<98x64xi32, #tpu.memory_space<hbm>>) dst(%arg7 : memref<98x64xi32, #tpu.memory_space<vmem>>)
      tpu.yield
    }) : () -> ()
    %mul3A_1 = arith.constant 98 : i32
    %mul3A_2 = arith.muli %add3A, %mul3A_1 : i32
    %mul3A_3 = arith.constant 64 : i32
    %mul3A_4 = arith.muli %mul3A_2, %mul3A_3 : i32
    %dma_start3A = arith.constant 0 : i32
    %dma_start3A_5 = arith.constant 0 : i32
    %dma_start3A_6 = arith.constant 0 : i32
    %dma_start3A_7 = arith.constant 0 : i32
    %dma_start3A_8 = tpu.memref_slice %arg8[%dma_start3A_5, %dma_start3A_6, %dma_start3A_7] : memref<6x64x128xf32, #tpu.memory_space<vmem>> -> memref<1x64x128xf32, #tpu.memory_space<vmem>>
    %dma_start3A_9 = tpu.memref_squeeze %dma_start3A_8 : memref<1x64x128xf32, #tpu.memory_space<vmem>> -> memref<64x128xf32, #tpu.memory_space<vmem>>
    %dma_start3A_10 = arith.constant 0 : i32
    %dma_start3A_11 = tpu.memref_slice %arg6[%dma_start3A, %dma_start3A_10] : memref<98x64xi32, #tpu.memory_space<vmem>> -> memref<1x64xi32, #tpu.memory_space<vmem>>
    %dma_start3A_12 = tpu.memref_squeeze %dma_start3A_11 : memref<1x64xi32, #tpu.memory_space<vmem>> -> memref<64xi32, #tpu.memory_space<vmem>>
    %dma_start3A_13 = arith.constant 0 : i32
    %dma_start3A_14 = arith.constant 0 : i32
    %dma_start3A_15 = tpu.memref_slice %arg2[%dma_start3A_13, %dma_start3A_14] : memref<10240x128xf32, #tpu.memory_space<hbm>> -> memref<10240x128xf32, #tpu.memory_space<hbm>>
    tpu.enqueue_indirect_dma source(%dma_start3A_15 : memref<10240x128xf32, #tpu.memory_space<hbm>>) target(%dma_start3A_9 : memref<64x128xf32, #tpu.memory_space<vmem>>) offsets(%dma_start3A_12 : memref<64xi32, #tpu.memory_space<vmem>>) semaphore(%arg10 : memref<!tpu.dma_semaphore, #tpu.memory_space<semaphore_mem>>)
    %dma_start3A_16 = arith.constant 0 : i32
    %dma_start3A_17 = arith.constant 0 : i32
    %dma_start3A_18 = arith.constant 0 : i32
    %dma_start3A_19 = arith.constant 0 : i32
    %dma_start3A_20 = tpu.memref_slice %arg9[%dma_start3A_17, %dma_start3A_18, %dma_start3A_19] : memref<6x64x128xf32, #tpu.memory_space<vmem>> -> memref<1x64x128xf32, #tpu.memory_space<vmem>>
    %dma_start3A_21 = tpu.memref_squeeze %dma_start3A_20 : memref<1x64x128xf32, #tpu.memory_space<vmem>> -> memref<64x128xf32, #tpu.memory_space<vmem>>
    %dma_start3A_22 = arith.constant 0 : i32
    %dma_start3A_23 = tpu.memref_slice %arg7[%dma_start3A_16, %dma_start3A_22] : memref<98x64xi32, #tpu.memory_space<vmem>> -> memref<1x64xi32, #tpu.memory_space<vmem>>
    %dma_start3A_24 = tpu.memref_squeeze %dma_start3A_23 : memref<1x64xi32, #tpu.memory_space<vmem>> -> memref<64xi32, #tpu.memory_space<vmem>>
    %dma_start3A_25 = arith.constant 0 : i32
    %dma_start3A_26 = arith.constant 0 : i32
    %dma_start3A_27 = tpu.memref_slice %arg2[%dma_start3A_25, %dma_start3A_26] : memref<10240x128xf32, #tpu.memory_space<hbm>> -> memref<10240x128xf32, #tpu.memory_space<hbm>>
    tpu.enqueue_indirect_dma source(%dma_start3A_27 : memref<10240x128xf32, #tpu.memory_space<hbm>>) target(%dma_start3A_21 : memref<64x128xf32, #tpu.memory_space<vmem>>) offsets(%dma_start3A_24 : memref<64xi32, #tpu.memory_space<vmem>>) semaphore(%arg10 : memref<!tpu.dma_semaphore, #tpu.memory_space<semaphore_mem>>)
    %dma_start3A_28 = arith.constant 1 : i32
    %dma_start3A_29 = arith.constant 1 : i32
    %dma_start3A_30 = arith.constant 0 : i32
    %dma_start3A_31 = arith.constant 0 : i32
    %dma_start3A_32 = tpu.memref_slice %arg8[%dma_start3A_29, %dma_start3A_30, %dma_start3A_31] : memref<6x64x128xf32, #tpu.memory_space<vmem>> -> memref<1x64x128xf32, #tpu.memory_space<vmem>>
    %dma_start3A_33 = tpu.memref_squeeze %dma_start3A_32 : memref<1x64x128xf32, #tpu.memory_space<vmem>> -> memref<64x128xf32, #tpu.memory_space<vmem>>
    %dma_start3A_34 = arith.constant 0 : i32
    %dma_start3A_35 = tpu.memref_slice %arg6[%dma_start3A_28, %dma_start3A_34] : memref<98x64xi32, #tpu.memory_space<vmem>> -> memref<1x64xi32, #tpu.memory_space<vmem>>
    %dma_start3A_36 = tpu.memref_squeeze %dma_start3A_35 : memref<1x64xi32, #tpu.memory_space<vmem>> -> memref<64xi32, #tpu.memory_space<vmem>>
    %dma_start3A_37 = arith.constant 0 : i32
    %dma_start3A_38 = arith.constant 0 : i32
    %dma_start3A_39 = tpu.memref_slice %arg2[%dma_start3A_37, %dma_start3A_38] : memref<10240x128xf32, #tpu.memory_space<hbm>> -> memref<10240x128xf32, #tpu.memory_space<hbm>>
    tpu.enqueue_indirect_dma source(%dma_start3A_39 : memref<10240x128xf32, #tpu.memory_space<hbm>>) target(%dma_start3A_33 : memref<64x128xf32, #tpu.memory_space<vmem>>) offsets(%dma_start3A_36 : memref<64xi32, #tpu.memory_space<vmem>>) semaphore(%arg10 : memref<!tpu.dma_semaphore, #tpu.memory_space<semaphore_mem>>)
    %dma_start3A_40 = arith.constant 1 : i32
    %dma_start3A_41 = arith.constant 1 : i32
    %dma_start3A_42 = arith.constant 0 : i32
    %dma_start3A_43 = arith.constant 0 : i32
    %dma_start3A_44 = tpu.memref_slice %arg9[%dma_start3A_41, %dma_start3A_42, %dma_start3A_43] : memref<6x64x128xf32, #tpu.memory_space<vmem>> -> memref<1x64x128xf32, #tpu.memory_space<vmem>>
    %dma_start3A_45 = tpu.memref_squeeze %dma_start3A_44 : memref<1x64x128xf32, #tpu.memory_space<vmem>> -> memref<64x128xf32, #tpu.memory_space<vmem>>
    %dma_start3A_46 = arith.constant 0 : i32
    %dma_start3A_47 = tpu.memref_slice %arg7[%dma_start3A_40, %dma_start3A_46] : memref<98x64xi32, #tpu.memory_space<vmem>> -> memref<1x64xi32, #tpu.memory_space<vmem>>
    %dma_start3A_48 = tpu.memref_squeeze %dma_start3A_47 : memref<1x64xi32, #tpu.memory_space<vmem>> -> memref<64xi32, #tpu.memory_space<vmem>>
    %dma_start3A_49 = arith.constant 0 : i32
    %dma_start3A_50 = arith.constant 0 : i32
    %dma_start3A_51 = tpu.memref_slice %arg2[%dma_start3A_49, %dma_start3A_50] : memref<10240x128xf32, #tpu.memory_space<hbm>> -> memref<10240x128xf32, #tpu.memory_space<hbm>>
    tpu.enqueue_indirect_dma source(%dma_start3A_51 : memref<10240x128xf32, #tpu.memory_space<hbm>>) target(%dma_start3A_45 : memref<64x128xf32, #tpu.memory_space<vmem>>) offsets(%dma_start3A_48 : memref<64xi32, #tpu.memory_space<vmem>>) semaphore(%arg10 : memref<!tpu.dma_semaphore, #tpu.memory_space<semaphore_mem>>)
    %dma_start3A_52 = arith.constant 2 : i32
    %dma_start3A_53 = arith.constant 2 : i32
    %dma_start3A_54 = arith.constant 0 : i32
    %dma_start3A_55 = arith.constant 0 : i32
    %dma_start3A_56 = tpu.memref_slice %arg8[%dma_start3A_53, %dma_start3A_54, %dma_start3A_55] : memref<6x64x128xf32, #tpu.memory_space<vmem>> -> memref<1x64x128xf32, #tpu.memory_space<vmem>>
    %dma_start3A_57 = tpu.memref_squeeze %dma_start3A_56 : memref<1x64x128xf32, #tpu.memory_space<vmem>> -> memref<64x128xf32, #tpu.memory_space<vmem>>
    %dma_start3A_58 = arith.constant 0 : i32
    %dma_start3A_59 = tpu.memref_slice %arg6[%dma_start3A_52, %dma_start3A_58] : memref<98x64xi32, #tpu.memory_space<vmem>> -> memref<1x64xi32, #tpu.memory_space<vmem>>
    %dma_start3A_60 = tpu.memref_squeeze %dma_start3A_59 : memref<1x64xi32, #tpu.memory_space<vmem>> -> memref<64xi32, #tpu.memory_space<vmem>>
    %dma_start3A_61 = arith.constant 0 : i32
    %dma_start3A_62 = arith.constant 0 : i32
    %dma_start3A_63 = tpu.memref_slice %arg2[%dma_start3A_61, %dma_start3A_62] : memref<10240x128xf32, #tpu.memory_space<hbm>> -> memref<10240x128xf32, #tpu.memory_space<hbm>>
    tpu.enqueue_indirect_dma source(%dma_start3A_63 : memref<10240x128xf32, #tpu.memory_space<hbm>>) target(%dma_start3A_57 : memref<64x128xf32, #tpu.memory_space<vmem>>) offsets(%dma_start3A_60 : memref<64xi32, #tpu.memory_space<vmem>>) semaphore(%arg10 : memref<!tpu.dma_semaphore, #tpu.memory_space<semaphore_mem>>)
    %dma_start3A_64 = arith.constant 2 : i32
    %dma_start3A_65 = arith.constant 2 : i32
    %dma_start3A_66 = arith.constant 0 : i32
    %dma_start3A_67 = arith.constant 0 : i32
    %dma_start3A_68 = tpu.memref_slice %arg9[%dma_start3A_65, %dma_start3A_66, %dma_start3A_67] : memref<6x64x128xf32, #tpu.memory_space<vmem>> -> memref<1x64x128xf32, #tpu.memory_space<vmem>>
    %dma_start3A_69 = tpu.memref_squeeze %dma_start3A_68 : memref<1x64x128xf32, #tpu.memory_space<vmem>> -> memref<64x128xf32, #tpu.memory_space<vmem>>
    %dma_start3A_70 = arith.constant 0 : i32
    %dma_start3A_71 = tpu.memref_slice %arg7[%dma_start3A_64, %dma_start3A_70] : memref<98x64xi32, #tpu.memory_space<vmem>> -> memref<1x64xi32, #tpu.memory_space<vmem>>
    %dma_start3A_72 = tpu.memref_squeeze %dma_start3A_71 : memref<1x64xi32, #tpu.memory_space<vmem>> -> memref<64xi32, #tpu.memory_space<vmem>>
    %dma_start3A_73 = arith.constant 0 : i32
    %dma_start3A_74 = arith.constant 0 : i32
    %dma_start3A_75 = tpu.memref_slice %arg2[%dma_start3A_73, %dma_start3A_74] : memref<10240x128xf32, #tpu.memory_space<hbm>> -> memref<10240x128xf32, #tpu.memory_space<hbm>>
    tpu.enqueue_indirect_dma source(%dma_start3A_75 : memref<10240x128xf32, #tpu.memory_space<hbm>>) target(%dma_start3A_69 : memref<64x128xf32, #tpu.memory_space<vmem>>) offsets(%dma_start3A_72 : memref<64xi32, #tpu.memory_space<vmem>>) semaphore(%arg10 : memref<!tpu.dma_semaphore, #tpu.memory_space<semaphore_mem>>)
    %dma_start3A_76 = arith.constant 3 : i32
    %dma_start3A_77 = arith.constant 3 : i32
    %dma_start3A_78 = arith.constant 0 : i32
    %dma_start3A_79 = arith.constant 0 : i32
    %dma_start3A_80 = tpu.memref_slice %arg8[%dma_start3A_77, %dma_start3A_78, %dma_start3A_79] : memref<6x64x128xf32, #tpu.memory_space<vmem>> -> memref<1x64x128xf32, #tpu.memory_space<vmem>>
    %dma_start3A_81 = tpu.memref_squeeze %dma_start3A_80 : memref<1x64x128xf32, #tpu.memory_space<vmem>> -> memref<64x128xf32, #tpu.memory_space<vmem>>
    %dma_start3A_82 = arith.constant 0 : i32
    %dma_start3A_83 = tpu.memref_slice %arg6[%dma_start3A_76, %dma_start3A_82] : memref<98x64xi32, #tpu.memory_space<vmem>> -> memref<1x64xi32, #tpu.memory_space<vmem>>
    %dma_start3A_84 = tpu.memref_squeeze %dma_start3A_83 : memref<1x64xi32, #tpu.memory_space<vmem>> -> memref<64xi32, #tpu.memory_space<vmem>>
    %dma_start3A_85 = arith.constant 0 : i32
    %dma_start3A_86 = arith.constant 0 : i32
    %dma_start3A_87 = tpu.memref_slice %arg2[%dma_start3A_85, %dma_start3A_86] : memref<10240x128xf32, #tpu.memory_space<hbm>> -> memref<10240x128xf32, #tpu.memory_space<hbm>>
    tpu.enqueue_indirect_dma source(%dma_start3A_87 : memref<10240x128xf32, #tpu.memory_space<hbm>>) target(%dma_start3A_81 : memref<64x128xf32, #tpu.memory_space<vmem>>) offsets(%dma_start3A_84 : memref<64xi32, #tpu.memory_space<vmem>>) semaphore(%arg10 : memref<!tpu.dma_semaphore, #tpu.memory_space<semaphore_mem>>)
    %dma_start3A_88 = arith.constant 3 : i32
    %dma_start3A_89 = arith.constant 3 : i32
    %dma_start3A_90 = arith.constant 0 : i32
    %dma_start3A_91 = arith.constant 0 : i32
    %dma_start3A_92 = tpu.memref_slice %arg9[%dma_start3A_89, %dma_start3A_90, %dma_start3A_91] : memref<6x64x128xf32, #tpu.memory_space<vmem>> -> memref<1x64x128xf32, #tpu.memory_space<vmem>>
    %dma_start3A_93 = tpu.memref_squeeze %dma_start3A_92 : memref<1x64x128xf32, #tpu.memory_space<vmem>> -> memref<64x128xf32, #tpu.memory_space<vmem>>
    %dma_start3A_94 = arith.constant 0 : i32
    %dma_start3A_95 = tpu.memref_slice %arg7[%dma_start3A_88, %dma_start3A_94] : memref<98x64xi32, #tpu.memory_space<vmem>> -> memref<1x64xi32, #tpu.memory_space<vmem>>
    %dma_start3A_96 = tpu.memref_squeeze %dma_start3A_95 : memref<1x64xi32, #tpu.memory_space<vmem>> -> memref<64xi32, #tpu.memory_space<vmem>>
    %dma_start3A_97 = arith.constant 0 : i32
    %dma_start3A_98 = arith.constant 0 : i32
    %dma_start3A_99 = tpu.memref_slice %arg2[%dma_start3A_97, %dma_start3A_98] : memref<10240x128xf32, #tpu.memory_space<hbm>> -> memref<10240x128xf32, #tpu.memory_space<hbm>>
    tpu.enqueue_indirect_dma source(%dma_start3A_99 : memref<10240x128xf32, #tpu.memory_space<hbm>>) target(%dma_start3A_93 : memref<64x128xf32, #tpu.memory_space<vmem>>) offsets(%dma_start3A_96 : memref<64xi32, #tpu.memory_space<vmem>>) semaphore(%arg10 : memref<!tpu.dma_semaphore, #tpu.memory_space<semaphore_mem>>)
    %scan3A = arith.constant 0 : i32
    %scan3A_100 = arith.constant 0 : i32
    %scan3A_101 = arith.constant 98 : i32
    %scan3A_102 = arith.addi %scan3A_100, %scan3A_101 : i32
    %scan3A_103 = arith.constant 1 : i32
    %scan3A_104 = scf.for %scan3A_177 = %scan3A_100 to %scan3A_102 step %scan3A_103 iter_args(%scan3A_178 = %scan3A) -> (i32)  : i32 {
      %rem3A = arith.constant 6 : i32
      %rem3A_179 = arith.remsi %scan3A_177, %rem3A : i32
      %add3A_180 = arith.constant 4 : i32
      %add3A_181 = arith.addi %scan3A_177, %add3A_180 : i32
      %rem3A_182 = arith.constant 6 : i32
      %rem3A_183 = arith.remsi %add3A_181, %rem3A_182 : i32
      %add3A_184 = arith.constant 4 : i32
      %add3A_185 = arith.addi %scan3A_177, %add3A_184 : i32
      %ge3A = arith.constant 6 : i32
      %ge3A_186 = arith.cmpi sge, %add3A_185, %ge3A : i32
      %convert_element_type3A = arith.extui %ge3A_186 : i1 to i32
      %cond3A = arith.constant 0 : i32
      %cond3A_187 = arith.cmpi ne, %convert_element_type3A, %cond3A : i32
      scf.if %cond3A_187 {
        %dma_wait3A_255 = arith.constant 0 : i32
        %dma_wait3A_256 = arith.constant 0 : i32
        %dma_wait3A_257 = arith.constant 0 : i32
        %dma_wait3A_258 = arith.constant 0 : i32
        %dma_wait3A_259 = tpu.memref_slice %arg8[%dma_wait3A_255, %dma_wait3A_257, %dma_wait3A_258] : memref<6x64x128xf32, #tpu.memory_space<vmem>> -> memref<1x64x128xf32, #tpu.memory_space<vmem>>
        %dma_wait3A_260 = tpu.memref_squeeze %dma_wait3A_259 : memref<1x64x128xf32, #tpu.memory_space<vmem>> -> memref<64x128xf32, #tpu.memory_space<vmem>>
        %dma_wait3A_261 = arith.constant 0 : i32
        %dma_wait3A_262 = arith.constant 0 : i32
        %dma_wait3A_263 = tpu.memref_slice %arg5[%dma_wait3A_256, %dma_wait3A_261, %dma_wait3A_262] : memref<2x200704x128xf32, #tpu.memory_space<hbm>> -> memref<1x64x128xf32, #tpu.memory_space<hbm>>
        %dma_wait3A_264 = tpu.memref_squeeze %dma_wait3A_263 : memref<1x64x128xf32, #tpu.memory_space<hbm>> -> memref<64x128xf32, #tpu.memory_space<hbm>>
        %dma_wait3A_265 = arith.constant 0 : i32
        %dma_wait3A_266 = arith.constant 0 : i32
        %dma_wait3A_267 = tpu.memref_slice %arg5[%dma_wait3A_256, %dma_wait3A_265, %dma_wait3A_266] : memref<2x200704x128xf32, #tpu.memory_space<hbm>> -> memref<1x64x128xf32, #tpu.memory_space<hbm>>
        %dma_wait3A_268 = tpu.memref_squeeze %dma_wait3A_267 : memref<1x64x128xf32, #tpu.memory_space<hbm>> -> memref<64x128xf32, #tpu.memory_space<hbm>>
        %dma_wait3A_269 = arith.constant 0 : i32
        %dma_wait3A_270 = arith.constant 0 : i32
        %dma_wait3A_271 = tpu.memref_slice %arg8[%dma_wait3A_255, %dma_wait3A_269, %dma_wait3A_270] : memref<6x64x128xf32, #tpu.memory_space<vmem>> -> memref<1x64x128xf32, #tpu.memory_space<vmem>>
        %dma_wait3A_272 = tpu.memref_squeeze %dma_wait3A_271 : memref<1x64x128xf32, #tpu.memory_space<vmem>> -> memref<64x128xf32, #tpu.memory_space<vmem>>
        tpu.wait_dma2 semaphore(%arg11 : memref<!tpu.dma_semaphore, #tpu.memory_space<semaphore_mem>>) src(%dma_wait3A_272 : memref<64x128xf32, #tpu.memory_space<vmem>>) dst(%dma_wait3A_268 : memref<64x128xf32, #tpu.memory_space<hbm>>)
        %dma_wait3A_273 = arith.constant 0 : i32
        %dma_wait3A_274 = arith.constant 0 : i32
        %dma_wait3A_275 = arith.constant 0 : i32
        %dma_wait3A_276 = arith.constant 0 : i32
        %dma_wait3A_277 = tpu.memref_slice %arg8[%dma_wait3A_273, %dma_wait3A_275, %dma_wait3A_276] : memref<6x64x128xf32, #tpu.memory_space<vmem>> -> memref<1x64x128xf32, #tpu.memory_space<vmem>>
        %dma_wait3A_278 = tpu.memref_squeeze %dma_wait3A_277 : memref<1x64x128xf32, #tpu.memory_space<vmem>> -> memref<64x128xf32, #tpu.memory_space<vmem>>
        %dma_wait3A_279 = arith.constant 0 : i32
        %dma_wait3A_280 = arith.constant 0 : i32
        %dma_wait3A_281 = tpu.memref_slice %arg5[%dma_wait3A_274, %dma_wait3A_279, %dma_wait3A_280] : memref<2x200704x128xf32, #tpu.memory_space<hbm>> -> memref<1x64x128xf32, #tpu.memory_space<hbm>>
        %dma_wait3A_282 = tpu.memref_squeeze %dma_wait3A_281 : memref<1x64x128xf32, #tpu.memory_space<hbm>> -> memref<64x128xf32, #tpu.memory_space<hbm>>
        %dma_wait3A_283 = arith.constant 0 : i32
        %dma_wait3A_284 = arith.constant 0 : i32
        %dma_wait3A_285 = tpu.memref_slice %arg5[%dma_wait3A_274, %dma_wait3A_283, %dma_wait3A_284] : memref<2x200704x128xf32, #tpu.memory_space<hbm>> -> memref<1x64x128xf32, #tpu.memory_space<hbm>>
        %dma_wait3A_286 = tpu.memref_squeeze %dma_wait3A_285 : memref<1x64x128xf32, #tpu.memory_space<hbm>> -> memref<64x128xf32, #tpu.memory_space<hbm>>
        %dma_wait3A_287 = arith.constant 0 : i32
        %dma_wait3A_288 = arith.constant 0 : i32
        %dma_wait3A_289 = tpu.memref_slice %arg8[%dma_wait3A_273, %dma_wait3A_287, %dma_wait3A_288] : memref<6x64x128xf32, #tpu.memory_space<vmem>> -> memref<1x64x128xf32, #tpu.memory_space<vmem>>
        %dma_wait3A_290 = tpu.memref_squeeze %dma_wait3A_289 : memref<1x64x128xf32, #tpu.memory_space<vmem>> -> memref<64x128xf32, #tpu.memory_space<vmem>>
        tpu.wait_dma2 semaphore(%arg11 : memref<!tpu.dma_semaphore, #tpu.memory_space<semaphore_mem>>) src(%dma_wait3A_290 : memref<64x128xf32, #tpu.memory_space<vmem>>) dst(%dma_wait3A_286 : memref<64x128xf32, #tpu.memory_space<hbm>>)
      } else {
      }
      %dma_wait3A_188 = arith.constant 0 : i32
      %dma_wait3A_189 = arith.constant 0 : i32
      %dma_wait3A_190 = arith.constant 0 : i32
      %dma_wait3A_191 = arith.constant 0 : i32
      %dma_wait3A_192 = tpu.memref_slice %arg8[%dma_wait3A_189, %dma_wait3A_190, %dma_wait3A_191] : memref<6x64x128xf32, #tpu.memory_space<vmem>> -> memref<1x64x128xf32, #tpu.memory_space<vmem>>
      %dma_wait3A_193 = tpu.memref_squeeze %dma_wait3A_192 : memref<1x64x128xf32, #tpu.memory_space<vmem>> -> memref<64x128xf32, #tpu.memory_space<vmem>>
      %dma_wait3A_194 = arith.constant 0 : i32
      %dma_wait3A_195 = tpu.memref_slice %arg6[%dma_wait3A_188, %dma_wait3A_194] : memref<98x64xi32, #tpu.memory_space<vmem>> -> memref<1x64xi32, #tpu.memory_space<vmem>>
      %dma_wait3A_196 = tpu.memref_squeeze %dma_wait3A_195 : memref<1x64xi32, #tpu.memory_space<vmem>> -> memref<64xi32, #tpu.memory_space<vmem>>
      %dma_wait3A_197 = arith.constant 0 : i32
      %dma_wait3A_198 = arith.constant 0 : i32
      %dma_wait3A_199 = tpu.memref_slice %arg2[%dma_wait3A_197, %dma_wait3A_198] : memref<10240x128xf32, #tpu.memory_space<hbm>> -> memref<10240x128xf32, #tpu.memory_space<hbm>>
      tpu.wait_indirect_dma semaphore(%arg10 : memref<!tpu.dma_semaphore, #tpu.memory_space<semaphore_mem>>) src(%dma_wait3A_199 : memref<10240x128xf32, #tpu.memory_space<hbm>>) dst(%dma_wait3A_193 : memref<64x128xf32, #tpu.memory_space<vmem>>)
      %dma_wait3A_200 = arith.constant 0 : i32
      %dma_wait3A_201 = arith.constant 0 : i32
      %dma_wait3A_202 = arith.constant 0 : i32
      %dma_wait3A_203 = arith.constant 0 : i32
      %dma_wait3A_204 = tpu.memref_slice %arg9[%dma_wait3A_201, %dma_wait3A_202, %dma_wait3A_203] : memref<6x64x128xf32, #tpu.memory_space<vmem>> -> memref<1x64x128xf32, #tpu.memory_space<vmem>>
      %dma_wait3A_205 = tpu.memref_squeeze %dma_wait3A_204 : memref<1x64x128xf32, #tpu.memory_space<vmem>> -> memref<64x128xf32, #tpu.memory_space<vmem>>
      %dma_wait3A_206 = arith.constant 0 : i32
      %dma_wait3A_207 = tpu.memref_slice %arg7[%dma_wait3A_200, %dma_wait3A_206] : memref<98x64xi32, #tpu.memory_space<vmem>> -> memref<1x64xi32, #tpu.memory_space<vmem>>
      %dma_wait3A_208 = tpu.memref_squeeze %dma_wait3A_207 : memref<1x64xi32, #tpu.memory_space<vmem>> -> memref<64xi32, #tpu.memory_space<vmem>>
      %dma_wait3A_209 = arith.constant 0 : i32
      %dma_wait3A_210 = arith.constant 0 : i32
      %dma_wait3A_211 = tpu.memref_slice %arg2[%dma_wait3A_209, %dma_wait3A_210] : memref<10240x128xf32, #tpu.memory_space<hbm>> -> memref<10240x128xf32, #tpu.memory_space<hbm>>
      tpu.wait_indirect_dma semaphore(%arg10 : memref<!tpu.dma_semaphore, #tpu.memory_space<semaphore_mem>>) src(%dma_wait3A_211 : memref<10240x128xf32, #tpu.memory_space<hbm>>) dst(%dma_wait3A_205 : memref<64x128xf32, #tpu.memory_space<vmem>>)
      %add3A_212 = arith.constant 4 : i32
      %add3A_213 = arith.addi %scan3A_177, %add3A_212 : i32
      %lt3A = arith.constant 98 : i32
      %lt3A_214 = arith.cmpi slt, %add3A_213, %lt3A : i32
      %convert_element_type3A_215 = arith.extui %lt3A_214 : i1 to i32
      %cond3A_216 = arith.constant 0 : i32
      %cond3A_217 = arith.cmpi ne, %convert_element_type3A_215, %cond3A_216 : i32
      scf.if %cond3A_217 {
        %add3A_255 = arith.constant 4 : i32
        %add3A_256 = arith.addi %scan3A_177, %add3A_255 : i32
        %dma_start3A_257 = arith.constant 0 : i32
        %dma_start3A_258 = arith.constant 0 : i32
        %dma_start3A_259 = tpu.memref_slice %arg8[%rem3A_183, %dma_start3A_257, %dma_start3A_258] : memref<6x64x128xf32, #tpu.memory_space<vmem>> -> memref<1x64x128xf32, #tpu.memory_space<vmem>>
        %dma_start3A_260 = tpu.memref_squeeze %dma_start3A_259 : memref<1x64x128xf32, #tpu.memory_space<vmem>> -> memref<64x128xf32, #tpu.memory_space<vmem>>
        %dma_start3A_261 = arith.constant 0 : i32
        %dma_start3A_262 = tpu.memref_slice %arg6[%add3A_256, %dma_start3A_261] : memref<98x64xi32, #tpu.memory_space<vmem>> -> memref<1x64xi32, #tpu.memory_space<vmem>>
        %dma_start3A_263 = tpu.memref_squeeze %dma_start3A_262 : memref<1x64xi32, #tpu.memory_space<vmem>> -> memref<64xi32, #tpu.memory_space<vmem>>
        %dma_start3A_264 = arith.constant 0 : i32
        %dma_start3A_265 = arith.constant 0 : i32
        %dma_start3A_266 = tpu.memref_slice %arg2[%dma_start3A_264, %dma_start3A_265] : memref<10240x128xf32, #tpu.memory_space<hbm>> -> memref<10240x128xf32, #tpu.memory_space<hbm>>
        tpu.enqueue_indirect_dma source(%dma_start3A_266 : memref<10240x128xf32, #tpu.memory_space<hbm>>) target(%dma_start3A_260 : memref<64x128xf32, #tpu.memory_space<vmem>>) offsets(%dma_start3A_263 : memref<64xi32, #tpu.memory_space<vmem>>) semaphore(%arg10 : memref<!tpu.dma_semaphore, #tpu.memory_space<semaphore_mem>>)
        %add3A_267 = arith.constant 4 : i32
        %add3A_268 = arith.addi %scan3A_177, %add3A_267 : i32
        %dma_start3A_269 = arith.constant 0 : i32
        %dma_start3A_270 = arith.constant 0 : i32
        %dma_start3A_271 = tpu.memref_slice %arg9[%rem3A_183, %dma_start3A_269, %dma_start3A_270] : memref<6x64x128xf32, #tpu.memory_space<vmem>> -> memref<1x64x128xf32, #tpu.memory_space<vmem>>
        %dma_start3A_272 = tpu.memref_squeeze %dma_start3A_271 : memref<1x64x128xf32, #tpu.memory_space<vmem>> -> memref<64x128xf32, #tpu.memory_space<vmem>>
        %dma_start3A_273 = arith.constant 0 : i32
        %dma_start3A_274 = tpu.memref_slice %arg7[%add3A_268, %dma_start3A_273] : memref<98x64xi32, #tpu.memory_space<vmem>> -> memref<1x64xi32, #tpu.memory_space<vmem>>
        %dma_start3A_275 = tpu.memref_squeeze %dma_start3A_274 : memref<1x64xi32, #tpu.memory_space<vmem>> -> memref<64xi32, #tpu.memory_space<vmem>>
        %dma_start3A_276 = arith.constant 0 : i32
        %dma_start3A_277 = arith.constant 0 : i32
        %dma_start3A_278 = tpu.memref_slice %arg2[%dma_start3A_276, %dma_start3A_277] : memref<10240x128xf32, #tpu.memory_space<hbm>> -> memref<10240x128xf32, #tpu.memory_space<hbm>>
        tpu.enqueue_indirect_dma source(%dma_start3A_278 : memref<10240x128xf32, #tpu.memory_space<hbm>>) target(%dma_start3A_272 : memref<64x128xf32, #tpu.memory_space<vmem>>) offsets(%dma_start3A_275 : memref<64xi32, #tpu.memory_space<vmem>>) semaphore(%arg10 : memref<!tpu.dma_semaphore, #tpu.memory_space<semaphore_mem>>)
      } else {
      }
      %mul3A_218 = arith.constant 64 : i32
      %mul3A_219 = arith.muli %scan3A_177, %mul3A_218 : i32
      %add3A_220 = arith.addi %mul3A_4, %mul3A_219 : i32
      %dma_start3A_221 = arith.constant 0 : i32
      %dma_start3A_222 = arith.constant 0 : i32
      %dma_start3A_223 = arith.constant 0 : i32
      %dma_start3A_224 = tpu.memref_slice %arg8[%rem3A_179, %dma_start3A_222, %dma_start3A_223] : memref<6x64x128xf32, #tpu.memory_space<vmem>> -> memref<1x64x128xf32, #tpu.memory_space<vmem>>
      %dma_start3A_225 = tpu.memref_squeeze %dma_start3A_224 : memref<1x64x128xf32, #tpu.memory_space<vmem>> -> memref<64x128xf32, #tpu.memory_space<vmem>>
      %dma_start3A_226 = arith.constant 0 : i32
      %dma_start3A_227 = tpu.memref_slice %arg5[%dma_start3A_221, %add3A_220, %dma_start3A_226] : memref<2x200704x128xf32, #tpu.memory_space<hbm>> -> memref<1x64x128xf32, #tpu.memory_space<hbm>>
      %dma_start3A_228 = tpu.memref_squeeze %dma_start3A_227 : memref<1x64x128xf32, #tpu.memory_space<hbm>> -> memref<64x128xf32, #tpu.memory_space<hbm>>
      %dma_start3A_229 = arith.constant 0 : i32
      %dma_start3A_230 = tpu.memref_slice %arg5[%dma_start3A_221, %add3A_220, %dma_start3A_229] : memref<2x200704x128xf32, #tpu.memory_space<hbm>> -> memref<1x64x128xf32, #tpu.memory_space<hbm>>
      %dma_start3A_231 = tpu.memref_squeeze %dma_start3A_230 : memref<1x64x128xf32, #tpu.memory_space<hbm>> -> memref<64x128xf32, #tpu.memory_space<hbm>>
      %dma_start3A_232 = arith.constant 0 : i32
      %dma_start3A_233 = arith.constant 0 : i32
      %dma_start3A_234 = tpu.memref_slice %arg8[%rem3A_179, %dma_start3A_232, %dma_start3A_233] : memref<6x64x128xf32, #tpu.memory_space<vmem>> -> memref<1x64x128xf32, #tpu.memory_space<vmem>>
      %dma_start3A_235 = tpu.memref_squeeze %dma_start3A_234 : memref<1x64x128xf32, #tpu.memory_space<vmem>> -> memref<64x128xf32, #tpu.memory_space<vmem>>
      tpu.enqueue_dma source(%dma_start3A_235 : memref<64x128xf32, #tpu.memory_space<vmem>>) target(%dma_start3A_231 : memref<64x128xf32, #tpu.memory_space<hbm>>) target_semaphore(%arg11 : memref<!tpu.dma_semaphore, #tpu.memory_space<semaphore_mem>>)
      %mul3A_236 = arith.constant 64 : i32
      %mul3A_237 = arith.muli %scan3A_177, %mul3A_236 : i32
      %add3A_238 = arith.addi %mul3A_4, %mul3A_237 : i32
      %dma_start3A_239 = arith.constant 1 : i32
      %dma_start3A_240 = arith.constant 0 : i32
      %dma_start3A_241 = arith.constant 0 : i32
      %dma_start3A_242 = tpu.memref_slice %arg9[%rem3A_179, %dma_start3A_240, %dma_start3A_241] : memref<6x64x128xf32, #tpu.memory_space<vmem>> -> memref<1x64x128xf32, #tpu.memory_space<vmem>>
      %dma_start3A_243 = tpu.memref_squeeze %dma_start3A_242 : memref<1x64x128xf32, #tpu.memory_space<vmem>> -> memref<64x128xf32, #tpu.memory_space<vmem>>
      %dma_start3A_244 = arith.constant 0 : i32
      %dma_start3A_245 = tpu.memref_slice %arg5[%dma_start3A_239, %add3A_238, %dma_start3A_244] : memref<2x200704x128xf32, #tpu.memory_space<hbm>> -> memref<1x64x128xf32, #tpu.memory_space<hbm>>
      %dma_start3A_246 = tpu.memref_squeeze %dma_start3A_245 : memref<1x64x128xf32, #tpu.memory_space<hbm>> -> memref<64x128xf32, #tpu.memory_space<hbm>>
      %dma_start3A_247 = arith.constant 0 : i32
      %dma_start3A_248 = tpu.memref_slice %arg5[%dma_start3A_239, %add3A_238, %dma_start3A_247] : memref<2x200704x128xf32, #tpu.memory_space<hbm>> -> memref<1x64x128xf32, #tpu.memory_space<hbm>>
      %dma_start3A_249 = tpu.memref_squeeze %dma_start3A_248 : memref<1x64x128xf32, #tpu.memory_space<hbm>> -> memref<64x128xf32, #tpu.memory_space<hbm>>
      %dma_start3A_250 = arith.constant 0 : i32
      %dma_start3A_251 = arith.constant 0 : i32
      %dma_start3A_252 = tpu.memref_slice %arg9[%rem3A_179, %dma_start3A_250, %dma_start3A_251] : memref<6x64x128xf32, #tpu.memory_space<vmem>> -> memref<1x64x128xf32, #tpu.memory_space<vmem>>
      %dma_start3A_253 = tpu.memref_squeeze %dma_start3A_252 : memref<1x64x128xf32, #tpu.memory_space<vmem>> -> memref<64x128xf32, #tpu.memory_space<vmem>>
      tpu.enqueue_dma source(%dma_start3A_253 : memref<64x128xf32, #tpu.memory_space<vmem>>) target(%dma_start3A_249 : memref<64x128xf32, #tpu.memory_space<hbm>>) target_semaphore(%arg11 : memref<!tpu.dma_semaphore, #tpu.memory_space<semaphore_mem>>)
      %scan3A_254 = arith.constant 0 : i32
      scf.yield %scan3A_254 : i32
    }
    %scan3A_105 = arith.constant 98 : i32
    %dma_wait3A = arith.constant 0 : i32
    %dma_wait3A_106 = arith.constant 0 : i32
    %dma_wait3A_107 = arith.constant 0 : i32
    %dma_wait3A_108 = arith.constant 0 : i32
    %dma_wait3A_109 = tpu.memref_slice %arg8[%dma_wait3A, %dma_wait3A_107, %dma_wait3A_108] : memref<6x64x128xf32, #tpu.memory_space<vmem>> -> memref<1x64x128xf32, #tpu.memory_space<vmem>>
    %dma_wait3A_110 = tpu.memref_squeeze %dma_wait3A_109 : memref<1x64x128xf32, #tpu.memory_space<vmem>> -> memref<64x128xf32, #tpu.memory_space<vmem>>
    %dma_wait3A_111 = arith.constant 0 : i32
    %dma_wait3A_112 = arith.constant 0 : i32
    %dma_wait3A_113 = tpu.memref_slice %arg5[%dma_wait3A_106, %dma_wait3A_111, %dma_wait3A_112] : memref<2x200704x128xf32, #tpu.memory_space<hbm>> -> memref<1x64x128xf32, #tpu.memory_space<hbm>>
    %dma_wait3A_114 = tpu.memref_squeeze %dma_wait3A_113 : memref<1x64x128xf32, #tpu.memory_space<hbm>> -> memref<64x128xf32, #tpu.memory_space<hbm>>
    %dma_wait3A_115 = arith.constant 0 : i32
    %dma_wait3A_116 = arith.constant 0 : i32
    %dma_wait3A_117 = tpu.memref_slice %arg5[%dma_wait3A_106, %dma_wait3A_115, %dma_wait3A_116] : memref<2x200704x128xf32, #tpu.memory_space<hbm>> -> memref<1x64x128xf32, #tpu.memory_space<hbm>>
    %dma_wait3A_118 = tpu.memref_squeeze %dma_wait3A_117 : memref<1x64x128xf32, #tpu.memory_space<hbm>> -> memref<64x128xf32, #tpu.memory_space<hbm>>
    %dma_wait3A_119 = arith.constant 0 : i32
    %dma_wait3A_120 = arith.constant 0 : i32
    %dma_wait3A_121 = tpu.memref_slice %arg8[%dma_wait3A, %dma_wait3A_119, %dma_wait3A_120] : memref<6x64x128xf32, #tpu.memory_space<vmem>> -> memref<1x64x128xf32, #tpu.memory_space<vmem>>
    %dma_wait3A_122 = tpu.memref_squeeze %dma_wait3A_121 : memref<1x64x128xf32, #tpu.memory_space<vmem>> -> memref<64x128xf32, #tpu.memory_space<vmem>>
    tpu.wait_dma2 semaphore(%arg11 : memref<!tpu.dma_semaphore, #tpu.memory_space<semaphore_mem>>) src(%dma_wait3A_122 : memref<64x128xf32, #tpu.memory_space<vmem>>) dst(%dma_wait3A_118 : memref<64x128xf32, #tpu.memory_space<hbm>>)
    %dma_wait3A_123 = arith.constant 0 : i32
    %dma_wait3A_124 = arith.constant 0 : i32
    %dma_wait3A_125 = arith.constant 0 : i32
    %dma_wait3A_126 = arith.constant 0 : i32
    %dma_wait3A_127 = tpu.memref_slice %arg8[%dma_wait3A_123, %dma_wait3A_125, %dma_wait3A_126] : memref<6x64x128xf32, #tpu.memory_space<vmem>> -> memref<1x64x128xf32, #tpu.memory_space<vmem>>
    %dma_wait3A_128 = tpu.memref_squeeze %dma_wait3A_127 : memref<1x64x128xf32, #tpu.memory_space<vmem>> -> memref<64x128xf32, #tpu.memory_space<vmem>>
    %dma_wait3A_129 = arith.constant 0 : i32
    %dma_wait3A_130 = arith.constant 0 : i32
    %dma_wait3A_131 = tpu.memref_slice %arg5[%dma_wait3A_124, %dma_wait3A_129, %dma_wait3A_130] : memref<2x200704x128xf32, #tpu.memory_space<hbm>> -> memref<1x64x128xf32, #tpu.memory_space<hbm>>
    %dma_wait3A_132 = tpu.memref_squeeze %dma_wait3A_131 : memref<1x64x128xf32, #tpu.memory_space<hbm>> -> memref<64x128xf32, #tpu.memory_space<hbm>>
    %dma_wait3A_133 = arith.constant 0 : i32
    %dma_wait3A_134 = arith.constant 0 : i32
    %dma_wait3A_135 = tpu.memref_slice %arg5[%dma_wait3A_124, %dma_wait3A_133, %dma_wait3A_134] : memref<2x200704x128xf32, #tpu.memory_space<hbm>> -> memref<1x64x128xf32, #tpu.memory_space<hbm>>
    %dma_wait3A_136 = tpu.memref_squeeze %dma_wait3A_135 : memref<1x64x128xf32, #tpu.memory_space<hbm>> -> memref<64x128xf32, #tpu.memory_space<hbm>>
    %dma_wait3A_137 = arith.constant 0 : i32
    %dma_wait3A_138 = arith.constant 0 : i32
    %dma_wait3A_139 = tpu.memref_slice %arg8[%dma_wait3A_123, %dma_wait3A_137, %dma_wait3A_138] : memref<6x64x128xf32, #tpu.memory_space<vmem>> -> memref<1x64x128xf32, #tpu.memory_space<vmem>>
    %dma_wait3A_140 = tpu.memref_squeeze %dma_wait3A_139 : memref<1x64x128xf32, #tpu.memory_space<vmem>> -> memref<64x128xf32, #tpu.memory_space<vmem>>
    tpu.wait_dma2 semaphore(%arg11 : memref<!tpu.dma_semaphore, #tpu.memory_space<semaphore_mem>>) src(%dma_wait3A_140 : memref<64x128xf32, #tpu.memory_space<vmem>>) dst(%dma_wait3A_136 : memref<64x128xf32, #tpu.memory_space<hbm>>)
    %dma_wait3A_141 = arith.constant 0 : i32
    %dma_wait3A_142 = arith.constant 0 : i32
    %dma_wait3A_143 = arith.constant 0 : i32
    %dma_wait3A_144 = arith.constant 0 : i32
    %dma_wait3A_145 = tpu.memref_slice %arg8[%dma_wait3A_141, %dma_wait3A_143, %dma_wait3A_144] : memref<6x64x128xf32, #tpu.memory_space<vmem>> -> memref<1x64x128xf32, #tpu.memory_space<vmem>>
    %dma_wait3A_146 = tpu.memref_squeeze %dma_wait3A_145 : memref<1x64x128xf32, #tpu.memory_space<vmem>> -> memref<64x128xf32, #tpu.memory_space<vmem>>
    %dma_wait3A_147 = arith.constant 0 : i32
    %dma_wait3A_148 = arith.constant 0 : i32
    %dma_wait3A_149 = tpu.memref_slice %arg5[%dma_wait3A_142, %dma_wait3A_147, %dma_wait3A_148] : memref<2x200704x128xf32, #tpu.memory_space<hbm>> -> memref<1x64x128xf32, #tpu.memory_space<hbm>>
    %dma_wait3A_150 = tpu.memref_squeeze %dma_wait3A_149 : memref<1x64x128xf32, #tpu.memory_space<hbm>> -> memref<64x128xf32, #tpu.memory_space<hbm>>
    %dma_wait3A_151 = arith.constant 0 : i32
    %dma_wait3A_152 = arith.constant 0 : i32
    %dma_wait3A_153 = tpu.memref_slice %arg5[%dma_wait3A_142, %dma_wait3A_151, %dma_wait3A_152] : memref<2x200704x128xf32, #tpu.memory_space<hbm>> -> memref<1x64x128xf32, #tpu.memory_space<hbm>>
    %dma_wait3A_154 = tpu.memref_squeeze %dma_wait3A_153 : memref<1x64x128xf32, #tpu.memory_space<hbm>> -> memref<64x128xf32, #tpu.memory_space<hbm>>
    %dma_wait3A_155 = arith.constant 0 : i32
    %dma_wait3A_156 = arith.constant 0 : i32
    %dma_wait3A_157 = tpu.memref_slice %arg8[%dma_wait3A_141, %dma_wait3A_155, %dma_wait3A_156] : memref<6x64x128xf32, #tpu.memory_space<vmem>> -> memref<1x64x128xf32, #tpu.memory_space<vmem>>
    %dma_wait3A_158 = tpu.memref_squeeze %dma_wait3A_157 : memref<1x64x128xf32, #tpu.memory_space<vmem>> -> memref<64x128xf32, #tpu.memory_space<vmem>>
    tpu.wait_dma2 semaphore(%arg11 : memref<!tpu.dma_semaphore, #tpu.memory_space<semaphore_mem>>) src(%dma_wait3A_158 : memref<64x128xf32, #tpu.memory_space<vmem>>) dst(%dma_wait3A_154 : memref<64x128xf32, #tpu.memory_space<hbm>>)
    %dma_wait3A_159 = arith.constant 0 : i32
    %dma_wait3A_160 = arith.constant 0 : i32
    %dma_wait3A_161 = arith.constant 0 : i32
    %dma_wait3A_162 = arith.constant 0 : i32
    %dma_wait3A_163 = tpu.memref_slice %arg8[%dma_wait3A_159, %dma_wait3A_161, %dma_wait3A_162] : memref<6x64x128xf32, #tpu.memory_space<vmem>> -> memref<1x64x128xf32, #tpu.memory_space<vmem>>
    %dma_wait3A_164 = tpu.memref_squeeze %dma_wait3A_163 : memref<1x64x128xf32, #tpu.memory_space<vmem>> -> memref<64x128xf32, #tpu.memory_space<vmem>>
    %dma_wait3A_165 = arith.constant 0 : i32
    %dma_wait3A_166 = arith.constant 0 : i32
    %dma_wait3A_167 = tpu.memref_slice %arg5[%dma_wait3A_160, %dma_wait3A_165, %dma_wait3A_166] : memref<2x200704x128xf32, #tpu.memory_space<hbm>> -> memref<1x64x128xf32, #tpu.memory_space<hbm>>
    %dma_wait3A_168 = tpu.memref_squeeze %dma_wait3A_167 : memref<1x64x128xf32, #tpu.memory_space<hbm>> -> memref<64x128xf32, #tpu.memory_space<hbm>>
    %dma_wait3A_169 = arith.constant 0 : i32
    %dma_wait3A_170 = arith.constant 0 : i32
    %dma_wait3A_171 = tpu.memref_slice %arg5[%dma_wait3A_160, %dma_wait3A_169, %dma_wait3A_170] : memref<2x200704x128xf32, #tpu.memory_space<hbm>> -> memref<1x64x128xf32, #tpu.memory_space<hbm>>
    %dma_wait3A_172 = tpu.memref_squeeze %dma_wait3A_171 : memref<1x64x128xf32, #tpu.memory_space<hbm>> -> memref<64x128xf32, #tpu.memory_space<hbm>>
    %dma_wait3A_173 = arith.constant 0 : i32
    %dma_wait3A_174 = arith.constant 0 : i32
    %dma_wait3A_175 = tpu.memref_slice %arg8[%dma_wait3A_159, %dma_wait3A_173, %dma_wait3A_174] : memref<6x64x128xf32, #tpu.memory_space<vmem>> -> memref<1x64x128xf32, #tpu.memory_space<vmem>>
    %dma_wait3A_176 = tpu.memref_squeeze %dma_wait3A_175 : memref<1x64x128xf32, #tpu.memory_space<vmem>> -> memref<64x128xf32, #tpu.memory_space<vmem>>
    tpu.wait_dma2 semaphore(%arg11 : memref<!tpu.dma_semaphore, #tpu.memory_space<semaphore_mem>>) src(%dma_wait3A_176 : memref<64x128xf32, #tpu.memory_space<vmem>>) dst(%dma_wait3A_172 : memref<64x128xf32, #tpu.memory_space<hbm>>)
    return
  }
}

module attributes {stable_mosaic.version = 14 : i64} {
  func.func @_tc_enc1_body(%arg0: i32, %arg1: memref<1024x128xf32, #tpu.memory_space<vmem>>, %arg2: memref<128x128xf32, #tpu.memory_space<vmem>>, %arg3: memref<128x128xf32, #tpu.memory_space<vmem>>, %arg4: memref<1x128xf32, #tpu.memory_space<vmem>>, %arg5: memref<1024x128xf32, #tpu.memory_space<vmem>>, %arg6: memref<2x1024x64xf32, #tpu.memory_space<vmem>>) attributes {dimension_semantics = [#tpu.dimension_semantics<arbitrary>], iteration_bounds = array<i64: 10>, scalar_prefetch = 0 : i64, scratch_operands = 0 : i64, tpu.core_type = #tpu.core_type<tc>, window_params = [{transform_indices = @transform_0, window_bounds = array<i64: 1024, 128>}, {pipeline_mode = #tpu.pipeline_mode<synchronous>, transform_indices = @transform_1, window_bounds = array<i64: 128, 128>}, {pipeline_mode = #tpu.pipeline_mode<synchronous>, transform_indices = @transform_2, window_bounds = array<i64: 128, 128>}, {pipeline_mode = #tpu.pipeline_mode<synchronous>, transform_indices = @transform_3, window_bounds = array<i64: 1, 128>}, {transform_indices = @transform_4, window_bounds = array<i64: 1024, 128>}, {transform_indices = @transform_5, window_bounds = array<i64: 2, 1024, 64>}]} {
    %get3A = arith.constant 0 : index
    %get3A_0 = arith.constant 0 : index
    %get3A_1 = vector.load %arg1[%get3A, %get3A_0] : memref<1024x128xf32, #tpu.memory_space<vmem>>, vector<1024x128xf32>
    %get3A_2 = arith.constant 0 : index
    %get3A_3 = arith.constant 0 : index
    %get3A_4 = vector.load %arg2[%get3A_2, %get3A_3] : memref<128x128xf32, #tpu.memory_space<vmem>>, vector<128x128xf32>
    %dot_general3A = arith.constant dense<0.000000e+00> : vector<1024x128xf32>
    %dot_general3A_5 = tpu.matmul %get3A_1, %get3A_4, %dot_general3A {dimension_numbers = #tpu.dot_dimension_numbers<[1], [0], [0], [1], [0, 0, 1, 1], [], []>, transpose_lhs_hint = false} : vector<1024x128xf32>, vector<128x128xf32>, vector<1024x128xf32> -> vector<1024x128xf32>
    %get3A_6 = arith.constant 0 : index
    %get3A_7 = arith.constant 0 : index
    %get3A_8 = vector.load %arg4[%get3A_6, %get3A_7] : memref<1x128xf32, #tpu.memory_space<vmem>>, vector<1x128xf32>
    %add3A = vector.broadcast %get3A_8 : vector<1x128xf32> to vector<1024x128xf32>
    %add3A_9 = arith.addf %dot_general3A_5, %add3A : vector<1024x128xf32>
    %swap3A = arith.constant 0 : index
    %swap3A_10 = arith.constant 0 : index
    %swap3A_11 = vector.load %arg5[%swap3A, %swap3A_10] : memref<1024x128xf32, #tpu.memory_space<vmem>>, vector<1024x128xf32>
    tpu.vector_store %arg5[%swap3A, %swap3A_10], %add3A_9 {strides = array<i32>} : memref<1024x128xf32, #tpu.memory_space<vmem>>, vector<1024x128xf32>,
    %get3A_12 = arith.constant 0 : index
    %get3A_13 = arith.constant 0 : index
    %get3A_14 = vector.load %arg3[%get3A_12, %get3A_13] : memref<128x128xf32, #tpu.memory_space<vmem>>, vector<128x128xf32>
    %dot_general3A_15 = arith.constant dense<0.000000e+00> : vector<1024x128xf32>
    %dot_general3A_16 = tpu.matmul %get3A_1, %get3A_14, %dot_general3A_15 {dimension_numbers = #tpu.dot_dimension_numbers<[1], [0], [0], [1], [0, 0, 1, 1], [], []>, transpose_lhs_hint = false} : vector<1024x128xf32>, vector<128x128xf32>, vector<1024x128xf32> -> vector<1024x128xf32>
    %slice3A = vector.extract_strided_slice %dot_general3A_16 {offsets = [0, 0], sizes = [1024, 64], strides = [1, 1]} : vector<1024x128xf32> to vector<1024x64xf32>
    %swap3A_17 = arith.constant 0 : index
    %swap3A_18 = arith.constant 0 : index
    %swap3A_19 = arith.constant 0 : index
    %swap3A_20 = vector.load %arg6[%swap3A_17, %swap3A_18, %swap3A_19] : memref<2x1024x64xf32, #tpu.memory_space<vmem>>, vector<1x1024x64xf32>
    %swap3A_21 = vector.shape_cast %swap3A_20 : vector<1x1024x64xf32> to vector<1024x64xf32>
    %swap3A_22 = vector.shape_cast %slice3A : vector<1024x64xf32> to vector<1x1024x64xf32>
    tpu.vector_store %arg6[%swap3A_17, %swap3A_18, %swap3A_19], %swap3A_22 {strides = array<i32>} : memref<2x1024x64xf32, #tpu.memory_space<vmem>>, vector<1x1024x64xf32>,
    %slice3A_23 = vector.extract_strided_slice %dot_general3A_16 {offsets = [0, 64], sizes = [1024, 64], strides = [1, 1]} : vector<1024x128xf32> to vector<1024x64xf32>
    %swap3A_24 = arith.constant 1 : index
    %swap3A_25 = arith.constant 0 : index
    %swap3A_26 = arith.constant 0 : index
    %swap3A_27 = vector.load %arg6[%swap3A_24, %swap3A_25, %swap3A_26] : memref<2x1024x64xf32, #tpu.memory_space<vmem>>, vector<1x1024x64xf32>
    %swap3A_28 = vector.shape_cast %swap3A_27 : vector<1x1024x64xf32> to vector<1024x64xf32>
    %swap3A_29 = vector.shape_cast %slice3A_23 : vector<1024x64xf32> to vector<1x1024x64xf32>
    tpu.vector_store %arg6[%swap3A_24, %swap3A_25, %swap3A_26], %swap3A_29 {strides = array<i32>} : memref<2x1024x64xf32, #tpu.memory_space<vmem>>, vector<1x1024x64xf32>,
    return
  }
  func.func @transform_0(%arg0: i32) -> (i32, i32) {
    %c0_i32 = arith.constant 0 : i32
    %c0_i32_0 = arith.constant 0 : i32
    return %arg0, %c0_i32 : i32, i32
  }
  func.func @transform_1(%arg0: i32) -> (i32, i32) {
    %c0_i32 = arith.constant 0 : i32
    %c0_i32_0 = arith.constant 0 : i32
    %c0_i32_1 = arith.constant 0 : i32
    return %c0_i32, %c0_i32_0 : i32, i32
  }
  func.func @transform_2(%arg0: i32) -> (i32, i32) {
    %c0_i32 = arith.constant 0 : i32
    %c0_i32_0 = arith.constant 0 : i32
    %c0_i32_1 = arith.constant 0 : i32
    return %c0_i32, %c0_i32_0 : i32, i32
  }
  func.func @transform_3(%arg0: i32) -> (i32, i32) {
    %c0_i32 = arith.constant 0 : i32
    %c0_i32_0 = arith.constant 0 : i32
    %c0_i32_1 = arith.constant 0 : i32
    return %c0_i32, %c0_i32_0 : i32, i32
  }
  func.func @transform_4(%arg0: i32) -> (i32, i32) {
    %c0_i32 = arith.constant 0 : i32
    %c0_i32_0 = arith.constant 0 : i32
    return %arg0, %c0_i32 : i32, i32
  }
  func.func @transform_5(%arg0: i32) -> (i32, i32, i32) {
    %c0_i32 = arith.constant 0 : i32
    %c0_i32_0 = arith.constant 0 : i32
    %c0_i32_1 = arith.constant 0 : i32
    return %c0_i32, %arg0, %c0_i32_0 : i32, i32, i32
  }
}

module attributes {stable_mosaic.version = 14 : i64} {
  func.func @_tc_enc2_body(%arg0: i32, %arg1: memref<1024x128xf32, #tpu.memory_space<vmem>>, %arg2: memref<2x1024x64xf32, #tpu.memory_space<vmem>>, %arg3: memref<1024x1xf32, #tpu.memory_space<vmem>>, %arg4: memref<128x128xf32, #tpu.memory_space<vmem>>, %arg5: memref<128x128xf32, #tpu.memory_space<vmem>>, %arg6: memref<1x128xf32, #tpu.memory_space<vmem>>, %arg7: memref<1024x128xf32, #tpu.memory_space<vmem>>, %arg8: memref<2x1024x64xf32, #tpu.memory_space<vmem>>) attributes {dimension_semantics = [#tpu.dimension_semantics<arbitrary>], iteration_bounds = array<i64: 10>, scalar_prefetch = 0 : i64, scratch_operands = 0 : i64, tpu.core_type = #tpu.core_type<tc>, window_params = [{transform_indices = @transform_0, window_bounds = array<i64: 1024, 128>}, {transform_indices = @transform_1, window_bounds = array<i64: 2, 1024, 64>}, {transform_indices = @transform_2, window_bounds = array<i64: 1024, 1>}, {pipeline_mode = #tpu.pipeline_mode<synchronous>, transform_indices = @transform_3, window_bounds = array<i64: 128, 128>}, {pipeline_mode = #tpu.pipeline_mode<synchronous>, transform_indices = @transform_4, window_bounds = array<i64: 128, 128>}, {pipeline_mode = #tpu.pipeline_mode<synchronous>, transform_indices = @transform_5, window_bounds = array<i64: 1, 128>}, {transform_indices = @transform_6, window_bounds = array<i64: 1024, 128>}, {transform_indices = @transform_7, window_bounds = array<i64: 2, 1024, 64>}]} {
    %get3A = arith.constant 0 : index
    %get3A_0 = arith.constant 0 : index
    %get3A_1 = vector.load %arg1[%get3A, %get3A_0] : memref<1024x128xf32, #tpu.memory_space<vmem>>, vector<1024x128xf32>
    %get3A_2 = arith.constant 0 : index
    %get3A_3 = arith.constant 0 : index
    %get3A_4 = arith.constant 0 : index
    %get3A_5 = vector.load %arg2[%get3A_2, %get3A_3, %get3A_4] : memref<2x1024x64xf32, #tpu.memory_space<vmem>>, vector<1x1024x64xf32>
    %get3A_6 = vector.shape_cast %get3A_5 : vector<1x1024x64xf32> to vector<1024x64xf32>
    %get3A_7 = arith.constant 1 : index
    %get3A_8 = arith.constant 0 : index
    %get3A_9 = arith.constant 0 : index
    %get3A_10 = vector.load %arg2[%get3A_7, %get3A_8, %get3A_9] : memref<2x1024x64xf32, #tpu.memory_space<vmem>>, vector<1x1024x64xf32>
    %get3A_11 = vector.shape_cast %get3A_10 : vector<1x1024x64xf32> to vector<1024x64xf32>
    %concatenate3A = tpu.concatenate %get3A_6, %get3A_11 in 1 : vector<1024x64xf32>, vector<1024x64xf32> -> vector<1024x128xf32>
    %get3A_12 = arith.constant 0 : index
    %get3A_13 = arith.constant 0 : index
    %get3A_14 = vector.load %arg3[%get3A_12, %get3A_13] : memref<1024x1xf32, #tpu.memory_space<vmem>>, vector<1024x1xf32>
    %max3A = arith.constant 1.000000e+00 : f32
    %max3A_15 = vector.broadcast %max3A : f32 to vector<1024x1xf32>
    %max3A_16 = arith.maximumf %get3A_14, %max3A_15 : vector<1024x1xf32>
    %div3A = arith.constant 1.000000e+00 : f32
    %div3A_17 = vector.broadcast %div3A : f32 to vector<1024x1xf32>
    %div3A_18 = arith.divf %div3A_17, %max3A_16 : vector<1024x1xf32>
    %mul3A = vector.broadcast %div3A_18 : vector<1024x1xf32> to vector<1024x128xf32>
    %mul3A_19 = arith.mulf %concatenate3A, %mul3A : vector<1024x128xf32>
    %add3A = arith.addf %get3A_1, %mul3A_19 : vector<1024x128xf32>
    %max3A_20 = arith.constant 0.000000e+00 : f32
    %max3A_21 = vector.broadcast %max3A_20 : f32 to vector<1024x128xf32>
    %max3A_22 = arith.maximumf %add3A, %max3A_21 : vector<1024x128xf32>
    %get3A_23 = arith.constant 0 : index
    %get3A_24 = arith.constant 0 : index
    %get3A_25 = vector.load %arg4[%get3A_23, %get3A_24] : memref<128x128xf32, #tpu.memory_space<vmem>>, vector<128x128xf32>
    %dot_general3A = arith.constant dense<0.000000e+00> : vector<1024x128xf32>
    %dot_general3A_26 = tpu.matmul %max3A_22, %get3A_25, %dot_general3A {dimension_numbers = #tpu.dot_dimension_numbers<[1], [0], [0], [1], [0, 0, 1, 1], [], []>, transpose_lhs_hint = false} : vector<1024x128xf32>, vector<128x128xf32>, vector<1024x128xf32> -> vector<1024x128xf32>
    %get3A_27 = arith.constant 0 : index
    %get3A_28 = arith.constant 0 : index
    %get3A_29 = vector.load %arg6[%get3A_27, %get3A_28] : memref<1x128xf32, #tpu.memory_space<vmem>>, vector<1x128xf32>
    %add3A_30 = vector.broadcast %get3A_29 : vector<1x128xf32> to vector<1024x128xf32>
    %add3A_31 = arith.addf %dot_general3A_26, %add3A_30 : vector<1024x128xf32>
    %swap3A = arith.constant 0 : index
    %swap3A_32 = arith.constant 0 : index
    %swap3A_33 = vector.load %arg7[%swap3A, %swap3A_32] : memref<1024x128xf32, #tpu.memory_space<vmem>>, vector<1024x128xf32>
    tpu.vector_store %arg7[%swap3A, %swap3A_32], %add3A_31 {strides = array<i32>} : memref<1024x128xf32, #tpu.memory_space<vmem>>, vector<1024x128xf32>,
    %get3A_34 = arith.constant 0 : index
    %get3A_35 = arith.constant 0 : index
    %get3A_36 = vector.load %arg5[%get3A_34, %get3A_35] : memref<128x128xf32, #tpu.memory_space<vmem>>, vector<128x128xf32>
    %dot_general3A_37 = arith.constant dense<0.000000e+00> : vector<1024x128xf32>
    %dot_general3A_38 = tpu.matmul %max3A_22, %get3A_36, %dot_general3A_37 {dimension_numbers = #tpu.dot_dimension_numbers<[1], [0], [0], [1], [0, 0, 1, 1], [], []>, transpose_lhs_hint = false} : vector<1024x128xf32>, vector<128x128xf32>, vector<1024x128xf32> -> vector<1024x128xf32>
    %slice3A = vector.extract_strided_slice %dot_general3A_38 {offsets = [0, 0], sizes = [1024, 64], strides = [1, 1]} : vector<1024x128xf32> to vector<1024x64xf32>
    %swap3A_39 = arith.constant 0 : index
    %swap3A_40 = arith.constant 0 : index
    %swap3A_41 = arith.constant 0 : index
    %swap3A_42 = vector.load %arg8[%swap3A_39, %swap3A_40, %swap3A_41] : memref<2x1024x64xf32, #tpu.memory_space<vmem>>, vector<1x1024x64xf32>
    %swap3A_43 = vector.shape_cast %swap3A_42 : vector<1x1024x64xf32> to vector<1024x64xf32>
    %swap3A_44 = vector.shape_cast %slice3A : vector<1024x64xf32> to vector<1x1024x64xf32>
    tpu.vector_store %arg8[%swap3A_39, %swap3A_40, %swap3A_41], %swap3A_44 {strides = array<i32>} : memref<2x1024x64xf32, #tpu.memory_space<vmem>>, vector<1x1024x64xf32>,
    %slice3A_45 = vector.extract_strided_slice %dot_general3A_38 {offsets = [0, 64], sizes = [1024, 64], strides = [1, 1]} : vector<1024x128xf32> to vector<1024x64xf32>
    %swap3A_46 = arith.constant 1 : index
    %swap3A_47 = arith.constant 0 : index
    %swap3A_48 = arith.constant 0 : index
    %swap3A_49 = vector.load %arg8[%swap3A_46, %swap3A_47, %swap3A_48] : memref<2x1024x64xf32, #tpu.memory_space<vmem>>, vector<1x1024x64xf32>
    %swap3A_50 = vector.shape_cast %swap3A_49 : vector<1x1024x64xf32> to vector<1024x64xf32>
    %swap3A_51 = vector.shape_cast %slice3A_45 : vector<1024x64xf32> to vector<1x1024x64xf32>
    tpu.vector_store %arg8[%swap3A_46, %swap3A_47, %swap3A_48], %swap3A_51 {strides = array<i32>} : memref<2x1024x64xf32, #tpu.memory_space<vmem>>, vector<1x1024x64xf32>,
    return
  }
  func.func @transform_0(%arg0: i32) -> (i32, i32) {
    %c0_i32 = arith.constant 0 : i32
    %c0_i32_0 = arith.constant 0 : i32
    return %arg0, %c0_i32 : i32, i32
  }
  func.func @transform_1(%arg0: i32) -> (i32, i32, i32) {
    %c0_i32 = arith.constant 0 : i32
    %c0_i32_0 = arith.constant 0 : i32
    %c0_i32_1 = arith.constant 0 : i32
    return %c0_i32, %arg0, %c0_i32_0 : i32, i32, i32
  }
  func.func @transform_2(%arg0: i32) -> (i32, i32) {
    %c0_i32 = arith.constant 0 : i32
    %c0_i32_0 = arith.constant 0 : i32
    return %arg0, %c0_i32 : i32, i32
  }
  func.func @transform_3(%arg0: i32) -> (i32, i32) {
    %c0_i32 = arith.constant 0 : i32
    %c0_i32_0 = arith.constant 0 : i32
    %c0_i32_1 = arith.constant 0 : i32
    return %c0_i32, %c0_i32_0 : i32, i32
  }
  func.func @transform_4(%arg0: i32) -> (i32, i32) {
    %c0_i32 = arith.constant 0 : i32
    %c0_i32_0 = arith.constant 0 : i32
    %c0_i32_1 = arith.constant 0 : i32
    return %c0_i32, %c0_i32_0 : i32, i32
  }
  func.func @transform_5(%arg0: i32) -> (i32, i32) {
    %c0_i32 = arith.constant 0 : i32
    %c0_i32_0 = arith.constant 0 : i32
    %c0_i32_1 = arith.constant 0 : i32
    return %c0_i32, %c0_i32_0 : i32, i32
  }
  func.func @transform_6(%arg0: i32) -> (i32, i32) {
    %c0_i32 = arith.constant 0 : i32
    %c0_i32_0 = arith.constant 0 : i32
    return %arg0, %c0_i32 : i32, i32
  }
  func.func @transform_7(%arg0: i32) -> (i32, i32, i32) {
    %c0_i32 = arith.constant 0 : i32
    %c0_i32_0 = arith.constant 0 : i32
    %c0_i32_1 = arith.constant 0 : i32
    return %c0_i32, %arg0, %c0_i32_0 : i32, i32, i32
  }
}

module attributes {stable_mosaic.version = 14 : i64} {
  func.func @_tc_combine_body(%arg0: i32, %arg1: memref<1024x128xf32, #tpu.memory_space<vmem>>, %arg2: memref<2x1024x64xf32, #tpu.memory_space<vmem>>, %arg3: memref<1024x1xf32, #tpu.memory_space<vmem>>, %arg4: memref<1024x128xf32, #tpu.memory_space<vmem>>) attributes {dimension_semantics = [#tpu.dimension_semantics<arbitrary>], iteration_bounds = array<i64: 10>, scalar_prefetch = 0 : i64, scratch_operands = 0 : i64, tpu.core_type = #tpu.core_type<tc>, window_params = [{transform_indices = @transform_0, window_bounds = array<i64: 1024, 128>}, {transform_indices = @transform_1, window_bounds = array<i64: 2, 1024, 64>}, {transform_indices = @transform_2, window_bounds = array<i64: 1024, 1>}, {transform_indices = @transform_3, window_bounds = array<i64: 1024, 128>}]} {
    %get3A = arith.constant 0 : index
    %get3A_0 = arith.constant 0 : index
    %get3A_1 = vector.load %arg1[%get3A, %get3A_0] : memref<1024x128xf32, #tpu.memory_space<vmem>>, vector<1024x128xf32>
    %get3A_2 = arith.constant 0 : index
    %get3A_3 = arith.constant 0 : index
    %get3A_4 = arith.constant 0 : index
    %get3A_5 = vector.load %arg2[%get3A_2, %get3A_3, %get3A_4] : memref<2x1024x64xf32, #tpu.memory_space<vmem>>, vector<1x1024x64xf32>
    %get3A_6 = vector.shape_cast %get3A_5 : vector<1x1024x64xf32> to vector<1024x64xf32>
    %get3A_7 = arith.constant 1 : index
    %get3A_8 = arith.constant 0 : index
    %get3A_9 = arith.constant 0 : index
    %get3A_10 = vector.load %arg2[%get3A_7, %get3A_8, %get3A_9] : memref<2x1024x64xf32, #tpu.memory_space<vmem>>, vector<1x1024x64xf32>
    %get3A_11 = vector.shape_cast %get3A_10 : vector<1x1024x64xf32> to vector<1024x64xf32>
    %concatenate3A = tpu.concatenate %get3A_6, %get3A_11 in 1 : vector<1024x64xf32>, vector<1024x64xf32> -> vector<1024x128xf32>
    %get3A_12 = arith.constant 0 : index
    %get3A_13 = arith.constant 0 : index
    %get3A_14 = vector.load %arg3[%get3A_12, %get3A_13] : memref<1024x1xf32, #tpu.memory_space<vmem>>, vector<1024x1xf32>
    %max3A = arith.constant 1.000000e+00 : f32
    %max3A_15 = vector.broadcast %max3A : f32 to vector<1024x1xf32>
    %max3A_16 = arith.maximumf %get3A_14, %max3A_15 : vector<1024x1xf32>
    %div3A = arith.constant 1.000000e+00 : f32
    %div3A_17 = vector.broadcast %div3A : f32 to vector<1024x1xf32>
    %div3A_18 = arith.divf %div3A_17, %max3A_16 : vector<1024x1xf32>
    %mul3A = vector.broadcast %div3A_18 : vector<1024x1xf32> to vector<1024x128xf32>
    %mul3A_19 = arith.mulf %concatenate3A, %mul3A : vector<1024x128xf32>
    %add3A = arith.addf %get3A_1, %mul3A_19 : vector<1024x128xf32>
    %swap3A = arith.constant 0 : index
    %swap3A_20 = arith.constant 0 : index
    %swap3A_21 = vector.load %arg4[%swap3A, %swap3A_20] : memref<1024x128xf32, #tpu.memory_space<vmem>>, vector<1024x128xf32>
    tpu.vector_store %arg4[%swap3A, %swap3A_20], %add3A {strides = array<i32>} : memref<1024x128xf32, #tpu.memory_space<vmem>>, vector<1024x128xf32>,
    return
  }
  func.func @transform_0(%arg0: i32) -> (i32, i32) {
    %c0_i32 = arith.constant 0 : i32
    %c0_i32_0 = arith.constant 0 : i32
    return %arg0, %c0_i32 : i32, i32
  }
  func.func @transform_1(%arg0: i32) -> (i32, i32, i32) {
    %c0_i32 = arith.constant 0 : i32
    %c0_i32_0 = arith.constant 0 : i32
    %c0_i32_1 = arith.constant 0 : i32
    return %c0_i32, %arg0, %c0_i32_0 : i32, i32, i32
  }
  func.func @transform_2(%arg0: i32) -> (i32, i32) {
    %c0_i32 = arith.constant 0 : i32
    %c0_i32_0 = arith.constant 0 : i32
    return %arg0, %c0_i32 : i32, i32
  }
  func.func @transform_3(%arg0: i32) -> (i32, i32) {
    %c0_i32 = arith.constant 0 : i32
    %c0_i32_0 = arith.constant 0 : i32
    return %arg0, %c0_i32 : i32, i32
  }
}

module attributes {stable_mosaic.version = 14 : i64} {
  func.func @_tc_mlp_body(%arg0: i32, %arg1: memref<2x2048x128xf32, #tpu.memory_space<vmem>>, %arg2: memref<128x128xf32, #tpu.memory_space<vmem>>, %arg3: memref<1x128xf32, #tpu.memory_space<vmem>>, %arg4: memref<128x128xf32, #tpu.memory_space<vmem>>, %arg5: memref<1x128xf32, #tpu.memory_space<vmem>>, %arg6: memref<128x1xf32, #tpu.memory_space<vmem>>, %arg7: memref<1x1xf32, #tpu.memory_space<vmem>>, %arg8: memref<2048x1xf32, #tpu.memory_space<vmem>>) attributes {dimension_semantics = [#tpu.dimension_semantics<arbitrary>], iteration_bounds = array<i64: 98>, scalar_prefetch = 0 : i64, scratch_operands = 0 : i64, tpu.core_type = #tpu.core_type<tc>, window_params = [{transform_indices = @transform_0, window_bounds = array<i64: 2, 2048, 128>}, {pipeline_mode = #tpu.pipeline_mode<synchronous>, transform_indices = @transform_1, window_bounds = array<i64: 128, 128>}, {pipeline_mode = #tpu.pipeline_mode<synchronous>, transform_indices = @transform_2, window_bounds = array<i64: 1, 128>}, {pipeline_mode = #tpu.pipeline_mode<synchronous>, transform_indices = @transform_3, window_bounds = array<i64: 128, 128>}, {pipeline_mode = #tpu.pipeline_mode<synchronous>, transform_indices = @transform_4, window_bounds = array<i64: 1, 128>}, {pipeline_mode = #tpu.pipeline_mode<synchronous>, transform_indices = @transform_5, window_bounds = array<i64: 128, 1>}, {pipeline_mode = #tpu.pipeline_mode<synchronous>, transform_indices = @transform_6, window_bounds = array<i64: 1, 1>}, {transform_indices = @transform_7, window_bounds = array<i64: 2048, 1>}]} {
    %get3A = arith.constant 0 : index
    %get3A_0 = arith.constant 0 : index
    %get3A_1 = arith.constant 0 : index
    %get3A_2 = vector.load %arg1[%get3A, %get3A_0, %get3A_1] : memref<2x2048x128xf32, #tpu.memory_space<vmem>>, vector<1x2048x128xf32>
    %get3A_3 = vector.shape_cast %get3A_2 : vector<1x2048x128xf32> to vector<2048x128xf32>
    %get3A_4 = arith.constant 1 : index
    %get3A_5 = arith.constant 0 : index
    %get3A_6 = arith.constant 0 : index
    %get3A_7 = vector.load %arg1[%get3A_4, %get3A_5, %get3A_6] : memref<2x2048x128xf32, #tpu.memory_space<vmem>>, vector<1x2048x128xf32>
    %get3A_8 = vector.shape_cast %get3A_7 : vector<1x2048x128xf32> to vector<2048x128xf32>
    %mul3A = arith.mulf %get3A_3, %get3A_8 : vector<2048x128xf32>
    %get3A_9 = arith.constant 0 : index
    %get3A_10 = arith.constant 0 : index
    %get3A_11 = vector.load %arg2[%get3A_9, %get3A_10] : memref<128x128xf32, #tpu.memory_space<vmem>>, vector<128x128xf32>
    %dot_general3A = arith.constant dense<0.000000e+00> : vector<2048x128xf32>
    %dot_general3A_12 = tpu.matmul %mul3A, %get3A_11, %dot_general3A {dimension_numbers = #tpu.dot_dimension_numbers<[1], [0], [0], [1], [0, 0, 1, 1], [], []>, transpose_lhs_hint = false} : vector<2048x128xf32>, vector<128x128xf32>, vector<2048x128xf32> -> vector<2048x128xf32>
    %get3A_13 = arith.constant 0 : index
    %get3A_14 = arith.constant 0 : index
    %get3A_15 = vector.load %arg3[%get3A_13, %get3A_14] : memref<1x128xf32, #tpu.memory_space<vmem>>, vector<1x128xf32>
    %add3A = vector.broadcast %get3A_15 : vector<1x128xf32> to vector<2048x128xf32>
    %add3A_16 = arith.addf %dot_general3A_12, %add3A : vector<2048x128xf32>
    %max3A = arith.constant 0.000000e+00 : f32
    %max3A_17 = vector.broadcast %max3A : f32 to vector<2048x128xf32>
    %max3A_18 = arith.maximumf %add3A_16, %max3A_17 : vector<2048x128xf32>
    %get3A_19 = arith.constant 0 : index
    %get3A_20 = arith.constant 0 : index
    %get3A_21 = vector.load %arg4[%get3A_19, %get3A_20] : memref<128x128xf32, #tpu.memory_space<vmem>>, vector<128x128xf32>
    %dot_general3A_22 = arith.constant dense<0.000000e+00> : vector<2048x128xf32>
    %dot_general3A_23 = tpu.matmul %max3A_18, %get3A_21, %dot_general3A_22 {dimension_numbers = #tpu.dot_dimension_numbers<[1], [0], [0], [1], [0, 0, 1, 1], [], []>, transpose_lhs_hint = false} : vector<2048x128xf32>, vector<128x128xf32>, vector<2048x128xf32> -> vector<2048x128xf32>
    %get3A_24 = arith.constant 0 : index
    %get3A_25 = arith.constant 0 : index
    %get3A_26 = vector.load %arg5[%get3A_24, %get3A_25] : memref<1x128xf32, #tpu.memory_space<vmem>>, vector<1x128xf32>
    %add3A_27 = vector.broadcast %get3A_26 : vector<1x128xf32> to vector<2048x128xf32>
    %add3A_28 = arith.addf %dot_general3A_23, %add3A_27 : vector<2048x128xf32>
    %max3A_29 = arith.constant 0.000000e+00 : f32
    %max3A_30 = vector.broadcast %max3A_29 : f32 to vector<2048x128xf32>
    %max3A_31 = arith.maximumf %add3A_28, %max3A_30 : vector<2048x128xf32>
    %get3A_32 = arith.constant 0 : index
    %get3A_33 = arith.constant 0 : index
    %get3A_34 = vector.load %arg6[%get3A_32, %get3A_33] : memref<128x1xf32, #tpu.memory_space<vmem>>, vector<128x1xf32>
    %dot_general3A_35 = arith.constant dense<0.000000e+00> : vector<2048x1xf32>
    %dot_general3A_36 = tpu.matmul %max3A_31, %get3A_34, %dot_general3A_35 {dimension_numbers = #tpu.dot_dimension_numbers<[1], [0], [0], [1], [0, 0, 1, 1], [], []>, transpose_lhs_hint = false} : vector<2048x128xf32>, vector<128x1xf32>, vector<2048x1xf32> -> vector<2048x1xf32>
    %get3A_37 = arith.constant 0 : index
    %get3A_38 = arith.constant 0 : index
    %get3A_39 = vector.load %arg7[%get3A_37, %get3A_38] : memref<1x1xf32, #tpu.memory_space<vmem>>, vector<1x1xf32>
    %add3A_40 = vector.broadcast %get3A_39 : vector<1x1xf32> to vector<2048x1xf32>
    %add3A_41 = arith.addf %dot_general3A_36, %add3A_40 : vector<2048x1xf32>
    %swap3A = arith.constant 0 : index
    %swap3A_42 = arith.constant 0 : index
    %swap3A_43 = vector.load %arg8[%swap3A, %swap3A_42] : memref<2048x1xf32, #tpu.memory_space<vmem>>, vector<2048x1xf32>
    tpu.vector_store %arg8[%swap3A, %swap3A_42], %add3A_41 {strides = array<i32>} : memref<2048x1xf32, #tpu.memory_space<vmem>>, vector<2048x1xf32>,
    return
  }
  func.func @transform_0(%arg0: i32) -> (i32, i32, i32) {
    %c0_i32 = arith.constant 0 : i32
    %c0_i32_0 = arith.constant 0 : i32
    %c0_i32_1 = arith.constant 0 : i32
    return %c0_i32, %arg0, %c0_i32_0 : i32, i32, i32
  }
  func.func @transform_1(%arg0: i32) -> (i32, i32) {
    %c0_i32 = arith.constant 0 : i32
    %c0_i32_0 = arith.constant 0 : i32
    %c0_i32_1 = arith.constant 0 : i32
    return %c0_i32, %c0_i32_0 : i32, i32
  }
  func.func @transform_2(%arg0: i32) -> (i32, i32) {
    %c0_i32 = arith.constant 0 : i32
    %c0_i32_0 = arith.constant 0 : i32
    %c0_i32_1 = arith.constant 0 : i32
    return %c0_i32, %c0_i32_0 : i32, i32
  }
  func.func @transform_3(%arg0: i32) -> (i32, i32) {
    %c0_i32 = arith.constant 0 : i32
    %c0_i32_0 = arith.constant 0 : i32
    %c0_i32_1 = arith.constant 0 : i32
    return %c0_i32, %c0_i32_0 : i32, i32
  }
  func.func @transform_4(%arg0: i32) -> (i32, i32) {
    %c0_i32 = arith.constant 0 : i32
    %c0_i32_0 = arith.constant 0 : i32
    %c0_i32_1 = arith.constant 0 : i32
    return %c0_i32, %c0_i32_0 : i32, i32
  }
  func.func @transform_5(%arg0: i32) -> (i32, i32) {
    %c0_i32 = arith.constant 0 : i32
    %c0_i32_0 = arith.constant 0 : i32
    %c0_i32_1 = arith.constant 0 : i32
    return %c0_i32, %c0_i32_0 : i32, i32
  }
  func.func @transform_6(%arg0: i32) -> (i32, i32) {
    %c0_i32 = arith.constant 0 : i32
    %c0_i32_0 = arith.constant 0 : i32
    %c0_i32_1 = arith.constant 0 : i32
    return %c0_i32, %c0_i32_0 : i32, i32
  }
  func.func @transform_7(%arg0: i32) -> (i32, i32) {
    %c0_i32 = arith.constant 0 : i32
    %c0_i32_0 = arith.constant 0 : i32
    return %arg0, %c0_i32 : i32, i32
  }
}

</mosaic_0001>

<sc_bundles>
// kernel: kernel.12.cloned.1.call-start
scs
__scs_entry_jumppad:
0x0: {  	(pc) =	sbr.rel $0x88, $3  }
0x1: {  	(tag) =	ssettag $0x0;
	lr =	simm.s32 $0x1  }
0x2: {  	[smem:$0x3F91] =	sst lr;
	_ =	strace $0xD0000000  }
0x3: {  	_ = 	snop  }
0x4: {  	_ = 	snop  }
0x5: {  	_ = 	snop  }
0x6: {  	_ = 	snop  }
0x7: {  	_ = 	snop  }
__scs_overlays_trampoline_lowered:
0x8: {  	[smem:$0x3FA0] =	sst s0  }
0x9: {  	[smem:$0x3FA1] =	sst s1  }
0xa: {  	[smem:$0x3FA2] =	sst s2  }
0xb: {  	[smem:$0x3FA3] =	sst s3  }
0xc: {  	[smem:$0x3FA4] =	sst s4  }
0xd: {  	[smem:$0x3FA5] =	sst s5  }
0xe: {  	[smem:$0x3FA6] =	sst s6  }
0xf: {  	[smem:$0x3FA7] =	sst s7  }
0x10: {  	[smem:$0x3FA8] =	sst s8  }
0x11: {  	[smem:$0x3FA9] =	sst s9;
	s0 =	simm.s32 @!p0 $0x0  }
0x12: {  	s1 =	sld [smem:$0x3F8F];
	s0 =	simm.s32 @p0 $0x1  }
0x13: {  	[smem:$0x3FAA] =	sst s0;
	s0 =	simm.s32 @!p1 $0x0  }
0x14: {  	s2 =	sld [smem:$0x3F8E];
	s0 =	simm.s32 @p1 $0x1  }
0x15: {  	[smem:$0x3FAB] =	sst s0;
	s0 =	simm.s32 @!p2 $0x0  }
0x16: {  	s3 =	sld [smem:$0x3FDB];
	s0 =	simm.s32 @p2 $0x1  }
0x17: {  	s4 =	simm.s32 $0x1BF5;
	[smem:$0x3FAD] =	sst s0  }
0x18: {  	s0 =	sld [smem:$0x3F90];
	_ =	swait.ge [sflag:s4], $0x0  }
0x19: {  	s7 =	sld [smem:$0x3F91]  }
0x1a: {  	s8 =	sadd.s32 $0xFFFFE003, lr  }
0x1b: {  	s9 =	sadd.s32 $0xFFFFFEF7, lr;
	s5 =	simm.s32 $0xFFFFFFFF;
	p2 =	slt.u32 s8, $0xFFFFF086  }
0x1c: {  	p1 =	slt.u32 s9, $0xF7A;
	s5 =	simm.s32 @!p2 $0x0  }
0x1d: {  	s5 =	simm.s32 @p1 $0x1;
	p0 =	seq.s32 s7, s2  }
0x1e: {  	s7 =	smul.u32 @!p0 $0xF7A, s2;
	p2 =	seq.s32 @!p0 s5, $0x0  }
0x1f: {  	s9 =	smul.u32 $0xF7A, s1;
	s8 =	simm.s32 @!p0 $0x1BF5;
	p2 =	por !p2, p0  }
0x20: {  	[sflag:s8] =	ssyncset.s32 @!p0 $0xFFFFF086;
	s6 =	sadd.s32 @!p0 s3, s7;
	s7 =	simm.s32 @!p0 $0x108  }
0x21: {  	s3 =	sadd.s32 s3, s9;
	s6 =	sadd.s32 @!p0 $0x88, s6;
	s7 =	simm.s32 @p2 $0x1082  }
0x22: {  	[simem:s7], [sflag:s8] =	dma.local @!p0 [hbm:s6], $0xF7A  }
0x23: {  	s9 =	sor.u32 $0xD0000000, s2;
	s6 =	simm.s32 $0x108;
	_ =	swait.ge @!p0 [sflag:s8], $0x0  }
0x24: {  	s3 =	sadd.s32 $0x88, s3;
	s6 =	simm.s32 @!p1 $0x1082;
	[sflag:s4] =	ssyncset.s32 $0xFFFFF086  }
0x25: {  	[simem:s6], [sflag:s4] =	dma.local [hbm:s3], $0xF7A  }
0x26: {  	[smem:$0x3F91] =	sst s1;
	(tag) =	ssettag s2;
	_ =	strace s9  }
0x27: {  	s1 =	sld [smem:$0x3FA1]  }
0x28: {  	s2 =	sld [smem:$0x3FA2]  }
0x29: {  	s4 =	sld [smem:$0x3FA4]  }
0x2a: {  	p0 =	seq.s32 s5, $0x0;
	s5 =	sld [smem:$0x3FA5]  }
0x2b: {  	s6 =	sld [smem:$0x3FA6]  }
0x2c: {  	s7 =	sld [smem:$0x3FA7]  }
0x2d: {  	s3 =	simm.s32 $0x108;
	s8 =	sld [smem:$0x3FA8]  }
0x2e: {  	s3 =	simm.s32 @!p0 $0x1082;
	s9 =	sld [smem:$0x3FA9]  }
0x2f: {  	lr =	sadd.s32 s0, s3;
	s0 =	sld [smem:$0x3FA0]  }
0x30: {  	s3 =	sld [smem:$0x3FA3]  }
0x31: {  	[smem:$0x3FAC] =	sst s10  }
0x32: {  	s10 =	sld [smem:$0x3FAA];
	_ =	sdelay $0x3  }
0x33: {  	p0 =	seq.s32 s10, $0x1;
	s10 =	sld [smem:$0x3FAC];
	_ =	sdelay $0x3  }
0x34: {  	[smem:$0x3FAC] =	sst s10  }
0x35: {  	s10 =	sld [smem:$0x3FAB];
	_ =	sdelay $0x3  }
0x36: {  	p1 =	seq.s32 s10, $0x1;
	s10 =	sld [smem:$0x3FAC];
	_ =	sdelay $0x3  }
0x37: {  	[smem:$0x3FAC] =	sst s10  }
0x38: {  	s10 =	sld [smem:$0x3FAD]  }
0x39: {  	_ = 	snop;
	(pc) =	sbr.ind lr, $3  }
0x3a: {  	_ = 	snop  }
0x3b: {  	_ = 	snop  }
0x3c: {  	p2 =	seq.s32 s10, $0x1;
	s10 =	sld [smem:$0x3FAC]  }
0x3d: {  	_ =	shalt  }
0x3e: {  	_ =	shalt  }
0x3f: {  	_ =	shalt  }
0x40: {  	_ =	shalt  }
0x41: {  	_ =	shalt  }
0x42: {  	_ =	shalt  }
0x43: {  	_ =	shalt  }
0x44: {  	_ =	shalt  }
0x45: {  	_ =	shalt  }
0x46: {  	_ =	shalt  }
0x47: {  	_ =	shalt  }
0x48: {  	_ =	shalt  }
0x49: {  	_ =	shalt  }
0x4a: {  	_ =	shalt  }
0x4b: {  	_ =	shalt  }
0x4c: {  	_ =	shalt  }
0x4d: {  	_ =	shalt  }
0x4e: {  	_ =	shalt  }
0x4f: {  	_ =	shalt  }
0x50: {  	_ =	shalt  }
0x51: {  	_ =	shalt  }
0x52: {  	_ =	shalt  }
0x53: {  	_ =	shalt  }
0x54: {  	_ =	shalt  }
0x55: {  	_ =	shalt  }
0x56: {  	_ =	shalt  }
0x57: {  	_ =	shalt  }
0x58: {  	_ =	shalt  }
0x59: {  	_ =	shalt  }
0x5a: {  	_ =	shalt  }
0x5b: {  	_ =	shalt  }
0x5c: {  	_ =	shalt  }
0x5d: {  	_ =	shalt  }
0x5e: {  	_ =	shalt  }
0x5f: {  	_ =	shalt  }
0x60: {  	_ =	shalt  }
0x61: {  	_ =	shalt  }
0x62: {  	_ =	shalt  }
0x63: {  	_ =	shalt  }
0x64: {  	_ =	shalt  }
0x65: {  	_ =	shalt  }
0x66: {  	_ =	shalt  }
0x67: {  	_ =	shalt  }
0x68: {  	_ =	shalt  }
0x69: {  	_ =	shalt  }
0x6a: {  	_ =	shalt  }
0x6b: {  	_ =	shalt  }
0x6c: {  	_ =	shalt  }
0x6d: {  	_ =	shalt  }
0x6e: {  	_ =	shalt  }
0x6f: {  	_ =	shalt  }
0x70: {  	_ =	shalt  }
0x71: {  	_ =	shalt  }
0x72: {  	_ =	shalt  }
0x73: {  	_ =	shalt  }
0x74: {  	_ =	shalt  }
0x75: {  	_ =	shalt  }
0x76: {  	_ =	shalt  }
0x77: {  	_ =	shalt  }
0x78: {  	_ =	shalt  }
0x79: {  	_ =	shalt  }
0x7a: {  	_ =	shalt  }
0x7b: {  	_ =	shalt  }
0x7c: {  	_ =	shalt  }
0x7d: {  	_ =	shalt  }
0x7e: {  	_ =	shalt  }
0x7f: {  	_ =	shalt  }
0x80: {  	_ =	shalt  }
0x81: {  	_ =	shalt  }
0x82: {  	_ =	shalt  }
0x83: {  	_ =	shalt  }
0x84: {  	_ =	shalt  }
0x85: {  	_ =	shalt  }
0x86: {  	_ =	shalt  }
0x87: {  	_ =	shalt  }
.Lfunc_end0:
.L_simem_size_0:
called_computation.1_lowered:
.L_overlay_start_0:
0x88: {  	s2 =	sld [smem:$0x3FD9]  }
0x89: {  	s3 =	sld [smem:$0x3FFE];
	_ =	sdelay $0x1  }
0x8a: {  	s1 =	srdreg.scid  }
0x8b: {  	s0 =	sand.u32 $0x1, s1  }
0x8c: {  	s16 =	sshll.u32 s0, $0xA;
	s2 =	sadd.s32 s3, s2  }
0x8d: {  	s2 =	sadd.s32 s2, s16  }
0x8e: {  	[smem:$0x3FB8] =	sst s2  }
0x8f: {  	_ = 	snop  }
0x90: {  	(tm) =	ssettm $0x1  }
0x91: {  	s17 =	sld [smem:$0x3FFB];
	_ =	sdelay $0x3  }
0x92: {  	_ =	strace s17  }
0x93: {  	s2 =	sld [smem:$0x3FFC];
	_ =	sdelay $0x3  }
0x94: {  	_ =	strace s2  }
0x95: {  	s2 =	sld [smem:$0x3FFD];
	_ =	sdelay $0x3  }
0x96: {  	_ =	strace s2  }
0x97: {  	_ =	strace $0x8FFFFFFF  }
0x98: {  	s18 =	sld [smem:$0x3FDB];
	_ =	sdelay $0x1  }
0x99: {  	s19 =	simm.s32 $_scs_section_size  }
0x9a: {  	s4 =	simm.s32 $_size__tile_overlayer_lowered;
	s5 =	simm.s32 $_tile_overlayer_lowered  }
0x9b: {  	s22 =	simm.s32 $0x1BFF;
	s21 =	sshll.u32 s5, $0x1;
	s2 =	sadd.s32 s19, s18  }
0x9c: {  	s6 =	simm.s32 $0x0;
	s20 =	sshll.u32 s4, $0x1;
	s4 =	sadd.s32 s21, s2  }
0x9d: {  	[timem:s6], [sflag:s22] =	dma.local [hbm:s4], s20  }
0x9e: {  	_ =	swait.ge [sflag:s22], s20  }
0x9f: {  	s3 =	ssub.s32 $0x0, s20;
	[sflag:s22] =	ssyncset.done $0x0  }
0xa0: {  	[sflag:s22] =	ssyncadd.s32 s3;
	_ =	sdelay $0x1  }
0xa1: {  	s23 =	simm.s32 $0x1B8B  }
0xa2: {  	_ =	swait.ge [sflag:s23], $0x1  }
0xa3: {  	[sflag:s23] =	ssyncset.done $0x0  }
0xa4: {  	s25 =	simm.s32 $0x1B8E;
	s24 =	sld [smem:$0x3FFE];
	[sflag:s23] =	ssyncadd.s32 $0xFFFFFFFF  }
0xa5: {  	s26 =	simm.s32 $execute0_lowered;
	[smem:$0x3FD2] =	sst s25  }
0xa6: {  	s4 =	sshll.u32 s26, $0x1;
	_ =	strace $0x80000049;
	[dreg:$0x1] =	wrdreg $0xFFFFFFFF  }
0xa7: {  	s28 =	simm.s32 $_size_execute0_lowered;
	s2 =	sadd.s32 s2, s4;
	[dreg:$0x0] =	wrdreg $0x0  }
0xa8: {  	s4 =	sshll.u32 s28, $0x1;
	[dreg:$0x2] =	wrdreg s2  }
0xa9: {  	[dreg:$0x3] =	wrdreg s4  }
0xaa: {  	[dreg:$0x4] =	wrdreg $0xC0  }
0xab: {  	_ =	task [dreg:s6], $0x5FFFF  }
0xac: {  	[dreg:$0x1] =	wrdreg $0xFFFFFFFF  }
0xad: {  	[dreg:$0x0] =	wrdreg $0x60  }
0xae: {  	[dreg:$0x2] =	wrdreg s24  }
0xaf: {  	[dreg:$0x3] =	wrdreg $0x141000  }
0xb0: {  	[dreg:$0x4] =	wrdreg $0x9  }
0xb1: {  	_ =	task.clear_ibuf [dreg:s6], $0x5FFFF;
	_ =	strace $0x90000049  }
0xb2: {  	s29 =	simm.s32 $0x9;
	_ =	strace $0x8000004B  }
0xb3: {  	_ =	swait.ge [sflag:s29], $0x1  }
0xb4: {  	[sflag:s29] =	ssyncadd.s32 $0xFFFFFFFF  }
0xb5: {  	_ =	strace $0x9000004B  }
0xb6: {  	_ =	sfence  }
0xb7: {  	s30 =	sld [smem:$0x0];
	_ =	sdelay $0x2  }
0xb8: {  	s31 =	sshll.u32 s1, $0xD;
	s1 =	sshrl.u32 s1, $0x2  }
0xb9: {  	s3 =	sand.u32 $0x4000, s31;
	s1 =	sadd.s32 s1, s30  }
0xba: {  	s0 =	sor.u32 s3, s0;
	s1 =	sshll.u32 s1, $0x11  }
0xbb: {  	s0 =	sor.u32 s1, s0  }
0xbc: {  	s0 =	sadd.s32 $0x8F2B, s0  }
0xbd: {  	[sflag:s0] =	ssyncadd.remote.s32 $0x1  }
0xbe: {  	_ =	sfence.sel $0xFFFF  }
0xbf: {  	[dreg:$0x0] =	wrdreg $0xFFFFFFFF;
	(pc) =	sbr.abs _section_cstart, $3  }
0xc0: {  	[dreg:$0x1] =	wrdreg $0xFFFFFFFF  }
0xc1: {  	_ =	task.clear_ibuf [dreg:s6], $0x2FFFF;
	_ =	strace $0x9FFFFFFF  }
0xc2: {  	(tm) =	ssettm $0x7FFFFFFF  }
0xc3: {  	_ =	shalt  }
tec
execute0_lowered:
.L_overlay_start_1:
0x0: {  	(tag) =	ssettag $0x1  }
0x1: {  	s0 =	rddreg [dreg:$0x0]  }
0x2: {  	s2 =	rddreg [dreg:$0x1];
	s3 =	simm.s32 $0x0;
	s8 =	stileid.u32  }
0x3: {  	s1 =	srdreg.scid;
	s28 =	simm.s32 $0x2;
	s29 =	simm.s32 $0x0  }
0x4: {  	[smem:$0x7FF] =	sst s3;
	s5 =	smul.u32 $0xA00, s8;
	s1 =	sand.u32 $0x1, s1  }
0x5: {  	s4 =	sadd.s32 $0x2FC00, s0;
	s12 =	smul.u32 $0xA000, s8;
	s17 =	sadd.s32 $0x57C00, s0  }
0x6: {  	_ =	strace $0x8000004A;
	s6 =	ssub.s32 $0x2, s1;
	s16 =	smul.u32 $0xA0000, s1  }
0x7: {  	p0 =	seq.s32 s1, $0x1;
	s7 =	sadd.s32 s5, s0;
	s20 =	sshrl.u32 s6, $0x1  }
0x8: {  	s13 =	sadd.s32 $0x2000, s12;
	s15 =	sadd.s32 $0x4000, s12;
	s19 =	sadd.s32 $0x6000, s12  }
0x9: {  	s18 =	ssub.s32 s6, s20;
	s21 =	sadd.s32 $0x25C00, s7;
	s22 =	sadd.s32 $0x1BC00, s7  }
0xa: {  	s7 =	sadd.s32 s12, s2;
	s8 =	sadd.s32 s13, s2;
	s9 =	sadd.s32 s15, s2  }
0xb: {  	s20 =	sadd.s32 $0x8000, s12;
	s10 =	sadd.s32 s19, s2;
	s12 =	sadd.s32 s12, s16  }
0xc: {  	s14 =	sadd.s32 s16, s13;
	s25 =	sadd.s32 s16, s15;
	[dreg:$0x3] =	wrdreg s21  }
0xd: {  	s26 =	sadd.s32 s16, s19;
	s19 =	simm.s32 $0x3;
	[dreg:$0x4] =	wrdreg s22  }
0xe: {  	s11 =	sadd.s32 s20, s2;
	s23 =	sshrl.u32 s12, $0x3;
	s12 =	sadd.s32 $0x43C00, s0  }
.Ltmp0:
0xf: {  	s24 =	sshrl.u32 s14, $0x3;
	s0 =	sshrl.u32 s25, $0x3;
	(pc) =	sbr.rel .LBB2_1-.Ltmp0, $4  }
0x10: {  	s1 =	sshrl.u32 s26, $0x3;
	s30 =	sadd.s32 s16, s20;
	s18 =	smax.u32 s18, $0x1  }
0x11: {  	s21 =	simm.s32 $0xA000;
	s22 =	simm.s32 $0x80;
	s26 =	simm.s32 $0x1  }
0x12: {  	s13 =	sadd.s32 s17, s23;
	s14 =	sadd.s32 s17, s24;
	s31 =	sshrl.u32 s30, $0x3  }
0x13: {  	v0 =	vimm.f32 $1.000000000e+00;
	v1 =	vimm.f32 $0.0e+00;
	s15 =	sadd.s32 s17, s0;
	s16 =	sadd.s32 s17, s1;
	s17 =	sadd.s32 s17, s31  }
.LBB2_6:
0x14: {  	s0 =	sadd.s32 $0xA000, s20  }
0x15: {  	[spmem:s2] =	stream.indirect.scatter.add.f32 [tilespmem:s0], [sflag:$0x2], $0x40, s1, s22, $0xb8;
	[tilespmem:$0x1E100] =	vst v63  }
.LBB2_10:
0x16: {  	_ =	swait.ge [sflag:s28], $0x2000  }
0x17: {  	[sflag:s28] =	ssyncset.done $0x0  }
0x18: {  	[sflag:s28] =	ssyncadd.s32 $0xFFFFE000  }
0x19: {  	_ =	swait.ge [sflag:s28], $0x2000  }
0x1a: {  	s0 =	stileid.u32;
	[sflag:s28] =	ssyncset.done $0x0  }
0x1b: {  	s0 =	sshll.u32 s0, $0x6;
	[sflag:s28] =	ssyncadd.s32 $0xFFFFE000  }
0x1c: {  	s1 =	sshrl.u32 s7, $0x3;
	s0 =	sor.u32 $0x1C03, s0;
	[bflag:$0x0] =	sbarrier.arrive $0xFFFF  }
0x1d: {  	[hbm:s13], [sflag:s0] =	dma.local [spmem:s1], $0x400  }
0x1e: {  	_ =	swait.ge [sflag:s19], $0x400  }
0x1f: {  	[sflag:s19] =	ssyncset.done $0x0  }
0x20: {  	s24 =	sshrl.u32 s8, $0x3;
	[sflag:s19] =	ssyncadd.s32 $0xFFFFFC00  }
0x21: {  	[hbm:s14], [sflag:s0] =	dma.local [spmem:s24], $0x400  }
0x22: {  	_ =	swait.ge [sflag:s19], $0x400  }
0x23: {  	[sflag:s19] =	ssyncset.done $0x0  }
0x24: {  	s25 =	sshrl.u32 s9, $0x3;
	[sflag:s19] =	ssyncadd.s32 $0xFFFFFC00  }
0x25: {  	[hbm:s15], [sflag:s0] =	dma.local [spmem:s25], $0x400  }
0x26: {  	_ =	swait.ge [sflag:s19], $0x400  }
0x27: {  	[sflag:s19] =	ssyncset.done $0x0  }
0x28: {  	s30 =	sshrl.u32 s10, $0x3;
	[sflag:s19] =	ssyncadd.s32 $0xFFFFFC00  }
0x29: {  	[hbm:s16], [sflag:s0] =	dma.local [spmem:s30], $0x400  }
0x2a: {  	s29 =	sadd.s32 $0x1, s29;
	_ =	swait.ge [sflag:s19], $0x400  }
0x2b: {  	p1 =	sne.s32 s29, s18;
	[sflag:s19] =	ssyncset.done $0x0  }
.Ltmp1:
0x2c: {  	s31 =	sshrl.u32 s11, $0x3;
	[sflag:s19] =	ssyncadd.s32 $0xFFFFFC00;
	(pc) =	sbr.rel @!p1 .LBB2_11-.Ltmp1, $4  }
0x2d: {  	[hbm:s17], [sflag:s0] =	dma.local [spmem:s31], $0x400  }
0x2e: {  	_ =	swait.ge [sflag:s19], $0x400  }
0x2f: {  	[sflag:s19] =	ssyncset.done $0x0  }
0x30: {  	[sflag:s19] =	ssyncadd.s32 $0xFFFFFC00  }
.LBB2_1:
0x31: {  	s0 =	rddreg [dreg:$0x3]  }
0x32: {  	[tilespmem:s3], [sflag:$0x3] =	stream.linear.gather [hbm4b:s0+s3], $0x5000, $0x38;
	[tilespmem:$0x1E100] =	vst v63  }
0x33: {  	_ =	swait.ge [sflag:s19], $0x5000  }
0x34: {  	[sflag:s19] =	ssyncset.done $0x0  }
0x35: {  	s1 =	simm.s32 $0x5000;
	s31 =	rddreg [dreg:$0x4];
	[sflag:s19] =	ssyncadd.s32 $0xFFFFB000  }
0x36: {  	[tilespmem:s1], [sflag:$0x3] =	stream.linear.gather [hbm4b:s31+s3], $0x5000, $0x38;
	[tilespmem:$0x1E100] =	vst v63  }
0x37: {  	_ =	swait.ge [sflag:s19], $0x5000  }
0x38: {  	[sflag:s19] =	ssyncset.done $0x0  }
0x39: {  	[sflag:s19] =	ssyncadd.s32 $0xFFFFB000  }
0x3a: {  	[tilespmem:$0x14000] =	vst v0  }
0x3b: {  	[tilespmem:$0x14080] =	vst v1  }
0x3c: {  	[tilespmem:$0x14010] =	vst v0  }
0x3d: {  	[tilespmem:$0x14090] =	vst v1  }
0x3e: {  	[tilespmem:$0x14020] =	vst v0  }
0x3f: {  	[tilespmem:$0x140A0] =	vst v1  }
0x40: {  	[tilespmem:$0x14030] =	vst v0  }
0x41: {  	[tilespmem:$0x140B0] =	vst v1  }
0x42: {  	[tilespmem:$0x14040] =	vst v0  }
0x43: {  	[tilespmem:$0x140C0] =	vst v1  }
0x44: {  	[tilespmem:$0x14050] =	vst v0  }
0x45: {  	[tilespmem:$0x140D0] =	vst v1  }
0x46: {  	[tilespmem:$0x14060] =	vst v0  }
0x47: {  	[tilespmem:$0x140E0] =	vst v1  }
0x48: {  	[tilespmem:$0x14070] =	vst v0  }
0x49: {  	s0 =	simm.s32 $0x0;
	s1 =	simm.s32 $0x100;
	[tilespmem:$0x140F0] =	vst v1  }
.LBB2_2:
0x4a: {  	p1 =	sne.s32 s1, $0x7F00;
	[tilespmem:s0+$0xA030] =	vst v1;
	s20 =	smov.u32 s1;
	s1 =	sadd.s32 $0x100, s1  }
.Ltmp2:
0x4b: {  	[tilespmem:s0+$0xA020] =	vst v1;
	(pc) =	sbr.rel @p1 .LBB2_2-.Ltmp2, $3  }
0x4c: {  	[tilespmem:s0+$0xA000] =	vst v1  }
0x4d: {  	[tilespmem:s0+$0xA010] =	vst v1;
	_ =	sdelay $0x1  }
0x4e: {  	s0 =	sshra.s32 s20, $0x2  }
0x4f: {  	[tilespmem:s0+$0xA030] =	vst v1  }
0x50: {  	[tilespmem:s0+$0xA020] =	vst v1  }
0x51: {  	[tilespmem:s0+$0xA000] =	vst v1  }
0x52: {  	[tilespmem:s0+$0xA010] =	vst v1  }
0x53: {  	[spmem:s7] =	stream.linear.scatter [tilespmem:s21], [sflag:$0x3], $0x2000, $0x38;
	[tilespmem:$0x1E100] =	vst v63  }
0x54: {  	_ =	swait.ge [sflag:s19], $0x2000  }
0x55: {  	[sflag:s19] =	ssyncset.done $0x0  }
0x56: {  	[sflag:s19] =	ssyncadd.s32 $0xFFFFE000  }
0x57: {  	[spmem:s8] =	stream.linear.scatter [tilespmem:s21], [sflag:$0x3], $0x2000, $0x38;
	[tilespmem:$0x1E100] =	vst v63  }
0x58: {  	_ =	swait.ge [sflag:s19], $0x2000  }
0x59: {  	[sflag:s19] =	ssyncset.done $0x0  }
0x5a: {  	[sflag:s19] =	ssyncadd.s32 $0xFFFFE000  }
0x5b: {  	[spmem:s9] =	stream.linear.scatter [tilespmem:s21], [sflag:$0x3], $0x2000, $0x38;
	[tilespmem:$0x1E100] =	vst v63  }
0x5c: {  	_ =	swait.ge [sflag:s19], $0x2000  }
0x5d: {  	[sflag:s19] =	ssyncset.done $0x0  }
0x5e: {  	[sflag:s19] =	ssyncadd.s32 $0xFFFFE000  }
0x5f: {  	[spmem:s10] =	stream.linear.scatter [tilespmem:s21], [sflag:$0x3], $0x2000, $0x38;
	[tilespmem:$0x1E100] =	vst v63  }
0x60: {  	_ =	swait.ge [sflag:s19], $0x2000  }
0x61: {  	[sflag:s19] =	ssyncset.done $0x0  }
0x62: {  	[sflag:s19] =	ssyncadd.s32 $0xFFFFE000  }
0x63: {  	[spmem:s11] =	stream.linear.scatter [tilespmem:s21], [sflag:$0x3], $0x2000, $0x38;
	[tilespmem:$0x1E100] =	vst v63  }
.Ltmp3:
0x64: {  	_ =	swait.ge [sflag:s19], $0x2000;
	(pc) =	sbr.rel @!p0 .LBB2_4-.Ltmp3, $3  }
0x65: {  	[sflag:s19] =	ssyncset.done $0x0  }
0x66: {  	[sflag:s19] =	ssyncadd.s32 $0xFFFFE000  }
0x67: {  	[bflag:$0x0] =	sbarrier.arrive $0xFFFF;
	_ =	sdelay $0x1  }
0x68: {  	[tilespmem:s21], [sflag:$0x1] =	stream.indirect.gather [hbm4b:s12+s22], $0x40, s3, s22, $0xb8;
	[tilespmem:$0x1E100] =	vst v63  }
0x69: {  	s0 =	simm.s32 $0xC000;
	s23 =	simm.s32 $0x3  }
0x6a: {  	[tilespmem:s0], [sflag:$0x1] =	stream.indirect.gather [hbm4b:s12+s22], $0x40, s22, s22, $0xb8;
	[tilespmem:$0x1E100] =	vst v63  }
0x6b: {  	s20 =	simm.s32 $0x100;
	s1 =	simm.s32 $0xE000;
	s0 =	sand.u32 $0xFF, s23  }
0x6c: {  	s24 =	simm.s32 $0x0;
	p1 =	por $0x1, $0x1;
	s0 =	smul.u32 $0xCD, s0  }
0x6d: {  	[tilespmem:s1], [sflag:$0x1] =	stream.indirect.gather [hbm4b:s12+s22], $0x40, s20, s22, $0xb8;
	[tilespmem:$0x1E100] =	vst v63  }
0x6e: {  	s6 =	simm.s32 $0x180;
	s5 =	simm.s32 @!p1 $0x2;
	s1 =	smul.u32 $0xCD, s24  }
0x6f: {  	s30 =	simm.s32 $0x5000;
	s0 =	sshrl.u32 s0, $0xA;
	_ =	swait.ge @!p1 [sflag:s5], $0x2000  }
0x70: {  	s1 =	sshrl.u32 s1, $0xA;
	s0 =	smul.u32 $0x5, s0;
	[sflag:s5] =	ssyncset.done @!p1 $0x0  }
0x71: {  	s31 =	simm.s32 $0x4;
	s1 =	sand.u32 $0x3F, s1;
	[sflag:s5] =	ssyncadd.s32 @!p1 $0xFFFFE000  }
0x72: {  	p1 =	por $0x0, $0x0;
	s1 =	smul.u32 $0x5, s1;
	s0 =	ssub.s32 $0x3, s0  }
0x73: {  	_ =	swait.ge [sflag:s26], $0x2000;
	s5 =	simm.s32 @!p1 $0x80;
	s0 =	sand.u32 $0xFF, s0  }
0x74: {  	[sflag:s26] =	ssyncset.done $0x0;
	s1 =	ssub.s32 $0x0, s1;
	s0 =	sshll.u32 @!p1 s0, $0xD  }
0x75: {  	[sflag:s26] =	ssyncadd.s32 $0xFFFFE000;
	s0 =	sadd.s32 @!p1 $0xA000, s0;
	s25 =	sand.u32 $0xFF, s1  }
0x76: {  	[tilespmem:s0], [sflag:$0x1] =	stream.indirect.gather @!p1 [hbm4b:s12+s5], $0x40, s6, s5, $0xb8;
	[tilespmem:$0x1E100] =	vst v63  }
0x77: {  	s1 =	simm.s32 $0x5000;
	s20 =	sshll.u32 s25, $0xD;
	s0 =	simm.s32 $0x200  }
.LBB2_8:
0x78: {  	s5 =	sadd.s32 $0xA000, s20;
	s30 =	sadd.s32 $0x80, s30  }
0x79: {  	s6 =	smov.u32 s31;
	s31 =	sadd.s32 $0x1, s31;
	s23 =	smov.u32 s0  }
0x7a: {  	[spmem:s2] =	stream.indirect.scatter.add.f32 [tilespmem:s5], [sflag:$0x2], $0x40, s1, s22, $0xb8;
	[tilespmem:$0x1E100] =	vst v63  }
0x7b: {  	s5 =	sand.u32 $0xFF, s6  }
0x7c: {  	p1 =	sne.s32 s31, $0xA3;
	s1 =	smov.u32 s30;
	s5 =	smul.u32 $0xCD, s5  }
0x7d: {  	s20 =	sadd.s32 $0xFFFFFFFD, s6  }
0x7e: {  	s24 =	smul.u32 $0xCD, s20;
	p2 =	slt.u32 s20, $0x2;
	s5 =	sshrl.u32 s5, $0xA  }
0x7f: {  	s25 =	simm.s32 @!p2 $0x2;
	s5 =	smul.u32 $0x5, s5  }
0x80: {  	s24 =	sshrl.u32 s24, $0xA;
	_ =	swait.ge @!p2 [sflag:s25], $0x2000  }
0x81: {  	s24 =	sand.u32 $0x3F, s24;
	[sflag:s25] =	ssyncset.done @!p2 $0x0;
	s5 =	ssub.s32 s6, s5  }
0x82: {  	s24 =	smul.u32 $0x5, s24;
	[sflag:s25] =	ssyncadd.s32 @!p2 $0xFFFFE000;
	s5 =	sand.u32 $0xFF, s5  }
.Ltmp4:
0x83: {  	p2 =	sgt.u32 s20, $0x9C;
	_ =	swait.ge [sflag:s26], $0x2000;
	(pc) =	sbr.rel @p1 .LBB2_8-.Ltmp4, $4  }
0x84: {  	s6 =	ssub.s32 s20, s24;
	s5 =	sshll.u32 @!p2 s5, $0xD;
	[sflag:s26] =	ssyncset.done $0x0  }
0x85: {  	s6 =	sand.u32 $0xFF, s6;
	s5 =	sadd.s32 @!p2 $0xA000, s5;
	[sflag:s26] =	ssyncadd.s32 $0xFFFFE000  }
0x86: {  	s0 =	sadd.s32 $0x80, s0;
	s24 =	simm.s32 @!p2 $0x80;
	s20 =	sshll.u32 s6, $0xD  }
0x87: {  	[tilespmem:s5], [sflag:$0x1] =	stream.indirect.gather @!p2 [hbm4b:s12+s24], $0x40, s23, s24, $0xb8;
	[tilespmem:$0x1E100] =	vst v63  }
.Ltmp5:
0x88: {  	(pc) =	sbr.rel .LBB2_10-.Ltmp5, $3  }
0x89: {  	_ =	sdelay $0x1  }
0x8a: {  	s0 =	sadd.s32 $0xA000, s20  }
0x8b: {  	[spmem:s2] =	stream.indirect.scatter.add.f32 [tilespmem:s0], [sflag:$0x2], $0x40, s1, s22, $0xb8;
	[tilespmem:$0x1E100] =	vst v63  }
.LBB2_4:
0x8c: {  	[tilespmem:s21], [sflag:$0x1] =	stream.indirect.gather [hbm4b:s4+s22], $0x40, s3, s22, $0xb8;
	[tilespmem:$0x1E100] =	vst v63  }
0x8d: {  	s0 =	simm.s32 $0xC000;
	s23 =	simm.s32 $0x3  }
0x8e: {  	[tilespmem:s0], [sflag:$0x1] =	stream.indirect.gather [hbm4b:s4+s22], $0x40, s22, s22, $0xb8;
	[tilespmem:$0x1E100] =	vst v63  }
0x8f: {  	s20 =	simm.s32 $0x100;
	s1 =	simm.s32 $0xE000;
	s0 =	sand.u32 $0xFF, s23  }
0x90: {  	s24 =	simm.s32 $0x0;
	p1 =	por $0x1, $0x1;
	s0 =	smul.u32 $0xCD, s0  }
0x91: {  	[tilespmem:s1], [sflag:$0x1] =	stream.indirect.gather [hbm4b:s4+s22], $0x40, s20, s22, $0xb8;
	[tilespmem:$0x1E100] =	vst v63  }
0x92: {  	s30 =	simm.s32 $0x180;
	s1 =	smul.u32 $0xCD, s24;
	s20 =	simm.s32 @!p1 $0x2  }
0x93: {  	s31 =	simm.s32 $0x4;
	s0 =	sshrl.u32 s0, $0xA;
	_ =	swait.ge @!p1 [sflag:s20], $0x2000  }
0x94: {  	s1 =	sshrl.u32 s1, $0xA;
	s0 =	smul.u32 $0x5, s0;
	[sflag:s20] =	ssyncset.done @!p1 $0x0  }
0x95: {  	s1 =	sand.u32 $0x3F, s1;
	[sflag:s20] =	ssyncadd.s32 @!p1 $0xFFFFE000;
	p1 =	por $0x0, $0x0  }
0x96: {  	s1 =	smul.u32 $0x5, s1;
	s0 =	ssub.s32 $0x3, s0;
	_ =	swait.ge [sflag:s26], $0x2000  }
0x97: {  	s20 =	simm.s32 @!p1 $0x80;
	s0 =	sand.u32 $0xFF, s0;
	[sflag:s26] =	ssyncset.done $0x0  }
0x98: {  	s1 =	ssub.s32 $0x0, s1;
	s0 =	sshll.u32 @!p1 s0, $0xD;
	[sflag:s26] =	ssyncadd.s32 $0xFFFFE000  }
0x99: {  	s0 =	sadd.s32 @!p1 $0xA000, s0;
	s25 =	sand.u32 $0xFF, s1;
	s1 =	simm.s32 $0x5000  }
0x9a: {  	[tilespmem:s0], [sflag:$0x1] =	stream.indirect.gather @!p1 [hbm4b:s4+s20], $0x40, s30, s20, $0xb8;
	[tilespmem:$0x1E100] =	vst v63  }
0x9b: {  	s30 =	simm.s32 $0x5000;
	s20 =	sshll.u32 s25, $0xD;
	s0 =	simm.s32 $0x200  }
.LBB2_5:
0x9c: {  	s20 =	sadd.s32 $0xA000, s20;
	s30 =	sadd.s32 $0x80, s30  }
0x9d: {  	s23 =	smov.u32 s31;
	s31 =	sadd.s32 $0x1, s31;
	s24 =	smov.u32 s0  }
0x9e: {  	[spmem:s2] =	stream.indirect.scatter.add.f32 [tilespmem:s20], [sflag:$0x2], $0x40, s1, s22, $0xb8;
	[tilespmem:$0x1E100] =	vst v63  }
0x9f: {  	s20 =	sand.u32 $0xFF, s23  }
0xa0: {  	p1 =	seq.s32 s31, $0xA3;
	s1 =	smov.u32 s30;
	s20 =	smul.u32 $0xCD, s20  }
0xa1: {  	s25 =	sadd.s32 $0xFFFFFFFD, s23  }
0xa2: {  	s5 =	smul.u32 $0xCD, s25;
	p2 =	slt.u32 s25, $0x2;
	s20 =	sshrl.u32 s20, $0xA  }
0xa3: {  	s6 =	simm.s32 @!p2 $0x2;
	s20 =	smul.u32 $0x5, s20  }
0xa4: {  	s5 =	sshrl.u32 s5, $0xA;
	_ =	swait.ge @!p2 [sflag:s6], $0x2000  }
0xa5: {  	s5 =	sand.u32 $0x3F, s5;
	[sflag:s6] =	ssyncset.done @!p2 $0x0;
	s20 =	ssub.s32 s23, s20  }
0xa6: {  	s5 =	smul.u32 $0x5, s5;
	[sflag:s6] =	ssyncadd.s32 @!p2 $0xFFFFE000;
	s6 =	sand.u32 $0xFF, s20  }
.Ltmp6:
0xa7: {  	p2 =	sgt.u32 s25, $0x9C;
	_ =	swait.ge [sflag:s26], $0x2000;
	(pc) =	sbr.rel @!p1 .LBB2_5-.Ltmp6, $4  }
0xa8: {  	s5 =	ssub.s32 s25, s5;
	s6 =	sshll.u32 @!p2 s6, $0xD;
	[sflag:s26] =	ssyncset.done $0x0  }
0xa9: {  	s5 =	sand.u32 $0xFF, s5;
	s6 =	sadd.s32 @!p2 $0xA000, s6;
	[sflag:s26] =	ssyncadd.s32 $0xFFFFE000  }
0xaa: {  	s0 =	sadd.s32 $0x80, s0;
	s23 =	simm.s32 @!p2 $0x80;
	s20 =	sshll.u32 s5, $0xD  }
0xab: {  	[tilespmem:s6], [sflag:$0x1] =	stream.indirect.gather @!p2 [hbm4b:s4+s23], $0x40, s24, s23, $0xb8;
	[tilespmem:$0x1E100] =	vst v63  }
.Ltmp7:
0xac: {  	_ = 	snop;
	(pc) =	sbr.rel .LBB2_6-.Ltmp7, $1  }
0xad: {  	_ =	sdelay $0x3  }
.LBB2_11:
0xae: {  	_ =	sfence.sel $0x180000  }
0xaf: {  	[bflag:$0x0] =	sbarrier.arrive $0xFFFF  }
0xb0: {  	_ =	strace $0x9000004A  }
0xb1: {  	s0 =	stileid.u32;
	[bflag:$0x2] =	sbarrier.arrive $0xFFFF  }
0xb2: {  	p0 =	sne.s32 s0, $0x0;
	s0 =	rddreg [dreg:$0x2]  }
0xb3: {  	s0 =	sadd.s32 @!p0 $0x100000, s0  }
0xb4: {  	[sflag:s0] =	ssyncadd.tile.s32 @!p0 $0x1;
	_ =	shalt  }
.Lfunc_end2:
_tile_overlayer_lowered:
.L_overlay_start_2:
0xb5: {  	(tag) =	ssettag $0x2  }
0xb6: {  	s0 =	rddreg [dreg:$0x0];
	s2 =	stileid.u32  }
0xb7: {  	s1 =	rddreg [dreg:$0x1];
	p0 =	sne.s32 s2, $0x0  }
0xb8: {  	s3 =	rddreg [dreg:$0x2];
	[bflag:$0x3] =	sbarrier.arrive $0xFFFF;
	s2 =	simm.s32 @!p0 $0x1C03  }
0xb9: {  	[timem:s3], [sflag:s2] =	dma.local @!p0 [hbm:s0], s1  }
0xba: {  	s0 =	simm.s32 @!p0 $0x3  }
0xbb: {  	_ =	swait.ge @!p0 [sflag:s0], s1  }
0xbc: {  	s1 =	ssub.s32 @!p0 $0x0, s1;
	[sflag:s0] =	ssyncset.done @!p0 $0x0  }
0xbd: {  	[sflag:s0] =	ssyncadd.s32 @!p0 s1  }
0xbe: {  	[bflag:$0x3] =	sbarrier.arrive $0xFFFF  }
0xbf: {  	_ =	shalt  }

// kernel: kernel.15.cloned.1.call-start
scs
__scs_entry_jumppad:
0x0: {  	(pc) =	sbr.rel $0x88, $3  }
0x1: {  	(tag) =	ssettag $0x0;
	lr =	simm.s32 $0x1  }
0x2: {  	[smem:$0x3F91] =	sst lr;
	_ =	strace $0xD0000000  }
0x3: {  	_ = 	snop  }
0x4: {  	_ = 	snop  }
0x5: {  	_ = 	snop  }
0x6: {  	_ = 	snop  }
0x7: {  	_ = 	snop  }
__scs_overlays_trampoline_lowered:
0x8: {  	[smem:$0x3FA0] =	sst s0  }
0x9: {  	[smem:$0x3FA1] =	sst s1  }
0xa: {  	[smem:$0x3FA2] =	sst s2  }
0xb: {  	[smem:$0x3FA3] =	sst s3  }
0xc: {  	[smem:$0x3FA4] =	sst s4  }
0xd: {  	[smem:$0x3FA5] =	sst s5  }
0xe: {  	[smem:$0x3FA6] =	sst s6  }
0xf: {  	[smem:$0x3FA7] =	sst s7  }
0x10: {  	[smem:$0x3FA8] =	sst s8  }
0x11: {  	[smem:$0x3FA9] =	sst s9;
	s0 =	simm.s32 @!p0 $0x0  }
0x12: {  	s1 =	sld [smem:$0x3F8F];
	s0 =	simm.s32 @p0 $0x1  }
0x13: {  	[smem:$0x3FAA] =	sst s0;
	s0 =	simm.s32 @!p1 $0x0  }
0x14: {  	s2 =	sld [smem:$0x3F8E];
	s0 =	simm.s32 @p1 $0x1  }
0x15: {  	[smem:$0x3FAB] =	sst s0;
	s0 =	simm.s32 @!p2 $0x0  }
0x16: {  	s3 =	sld [smem:$0x3FDB];
	s0 =	simm.s32 @p2 $0x1  }
0x17: {  	s4 =	simm.s32 $0x1BF5;
	[smem:$0x3FAD] =	sst s0  }
0x18: {  	s0 =	sld [smem:$0x3F90];
	_ =	swait.ge [sflag:s4], $0x0  }
0x19: {  	s7 =	sld [smem:$0x3F91]  }
0x1a: {  	s8 =	sadd.s32 $0xFFFFE003, lr  }
0x1b: {  	s9 =	sadd.s32 $0xFFFFFEF7, lr;
	s5 =	simm.s32 $0xFFFFFFFF;
	p2 =	slt.u32 s8, $0xFFFFF086  }
0x1c: {  	p1 =	slt.u32 s9, $0xF7A;
	s5 =	simm.s32 @!p2 $0x0  }
0x1d: {  	s5 =	simm.s32 @p1 $0x1;
	p0 =	seq.s32 s7, s2  }
0x1e: {  	s7 =	smul.u32 @!p0 $0xF7A, s2;
	p2 =	seq.s32 @!p0 s5, $0x0  }
0x1f: {  	s9 =	smul.u32 $0xF7A, s1;
	s8 =	simm.s32 @!p0 $0x1BF5;
	p2 =	por !p2, p0  }
0x20: {  	[sflag:s8] =	ssyncset.s32 @!p0 $0xFFFFF086;
	s6 =	sadd.s32 @!p0 s3, s7;
	s7 =	simm.s32 @!p0 $0x108  }
0x21: {  	s3 =	sadd.s32 s3, s9;
	s6 =	sadd.s32 @!p0 $0x88, s6;
	s7 =	simm.s32 @p2 $0x1082  }
0x22: {  	[simem:s7], [sflag:s8] =	dma.local @!p0 [hbm:s6], $0xF7A  }
0x23: {  	s9 =	sor.u32 $0xD0000000, s2;
	s6 =	simm.s32 $0x108;
	_ =	swait.ge @!p0 [sflag:s8], $0x0  }
0x24: {  	s3 =	sadd.s32 $0x88, s3;
	s6 =	simm.s32 @!p1 $0x1082;
	[sflag:s4] =	ssyncset.s32 $0xFFFFF086  }
0x25: {  	[simem:s6], [sflag:s4] =	dma.local [hbm:s3], $0xF7A  }
0x26: {  	[smem:$0x3F91] =	sst s1;
	(tag) =	ssettag s2;
	_ =	strace s9  }
0x27: {  	s1 =	sld [smem:$0x3FA1]  }
0x28: {  	s2 =	sld [smem:$0x3FA2]  }
0x29: {  	s4 =	sld [smem:$0x3FA4]  }
0x2a: {  	p0 =	seq.s32 s5, $0x0;
	s5 =	sld [smem:$0x3FA5]  }
0x2b: {  	s6 =	sld [smem:$0x3FA6]  }
0x2c: {  	s7 =	sld [smem:$0x3FA7]  }
0x2d: {  	s3 =	simm.s32 $0x108;
	s8 =	sld [smem:$0x3FA8]  }
0x2e: {  	s3 =	simm.s32 @!p0 $0x1082;
	s9 =	sld [smem:$0x3FA9]  }
0x2f: {  	lr =	sadd.s32 s0, s3;
	s0 =	sld [smem:$0x3FA0]  }
0x30: {  	s3 =	sld [smem:$0x3FA3]  }
0x31: {  	[smem:$0x3FAC] =	sst s10  }
0x32: {  	s10 =	sld [smem:$0x3FAA];
	_ =	sdelay $0x3  }
0x33: {  	p0 =	seq.s32 s10, $0x1;
	s10 =	sld [smem:$0x3FAC];
	_ =	sdelay $0x3  }
0x34: {  	[smem:$0x3FAC] =	sst s10  }
0x35: {  	s10 =	sld [smem:$0x3FAB];
	_ =	sdelay $0x3  }
0x36: {  	p1 =	seq.s32 s10, $0x1;
	s10 =	sld [smem:$0x3FAC];
	_ =	sdelay $0x3  }
0x37: {  	[smem:$0x3FAC] =	sst s10  }
0x38: {  	s10 =	sld [smem:$0x3FAD]  }
0x39: {  	_ = 	snop;
	(pc) =	sbr.ind lr, $3  }
0x3a: {  	_ = 	snop  }
0x3b: {  	_ = 	snop  }
0x3c: {  	p2 =	seq.s32 s10, $0x1;
	s10 =	sld [smem:$0x3FAC]  }
0x3d: {  	_ =	shalt  }
0x3e: {  	_ =	shalt  }
0x3f: {  	_ =	shalt  }
0x40: {  	_ =	shalt  }
0x41: {  	_ =	shalt  }
0x42: {  	_ =	shalt  }
0x43: {  	_ =	shalt  }
0x44: {  	_ =	shalt  }
0x45: {  	_ =	shalt  }
0x46: {  	_ =	shalt  }
0x47: {  	_ =	shalt  }
0x48: {  	_ =	shalt  }
0x49: {  	_ =	shalt  }
0x4a: {  	_ =	shalt  }
0x4b: {  	_ =	shalt  }
0x4c: {  	_ =	shalt  }
0x4d: {  	_ =	shalt  }
0x4e: {  	_ =	shalt  }
0x4f: {  	_ =	shalt  }
0x50: {  	_ =	shalt  }
0x51: {  	_ =	shalt  }
0x52: {  	_ =	shalt  }
0x53: {  	_ =	shalt  }
0x54: {  	_ =	shalt  }
0x55: {  	_ =	shalt  }
0x56: {  	_ =	shalt  }
0x57: {  	_ =	shalt  }
0x58: {  	_ =	shalt  }
0x59: {  	_ =	shalt  }
0x5a: {  	_ =	shalt  }
0x5b: {  	_ =	shalt  }
0x5c: {  	_ =	shalt  }
0x5d: {  	_ =	shalt  }
0x5e: {  	_ =	shalt  }
0x5f: {  	_ =	shalt  }
0x60: {  	_ =	shalt  }
0x61: {  	_ =	shalt  }
0x62: {  	_ =	shalt  }
0x63: {  	_ =	shalt  }
0x64: {  	_ =	shalt  }
0x65: {  	_ =	shalt  }
0x66: {  	_ =	shalt  }
0x67: {  	_ =	shalt  }
0x68: {  	_ =	shalt  }
0x69: {  	_ =	shalt  }
0x6a: {  	_ =	shalt  }
0x6b: {  	_ =	shalt  }
0x6c: {  	_ =	shalt  }
0x6d: {  	_ =	shalt  }
0x6e: {  	_ =	shalt  }
0x6f: {  	_ =	shalt  }
0x70: {  	_ =	shalt  }
0x71: {  	_ =	shalt  }
0x72: {  	_ =	shalt  }
0x73: {  	_ =	shalt  }
0x74: {  	_ =	shalt  }
0x75: {  	_ =	shalt  }
0x76: {  	_ =	shalt  }
0x77: {  	_ =	shalt  }
0x78: {  	_ =	shalt  }
0x79: {  	_ =	shalt  }
0x7a: {  	_ =	shalt  }
0x7b: {  	_ =	shalt  }
0x7c: {  	_ =	shalt  }
0x7d: {  	_ =	shalt  }
0x7e: {  	_ =	shalt  }
0x7f: {  	_ =	shalt  }
0x80: {  	_ =	shalt  }
0x81: {  	_ =	shalt  }
0x82: {  	_ =	shalt  }
0x83: {  	_ =	shalt  }
0x84: {  	_ =	shalt  }
0x85: {  	_ =	shalt  }
0x86: {  	_ =	shalt  }
0x87: {  	_ =	shalt  }
.Lfunc_end0:
.L_simem_size_0:
called_computation.2_lowered:
.L_overlay_start_0:
0x88: {  	s2 =	sld [smem:$0x3FD9]  }
0x89: {  	s3 =	sld [smem:$0x3FFE];
	_ =	sdelay $0x1  }
0x8a: {  	s1 =	srdreg.scid  }
0x8b: {  	s0 =	sand.u32 $0x1, s1  }
0x8c: {  	s16 =	sshll.u32 s0, $0xA;
	s2 =	sadd.s32 s3, s2  }
0x8d: {  	s2 =	sadd.s32 s2, s16  }
0x8e: {  	[smem:$0x3FB8] =	sst s2  }
0x8f: {  	_ = 	snop  }
0x90: {  	(tm) =	ssettm $0x1  }
0x91: {  	s17 =	sld [smem:$0x3FFB];
	_ =	sdelay $0x3  }
0x92: {  	_ =	strace s17  }
0x93: {  	s2 =	sld [smem:$0x3FFC];
	_ =	sdelay $0x3  }
0x94: {  	_ =	strace s2  }
0x95: {  	s2 =	sld [smem:$0x3FFD];
	_ =	sdelay $0x3  }
0x96: {  	_ =	strace s2  }
0x97: {  	_ =	strace $0x8FFFFFFF  }
0x98: {  	s18 =	sld [smem:$0x3FDB];
	_ =	sdelay $0x1  }
0x99: {  	s19 =	simm.s32 $_scs_section_size  }
0x9a: {  	s4 =	simm.s32 $_size__tile_overlayer_lowered;
	s5 =	simm.s32 $_tile_overlayer_lowered  }
0x9b: {  	s22 =	simm.s32 $0x1BFF;
	s21 =	sshll.u32 s5, $0x1;
	s2 =	sadd.s32 s19, s18  }
0x9c: {  	s6 =	simm.s32 $0x0;
	s20 =	sshll.u32 s4, $0x1;
	s4 =	sadd.s32 s21, s2  }
0x9d: {  	[timem:s6], [sflag:s22] =	dma.local [hbm:s4], s20  }
0x9e: {  	_ =	swait.ge [sflag:s22], s20  }
0x9f: {  	s3 =	ssub.s32 $0x0, s20;
	[sflag:s22] =	ssyncset.done $0x0  }
0xa0: {  	[sflag:s22] =	ssyncadd.s32 s3;
	_ =	sdelay $0x1  }
0xa1: {  	s23 =	simm.s32 $0x1B8B  }
0xa2: {  	_ =	swait.ge [sflag:s23], $0x1  }
0xa3: {  	[sflag:s23] =	ssyncset.done $0x0  }
0xa4: {  	s25 =	simm.s32 $0x1B8E;
	s24 =	sld [smem:$0x3FFE];
	[sflag:s23] =	ssyncadd.s32 $0xFFFFFFFF  }
0xa5: {  	s26 =	simm.s32 $execute0_lowered;
	[smem:$0x3FD2] =	sst s25  }
0xa6: {  	s4 =	sshll.u32 s26, $0x1;
	_ =	strace $0x8000004C;
	[dreg:$0x1] =	wrdreg $0xFFFFFFFF  }
0xa7: {  	s28 =	simm.s32 $_size_execute0_lowered;
	s2 =	sadd.s32 s2, s4;
	[dreg:$0x0] =	wrdreg $0x0  }
0xa8: {  	s4 =	sshll.u32 s28, $0x1;
	[dreg:$0x2] =	wrdreg s2  }
0xa9: {  	[dreg:$0x3] =	wrdreg s4  }
0xaa: {  	[dreg:$0x4] =	wrdreg $0xC0  }
0xab: {  	_ =	task [dreg:s6], $0x5FFFF  }
0xac: {  	[dreg:$0x1] =	wrdreg $0xFFFFFFFF  }
0xad: {  	[dreg:$0x0] =	wrdreg $0x60  }
0xae: {  	[dreg:$0x2] =	wrdreg s24  }
0xaf: {  	[dreg:$0x3] =	wrdreg $0x9  }
0xb0: {  	_ =	task.clear_ibuf [dreg:s6], $0x4FFFF;
	_ =	strace $0x9000004C  }
0xb1: {  	s29 =	simm.s32 $0x9;
	_ =	strace $0x8000004E  }
0xb2: {  	_ =	swait.ge [sflag:s29], $0x1  }
0xb3: {  	[sflag:s29] =	ssyncadd.s32 $0xFFFFFFFF  }
0xb4: {  	_ =	strace $0x9000004E  }
0xb5: {  	_ =	sfence  }
0xb6: {  	s30 =	sld [smem:$0x0];
	_ =	sdelay $0x2  }
0xb7: {  	s31 =	sshll.u32 s1, $0xD;
	s1 =	sshrl.u32 s1, $0x2  }
0xb8: {  	s3 =	sand.u32 $0x4000, s31;
	s1 =	sadd.s32 s1, s30  }
0xb9: {  	s0 =	sor.u32 s3, s0;
	s1 =	sshll.u32 s1, $0x11  }
0xba: {  	s0 =	sor.u32 s1, s0  }
0xbb: {  	s0 =	sadd.s32 $0x8F2B, s0  }
0xbc: {  	[sflag:s0] =	ssyncadd.remote.s32 $0x1  }
0xbd: {  	_ =	sfence.sel $0xFFFF  }
0xbe: {  	[dreg:$0x0] =	wrdreg $0xFFFFFFFF;
	(pc) =	sbr.abs _section_cstart, $3  }
0xbf: {  	[dreg:$0x1] =	wrdreg $0xFFFFFFFF  }
0xc0: {  	_ =	task.clear_ibuf [dreg:s6], $0x2FFFF;
	_ =	strace $0x9FFFFFFF  }
0xc1: {  	(tm) =	ssettm $0x7FFFFFFF  }
tec
execute0_lowered:
.L_overlay_start_1:
0x0: {  	(tag) =	ssettag $0x1  }
0x1: {  	s0 =	srdreg.scid  }
0x2: {  	s5 =	stileid.u32;
	s1 =	rddreg [dreg:$0x0];
	s2 =	simm.s32 $0x0  }
0x3: {  	s9 =	simm.s32 $0x3;
	s10 =	simm.s32 $0x3400;
	s11 =	simm.s32 $0x40  }
0x4: {  	s22 =	simm.s32 $0x180;
	s23 =	simm.s32 $0xC800;
	s24 =	simm.s32 $0x3580  }
0x5: {  	s25 =	simm.s32 $0x18800;
	s26 =	simm.s32 $0x1;
	s28 =	simm.s32 $0x2  }
0x6: {  	s0 =	sand.u32 $0x1, s0;
	s3 =	sshll.u32 s5, $0x1;
	s5 =	smul.u32 $0x188000, s5  }
0x7: {  	s3 =	sor.u32 s0, s3;
	s6 =	ssub.s32 $0x2, s0;
	s0 =	smul.u32 $0xC4000, s0  }
0x8: {  	s29 =	simm.s32 $0x0;
	[smem:$0x7FF] =	sst s2;
	s4 =	smul.u32 $0x680, s3  }
0x9: {  	_ =	strace $0x8000004D;
	s3 =	sadd.s32 $0x1BC00, s1;
	s30 =	sshrl.u32 s6, $0x1  }
0xa: {  	s6 =	ssub.s32 s6, s30;
	s0 =	sadd.s32 s0, s5;
	s7 =	sadd.s32 s4, s1  }
0xb: {  	s1 =	sadd.s32 $0x43C00, s1;
	s31 =	sshrl.u32 s0, $0x3;
	s0 =	sadd.s32 $0x1880000, s0  }
0xc: {  	s6 =	smax.u32 s6, $0x1;
	s4 =	sadd.s32 $0x1C00, s7;
	s0 =	sshrl.u32 s0, $0x3  }
0xd: {  	s5 =	sadd.s32 $0xEC00, s7;
	s16 =	sadd.s32 s31, s1;
	s15 =	sadd.s32 s0, s1  }
.LBB2_1:
0xe: {  	[tilespmem:s2], [sflag:$0x3] =	stream.linear.gather [hbm4b:s4+s2], $0x3100, $0x38;
	[tilespmem:$0x1E800] =	vst v63  }
0xf: {  	_ =	swait.ge [sflag:s9], $0x3100  }
0x10: {  	[sflag:s9] =	ssyncset.done $0x0  }
0x11: {  	[sflag:s9] =	ssyncadd.s32 $0xFFFFCF00  }
0x12: {  	[tilespmem:s10], [sflag:$0x3] =	stream.linear.gather [hbm4b:s5+s2], $0x3100, $0x38;
	[tilespmem:$0x1E800] =	vst v63  }
0x13: {  	_ =	swait.ge [sflag:s9], $0x3100  }
0x14: {  	[sflag:s9] =	ssyncset.done $0x0  }
0x15: {  	s0 =	simm.s32 $0x6800;
	[sflag:s9] =	ssyncadd.s32 $0xFFFFCF00  }
0x16: {  	[tilespmem:s0], [sflag:$0x1] =	stream.indirect.gather [hbm4b:s3+s11], $0x80, s2, s11, $0xb8;
	[tilespmem:$0x1E800] =	vst v63  }
0x17: {  	s7 =	simm.s32 $0x12800  }
0x18: {  	[tilespmem:s7], [sflag:$0x1] =	stream.indirect.gather [hbm4b:s3+s11], $0x80, s10, s11, $0xb8;
	[tilespmem:$0x1E800] =	vst v63  }
0x19: {  	s8 =	simm.s32 $0x80;
	s1 =	simm.s32 $0x8800  }
0x1a: {  	[tilespmem:s1], [sflag:$0x1] =	stream.indirect.gather [hbm4b:s3+s11], $0x80, s8, s11, $0xb8;
	[tilespmem:$0x1E800] =	vst v63  }
0x1b: {  	s12 =	simm.s32 $0x3480;
	s13 =	simm.s32 $0x14800  }
0x1c: {  	[tilespmem:s13], [sflag:$0x1] =	stream.indirect.gather [hbm4b:s3+s11], $0x80, s12, s11, $0xb8;
	[tilespmem:$0x1E800] =	vst v63  }
0x1d: {  	s14 =	simm.s32 $0x100;
	s17 =	simm.s32 $0xA800  }
0x1e: {  	[tilespmem:s17], [sflag:$0x1] =	stream.indirect.gather [hbm4b:s3+s11], $0x80, s14, s11, $0xb8;
	[tilespmem:$0x1E800] =	vst v63  }
0x1f: {  	s18 =	simm.s32 $0x3500;
	s19 =	simm.s32 $0x16800  }
0x20: {  	[tilespmem:s19], [sflag:$0x1] =	stream.indirect.gather [hbm4b:s3+s11], $0x80, s18, s11, $0xb8;
	[tilespmem:$0x1E800] =	vst v63  }
0x21: {  	p0 =	por $0x1, $0x1  }
0x22: {  	[tilespmem:s23], [sflag:$0x1] =	stream.indirect.gather [hbm4b:s3+s11], $0x80, s22, s11, $0xb8;
	[tilespmem:$0x1E800] =	vst v63  }
0x23: {  	s20 =	simm.s32 $0x4;
	s0 =	simm.s32 @!p0 $0x2  }
0x24: {  	[tilespmem:s25], [sflag:$0x1] =	stream.indirect.gather [hbm4b:s3+s11], $0x80, s24, s11, $0xb8;
	[tilespmem:$0x1E800] =	vst v63  }
0x25: {  	s30 =	simm.s32 $0x5;
	s1 =	smul.u32 $0xAB, s20;
	_ =	swait.ge @!p0 [sflag:s0], $0x2000  }
0x26: {  	s31 =	sadd.s32 $0x400, s15;
	s7 =	simm.s32 $0x200;
	[sflag:s0] =	ssyncset.done @!p0 $0x0  }
0x27: {  	s12 =	sadd.s32 $0xFFFFFD54, s1;
	s1 =	sshrl.u32 s1, $0xA;
	[sflag:s0] =	ssyncadd.s32 @!p0 $0xFFFFE000  }
0x28: {  	s8 =	simm.s32 $0x3600;
	s1 =	sand.u32 $0x3F, s1;
	_ =	swait.ge @!p0 [sflag:s0], $0x2000  }
0x29: {  	s12 =	sshrl.u32 s12, $0xA;
	s1 =	smul.u32 $0x6, s1;
	[sflag:s0] =	ssyncset.done @!p0 $0x0  }
0x2a: {  	s13 =	simm.s32 $0x6;
	s21 =	sand.u32 $0x3F, s12;
	[sflag:s0] =	ssyncadd.s32 @!p0 $0xFFFFE000  }
0x2b: {  	s1 =	ssub.s32 $0x4, s1;
	s0 =	smul.u32 $0x6, s21;
	_ =	swait.ge [sflag:s26], $0x2000  }
0x2c: {  	s1 =	sand.u32 $0xFF, s1;
	p0 =	por $0x0, $0x0;
	[sflag:s26] =	ssyncset.done $0x0  }
0x2d: {  	s1 =	sshll.u32 @!p0 s1, $0xD;
	s0 =	ssub.s32 $0x0, s0;
	[sflag:s26] =	ssyncadd.s32 $0xFFFFE000  }
0x2e: {  	s14 =	simm.s32 @!p0 $0x40;
	s0 =	sand.u32 $0xFF, s0;
	_ =	swait.ge [sflag:s26], $0x2000  }
0x2f: {  	s12 =	sadd.s32 @!p0 $0x6800, s1;
	s17 =	sshll.u32 s0, $0xD;
	[sflag:s26] =	ssyncset.done $0x0  }
0x30: {  	s0 =	sadd.s32 @!p0 $0x12800, s1;
	s1 =	simm.s32 $0x3680;
	[sflag:s26] =	ssyncadd.s32 $0xFFFFE000  }
0x31: {  	[tilespmem:s12], [sflag:$0x1] =	stream.indirect.gather @!p0 [hbm4b:s3+s14], $0x80, s7, s14, $0xb8;
	[tilespmem:$0x1E800] =	vst v63  }
0x32: {  	s18 =	sadd.s32 $0x6800, s17;
	s12 =	simm.s32 $0x280;
	s7 =	smov.u32 s16  }
0x33: {  	[tilespmem:s0], [sflag:$0x1] =	stream.indirect.gather @!p0 [hbm4b:s3+s14], $0x80, s8, s14, $0xb8;
	[tilespmem:$0x1E800] =	vst v63  }
0x34: {  	s14 =	simm.s32 $0x1;
	s0 =	sadd.s32 $0x400, s16;
	s8 =	smov.u32 s15  }
.LBB2_2:
0x35: {  	[hbm4b:s7+s2] =	stream.linear.scatter [tilespmem:s18], [sflag:$0x2], $0x2000, $0x38;
	[tilespmem:$0x1E800] =	vst v63  }
0x36: {  	s18 =	smov.u32 s30;
	s30 =	smov.u32 s13;
	s19 =	smov.u32 s1  }
0x37: {  	s13 =	sadd.s32 $0x1, s13;
	p1 =	slt.u32 s14, $0x2;
	s17 =	sadd.s32 $0x12800, s17  }
0x38: {  	s7 =	smov.u32 s0;
	p0 =	sne.s32 s13, $0x66;
	s20 =	simm.s32 @!p1 $0x2  }
0x39: {  	[hbm4b:s8+s2] =	stream.linear.scatter [tilespmem:s17], [sflag:$0x2], $0x2000, $0x38;
	[tilespmem:$0x1E800] =	vst v63  }
0x3a: {  	s8 =	smov.u32 s31;
	s17 =	smul.u32 $0xAB, s18;
	_ =	swait.ge @!p1 [sflag:s20], $0x2000  }
0x3b: {  	[sflag:s20] =	ssyncset.done @!p1 $0x0  }
0x3c: {  	s21 =	sadd.s32 $0xFFFFFD54, s17;
	s17 =	sshrl.u32 s17, $0xA;
	[sflag:s20] =	ssyncadd.s32 @!p1 $0xFFFFE000  }
0x3d: {  	s17 =	sand.u32 $0x3F, s17;
	_ =	swait.ge @!p1 [sflag:s20], $0x2000  }
0x3e: {  	s21 =	sshrl.u32 s21, $0xA;
	s17 =	smul.u32 $0x6, s17;
	[sflag:s20] =	ssyncset.done @!p1 $0x0  }
0x3f: {  	s21 =	sand.u32 $0x3F, s21;
	[sflag:s20] =	ssyncadd.s32 @!p1 $0xFFFFE000  }
0x40: {  	s20 =	smul.u32 $0x6, s21;
	s17 =	ssub.s32 s18, s17;
	_ =	swait.ge [sflag:s26], $0x2000  }
0x41: {  	p1 =	sgt.u32 s14, $0x5D;
	s17 =	sand.u32 $0xFF, s17;
	[sflag:s26] =	ssyncset.done $0x0  }
0x42: {  	s14 =	ssub.s32 s14, s20;
	s18 =	sshll.u32 @!p1 s17, $0xD;
	[sflag:s26] =	ssyncadd.s32 $0xFFFFE000  }
0x43: {  	s14 =	sand.u32 $0xFF, s14;
	s20 =	sadd.s32 @!p1 $0x6800, s18;
	_ =	swait.ge [sflag:s26], $0x2000  }
0x44: {  	s18 =	sadd.s32 @!p1 $0x12800, s18;
	s17 =	sshll.u32 s14, $0xD;
	[sflag:s26] =	ssyncset.done $0x0  }
.Ltmp0:
0x45: {  	s14 =	simm.s32 @!p1 $0x40;
	[sflag:s26] =	ssyncadd.s32 $0xFFFFE000;
	(pc) =	sbr.rel @p0 .LBB2_2-.Ltmp0, $4  }
0x46: {  	[tilespmem:s20], [sflag:$0x1] =	stream.indirect.gather @!p1 [hbm4b:s3+s14], $0x80, s12, s14, $0xb8;
	[tilespmem:$0x1E800] =	vst v63  }
0x47: {  	s1 =	sadd.s32 $0x80, s1;
	s31 =	sadd.s32 $0x400, s31;
	s12 =	sadd.s32 $0x80, s12  }
0x48: {  	[tilespmem:s18], [sflag:$0x1] =	stream.indirect.gather @!p1 [hbm4b:s3+s14], $0x80, s19, s14, $0xb8;
	[tilespmem:$0x1E800] =	vst v63  }
0x49: {  	s0 =	sadd.s32 $0x400, s0;
	s14 =	sadd.s32 $0xFFFFFFFC, s30;
	s18 =	sadd.s32 $0x6800, s17  }
0x4a: {  	[hbm4b:s7+s2] =	stream.linear.scatter [tilespmem:s18], [sflag:$0x2], $0x2000, $0x38;
	[tilespmem:$0x1E800] =	vst v63  }
0x4b: {  	p0 =	slt.u32 s14, $0x2  }
0x4c: {  	s18 =	sadd.s32 $0x12800, s17;
	s13 =	simm.s32 @!p0 $0x2  }
0x4d: {  	[hbm4b:s8+s2] =	stream.linear.scatter [tilespmem:s18], [sflag:$0x2], $0x2000, $0x38;
	[tilespmem:$0x1E800] =	vst v63  }
0x4e: {  	_ =	swait.ge @!p0 [sflag:s13], $0x2000  }
0x4f: {  	s19 =	smul.u32 $0xAB, s30;
	[sflag:s13] =	ssyncset.done @!p0 $0x0  }
0x50: {  	[sflag:s13] =	ssyncadd.s32 @!p0 $0xFFFFE000  }
0x51: {  	s20 =	sadd.s32 $0xFFFFFD54, s19;
	s7 =	sshrl.u32 s19, $0xA;
	_ =	swait.ge @!p0 [sflag:s13], $0x2000  }
0x52: {  	s8 =	sshrl.u32 s20, $0xA;
	s7 =	sand.u32 $0x3F, s7;
	[sflag:s13] =	ssyncset.done @!p0 $0x0  }
0x53: {  	s8 =	sand.u32 $0x3F, s8;
	s7 =	smul.u32 $0x6, s7;
	[sflag:s13] =	ssyncadd.s32 @!p0 $0xFFFFE000  }
0x54: {  	s8 =	smul.u32 $0x6, s8;
	_ =	swait.ge [sflag:s26], $0x2000  }
0x55: {  	[sflag:s26] =	ssyncset.done $0x0  }
0x56: {  	s7 =	ssub.s32 s30, s7;
	s8 =	ssub.s32 s14, s8;
	[sflag:s26] =	ssyncadd.s32 $0xFFFFE000  }
0x57: {  	s7 =	sand.u32 $0xFF, s7;
	p0 =	sgt.u32 s14, $0x5D;
	_ =	swait.ge [sflag:s26], $0x2000  }
0x58: {  	s8 =	sand.u32 $0xFF, s8;
	s7 =	sshll.u32 @!p0 s7, $0xD;
	[sflag:s26] =	ssyncset.done $0x0  }
0x59: {  	s14 =	simm.s32 @!p0 $0x40;
	s13 =	sadd.s32 @!p0 $0x6800, s7;
	[sflag:s26] =	ssyncadd.s32 $0xFFFFE000  }
0x5a: {  	[tilespmem:s13], [sflag:$0x1] =	stream.indirect.gather @!p0 [hbm4b:s3+s14], $0x80, s12, s14, $0xb8;
	[tilespmem:$0x1E800] =	vst v63  }
0x5b: {  	s8 =	sshll.u32 s8, $0xD;
	s7 =	sadd.s32 @!p0 $0x12800, s7  }
0x5c: {  	[tilespmem:s7], [sflag:$0x1] =	stream.indirect.gather @!p0 [hbm4b:s3+s14], $0x80, s1, s14, $0xb8;
	[tilespmem:$0x1E800] =	vst v63  }
0x5d: {  	s21 =	sadd.s32 $0x6800, s8  }
0x5e: {  	[hbm4b:s0+s2] =	stream.linear.scatter [tilespmem:s21], [sflag:$0x2], $0x2000, $0x38;
	[tilespmem:$0x1E800] =	vst v63  }
0x5f: {  	s30 =	sadd.s32 $0x12800, s8  }
0x60: {  	[hbm4b:s31+s2] =	stream.linear.scatter [tilespmem:s30], [sflag:$0x2], $0x2000, $0x38;
	[tilespmem:$0x1E800] =	vst v63  }
0x61: {  	_ =	swait.ge [sflag:s28], $0x2000  }
0x62: {  	[sflag:s28] =	ssyncset.done $0x0  }
0x63: {  	[sflag:s28] =	ssyncadd.s32 $0xFFFFE000  }
0x64: {  	_ =	swait.ge [sflag:s28], $0x2000  }
0x65: {  	[sflag:s28] =	ssyncset.done $0x0  }
0x66: {  	s29 =	sadd.s32 $0x1, s29;
	[sflag:s28] =	ssyncadd.s32 $0xFFFFE000  }
0x67: {  	p0 =	sne.s32 s29, s6;
	_ =	swait.ge [sflag:s28], $0x2000  }
.Ltmp1:
0x68: {  	[sflag:s28] =	ssyncset.done $0x0;
	(pc) =	sbr.rel @p0 .LBB2_1-.Ltmp1, $4  }
0x69: {  	[sflag:s28] =	ssyncadd.s32 $0xFFFFE000  }
0x6a: {  	_ =	swait.ge [sflag:s28], $0x2000  }
0x6b: {  	[sflag:s28] =	ssyncset.done $0x0  }
0x6c: {  	[sflag:s28] =	ssyncadd.s32 $0xFFFFE000  }
0x6d: {  	_ =	sfence.sel $0x180000  }
0x6e: {  	[bflag:$0x0] =	sbarrier.arrive $0xFFFF  }
0x6f: {  	_ =	strace $0x9000004D  }
0x70: {  	s0 =	stileid.u32;
	[bflag:$0x2] =	sbarrier.arrive $0xFFFF  }
0x71: {  	p0 =	sne.s32 s0, $0x0;
	s0 =	rddreg [dreg:$0x1]  }
0x72: {  	s0 =	sadd.s32 @!p0 $0x100000, s0  }
0x73: {  	[sflag:s0] =	ssyncadd.tile.s32 @!p0 $0x1;
	_ =	shalt  }
.Lfunc_end2:
_tile_overlayer_lowered:
.L_overlay_start_2:
0x74: {  	(tag) =	ssettag $0x2  }
0x75: {  	s0 =	rddreg [dreg:$0x0];
	s2 =	stileid.u32  }
0x76: {  	s1 =	rddreg [dreg:$0x1];
	p0 =	sne.s32 s2, $0x0  }
0x77: {  	s3 =	rddreg [dreg:$0x2];
	[bflag:$0x3] =	sbarrier.arrive $0xFFFF;
	s2 =	simm.s32 @!p0 $0x1C03  }
0x78: {  	[timem:s3], [sflag:s2] =	dma.local @!p0 [hbm:s0], s1  }
0x79: {  	s0 =	simm.s32 @!p0 $0x3  }
0x7a: {  	_ =	swait.ge @!p0 [sflag:s0], s1  }
0x7b: {  	s1 =	ssub.s32 @!p0 $0x0, s1;
	[sflag:s0] =	ssyncset.done @!p0 $0x0  }
0x7c: {  	[sflag:s0] =	ssyncadd.s32 @!p0 s1  }
0x7d: {  	[bflag:$0x3] =	sbarrier.arrive $0xFFFF  }
0x7e: {  	_ =	shalt  }

// kernel: kernel.9.cloned.1.call-start
scs
__scs_entry_jumppad:
0x0: {  	(pc) =	sbr.rel $0x88, $3  }
0x1: {  	(tag) =	ssettag $0x0;
	lr =	simm.s32 $0x1  }
0x2: {  	[smem:$0x3F91] =	sst lr;
	_ =	strace $0xD0000000  }
0x3: {  	_ = 	snop  }
0x4: {  	_ = 	snop  }
0x5: {  	_ = 	snop  }
0x6: {  	_ = 	snop  }
0x7: {  	_ = 	snop  }
__scs_overlays_trampoline_lowered:
0x8: {  	[smem:$0x3FA0] =	sst s0  }
0x9: {  	[smem:$0x3FA1] =	sst s1  }
0xa: {  	[smem:$0x3FA2] =	sst s2  }
0xb: {  	[smem:$0x3FA3] =	sst s3  }
0xc: {  	[smem:$0x3FA4] =	sst s4  }
0xd: {  	[smem:$0x3FA5] =	sst s5  }
0xe: {  	[smem:$0x3FA6] =	sst s6  }
0xf: {  	[smem:$0x3FA7] =	sst s7  }
0x10: {  	[smem:$0x3FA8] =	sst s8  }
0x11: {  	[smem:$0x3FA9] =	sst s9;
	s0 =	simm.s32 @!p0 $0x0  }
0x12: {  	s1 =	sld [smem:$0x3F8F];
	s0 =	simm.s32 @p0 $0x1  }
0x13: {  	[smem:$0x3FAA] =	sst s0;
	s0 =	simm.s32 @!p1 $0x0  }
0x14: {  	s2 =	sld [smem:$0x3F8E];
	s0 =	simm.s32 @p1 $0x1  }
0x15: {  	[smem:$0x3FAB] =	sst s0;
	s0 =	simm.s32 @!p2 $0x0  }
0x16: {  	s3 =	sld [smem:$0x3FDB];
	s0 =	simm.s32 @p2 $0x1  }
0x17: {  	s4 =	simm.s32 $0x1BF5;
	[smem:$0x3FAD] =	sst s0  }
0x18: {  	s0 =	sld [smem:$0x3F90];
	_ =	swait.ge [sflag:s4], $0x0  }
0x19: {  	s7 =	sld [smem:$0x3F91]  }
0x1a: {  	s8 =	sadd.s32 $0xFFFFE003, lr  }
0x1b: {  	s9 =	sadd.s32 $0xFFFFFEF7, lr;
	s5 =	simm.s32 $0xFFFFFFFF;
	p2 =	slt.u32 s8, $0xFFFFF086  }
0x1c: {  	p1 =	slt.u32 s9, $0xF7A;
	s5 =	simm.s32 @!p2 $0x0  }
0x1d: {  	s5 =	simm.s32 @p1 $0x1;
	p0 =	seq.s32 s7, s2  }
0x1e: {  	s7 =	smul.u32 @!p0 $0xF7A, s2;
	p2 =	seq.s32 @!p0 s5, $0x0  }
0x1f: {  	s9 =	smul.u32 $0xF7A, s1;
	s8 =	simm.s32 @!p0 $0x1BF5;
	p2 =	por !p2, p0  }
0x20: {  	[sflag:s8] =	ssyncset.s32 @!p0 $0xFFFFF086;
	s6 =	sadd.s32 @!p0 s3, s7;
	s7 =	simm.s32 @!p0 $0x108  }
0x21: {  	s3 =	sadd.s32 s3, s9;
	s6 =	sadd.s32 @!p0 $0x88, s6;
	s7 =	simm.s32 @p2 $0x1082  }
0x22: {  	[simem:s7], [sflag:s8] =	dma.local @!p0 [hbm:s6], $0xF7A  }
0x23: {  	s9 =	sor.u32 $0xD0000000, s2;
	s6 =	simm.s32 $0x108;
	_ =	swait.ge @!p0 [sflag:s8], $0x0  }
0x24: {  	s3 =	sadd.s32 $0x88, s3;
	s6 =	simm.s32 @!p1 $0x1082;
	[sflag:s4] =	ssyncset.s32 $0xFFFFF086  }
0x25: {  	[simem:s6], [sflag:s4] =	dma.local [hbm:s3], $0xF7A  }
0x26: {  	[smem:$0x3F91] =	sst s1;
	(tag) =	ssettag s2;
	_ =	strace s9  }
0x27: {  	s1 =	sld [smem:$0x3FA1]  }
0x28: {  	s2 =	sld [smem:$0x3FA2]  }
0x29: {  	s4 =	sld [smem:$0x3FA4]  }
0x2a: {  	p0 =	seq.s32 s5, $0x0;
	s5 =	sld [smem:$0x3FA5]  }
0x2b: {  	s6 =	sld [smem:$0x3FA6]  }
0x2c: {  	s7 =	sld [smem:$0x3FA7]  }
0x2d: {  	s3 =	simm.s32 $0x108;
	s8 =	sld [smem:$0x3FA8]  }
0x2e: {  	s3 =	simm.s32 @!p0 $0x1082;
	s9 =	sld [smem:$0x3FA9]  }
0x2f: {  	lr =	sadd.s32 s0, s3;
	s0 =	sld [smem:$0x3FA0]  }
0x30: {  	s3 =	sld [smem:$0x3FA3]  }
0x31: {  	[smem:$0x3FAC] =	sst s10  }
0x32: {  	s10 =	sld [smem:$0x3FAA];
	_ =	sdelay $0x3  }
0x33: {  	p0 =	seq.s32 s10, $0x1;
	s10 =	sld [smem:$0x3FAC];
	_ =	sdelay $0x3  }
0x34: {  	[smem:$0x3FAC] =	sst s10  }
0x35: {  	s10 =	sld [smem:$0x3FAB];
	_ =	sdelay $0x3  }
0x36: {  	p1 =	seq.s32 s10, $0x1;
	s10 =	sld [smem:$0x3FAC];
	_ =	sdelay $0x3  }
0x37: {  	[smem:$0x3FAC] =	sst s10  }
0x38: {  	s10 =	sld [smem:$0x3FAD]  }
0x39: {  	_ = 	snop;
	(pc) =	sbr.ind lr, $3  }
0x3a: {  	_ = 	snop  }
0x3b: {  	_ = 	snop  }
0x3c: {  	p2 =	seq.s32 s10, $0x1;
	s10 =	sld [smem:$0x3FAC]  }
0x3d: {  	_ =	shalt  }
0x3e: {  	_ =	shalt  }
0x3f: {  	_ =	shalt  }
0x40: {  	_ =	shalt  }
0x41: {  	_ =	shalt  }
0x42: {  	_ =	shalt  }
0x43: {  	_ =	shalt  }
0x44: {  	_ =	shalt  }
0x45: {  	_ =	shalt  }
0x46: {  	_ =	shalt  }
0x47: {  	_ =	shalt  }
0x48: {  	_ =	shalt  }
0x49: {  	_ =	shalt  }
0x4a: {  	_ =	shalt  }
0x4b: {  	_ =	shalt  }
0x4c: {  	_ =	shalt  }
0x4d: {  	_ =	shalt  }
0x4e: {  	_ =	shalt  }
0x4f: {  	_ =	shalt  }
0x50: {  	_ =	shalt  }
0x51: {  	_ =	shalt  }
0x52: {  	_ =	shalt  }
0x53: {  	_ =	shalt  }
0x54: {  	_ =	shalt  }
0x55: {  	_ =	shalt  }
0x56: {  	_ =	shalt  }
0x57: {  	_ =	shalt  }
0x58: {  	_ =	shalt  }
0x59: {  	_ =	shalt  }
0x5a: {  	_ =	shalt  }
0x5b: {  	_ =	shalt  }
0x5c: {  	_ =	shalt  }
0x5d: {  	_ =	shalt  }
0x5e: {  	_ =	shalt  }
0x5f: {  	_ =	shalt  }
0x60: {  	_ =	shalt  }
0x61: {  	_ =	shalt  }
0x62: {  	_ =	shalt  }
0x63: {  	_ =	shalt  }
0x64: {  	_ =	shalt  }
0x65: {  	_ =	shalt  }
0x66: {  	_ =	shalt  }
0x67: {  	_ =	shalt  }
0x68: {  	_ =	shalt  }
0x69: {  	_ =	shalt  }
0x6a: {  	_ =	shalt  }
0x6b: {  	_ =	shalt  }
0x6c: {  	_ =	shalt  }
0x6d: {  	_ =	shalt  }
0x6e: {  	_ =	shalt  }
0x6f: {  	_ =	shalt  }
0x70: {  	_ =	shalt  }
0x71: {  	_ =	shalt  }
0x72: {  	_ =	shalt  }
0x73: {  	_ =	shalt  }
0x74: {  	_ =	shalt  }
0x75: {  	_ =	shalt  }
0x76: {  	_ =	shalt  }
0x77: {  	_ =	shalt  }
0x78: {  	_ =	shalt  }
0x79: {  	_ =	shalt  }
0x7a: {  	_ =	shalt  }
0x7b: {  	_ =	shalt  }
0x7c: {  	_ =	shalt  }
0x7d: {  	_ =	shalt  }
0x7e: {  	_ =	shalt  }
0x7f: {  	_ =	shalt  }
0x80: {  	_ =	shalt  }
0x81: {  	_ =	shalt  }
0x82: {  	_ =	shalt  }
0x83: {  	_ =	shalt  }
0x84: {  	_ =	shalt  }
0x85: {  	_ =	shalt  }
0x86: {  	_ =	shalt  }
0x87: {  	_ =	shalt  }
.Lfunc_end0:
.L_simem_size_0:
called_computation_lowered:
.L_overlay_start_0:
0x88: {  	s2 =	sld [smem:$0x3FD9]  }
0x89: {  	s3 =	sld [smem:$0x3FFE];
	_ =	sdelay $0x1  }
0x8a: {  	s1 =	srdreg.scid  }
0x8b: {  	s0 =	sand.u32 $0x1, s1  }
0x8c: {  	s14 =	sshll.u32 s0, $0xA;
	s2 =	sadd.s32 s3, s2  }
0x8d: {  	s2 =	sadd.s32 s2, s14  }
0x8e: {  	[smem:$0x3FB8] =	sst s2  }
0x8f: {  	_ = 	snop  }
0x90: {  	s2 =	sld [smem:$0x3FD0];
	_ =	sdelay $0x2  }
0x91: {  	s15 =	simm.s32 $0xA;
	s4 =	simm.s32 $0x10  }
0x92: {  	[smem:s4], [sflag:s15] =	dma.local [hbm:s2], $0x1  }
0x93: {  	_ =	swait.eq [sflag:s15], $0x1  }
0x94: {  	[sflag:s15] =	ssyncset.done $0x0  }
0x95: {  	[sflag:s15] =	ssyncadd.s32 $0xFFFFFFFF  }
0x96: {  	s16 =	sld [smem:$0x11];
	(tm) =	ssettm $0x1  }
0x97: {  	s17 =	sld [smem:$0x3FFB];
	_ =	sdelay $0x3  }
0x98: {  	_ =	strace s17  }
0x99: {  	s3 =	sld [smem:$0x3FFC];
	_ =	sdelay $0x3  }
0x9a: {  	_ =	strace s3  }
0x9b: {  	s3 =	sld [smem:$0x3FFD];
	_ =	sdelay $0x3  }
0x9c: {  	_ =	strace s3  }
0x9d: {  	_ =	strace $0x8FFFFFFF  }
0x9e: {  	s18 =	sld [smem:$0x3FDB];
	_ =	sdelay $0x1  }
0x9f: {  	s19 =	simm.s32 $_scs_section_size  }
0xa0: {  	s5 =	simm.s32 $_size__tile_overlayer_lowered;
	s6 =	simm.s32 $_tile_overlayer_lowered  }
0xa1: {  	s22 =	simm.s32 $0x1BFF;
	s21 =	sshll.u32 s6, $0x1;
	s3 =	sadd.s32 s19, s18  }
0xa2: {  	s7 =	simm.s32 $0x0;
	s20 =	sshll.u32 s5, $0x1;
	s5 =	sadd.s32 s21, s3  }
0xa3: {  	[timem:s7], [sflag:s22] =	dma.local [hbm:s5], s20  }
0xa4: {  	_ =	swait.ge [sflag:s22], s20  }
0xa5: {  	s4 =	ssub.s32 $0x0, s20;
	[sflag:s22] =	ssyncset.done $0x0  }
0xa6: {  	[sflag:s22] =	ssyncadd.s32 s4;
	_ =	sdelay $0x1  }
0xa7: {  	s23 =	simm.s32 $0x1B8B  }
0xa8: {  	_ =	swait.ge [sflag:s23], $0x1  }
0xa9: {  	[sflag:s23] =	ssyncset.done $0x0  }
0xaa: {  	s25 =	simm.s32 $0x1B8E;
	s24 =	sld [smem:$0x3FFE];
	[sflag:s23] =	ssyncadd.s32 $0xFFFFFFFF  }
0xab: {  	s26 =	simm.s32 $execute0_lowered;
	[smem:$0x3FD2] =	sst s25  }
0xac: {  	s5 =	sshll.u32 s26, $0x1;
	_ =	strace $0x80000046;
	[dreg:$0x1] =	wrdreg $0xFFFFFFFF  }
0xad: {  	s28 =	simm.s32 $_size_execute0_lowered;
	s3 =	sadd.s32 s3, s5;
	[dreg:$0x0] =	wrdreg $0x0  }
0xae: {  	s5 =	sshll.u32 s28, $0x1;
	[dreg:$0x2] =	wrdreg s3  }
0xaf: {  	[dreg:$0x3] =	wrdreg s5  }
0xb0: {  	[dreg:$0x4] =	wrdreg $0xC0  }
0xb1: {  	_ =	task [dreg:s7], $0x5FFFF  }
0xb2: {  	[dreg:$0x1] =	wrdreg $0xFFFFFFFF  }
0xb3: {  	[dreg:$0x0] =	wrdreg $0x60  }
0xb4: {  	[dreg:$0x2] =	wrdreg s24  }
0xb5: {  	[dreg:$0x3] =	wrdreg s16  }
0xb6: {  	[dreg:$0x4] =	wrdreg $0x141000  }
0xb7: {  	[dreg:$0x5] =	wrdreg $0x1E1000  }
0xb8: {  	[dreg:$0x6] =	wrdreg $0x9  }
0xb9: {  	_ =	task.clear_ibuf [dreg:s7], $0x7FFFF;
	_ =	strace $0x90000046  }
0xba: {  	s29 =	simm.s32 $0x9;
	_ =	strace $0x80000048  }
0xbb: {  	_ =	swait.ge [sflag:s29], $0x1  }
0xbc: {  	[sflag:s29] =	ssyncadd.s32 $0xFFFFFFFF  }
0xbd: {  	_ =	strace $0x90000048  }
0xbe: {  	_ =	sfence  }
0xbf: {  	s30 =	sld [smem:$0x0];
	_ =	sdelay $0x2  }
0xc0: {  	s31 =	sshll.u32 s1, $0xD;
	s1 =	sshrl.u32 s1, $0x2  }
0xc1: {  	s3 =	sand.u32 $0x4000, s31;
	s1 =	sadd.s32 s1, s30  }
0xc2: {  	s0 =	sor.u32 s3, s0;
	s1 =	sshll.u32 s1, $0x11  }
0xc3: {  	s0 =	sor.u32 s1, s0  }
0xc4: {  	s0 =	sadd.s32 $0x8F2B, s0  }
0xc5: {  	[sflag:s0] =	ssyncadd.remote.s32 $0x1  }
0xc6: {  	_ =	sfence.sel $0xFFFF  }
0xc7: {  	[dreg:$0x0] =	wrdreg $0xFFFFFFFF;
	(pc) =	sbr.abs _section_cstart, $3  }
0xc8: {  	[dreg:$0x1] =	wrdreg $0xFFFFFFFF  }
0xc9: {  	_ =	task.clear_ibuf [dreg:s7], $0x2FFFF;
	_ =	strace $0x9FFFFFFF  }
0xca: {  	(tm) =	ssettm $0x7FFFFFFF  }
0xcb: {  	_ =	shalt  }
tec
execute0_lowered:
.L_overlay_start_1:
0x0: {  	(tag) =	ssettag $0x1  }
0x1: {  	s0 =	rddreg [dreg:$0x0]  }
0x2: {  	s1 =	rddreg [dreg:$0x1]  }
0x3: {  	s2 =	rddreg [dreg:$0x2]  }
0x4: {  	s3 =	rddreg [dreg:$0x3]  }
0x5: {  	s4 =	srdreg.scid;
	s17 =	stileid.u32  }
0x6: {  	s23 =	simm.s32 $0x0;
	s30 =	simm.s32 $0x5000;
	s29 =	simm.s32 $0xA000  }
0x7: {  	s31 =	simm.s32 $0x80;
	s28 =	simm.s32 $0x2;
	s6 =	smul.u32 $0xA00, s17  }
0x8: {  	s5 =	sand.u32 $0x1, s4;
	[smem:$0x7FF] =	sst s23;
	s9 =	smul.u32 $0x280, s17  }
0x9: {  	s10 =	sadd.s32 $0x57C00, s0;
	s7 =	ssub.s32 $0x2, s5;
	s11 =	smul.u32 $0xA0000, s5  }
0xa: {  	p0 =	sne.s32 s5, $0x0;
	s5 =	simm.s32 $0x3;
	s8 =	sshrl.u32 s7, $0x1  }
0xb: {  	s12 =	sadd.s32 $0x80, s9;
	s19 =	sadd.s32 $0x100, s9;
	s21 =	sadd.s32 $0x180, s9  }
0xc: {  	s23 =	sadd.s32 $0x200, s9;
	s15 =	sshrl.u32 s9, $0x3;
	s7 =	ssub.s32 s7, s8  }
0xd: {  	s8 =	smul.u32 $0xA000, s17;
	s16 =	sshll.u32 s12, $0x6;
	s18 =	sshll.u32 s19, $0x6  }
0xe: {  	s20 =	sshll.u32 s21, $0x6;
	s22 =	sshll.u32 s23, $0x6;
	s1 =	sadd.s32 s1, s15  }
0xf: {  	s15 =	sadd.s32 s9, s3;
	s19 =	sadd.s32 s19, s3;
	s21 =	sadd.s32 s21, s3  }
0x10: {  	s14 =	sadd.s32 s11, s16;
	s25 =	sadd.s32 s11, s18;
	s4 =	sadd.s32 s11, s20  }
0x11: {  	s16 =	sadd.s32 s16, s2;
	s18 =	sadd.s32 s18, s2;
	s20 =	sadd.s32 s20, s2  }
0x12: {  	s13 =	sadd.s32 s8, s11;
	s24 =	sshrl.u32 s14, $0x3;
	s26 =	sshrl.u32 s25, $0x3  }
0x13: {  	s14 =	sshrl.u32 s4, $0x3;
	s11 =	sadd.s32 s11, s22;
	s13 =	sshrl.u32 s13, $0x3  }
0x14: {  	s22 =	sadd.s32 s22, s2;
	s4 =	sadd.s32 s23, s3;
	s13 =	sadd.s32 s10, s13  }
0x15: {  	s23 =	simm.s32 $0x0;
	[dreg:$0x5] =	wrdreg s13;
	s13 =	sadd.s32 s10, s24  }
0x16: {  	s11 =	sshrl.u32 s11, $0x3;
	[dreg:$0x6] =	wrdreg s13;
	s13 =	sadd.s32 s10, s26  }
0x17: {  	s24 =	sadd.s32 s6, s0;
	[dreg:$0x7] =	wrdreg s13;
	s13 =	sadd.s32 s10, s14  }
0x18: {  	s6 =	simm.s32 $0x0;
	s10 =	sadd.s32 s10, s11;
	[dreg:$0x8] =	wrdreg s13  }
0x19: {  	s25 =	sadd.s32 $0x25C00, s24;
	s26 =	sadd.s32 s12, s3;
	[dreg:$0x9] =	wrdreg s10  }
.Ltmp0:
0x1a: {  	_ =	strace $0x80000047;
	[dreg:$0xa] =	wrdreg s1;
	(pc) =	sbr.rel .LBB2_1-.Ltmp0, $4  }
0x1b: {  	s11 =	sadd.s32 $0x2FC00, s0;
	s14 =	sadd.s32 s8, s2;
	[dreg:$0xb] =	wrdreg s25  }
0x1c: {  	s1 =	sadd.s32 $0x1BC00, s24;
	[dreg:$0xd] =	wrdreg s26;
	s24 =	sadd.s32 $0x43C00, s0  }
0x1d: {  	s25 =	smax.u32 s7, $0x1;
	s26 =	simm.s32 $0x4;
	[dreg:$0xc] =	wrdreg s1  }
0x1e: {  	v0 =	vimm.f32 $1.000000000e+00;
	v1 =	vimm.f32 $0.0e+00;
	s0 =	simm.s32 $0x1;
	s1 =	simm.s32 $0x14000;
	[dreg:$0xe] =	wrdreg s25  }
.LBB2_11:
0x1f: {  	_ =	swait.ge [sflag:s28], $0x2000  }
0x20: {  	[sflag:s28] =	ssyncset.done $0x0  }
0x21: {  	[sflag:s28] =	ssyncadd.s32 $0xFFFFE000  }
0x22: {  	_ =	swait.ge [sflag:s28], $0x2000  }
0x23: {  	[sflag:s28] =	ssyncset.done $0x0  }
0x24: {  	[sflag:s28] =	ssyncadd.s32 $0xFFFFE000  }
0x25: {  	_ =	swait.ge [sflag:s5], $0x80  }
0x26: {  	[sflag:s5] =	ssyncset.done $0x0  }
0x27: {  	[sflag:s5] =	ssyncadd.s32 $0xFFFFFF80  }
.LBB2_15:
0x28: {  	s7 =	sshll.u32 s17, $0x6;
	[bflag:$0x0] =	sbarrier.arrive $0xFFFF  }
0x29: {  	s8 =	sshrl.u32 s14, $0x3;
	s7 =	sor.u32 $0x1C04, s7;
	s9 =	rddreg [dreg:$0x5]  }
0x2a: {  	[hbm:s9], [sflag:s7] =	dma.local [spmem:s8], $0x400  }
0x2b: {  	_ =	swait.ge [sflag:s26], $0x400  }
0x2c: {  	[sflag:s26] =	ssyncset.done $0x0  }
0x2d: {  	s9 =	sshrl.u32 s16, $0x3;
	s10 =	rddreg [dreg:$0x6];
	[sflag:s26] =	ssyncadd.s32 $0xFFFFFC00  }
0x2e: {  	[hbm:s10], [sflag:s7] =	dma.local [spmem:s9], $0x400  }
0x2f: {  	_ =	swait.ge [sflag:s26], $0x400  }
0x30: {  	[sflag:s26] =	ssyncset.done $0x0  }
0x31: {  	s12 =	sshrl.u32 s18, $0x3;
	s13 =	rddreg [dreg:$0x7];
	[sflag:s26] =	ssyncadd.s32 $0xFFFFFC00  }
0x32: {  	[hbm:s13], [sflag:s7] =	dma.local [spmem:s12], $0x400  }
0x33: {  	_ =	swait.ge [sflag:s26], $0x400  }
0x34: {  	[sflag:s26] =	ssyncset.done $0x0  }
0x35: {  	s9 =	sshrl.u32 s20, $0x3;
	s10 =	rddreg [dreg:$0x8];
	[sflag:s26] =	ssyncadd.s32 $0xFFFFFC00  }
0x36: {  	[hbm:s10], [sflag:s7] =	dma.local [spmem:s9], $0x400  }
0x37: {  	_ =	swait.ge [sflag:s26], $0x400  }
0x38: {  	[sflag:s26] =	ssyncset.done $0x0  }
0x39: {  	s12 =	sshrl.u32 s22, $0x3;
	s13 =	rddreg [dreg:$0x9];
	[sflag:s26] =	ssyncadd.s32 $0xFFFFFC00  }
0x3a: {  	[hbm:s13], [sflag:s7] =	dma.local [spmem:s12], $0x400  }
0x3b: {  	s6 =	sadd.s32 $0x1, s6;
	_ =	swait.ge [sflag:s26], $0x400  }
0x3c: {  	p1 =	sne.s32 s6, s25;
	[sflag:s26] =	ssyncset.done $0x0  }
0x3d: {  	s8 =	sshrl.u32 @!p0 s15, $0x3;
	s9 =	rddreg [dreg:$0xa];
	[sflag:s26] =	ssyncadd.s32 $0xFFFFFC00  }
0x3e: {  	[hbm:s9], [sflag:s7] =	dma.local @!p0 [spmem:s8], $0x50  }
.Ltmp1:
0x3f: {  	_ = 	snop;
	(pc) =	sbr.rel @!p1 .LBB2_16-.Ltmp1, $4  }
0x40: {  	s7 =	simm.s32 @!p0 $0x4  }
0x41: {  	_ =	swait.ge @!p0 [sflag:s7], $0x50  }
0x42: {  	[sflag:s7] =	ssyncset.done @!p0 $0x0  }
0x43: {  	[sflag:s7] =	ssyncadd.s32 @!p0 $0xFFFFFFB0  }
.LBB2_1:
0x44: {  	s7 =	rddreg [dreg:$0xb]  }
0x45: {  	[tilespmem:s23], [sflag:$0x4] =	stream.linear.gather [hbm4b:s7+s23], $0x5000, $0x38;
	[tilespmem:$0x1E380] =	vst v63  }
0x46: {  	_ =	swait.ge [sflag:s26], $0x5000  }
0x47: {  	[sflag:s26] =	ssyncset.done $0x0  }
0x48: {  	s13 =	rddreg [dreg:$0xc];
	[sflag:s26] =	ssyncadd.s32 $0xFFFFB000  }
0x49: {  	[tilespmem:s30], [sflag:$0x4] =	stream.linear.gather [hbm4b:s13+s23], $0x5000, $0x38;
	[tilespmem:$0x1E380] =	vst v63  }
0x4a: {  	_ =	swait.ge [sflag:s26], $0x5000  }
0x4b: {  	[sflag:s26] =	ssyncset.done $0x0  }
0x4c: {  	[sflag:s26] =	ssyncadd.s32 $0xFFFFB000  }
0x4d: {  	[tilespmem:$0x14000] =	vst v0  }
0x4e: {  	[tilespmem:$0x14080] =	vst v1  }
0x4f: {  	[tilespmem:$0x14010] =	vst v0  }
0x50: {  	[tilespmem:$0x14090] =	vst v1  }
0x51: {  	[tilespmem:$0x14020] =	vst v0  }
0x52: {  	[tilespmem:$0x140A0] =	vst v1  }
0x53: {  	[tilespmem:$0x14030] =	vst v0  }
0x54: {  	[tilespmem:$0x140B0] =	vst v1  }
0x55: {  	[tilespmem:$0x14040] =	vst v0  }
0x56: {  	[tilespmem:$0x140C0] =	vst v1  }
0x57: {  	[tilespmem:$0x14050] =	vst v0  }
0x58: {  	[tilespmem:$0x140D0] =	vst v1  }
0x59: {  	[tilespmem:$0x14060] =	vst v0  }
0x5a: {  	[tilespmem:$0x140E0] =	vst v1  }
0x5b: {  	[tilespmem:$0x14070] =	vst v0  }
0x5c: {  	s8 =	simm.s32 $0x100;
	s7 =	simm.s32 $0x0;
	[tilespmem:$0x140F0] =	vst v1  }
.LBB2_2:
0x5d: {  	p1 =	sne.s32 s8, $0x7F00;
	[tilespmem:s7+$0xA030] =	vst v1;
	s9 =	smov.u32 s8;
	s8 =	sadd.s32 $0x100, s8  }
.Ltmp2:
0x5e: {  	[tilespmem:s7+$0xA020] =	vst v1;
	(pc) =	sbr.rel @p1 .LBB2_2-.Ltmp2, $3  }
0x5f: {  	[tilespmem:s7+$0xA000] =	vst v1  }
0x60: {  	[tilespmem:s7+$0xA010] =	vst v1;
	_ =	sdelay $0x1  }
0x61: {  	s7 =	sshra.s32 s9, $0x2  }
0x62: {  	[tilespmem:s7+$0xA030] =	vst v1  }
0x63: {  	[tilespmem:s7+$0xA020] =	vst v1  }
0x64: {  	[tilespmem:s7+$0xA000] =	vst v1  }
0x65: {  	[tilespmem:s7+$0xA010] =	vst v1  }
0x66: {  	[spmem:s14] =	stream.linear.scatter [tilespmem:s29], [sflag:$0x4], $0x2000, $0x38;
	[tilespmem:$0x1E380] =	vst v63  }
0x67: {  	_ =	swait.ge [sflag:s26], $0x2000  }
0x68: {  	[sflag:s26] =	ssyncset.done $0x0  }
0x69: {  	s8 =	simm.s32 $0x14080;
	[sflag:s26] =	ssyncadd.s32 $0xFFFFE000  }
0x6a: {  	[spmem:s15] =	stream.linear.scatter [tilespmem:s8], [sflag:$0x4], $0x80, $0x38;
	[tilespmem:$0x1E380] =	vst v63  }
0x6b: {  	_ =	swait.ge [sflag:s26], $0x80  }
0x6c: {  	[sflag:s26] =	ssyncset.done $0x0  }
0x6d: {  	[sflag:s26] =	ssyncadd.s32 $0xFFFFFF80  }
0x6e: {  	[spmem:s16] =	stream.linear.scatter [tilespmem:s29], [sflag:$0x4], $0x2000, $0x38;
	[tilespmem:$0x1E380] =	vst v63  }
0x6f: {  	_ =	swait.ge [sflag:s26], $0x2000  }
0x70: {  	[sflag:s26] =	ssyncset.done $0x0  }
0x71: {  	s13 =	rddreg [dreg:$0xd];
	[sflag:s26] =	ssyncadd.s32 $0xFFFFE000  }
0x72: {  	[spmem:s13] =	stream.linear.scatter [tilespmem:s8], [sflag:$0x4], $0x80, $0x38;
	[tilespmem:$0x1E380] =	vst v63  }
0x73: {  	_ =	swait.ge [sflag:s26], $0x80  }
0x74: {  	[sflag:s26] =	ssyncset.done $0x0  }
0x75: {  	[sflag:s26] =	ssyncadd.s32 $0xFFFFFF80  }
0x76: {  	[spmem:s18] =	stream.linear.scatter [tilespmem:s29], [sflag:$0x4], $0x2000, $0x38;
	[tilespmem:$0x1E380] =	vst v63  }
0x77: {  	_ =	swait.ge [sflag:s26], $0x2000  }
0x78: {  	[sflag:s26] =	ssyncset.done $0x0  }
0x79: {  	[sflag:s26] =	ssyncadd.s32 $0xFFFFE000  }
0x7a: {  	[spmem:s19] =	stream.linear.scatter [tilespmem:s8], [sflag:$0x4], $0x80, $0x38;
	[tilespmem:$0x1E380] =	vst v63  }
0x7b: {  	_ =	swait.ge [sflag:s26], $0x80  }
0x7c: {  	[sflag:s26] =	ssyncset.done $0x0  }
0x7d: {  	[sflag:s26] =	ssyncadd.s32 $0xFFFFFF80  }
0x7e: {  	[spmem:s20] =	stream.linear.scatter [tilespmem:s29], [sflag:$0x4], $0x2000, $0x38;
	[tilespmem:$0x1E380] =	vst v63  }
0x7f: {  	_ =	swait.ge [sflag:s26], $0x2000  }
0x80: {  	[sflag:s26] =	ssyncset.done $0x0  }
0x81: {  	[sflag:s26] =	ssyncadd.s32 $0xFFFFE000  }
0x82: {  	[spmem:s21] =	stream.linear.scatter [tilespmem:s8], [sflag:$0x4], $0x80, $0x38;
	[tilespmem:$0x1E380] =	vst v63  }
0x83: {  	_ =	swait.ge [sflag:s26], $0x80  }
0x84: {  	[sflag:s26] =	ssyncset.done $0x0  }
0x85: {  	[sflag:s26] =	ssyncadd.s32 $0xFFFFFF80  }
0x86: {  	[spmem:s22] =	stream.linear.scatter [tilespmem:s29], [sflag:$0x4], $0x2000, $0x38;
	[tilespmem:$0x1E380] =	vst v63  }
0x87: {  	_ =	swait.ge [sflag:s26], $0x2000  }
0x88: {  	[sflag:s26] =	ssyncset.done $0x0  }
0x89: {  	[sflag:s26] =	ssyncadd.s32 $0xFFFFE000  }
0x8a: {  	[spmem:s4] =	stream.linear.scatter [tilespmem:s8], [sflag:$0x4], $0x80, $0x38;
	[tilespmem:$0x1E380] =	vst v63  }
.Ltmp3:
0x8b: {  	_ =	swait.ge [sflag:s26], $0x80;
	(pc) =	sbr.rel @p0 .LBB2_12-.Ltmp3, $3  }
0x8c: {  	[sflag:s26] =	ssyncset.done $0x0  }
0x8d: {  	[sflag:s26] =	ssyncadd.s32 $0xFFFFFF80  }
0x8e: {  	[bflag:$0x0] =	sbarrier.arrive $0xFFFF;
	_ =	sdelay $0x1  }
0x8f: {  	s7 =	simm.s32 $0x0  }
0x90: {  	[tilespmem:s29], [sflag:$0x1] =	stream.indirect.gather [hbm4b:s11+s31], $0x40, s7, s31, $0xb8;
	[tilespmem:$0x1E380] =	vst v63  }
.Ltmp4:
0x91: {  	s8 =	simm.s32 $0xC000;
	(pc) =	sbr.rel .LBB2_5-.Ltmp4, $4  }
0x92: {  	[tilespmem:s8], [sflag:$0x1] =	stream.indirect.gather [hbm4b:s11+s31], $0x40, s31, s31, $0xb8;
	[tilespmem:$0x1E380] =	vst v63  }
0x93: {  	s13 =	simm.s32 $0x100;
	s9 =	simm.s32 $0xE000  }
0x94: {  	[tilespmem:s9], [sflag:$0x1] =	stream.indirect.gather [hbm4b:s11+s31], $0x40, s13, s31, $0xb8;
	[tilespmem:$0x1E380] =	vst v63  }
0x95: {  	s8 =	simm.s32 $0x5000;
	s9 =	simm.s32 $0x180  }
.LBB2_6:
0x96: {  	s10 =	sadd.s32 $0xA000, s10  }
0x97: {  	[spmem:s2] =	stream.indirect.scatter.add.f32 [tilespmem:s10], [sflag:$0x2], $0x40, s8, s31, $0xb8;
	[tilespmem:$0x1E380] =	vst v63  }
0x98: {  	s10 =	smov.u32 s8  }
.LBB2_9:
0x99: {  	_ =	swait.ge [sflag:s5], $0x80  }
0x9a: {  	[sflag:s5] =	ssyncset.done $0x0  }
0x9b: {  	[sflag:s5] =	ssyncadd.s32 $0xFFFFFF80  }
.LBB2_10:
0x9c: {  	s7 =	sadd.s32 $0x1, s7  }
0x9d: {  	p1 =	sne.s32 s7, $0xA0  }
.Ltmp5:
0x9e: {  	_ = 	snop;
	(pc) =	sbr.rel @!p1 .LBB2_11-.Ltmp5, $3  }
0x9f: {  	_ =	sdelay $0x1  }
0xa0: {  	[spmem:s3] =	stream.indirect.scatter.add.f32 [tilespmem:s1], [sflag:$0x3], $0x1, s10, s31, $0xb8;
	[tilespmem:$0x1E380] =	vst v63  }
0xa1: {  	s8 =	sadd.s32 $0x80, s8;
	s9 =	sadd.s32 $0x80, s9  }
.LBB2_5:
0xa2: {  	s10 =	smul.u32 $0xCD, s7;
	p1 =	slt.u32 s7, $0x2  }
0xa3: {  	s12 =	simm.s32 @!p1 $0x2  }
0xa4: {  	s10 =	sshrl.u32 s10, $0xA;
	_ =	swait.ge @!p1 [sflag:s12], $0x2000  }
0xa5: {  	s10 =	sand.u32 $0x3F, s10;
	[sflag:s12] =	ssyncset.done @!p1 $0x0  }
0xa6: {  	s10 =	smul.u32 $0x5, s10;
	[sflag:s12] =	ssyncadd.s32 @!p1 $0xFFFFE000;
	p1 =	slt.u32 s7, $0x9D  }
.Ltmp6:
0xa7: {  	_ = 	snop;
	(pc) =	sbr.rel @!p1 .LBB2_6-.Ltmp6, $4  }
0xa8: {  	_ = 	snop  }
0xa9: {  	_ =	swait.ge [sflag:s0], $0x2000;
	s10 =	ssub.s32 s7, s10  }
0xaa: {  	[sflag:s0] =	ssyncset.done $0x0;
	s10 =	sand.u32 $0xFF, s10  }
0xab: {  	[sflag:s0] =	ssyncadd.s32 $0xFFFFE000;
	s10 =	sshll.u32 s10, $0xD  }
0xac: {  	s12 =	sadd.s32 $0x3, s7  }
0xad: {  	s13 =	sand.u32 $0xFF, s12  }
0xae: {  	s13 =	smul.u32 $0xCD, s13;
	_ =	sdelay $0x1  }
0xaf: {  	s13 =	sshrl.u32 s13, $0xA  }
0xb0: {  	s13 =	smul.u32 $0x5, s13;
	_ =	sdelay $0x1  }
0xb1: {  	s12 =	ssub.s32 s12, s13  }
0xb2: {  	s12 =	sand.u32 $0xFF, s12  }
0xb3: {  	p1 =	seq.s32 s7, $0x0;
	s12 =	sshll.u32 s12, $0xD  }
.Ltmp7:
0xb4: {  	s12 =	sadd.s32 $0xA000, s12;
	(pc) =	sbr.rel @p1 .LBB2_10-.Ltmp7, $4  }
0xb5: {  	[tilespmem:s12], [sflag:$0x1] =	stream.indirect.gather [hbm4b:s11+s31], $0x40, s9, s31, $0xb8;
	[tilespmem:$0x1E380] =	vst v63  }
0xb6: {  	s10 =	sadd.s32 $0xA000, s10  }
0xb7: {  	[spmem:s2] =	stream.indirect.scatter.add.f32 [tilespmem:s10], [sflag:$0x2], $0x40, s8, s31, $0xb8;
	[tilespmem:$0x1E380] =	vst v63  }
0xb8: {  	s10 =	smov.u32 s8  }
.Ltmp8:
0xb9: {  	(pc) =	sbr.rel .LBB2_9-.Ltmp8, $4  }
0xba: {  	_ = 	snop  }
0xbb: {  	s10 =	sshll.u32 s7, $0x7  }
0xbc: {  	s10 =	sand.u32 $0x3FFFFF80, s10  }
0xbd: {  	s10 =	sadd.s32 $0x5000, s10  }
.LBB2_12:
0xbe: {  	s30 =	smov.u32 s22  }
0xbf: {  	s22 =	smov.u32 s20;
	s20 =	smov.u32 s18;
	s18 =	smov.u32 s16  }
0xc0: {  	s16 =	smov.u32 s15;
	s15 =	smov.u32 s14;
	s14 =	smov.u32 s4  }
0xc1: {  	[tilespmem:s29], [sflag:$0x1] =	stream.indirect.gather [hbm4b:s24+s31], $0x40, s23, s31, $0xb8;
	[tilespmem:$0x1E380] =	vst v63  }
0xc2: {  	s25 =	smov.u32 s19;
	s7 =	simm.s32 $0xC000;
	s19 =	simm.s32 $0x3  }
0xc3: {  	[tilespmem:s7], [sflag:$0x1] =	stream.indirect.gather [hbm4b:s24+s31], $0x40, s31, s31, $0xb8;
	[tilespmem:$0x1E380] =	vst v63  }
0xc4: {  	s4 =	smov.u32 s21;
	s17 =	simm.s32 $0x100;
	s7 =	sand.u32 $0xFF, s19  }
0xc5: {  	s8 =	simm.s32 $0xE000;
	s21 =	simm.s32 $0x0;
	s7 =	smul.u32 $0xCD, s7  }
0xc6: {  	[tilespmem:s8], [sflag:$0x1] =	stream.indirect.gather [hbm4b:s24+s31], $0x40, s17, s31, $0xb8;
	[tilespmem:$0x1E380] =	vst v63  }
0xc7: {  	p1 =	por $0x1, $0x1;
	s8 =	smul.u32 $0xCD, s21  }
0xc8: {  	s9 =	simm.s32 @!p1 $0x2;
	s7 =	sshrl.u32 s7, $0xA  }
0xc9: {  	_ =	swait.ge @!p1 [sflag:s9], $0x2000;
	s8 =	sshrl.u32 s8, $0xA;
	s7 =	smul.u32 $0x5, s7  }
0xca: {  	s10 =	simm.s32 $0x180;
	[sflag:s9] =	ssyncset.done @!p1 $0x0;
	s8 =	sand.u32 $0x3F, s8  }
0xcb: {  	[sflag:s9] =	ssyncadd.s32 @!p1 $0xFFFFE000;
	s8 =	smul.u32 $0x5, s8;
	s7 =	ssub.s32 $0x3, s7  }
0xcc: {  	p1 =	por $0x0, $0x0;
	_ =	swait.ge [sflag:s0], $0x2000;
	s7 =	sand.u32 $0xFF, s7  }
0xcd: {  	[sflag:s0] =	ssyncset.done $0x0;
	s23 =	ssub.s32 $0x0, s8;
	s7 =	sshll.u32 @!p1 s7, $0xD  }
0xce: {  	[sflag:s0] =	ssyncadd.s32 $0xFFFFE000;
	s8 =	simm.s32 @!p1 $0x80;
	s7 =	sadd.s32 @!p1 $0xA000, s7  }
0xcf: {  	[tilespmem:s7], [sflag:$0x1] =	stream.indirect.gather @!p1 [hbm4b:s24+s8], $0x40, s10, s8, $0xb8;
	[tilespmem:$0x1E380] =	vst v63  }
0xd0: {  	s9 =	sand.u32 $0xFF, s23;
	s7 =	simm.s32 $0x5000;
	s8 =	simm.s32 $0x4  }
0xd1: {  	s12 =	sshll.u32 s9, $0xD;
	s9 =	simm.s32 $0x200;
	s10 =	simm.s32 $0x5000  }
.LBB2_13:
0xd2: {  	s12 =	sadd.s32 $0xA000, s12;
	s7 =	sadd.s32 $0x80, s7  }
0xd3: {  	s13 =	smov.u32 s8;
	s8 =	sadd.s32 $0x1, s8;
	s17 =	smov.u32 s9  }
0xd4: {  	[spmem:s2] =	stream.indirect.scatter.add.f32 [tilespmem:s12], [sflag:$0x2], $0x40, s10, s31, $0xb8;
	[tilespmem:$0x1E380] =	vst v63  }
0xd5: {  	s12 =	sand.u32 $0xFF, s13  }
0xd6: {  	p1 =	sne.s32 s8, $0xA3;
	s10 =	smov.u32 s7;
	s12 =	smul.u32 $0xCD, s12  }
0xd7: {  	s19 =	sadd.s32 $0xFFFFFFFD, s13  }
0xd8: {  	s21 =	smul.u32 $0xCD, s19;
	p2 =	slt.u32 s19, $0x2;
	s12 =	sshrl.u32 s12, $0xA  }
0xd9: {  	s23 =	simm.s32 @!p2 $0x2;
	s12 =	smul.u32 $0x5, s12  }
0xda: {  	s21 =	sshrl.u32 s21, $0xA;
	_ =	swait.ge @!p2 [sflag:s23], $0x2000  }
0xdb: {  	s21 =	sand.u32 $0x3F, s21;
	[sflag:s23] =	ssyncset.done @!p2 $0x0;
	s12 =	ssub.s32 s13, s12  }
0xdc: {  	s21 =	smul.u32 $0x5, s21;
	[sflag:s23] =	ssyncadd.s32 @!p2 $0xFFFFE000;
	s12 =	sand.u32 $0xFF, s12  }
.Ltmp9:
0xdd: {  	p2 =	sgt.u32 s19, $0x9C;
	_ =	swait.ge [sflag:s0], $0x2000;
	(pc) =	sbr.rel @p1 .LBB2_13-.Ltmp9, $4  }
0xde: {  	s13 =	ssub.s32 s19, s21;
	s12 =	sshll.u32 @!p2 s12, $0xD;
	[sflag:s0] =	ssyncset.done $0x0  }
0xdf: {  	s13 =	sand.u32 $0xFF, s13;
	s19 =	sadd.s32 @!p2 $0xA000, s12;
	[sflag:s0] =	ssyncadd.s32 $0xFFFFE000  }
0xe0: {  	s9 =	sadd.s32 $0x80, s9;
	s21 =	simm.s32 @!p2 $0x80;
	s12 =	sshll.u32 s13, $0xD  }
0xe1: {  	[tilespmem:s19], [sflag:$0x1] =	stream.indirect.gather @!p2 [hbm4b:s24+s21], $0x40, s17, s21, $0xb8;
	[tilespmem:$0x1E380] =	vst v63  }
0xe2: {  	s7 =	sadd.s32 $0xA000, s12;
	s17 =	stileid.u32;
	s19 =	smov.u32 s25  }
0xe3: {  	[spmem:s2] =	stream.indirect.scatter.add.f32 [tilespmem:s7], [sflag:$0x2], $0x40, s10, s31, $0xb8;
	[tilespmem:$0x1E380] =	vst v63  }
0xe4: {  	s21 =	smov.u32 s4;
	s23 =	simm.s32 $0x0;
	_ =	swait.ge [sflag:s28], $0x2000  }
.Ltmp10:
0xe5: {  	s4 =	smov.u32 s14;
	[sflag:s28] =	ssyncset.done $0x0;
	(pc) =	sbr.rel .LBB2_15-.Ltmp10, $4  }
0xe6: {  	s14 =	smov.u32 s15;
	s15 =	smov.u32 s16;
	[sflag:s28] =	ssyncadd.s32 $0xFFFFE000  }
0xe7: {  	s16 =	smov.u32 s18;
	s18 =	smov.u32 s20;
	_ =	swait.ge [sflag:s28], $0x2000  }
0xe8: {  	s20 =	smov.u32 s22;
	s22 =	smov.u32 s30;
	[sflag:s28] =	ssyncset.done $0x0  }
0xe9: {  	s30 =	simm.s32 $0x5000;
	s25 =	rddreg [dreg:$0xe];
	[sflag:s28] =	ssyncadd.s32 $0xFFFFE000  }
.LBB2_16:
0xea: {  	_ =	sfence.sel $0x180000  }
0xeb: {  	[bflag:$0x0] =	sbarrier.arrive $0xFFFF  }
0xec: {  	_ =	strace $0x90000047  }
0xed: {  	[bflag:$0x2] =	sbarrier.arrive $0xFFFF  }
0xee: {  	p0 =	sne.s32 s17, $0x0;
	s0 =	rddreg [dreg:$0x4]  }
0xef: {  	s0 =	sadd.s32 @!p0 $0x100000, s0  }
0xf0: {  	[sflag:s0] =	ssyncadd.tile.s32 @!p0 $0x1;
	_ =	shalt  }
.Lfunc_end2:
_tile_overlayer_lowered:
.L_overlay_start_2:
0xf1: {  	(tag) =	ssettag $0x2  }
0xf2: {  	s0 =	rddreg [dreg:$0x0];
	s2 =	stileid.u32  }
0xf3: {  	s1 =	rddreg [dreg:$0x1];
	p0 =	sne.s32 s2, $0x0  }
0xf4: {  	s3 =	rddreg [dreg:$0x2];
	[bflag:$0x3] =	sbarrier.arrive $0xFFFF;
	s2 =	simm.s32 @!p0 $0x1C04  }
0xf5: {  	[timem:s3], [sflag:s2] =	dma.local @!p0 [hbm:s0], s1  }
0xf6: {  	s0 =	simm.s32 @!p0 $0x4  }
0xf7: {  	_ =	swait.ge @!p0 [sflag:s0], s1  }
0xf8: {  	s1 =	ssub.s32 @!p0 $0x0, s1;
	[sflag:s0] =	ssyncset.done @!p0 $0x0  }
0xf9: {  	[sflag:s0] =	ssyncadd.s32 @!p0 s1  }
0xfa: {  	[bflag:$0x3] =	sbarrier.arrive $0xFFFF  }
0xfb: {  	_ =	shalt  }

</sc_bundles>
